<compile_context>
chip_gen: v7x
topology: tpu7x:2x2x1
jax: 0.10.2.dev20260603
libtpu: 0.0.44.dev20260713+nightly
codegen_flags: <defaults>
</compile_context>

<pallas_src>
import functools

import jax
import jax.numpy as jnp
from jax import lax
from jax.experimental import pallas as pl
from jax.experimental.pallas import tpu as pltpu
from jax.experimental.pallas import tpu_sc as plsc

B = 1024
N = 100000
D = 32
K = 10
C = 50
T_SOFTMAX = 0.07

CHUNK = 128
TILE = 2048
NPAD = 100352
G = NPAD // CHUNK
NTILES = NPAD // TILE
CPG = TILE // CHUNK

NC, NS, L = 2, 16, 16
NW = NC * NS
ROWS_PER_W = B // NW
COUT = 64
NEG = -1e30


def _simk_body(xp_ref, tr_ref, s_ref, cm_ref, *, b):
    i = pl.program_id(0)
    s = lax.dot_general(xp_ref[...], tr_ref[...],
                        (((1,), (1,)), ((), ())),
                        preferred_element_type=jnp.float32)

    @pl.when(i < NTILES - 1)
    def _():
        s_ref[...] = s
        cm_ref[0] = jnp.max(s.reshape(b, CPG, CHUNK), axis=2)

    @pl.when(i == NTILES - 1)
    def _():
        cols = i * TILE + lax.broadcasted_iota(jnp.int32, (b, TILE), 1)
        sm = jnp.where(cols >= N, jnp.float32(NEG), s)
        s_ref[...] = sm
        cm_ref[0] = jnp.max(sm.reshape(b, CPG, CHUNK), axis=2)


def _simk(xp, train_p):
    b = xp.shape[0]
    return pl.pallas_call(
        functools.partial(_simk_body, b=b),
        grid=(NTILES,),
        out_shape=[
            jax.ShapeDtypeStruct((b, NPAD), jnp.float32),
            jax.ShapeDtypeStruct((NTILES, b, CPG), jnp.float32),
        ],
        in_specs=[
            pl.BlockSpec((b, D), lambda i: (0, 0)),
            pl.BlockSpec((TILE, D), lambda i: (i, 0)),
        ],
        compiler_params=pltpu.CompilerParams(
            dimension_semantics=("arbitrary",)),
        out_specs=[
            pl.BlockSpec((b, TILE), lambda i: (0, i)),
            pl.BlockSpec((1, b, CPG), lambda i: (i, 0, 0)),
        ],
    )(xp, train_p)


def _sort_desc(vals, tags):
    nk, st = plsc.sort_key_val(-vals, tags)
    return -nk, st


def _merge_top16(rv, ri, v, ids):
    sv, si = _sort_desc(v, ids)
    svr = lax.rev(sv, (0,))
    sir = lax.rev(si, (0,))
    take = rv >= svr
    mv = jnp.where(take, rv, svr)
    mi = jnp.where(take, ri, sir)
    return _sort_desc(mv, mi)


def _lane_extract_f(vec, slot):
    return jnp.max(jnp.where(lax.iota(jnp.int32, L) == slot, vec,
                             jnp.float32(-3e38)))


def _lane_extract_i(vec, slot):
    return jnp.max(jnp.where(lax.iota(jnp.int32, L) == slot, vec,
                             jnp.int32(-(2 ** 30))))


def _sck_body(sims_hbm, cmax_hbm, labels_hbm, out_hbm,
              labels_v, cmax_v, cand_v, out_v, sem, *, rows_per_w):
    wid = lax.axis_index("s") * NC + lax.axis_index("c")
    iota = lax.iota(jnp.int32, L)

    pltpu.sync_copy(labels_hbm, labels_v)

    def row_body(rr, _):
        r = wid * rows_per_w + rr
        pltpu.sync_copy(cmax_hbm.at[r], cmax_v)

        def chunk_scan(j, carry):
            rv, ri = carry
            v = cmax_v[pl.ds(j * L, L)]
            ids = j * L + iota
            return _merge_top16(rv, ri, v, ids)

        rv0 = jnp.full((L,), jnp.float32(-3e38))
        ri0 = jnp.zeros((L,), jnp.int32)
        cv, ci = lax.fori_loop(0, G // L, chunk_scan, (rv0, ri0))

        pltpu.async_copy(sims_hbm.at[r * G + ci], cand_v, sem).wait()

        carry = (rv0, ri0)
        for s in range(L):
            cid = _lane_extract_i(ci, s)

            def sub_scan(o, inner, s=s, cid=cid):
                rv, ri = inner
                v = cand_v[s, pl.ds(o * L, L)]
                gids = cid * CHUNK + o * L + iota
                return _merge_top16(rv, ri, v, gids)

            carry = lax.fori_loop(0, CHUNK // L, sub_scan, carry)
        tv, ti = carry

        valid = iota < K
        m = jnp.max(tv)
        e = jnp.where(valid, jnp.exp((tv - m) / jnp.float32(T_SOFTMAX)),
                      jnp.float32(0.0))
        w = e / jnp.sum(e)
        safe = jnp.minimum(jnp.maximum(ti, 0), N - 1)
        lab = plsc.load_gather(labels_v, [safe])

        accs = [jnp.zeros((L,), jnp.float32) for _ in range(COUT // L)]
        for i in range(K):
            wi = _lane_extract_f(w, i)
            li = _lane_extract_i(lab, i)
            for jj in range(COUT // L):
                accs[jj] = accs[jj] + jnp.where(iota + jj * L == li, wi,
                                                jnp.float32(0.0))
        for jj in range(COUT // L):
            out_v[pl.ds(jj * L, L)] = accs[jj]
        pltpu.sync_copy(out_v, out_hbm.at[r])
        return _

    lax.fori_loop(0, rows_per_w, row_body, 0)


def _sck(sims2d, cmax, labels_p):
    b = cmax.shape[0]
    mesh = plsc.VectorSubcoreMesh(core_axis_name="c", subcore_axis_name="s",
                                  num_cores=NC, num_subcores=NS)
    f = functools.partial(
        pl.kernel,
        out_type=jax.ShapeDtypeStruct((b, COUT), jnp.float32),
        mesh=mesh,
        scratch_types=[
            pltpu.VMEM((NPAD,), jnp.int32),
            pltpu.VMEM((G,), jnp.float32),
            pltpu.VMEM((L, CHUNK), jnp.float32),
            pltpu.VMEM((COUT,), jnp.float32),
            pltpu.SemaphoreType.DMA,
        ],
        compiler_params=pltpu.CompilerParams(needs_layout_passes=False),
    )(functools.partial(_sck_body, rows_per_w=b // NW))
    return f(sims2d, cmax, labels_p)


def _l2n(x, axis):
    n = jnp.linalg.norm(x, ord=2, axis=axis, keepdims=True)
    return x / jnp.maximum(n, 1e-12)


def kernel(test_features, train_features, train_labels):
    tf = _l2n(train_features.T, axis=1)
    xb = _l2n(test_features, axis=1).astype(jnp.bfloat16)
    tb = jnp.pad(tf.T.astype(jnp.bfloat16), ((0, NPAD - N), (0, 0)))
    labels_p = jnp.pad(train_labels, (0, NPAD - N))

    outs = []
    h = B // 2
    for i in range(2):
        xh = xb[i * h:(i + 1) * h]
        sims, cmax3 = _simk(xh, tb)
        cmax = jnp.transpose(cmax3, (1, 0, 2)).reshape(h, G)
        sims2d = sims.reshape(h * G, CHUNK)
        outs.append(_sck(sims2d, cmax, labels_p))
    return jnp.concatenate(outs, axis=0)[:, :C]

# --- scband reference (transcript-rebuilt; emitter-appended) ---
"""Pipeline reference for scband-knn-12704513261995 (READ-ONLY COPY).

The authoritative reference and input builder live on the scoring server;
editing this copy changes nothing except your own understanding.
"""

import jax, jax.numpy as jnp
import numpy as np

NB_KNN = 10
T = 0.07
NUM_CLASSES = 50
N_TRAIN = 100000
D_FEAT = 32
BATCH = 1024


def _l2_normalize(x, axis):
    # faithful to torch.nn.functional.normalize(p=2, eps=1e-12)
    n = jnp.linalg.norm(x, ord=2, axis=axis, keepdims=True)
    return x / jnp.maximum(n, 1e-12)


def setup_inputs(seed: int = 0) -> dict:
    key = jax.random.key(seed)
    k1, k2, k3 = jax.random.split(key, 3)
    test_features = jax.random.normal(k1, (BATCH, D_FEAT), dtype=jnp.float32)
    # learned/stored parameters (constructor args in the torch module)
    train_features = jax.random.normal(k2, (N_TRAIN, D_FEAT), dtype=jnp.float32)
    train_labels = jax.random.randint(k3, (N_TRAIN,), 0, NUM_CLASSES, dtype=jnp.int32)
    return {
        "test_features": test_features,
        "train_features": train_features,
        "train_labels": train_labels,
    }


def reference(test_features, train_features, train_labels):
    # __init__: store normalized transposed train features [d, N]
    # NOTE: torch code normalizes dim=1 of the transposed [d, N] matrix,
    # i.e. across the N axis; we reproduce that exactly.
    tf = _l2_normalize(train_features.T, axis=1)            # [d, N]
    labels_row = train_labels.reshape(1, -1)                # [1, N]

    # forward
    x = _l2_normalize(test_features, axis=1)                # [B, d]
    similarity = x @ tf                                     # [B, N]  (gather/stream over N)
    topk_sims, indices = jax.lax.top_k(similarity, NB_KNN)  # sorted descending, like torch.topk
    candidate_labels = jnp.broadcast_to(labels_row, (similarity.shape[0], labels_row.shape[1]))
    neighbors_labels = jnp.take_along_axis(candidate_labels, indices, axis=1)  # [B, k]

    b = x.shape[0]
    topk_sims_transform = jax.nn.softmax(topk_sims / T, axis=1)  # [B, k]
    scores = jax.nn.one_hot(neighbors_labels, NUM_CLASSES, dtype=topk_sims_transform.dtype) \
        * topk_sims_transform.reshape(b, -1, 1)              # [B, k, C]
    return jnp.sum(scores[:, :NB_KNN, :], axis=1)            # [B, C]


if False:  # reference __main__ guard neutralized (emitter)
    out = reference(**setup_inputs())
    print(out.shape, out.dtype)

if __name__ == "__main__":
    import jax
    _d = setup_inputs()
    print(jax.jit(kernel)(*tuple(_d.values())))

</pallas_src>

<mosaic_0001>
#map = affine_map<(d0, d1) -> (0, 0)>
#map1 = affine_map<(d0, d1) -> (0)>
module attributes {stable_mosaic.version = 14 : i64} {
  func.func @_sck_body(%arg0: i32, %arg1: i32, %arg2: memref<401408x128xf32, #tpu.memory_space<hbm>>, %arg3: memref<512x784xf32, #tpu.memory_space<hbm>>, %arg4: memref<100352xi32, #tpu.memory_space<hbm>>, %arg5: memref<512x64xf32, #tpu.memory_space<hbm>>, %arg6: memref<100352xi32, #tpu.memory_space<vmem>>, %arg7: memref<784xf32, #tpu.memory_space<vmem>>, %arg8: memref<16x128xf32, #tpu.memory_space<vmem>>, %arg9: memref<64xf32, #tpu.memory_space<vmem>>, %arg10: memref<!tpu.dma_semaphore, #tpu.memory_space<semaphore_mem>>) attributes {dimension_semantics = [#tpu.dimension_semantics<core_parallel>, #tpu.dimension_semantics<subcore_parallel>], iteration_bounds = array<i64: 2, 16>, scalar_prefetch = 0 : i64, scratch_operands = 5 : i64, tpu.core_type = #tpu.core_type<sc_vector_subcore>, window_params = [{transform_indices = #map}, {transform_indices = #map}, {transform_indices = #map1}, {transform_indices = #map}]} {
    %mul3A = arith.constant 2 : i32
    %mul3A_0 = arith.muli %arg1, %mul3A : i32
    %add3A = arith.addi %mul3A_0, %arg0 : i32
    %iota3A = tpu.iota {dimensions = array<i32: 0>} : vector<16xi32>
    "tpu.region"() ({
      %run_scoped3A = tpu.sem_alloc : memref<!tpu.dma_semaphore, #tpu.memory_space<semaphore_mem>>
      tpu.enqueue_dma source(%arg4 : memref<100352xi32, #tpu.memory_space<hbm>>) target(%arg6 : memref<100352xi32, #tpu.memory_space<vmem>>) target_semaphore(%run_scoped3A : memref<!tpu.dma_semaphore, #tpu.memory_space<semaphore_mem>>)
      tpu.wait_dma2 semaphore(%run_scoped3A : memref<!tpu.dma_semaphore, #tpu.memory_space<semaphore_mem>>) src(%arg4 : memref<100352xi32, #tpu.memory_space<hbm>>) dst(%arg6 : memref<100352xi32, #tpu.memory_space<vmem>>)
      tpu.yield
    }) : () -> ()
    %scan3A = arith.constant 0 : i32
    %scan3A_1 = arith.constant 0 : i32
    %scan3A_2 = arith.constant 16 : i32
    %scan3A_3 = arith.addi %scan3A_1, %scan3A_2 : i32
    %scan3A_4 = arith.constant 1 : i32
    scf.for %scan3A_6 = %scan3A_1 to %scan3A_3 step %scan3A_4  : i32 {
      %mul3A_7 = arith.constant 16 : i32
      %mul3A_8 = arith.muli %add3A, %mul3A_7 : i32
      %add3A_9 = arith.addi %mul3A_8, %scan3A_6 : i32
      "tpu.region"() ({
        %run_scoped3A = tpu.sem_alloc : memref<!tpu.dma_semaphore, #tpu.memory_space<semaphore_mem>>
        %dma_start3A_1055 = arith.constant 0 : i32
        %dma_start3A_1056 = tpu.memref_slice %arg3[%add3A_9, %dma_start3A_1055] : memref<512x784xf32, #tpu.memory_space<hbm>> -> memref<1x784xf32, #tpu.memory_space<hbm>>
        %dma_start3A_1057 = tpu.memref_squeeze %dma_start3A_1056 : memref<1x784xf32, #tpu.memory_space<hbm>> -> memref<784xf32, #tpu.memory_space<hbm>>
        %dma_start3A_1058 = arith.constant 0 : i32
        %dma_start3A_1059 = tpu.memref_slice %arg3[%add3A_9, %dma_start3A_1058] : memref<512x784xf32, #tpu.memory_space<hbm>> -> memref<1x784xf32, #tpu.memory_space<hbm>>
        %dma_start3A_1060 = tpu.memref_squeeze %dma_start3A_1059 : memref<1x784xf32, #tpu.memory_space<hbm>> -> memref<784xf32, #tpu.memory_space<hbm>>
        tpu.enqueue_dma source(%dma_start3A_1060 : memref<784xf32, #tpu.memory_space<hbm>>) target(%arg7 : memref<784xf32, #tpu.memory_space<vmem>>) target_semaphore(%run_scoped3A : memref<!tpu.dma_semaphore, #tpu.memory_space<semaphore_mem>>)
        %dma_wait3A_1061 = arith.constant 0 : i32
        %dma_wait3A_1062 = tpu.memref_slice %arg3[%add3A_9, %dma_wait3A_1061] : memref<512x784xf32, #tpu.memory_space<hbm>> -> memref<1x784xf32, #tpu.memory_space<hbm>>
        %dma_wait3A_1063 = tpu.memref_squeeze %dma_wait3A_1062 : memref<1x784xf32, #tpu.memory_space<hbm>> -> memref<784xf32, #tpu.memory_space<hbm>>
        %dma_wait3A_1064 = arith.constant 0 : i32
        %dma_wait3A_1065 = tpu.memref_slice %arg3[%add3A_9, %dma_wait3A_1064] : memref<512x784xf32, #tpu.memory_space<hbm>> -> memref<1x784xf32, #tpu.memory_space<hbm>>
        %dma_wait3A_1066 = tpu.memref_squeeze %dma_wait3A_1065 : memref<1x784xf32, #tpu.memory_space<hbm>> -> memref<784xf32, #tpu.memory_space<hbm>>
        tpu.wait_dma2 semaphore(%run_scoped3A : memref<!tpu.dma_semaphore, #tpu.memory_space<semaphore_mem>>) src(%dma_wait3A_1066 : memref<784xf32, #tpu.memory_space<hbm>>) dst(%arg7 : memref<784xf32, #tpu.memory_space<vmem>>)
        tpu.yield
      }) : () -> ()
      %broadcast_in_dim3A = arith.constant -3.000000e+38 : f32
      %broadcast_in_dim3A_10 = vector.broadcast %broadcast_in_dim3A : f32 to vector<16xf32>
      %broadcast_in_dim3A_11 = arith.constant 0 : i32
      %broadcast_in_dim3A_12 = vector.broadcast %broadcast_in_dim3A_11 : i32 to vector<16xi32>
      %scan3A_13 = arith.constant 0 : i32
      %scan3A_14 = arith.constant 49 : i32
      %scan3A_15 = arith.addi %scan3A_13, %scan3A_14 : i32
      %scan3A_16 = arith.constant 1 : i32
      %scan3A_17:2 = scf.for %scan3A_1055 = %scan3A_13 to %scan3A_15 step %scan3A_16 iter_args(%scan3A_1056 = %broadcast_in_dim3A_10, %scan3A_1057 = %broadcast_in_dim3A_12) -> (vector<16xf32>, vector<16xi32>)  : i32 {
        %mul3A_1058 = arith.constant 16 : i32
        %mul3A_1059 = arith.muli %scan3A_1055, %mul3A_1058 : i32
        %get3A = arith.index_cast %mul3A_1059 : i32 to index
        %get3A_1060 = tpu.vector_load %arg7[%get3A] {strides = array<i32>} : memref<784xf32, #tpu.memory_space<vmem>>, vector<16xf32>,
        %mul3A_1061 = arith.constant 16 : i32
        %mul3A_1062 = arith.muli %scan3A_1055, %mul3A_1061 : i32
        %add3A_1063 = vector.broadcast %mul3A_1062 : i32 to vector<16xi32>
        %add3A_1064 = arith.addi %add3A_1063, %iota3A : vector<16xi32>
        %neg3A = arith.constant 0.000000e+00 : f32
        %neg3A_1065 = vector.broadcast %neg3A : f32 to vector<16xf32>
        %neg3A_1066 = arith.subf %neg3A_1065, %get3A_1060 : vector<16xf32>
        %masked_sort3A = arith.constant dense<true> : vector<16xi1>
        %masked_sort3A_1067, %masked_sort3A_1068, %masked_sort3A_1069 = tpu.sort %neg3A_1066, %add3A_1064 masked %masked_sort3A : (vector<16xf32>, vector<16xi32>, vector<16xi1>) -> (vector<16xi1>, vector<16xf32>, vector<16xi32>)
        %neg3A_1070 = arith.constant 0.000000e+00 : f32
        %neg3A_1071 = vector.broadcast %neg3A_1070 : f32 to vector<16xf32>
        %neg3A_1072 = arith.subf %neg3A_1071, %masked_sort3A_1068 : vector<16xf32>
        %rev3A = arith.constant 15 : i32
        %rev3A_1073 = vector.broadcast %rev3A : i32 to vector<16xi32>
        %rev3A_1074 = tpu.iota {dimensions = array<i32: 0>} : vector<16xi32>
        %rev3A_1075 = arith.subi %rev3A_1073, %rev3A_1074 : vector<16xi32>
        %rev3A_1076 = tpu.dynamic_gather %neg3A_1072[%rev3A_1075] in [0] : vector<16xf32>, vector<16xi32> -> vector<16xf32>
        %rev3A_1077 = arith.constant 15 : i32
        %rev3A_1078 = vector.broadcast %rev3A_1077 : i32 to vector<16xi32>
        %rev3A_1079 = tpu.iota {dimensions = array<i32: 0>} : vector<16xi32>
        %rev3A_1080 = arith.subi %rev3A_1078, %rev3A_1079 : vector<16xi32>
        %rev3A_1081 = tpu.dynamic_gather %masked_sort3A_1069[%rev3A_1080] in [0] : vector<16xi32>, vector<16xi32> -> vector<16xi32>
        %ge3A = arith.cmpf oge, %scan3A_1056, %rev3A_1076 : vector<16xf32>
        %select_n3A_1082 = arith.select %ge3A, %scan3A_1056, %rev3A_1076 : vector<16xi1>, vector<16xf32>
        %select_n3A_1083 = arith.select %ge3A, %scan3A_1057, %rev3A_1081 : vector<16xi1>, vector<16xi32>
        %neg3A_1084 = arith.constant 0.000000e+00 : f32
        %neg3A_1085 = vector.broadcast %neg3A_1084 : f32 to vector<16xf32>
        %neg3A_1086 = arith.subf %neg3A_1085, %select_n3A_1082 : vector<16xf32>
        %masked_sort3A_1087 = arith.constant dense<true> : vector<16xi1>
        %masked_sort3A_1088, %masked_sort3A_1089, %masked_sort3A_1090 = tpu.sort %neg3A_1086, %select_n3A_1083 masked %masked_sort3A_1087 : (vector<16xf32>, vector<16xi32>, vector<16xi1>) -> (vector<16xi1>, vector<16xf32>, vector<16xi32>)
        %neg3A_1091 = arith.constant 0.000000e+00 : f32
        %neg3A_1092 = vector.broadcast %neg3A_1091 : f32 to vector<16xf32>
        %neg3A_1093 = arith.subf %neg3A_1092, %masked_sort3A_1089 : vector<16xf32>
        scf.yield %neg3A_1093, %masked_sort3A_1090 : vector<16xf32>, vector<16xi32>
      }
      %scan3A_18 = arith.constant 49 : i32
      %mul3A_19 = arith.constant 784 : i32
      %mul3A_20 = arith.muli %add3A_9, %mul3A_19 : i32
      %add3A_21 = vector.broadcast %mul3A_20 : i32 to vector<16xi32>
      %add3A_22 = arith.addi %add3A_21, %scan3A_17#1 : vector<16xi32>
      %dma_start3A = arith.constant 0 : i32
      %dma_start3A_23 = arith.constant 0 : i32
      %dma_start3A_24 = tpu.memref_slice %arg2[%dma_start3A, %dma_start3A_23] : memref<401408x128xf32, #tpu.memory_space<hbm>> -> memref<401408x128xf32, #tpu.memory_space<hbm>>
      tpu.enqueue_indirect_dma source(%dma_start3A_24 : memref<401408x128xf32, #tpu.memory_space<hbm>>) target(%arg8 : memref<16x128xf32, #tpu.memory_space<vmem>>) offsets(%add3A_22 : vector<16xi32>) semaphore(%arg10 : memref<!tpu.dma_semaphore, #tpu.memory_space<semaphore_mem>>)
      %dma_wait3A = arith.constant 0 : i32
      %dma_wait3A_25 = arith.constant 0 : i32
      %dma_wait3A_26 = tpu.memref_slice %arg2[%dma_wait3A, %dma_wait3A_25] : memref<401408x128xf32, #tpu.memory_space<hbm>> -> memref<401408x128xf32, #tpu.memory_space<hbm>>
      tpu.wait_indirect_dma semaphore(%arg10 : memref<!tpu.dma_semaphore, #tpu.memory_space<semaphore_mem>>) src(%dma_wait3A_26 : memref<401408x128xf32, #tpu.memory_space<hbm>>) dst(%arg8 : memref<16x128xf32, #tpu.memory_space<vmem>>)
      %iota3A_27 = tpu.iota {dimensions = array<i32: 0>} : vector<16xi32>
      %eq3A = arith.constant 0 : i32
      %eq3A_28 = vector.broadcast %eq3A : i32 to vector<16xi32>
      %eq3A_29 = arith.cmpi eq, %iota3A_27, %eq3A_28 : vector<16xi32>
      %jit3A = arith.constant -1073741824 : i32
      %broadcast_in_dim3A_30 = vector.broadcast %jit3A : i32 to vector<16xi32>
      %select_n3A = arith.select %eq3A_29, %scan3A_17#1, %broadcast_in_dim3A_30 : vector<16xi1>, vector<16xi32>
      %reduce_max3A = arith.constant true
      %reduce_max3A_31 = vector.broadcast %reduce_max3A : i1 to vector<16xi1>
      %reduce_max3A_32 = arith.constant -2147483648 : i32
      %reduce_max3A_33 = vector.broadcast %reduce_max3A_32 : i32 to vector<16xi32>
      %reduce_max3A_34 = arith.xori %select_n3A, %reduce_max3A_33 : vector<16xi32>
      %reduce_max3A_35 = tpu.scan <max>, %reduce_max3A_34 masked %reduce_max3A_31 : vector<16xi32>, vector<16xi1> -> vector<16xi32>
      %reduce_max3A_36 = arith.xori %reduce_max3A_35, %reduce_max3A_33 : vector<16xi32>
      %reduce_max3A_37 = vector.extract %reduce_max3A_36[15] : i32 from vector<16xi32>
      %scan3A_38 = arith.constant 0 : i32
      %scan3A_39 = arith.constant 8 : i32
      %scan3A_40 = arith.addi %scan3A_38, %scan3A_39 : i32
      %scan3A_41 = arith.constant 1 : i32
      %scan3A_42:2 = scf.for %scan3A_1055 = %scan3A_38 to %scan3A_40 step %scan3A_41 iter_args(%scan3A_1056 = %broadcast_in_dim3A_10, %scan3A_1057 = %broadcast_in_dim3A_12) -> (vector<16xf32>, vector<16xi32>)  : i32 {
        %mul3A_1058 = arith.constant 16 : i32
        %mul3A_1059 = arith.muli %scan3A_1055, %mul3A_1058 : i32
        %get3A = arith.constant 0 : i32
        %get3A_1060 = arith.index_cast %get3A : i32 to index
        %get3A_1061 = arith.index_cast %mul3A_1059 : i32 to index
        %get3A_1062 = tpu.vector_load %arg8[%get3A_1060, %get3A_1061] {strides = array<i32>} : memref<16x128xf32, #tpu.memory_space<vmem>>, vector<16xf32>,
        %mul3A_1063 = arith.constant 128 : i32
        %mul3A_1064 = arith.muli %reduce_max3A_37, %mul3A_1063 : i32
        %mul3A_1065 = arith.constant 16 : i32
        %mul3A_1066 = arith.muli %scan3A_1055, %mul3A_1065 : i32
        %add3A_1067 = arith.addi %mul3A_1064, %mul3A_1066 : i32
        %add3A_1068 = vector.broadcast %add3A_1067 : i32 to vector<16xi32>
        %add3A_1069 = arith.addi %add3A_1068, %iota3A : vector<16xi32>
        %neg3A = arith.constant 0.000000e+00 : f32
        %neg3A_1070 = vector.broadcast %neg3A : f32 to vector<16xf32>
        %neg3A_1071 = arith.subf %neg3A_1070, %get3A_1062 : vector<16xf32>
        %masked_sort3A = arith.constant dense<true> : vector<16xi1>
        %masked_sort3A_1072, %masked_sort3A_1073, %masked_sort3A_1074 = tpu.sort %neg3A_1071, %add3A_1069 masked %masked_sort3A : (vector<16xf32>, vector<16xi32>, vector<16xi1>) -> (vector<16xi1>, vector<16xf32>, vector<16xi32>)
        %neg3A_1075 = arith.constant 0.000000e+00 : f32
        %neg3A_1076 = vector.broadcast %neg3A_1075 : f32 to vector<16xf32>
        %neg3A_1077 = arith.subf %neg3A_1076, %masked_sort3A_1073 : vector<16xf32>
        %rev3A = arith.constant 15 : i32
        %rev3A_1078 = vector.broadcast %rev3A : i32 to vector<16xi32>
        %rev3A_1079 = tpu.iota {dimensions = array<i32: 0>} : vector<16xi32>
        %rev3A_1080 = arith.subi %rev3A_1078, %rev3A_1079 : vector<16xi32>
        %rev3A_1081 = tpu.dynamic_gather %neg3A_1077[%rev3A_1080] in [0] : vector<16xf32>, vector<16xi32> -> vector<16xf32>
        %rev3A_1082 = arith.constant 15 : i32
        %rev3A_1083 = vector.broadcast %rev3A_1082 : i32 to vector<16xi32>
        %rev3A_1084 = tpu.iota {dimensions = array<i32: 0>} : vector<16xi32>
        %rev3A_1085 = arith.subi %rev3A_1083, %rev3A_1084 : vector<16xi32>
        %rev3A_1086 = tpu.dynamic_gather %masked_sort3A_1074[%rev3A_1085] in [0] : vector<16xi32>, vector<16xi32> -> vector<16xi32>
        %ge3A = arith.cmpf oge, %scan3A_1056, %rev3A_1081 : vector<16xf32>
        %select_n3A_1087 = arith.select %ge3A, %scan3A_1056, %rev3A_1081 : vector<16xi1>, vector<16xf32>
        %select_n3A_1088 = arith.select %ge3A, %scan3A_1057, %rev3A_1086 : vector<16xi1>, vector<16xi32>
        %neg3A_1089 = arith.constant 0.000000e+00 : f32
        %neg3A_1090 = vector.broadcast %neg3A_1089 : f32 to vector<16xf32>
        %neg3A_1091 = arith.subf %neg3A_1090, %select_n3A_1087 : vector<16xf32>
        %masked_sort3A_1092 = arith.constant dense<true> : vector<16xi1>
        %masked_sort3A_1093, %masked_sort3A_1094, %masked_sort3A_1095 = tpu.sort %neg3A_1091, %select_n3A_1088 masked %masked_sort3A_1092 : (vector<16xf32>, vector<16xi32>, vector<16xi1>) -> (vector<16xi1>, vector<16xf32>, vector<16xi32>)
        %neg3A_1096 = arith.constant 0.000000e+00 : f32
        %neg3A_1097 = vector.broadcast %neg3A_1096 : f32 to vector<16xf32>
        %neg3A_1098 = arith.subf %neg3A_1097, %masked_sort3A_1094 : vector<16xf32>
        scf.yield %neg3A_1098, %masked_sort3A_1095 : vector<16xf32>, vector<16xi32>
      }
      %scan3A_43 = arith.constant 8 : i32
      %iota3A_44 = tpu.iota {dimensions = array<i32: 0>} : vector<16xi32>
      %eq3A_45 = arith.constant 1 : i32
      %eq3A_46 = vector.broadcast %eq3A_45 : i32 to vector<16xi32>
      %eq3A_47 = arith.cmpi eq, %iota3A_44, %eq3A_46 : vector<16xi32>
      %jit3A_48 = arith.constant -1073741824 : i32
      %broadcast_in_dim3A_49 = vector.broadcast %jit3A_48 : i32 to vector<16xi32>
      %select_n3A_50 = arith.select %eq3A_47, %scan3A_17#1, %broadcast_in_dim3A_49 : vector<16xi1>, vector<16xi32>
      %reduce_max3A_51 = arith.constant true
      %reduce_max3A_52 = vector.broadcast %reduce_max3A_51 : i1 to vector<16xi1>
      %reduce_max3A_53 = arith.constant -2147483648 : i32
      %reduce_max3A_54 = vector.broadcast %reduce_max3A_53 : i32 to vector<16xi32>
      %reduce_max3A_55 = arith.xori %select_n3A_50, %reduce_max3A_54 : vector<16xi32>
      %reduce_max3A_56 = tpu.scan <max>, %reduce_max3A_55 masked %reduce_max3A_52 : vector<16xi32>, vector<16xi1> -> vector<16xi32>
      %reduce_max3A_57 = arith.xori %reduce_max3A_56, %reduce_max3A_54 : vector<16xi32>
      %reduce_max3A_58 = vector.extract %reduce_max3A_57[15] : i32 from vector<16xi32>
      %scan3A_59 = arith.constant 0 : i32
      %scan3A_60 = arith.constant 8 : i32
      %scan3A_61 = arith.addi %scan3A_59, %scan3A_60 : i32
      %scan3A_62 = arith.constant 1 : i32
      %scan3A_63:2 = scf.for %scan3A_1055 = %scan3A_59 to %scan3A_61 step %scan3A_62 iter_args(%scan3A_1056 = %scan3A_42#0, %scan3A_1057 = %scan3A_42#1) -> (vector<16xf32>, vector<16xi32>)  : i32 {
        %mul3A_1058 = arith.constant 16 : i32
        %mul3A_1059 = arith.muli %scan3A_1055, %mul3A_1058 : i32
        %get3A = arith.constant 1 : i32
        %get3A_1060 = arith.index_cast %get3A : i32 to index
        %get3A_1061 = arith.index_cast %mul3A_1059 : i32 to index
        %get3A_1062 = tpu.vector_load %arg8[%get3A_1060, %get3A_1061] {strides = array<i32>} : memref<16x128xf32, #tpu.memory_space<vmem>>, vector<16xf32>,
        %mul3A_1063 = arith.constant 128 : i32
        %mul3A_1064 = arith.muli %reduce_max3A_58, %mul3A_1063 : i32
        %mul3A_1065 = arith.constant 16 : i32
        %mul3A_1066 = arith.muli %scan3A_1055, %mul3A_1065 : i32
        %add3A_1067 = arith.addi %mul3A_1064, %mul3A_1066 : i32
        %add3A_1068 = vector.broadcast %add3A_1067 : i32 to vector<16xi32>
        %add3A_1069 = arith.addi %add3A_1068, %iota3A : vector<16xi32>
        %neg3A = arith.constant 0.000000e+00 : f32
        %neg3A_1070 = vector.broadcast %neg3A : f32 to vector<16xf32>
        %neg3A_1071 = arith.subf %neg3A_1070, %get3A_1062 : vector<16xf32>
        %masked_sort3A = arith.constant dense<true> : vector<16xi1>
        %masked_sort3A_1072, %masked_sort3A_1073, %masked_sort3A_1074 = tpu.sort %neg3A_1071, %add3A_1069 masked %masked_sort3A : (vector<16xf32>, vector<16xi32>, vector<16xi1>) -> (vector<16xi1>, vector<16xf32>, vector<16xi32>)
        %neg3A_1075 = arith.constant 0.000000e+00 : f32
        %neg3A_1076 = vector.broadcast %neg3A_1075 : f32 to vector<16xf32>
        %neg3A_1077 = arith.subf %neg3A_1076, %masked_sort3A_1073 : vector<16xf32>
        %rev3A = arith.constant 15 : i32
        %rev3A_1078 = vector.broadcast %rev3A : i32 to vector<16xi32>
        %rev3A_1079 = tpu.iota {dimensions = array<i32: 0>} : vector<16xi32>
        %rev3A_1080 = arith.subi %rev3A_1078, %rev3A_1079 : vector<16xi32>
        %rev3A_1081 = tpu.dynamic_gather %neg3A_1077[%rev3A_1080] in [0] : vector<16xf32>, vector<16xi32> -> vector<16xf32>
        %rev3A_1082 = arith.constant 15 : i32
        %rev3A_1083 = vector.broadcast %rev3A_1082 : i32 to vector<16xi32>
        %rev3A_1084 = tpu.iota {dimensions = array<i32: 0>} : vector<16xi32>
        %rev3A_1085 = arith.subi %rev3A_1083, %rev3A_1084 : vector<16xi32>
        %rev3A_1086 = tpu.dynamic_gather %masked_sort3A_1074[%rev3A_1085] in [0] : vector<16xi32>, vector<16xi32> -> vector<16xi32>
        %ge3A = arith.cmpf oge, %scan3A_1056, %rev3A_1081 : vector<16xf32>
        %select_n3A_1087 = arith.select %ge3A, %scan3A_1056, %rev3A_1081 : vector<16xi1>, vector<16xf32>
        %select_n3A_1088 = arith.select %ge3A, %scan3A_1057, %rev3A_1086 : vector<16xi1>, vector<16xi32>
        %neg3A_1089 = arith.constant 0.000000e+00 : f32
        %neg3A_1090 = vector.broadcast %neg3A_1089 : f32 to vector<16xf32>
        %neg3A_1091 = arith.subf %neg3A_1090, %select_n3A_1087 : vector<16xf32>
        %masked_sort3A_1092 = arith.constant dense<true> : vector<16xi1>
        %masked_sort3A_1093, %masked_sort3A_1094, %masked_sort3A_1095 = tpu.sort %neg3A_1091, %select_n3A_1088 masked %masked_sort3A_1092 : (vector<16xf32>, vector<16xi32>, vector<16xi1>) -> (vector<16xi1>, vector<16xf32>, vector<16xi32>)
        %neg3A_1096 = arith.constant 0.000000e+00 : f32
        %neg3A_1097 = vector.broadcast %neg3A_1096 : f32 to vector<16xf32>
        %neg3A_1098 = arith.subf %neg3A_1097, %masked_sort3A_1094 : vector<16xf32>
        scf.yield %neg3A_1098, %masked_sort3A_1095 : vector<16xf32>, vector<16xi32>
      }
      %scan3A_64 = arith.constant 8 : i32
      %iota3A_65 = tpu.iota {dimensions = array<i32: 0>} : vector<16xi32>
      %eq3A_66 = arith.constant 2 : i32
      %eq3A_67 = vector.broadcast %eq3A_66 : i32 to vector<16xi32>
      %eq3A_68 = arith.cmpi eq, %iota3A_65, %eq3A_67 : vector<16xi32>
      %jit3A_69 = arith.constant -1073741824 : i32
      %broadcast_in_dim3A_70 = vector.broadcast %jit3A_69 : i32 to vector<16xi32>
      %select_n3A_71 = arith.select %eq3A_68, %scan3A_17#1, %broadcast_in_dim3A_70 : vector<16xi1>, vector<16xi32>
      %reduce_max3A_72 = arith.constant true
      %reduce_max3A_73 = vector.broadcast %reduce_max3A_72 : i1 to vector<16xi1>
      %reduce_max3A_74 = arith.constant -2147483648 : i32
      %reduce_max3A_75 = vector.broadcast %reduce_max3A_74 : i32 to vector<16xi32>
      %reduce_max3A_76 = arith.xori %select_n3A_71, %reduce_max3A_75 : vector<16xi32>
      %reduce_max3A_77 = tpu.scan <max>, %reduce_max3A_76 masked %reduce_max3A_73 : vector<16xi32>, vector<16xi1> -> vector<16xi32>
      %reduce_max3A_78 = arith.xori %reduce_max3A_77, %reduce_max3A_75 : vector<16xi32>
      %reduce_max3A_79 = vector.extract %reduce_max3A_78[15] : i32 from vector<16xi32>
      %scan3A_80 = arith.constant 0 : i32
      %scan3A_81 = arith.constant 8 : i32
      %scan3A_82 = arith.addi %scan3A_80, %scan3A_81 : i32
      %scan3A_83 = arith.constant 1 : i32
      %scan3A_84:2 = scf.for %scan3A_1055 = %scan3A_80 to %scan3A_82 step %scan3A_83 iter_args(%scan3A_1056 = %scan3A_63#0, %scan3A_1057 = %scan3A_63#1) -> (vector<16xf32>, vector<16xi32>)  : i32 {
        %mul3A_1058 = arith.constant 16 : i32
        %mul3A_1059 = arith.muli %scan3A_1055, %mul3A_1058 : i32
        %get3A = arith.constant 2 : i32
        %get3A_1060 = arith.index_cast %get3A : i32 to index
        %get3A_1061 = arith.index_cast %mul3A_1059 : i32 to index
        %get3A_1062 = tpu.vector_load %arg8[%get3A_1060, %get3A_1061] {strides = array<i32>} : memref<16x128xf32, #tpu.memory_space<vmem>>, vector<16xf32>,
        %mul3A_1063 = arith.constant 128 : i32
        %mul3A_1064 = arith.muli %reduce_max3A_79, %mul3A_1063 : i32
        %mul3A_1065 = arith.constant 16 : i32
        %mul3A_1066 = arith.muli %scan3A_1055, %mul3A_1065 : i32
        %add3A_1067 = arith.addi %mul3A_1064, %mul3A_1066 : i32
        %add3A_1068 = vector.broadcast %add3A_1067 : i32 to vector<16xi32>
        %add3A_1069 = arith.addi %add3A_1068, %iota3A : vector<16xi32>
        %neg3A = arith.constant 0.000000e+00 : f32
        %neg3A_1070 = vector.broadcast %neg3A : f32 to vector<16xf32>
        %neg3A_1071 = arith.subf %neg3A_1070, %get3A_1062 : vector<16xf32>
        %masked_sort3A = arith.constant dense<true> : vector<16xi1>
        %masked_sort3A_1072, %masked_sort3A_1073, %masked_sort3A_1074 = tpu.sort %neg3A_1071, %add3A_1069 masked %masked_sort3A : (vector<16xf32>, vector<16xi32>, vector<16xi1>) -> (vector<16xi1>, vector<16xf32>, vector<16xi32>)
        %neg3A_1075 = arith.constant 0.000000e+00 : f32
        %neg3A_1076 = vector.broadcast %neg3A_1075 : f32 to vector<16xf32>
        %neg3A_1077 = arith.subf %neg3A_1076, %masked_sort3A_1073 : vector<16xf32>
        %rev3A = arith.constant 15 : i32
        %rev3A_1078 = vector.broadcast %rev3A : i32 to vector<16xi32>
        %rev3A_1079 = tpu.iota {dimensions = array<i32: 0>} : vector<16xi32>
        %rev3A_1080 = arith.subi %rev3A_1078, %rev3A_1079 : vector<16xi32>
        %rev3A_1081 = tpu.dynamic_gather %neg3A_1077[%rev3A_1080] in [0] : vector<16xf32>, vector<16xi32> -> vector<16xf32>
        %rev3A_1082 = arith.constant 15 : i32
        %rev3A_1083 = vector.broadcast %rev3A_1082 : i32 to vector<16xi32>
        %rev3A_1084 = tpu.iota {dimensions = array<i32: 0>} : vector<16xi32>
        %rev3A_1085 = arith.subi %rev3A_1083, %rev3A_1084 : vector<16xi32>
        %rev3A_1086 = tpu.dynamic_gather %masked_sort3A_1074[%rev3A_1085] in [0] : vector<16xi32>, vector<16xi32> -> vector<16xi32>
        %ge3A = arith.cmpf oge, %scan3A_1056, %rev3A_1081 : vector<16xf32>
        %select_n3A_1087 = arith.select %ge3A, %scan3A_1056, %rev3A_1081 : vector<16xi1>, vector<16xf32>
        %select_n3A_1088 = arith.select %ge3A, %scan3A_1057, %rev3A_1086 : vector<16xi1>, vector<16xi32>
        %neg3A_1089 = arith.constant 0.000000e+00 : f32
        %neg3A_1090 = vector.broadcast %neg3A_1089 : f32 to vector<16xf32>
        %neg3A_1091 = arith.subf %neg3A_1090, %select_n3A_1087 : vector<16xf32>
        %masked_sort3A_1092 = arith.constant dense<true> : vector<16xi1>
        %masked_sort3A_1093, %masked_sort3A_1094, %masked_sort3A_1095 = tpu.sort %neg3A_1091, %select_n3A_1088 masked %masked_sort3A_1092 : (vector<16xf32>, vector<16xi32>, vector<16xi1>) -> (vector<16xi1>, vector<16xf32>, vector<16xi32>)
        %neg3A_1096 = arith.constant 0.000000e+00 : f32
        %neg3A_1097 = vector.broadcast %neg3A_1096 : f32 to vector<16xf32>
        %neg3A_1098 = arith.subf %neg3A_1097, %masked_sort3A_1094 : vector<16xf32>
        scf.yield %neg3A_1098, %masked_sort3A_1095 : vector<16xf32>, vector<16xi32>
      }
      %scan3A_85 = arith.constant 8 : i32
      %iota3A_86 = tpu.iota {dimensions = array<i32: 0>} : vector<16xi32>
      %eq3A_87 = arith.constant 3 : i32
      %eq3A_88 = vector.broadcast %eq3A_87 : i32 to vector<16xi32>
      %eq3A_89 = arith.cmpi eq, %iota3A_86, %eq3A_88 : vector<16xi32>
      %jit3A_90 = arith.constant -1073741824 : i32
      %broadcast_in_dim3A_91 = vector.broadcast %jit3A_90 : i32 to vector<16xi32>
      %select_n3A_92 = arith.select %eq3A_89, %scan3A_17#1, %broadcast_in_dim3A_91 : vector<16xi1>, vector<16xi32>
      %reduce_max3A_93 = arith.constant true
      %reduce_max3A_94 = vector.broadcast %reduce_max3A_93 : i1 to vector<16xi1>
      %reduce_max3A_95 = arith.constant -2147483648 : i32
      %reduce_max3A_96 = vector.broadcast %reduce_max3A_95 : i32 to vector<16xi32>
      %reduce_max3A_97 = arith.xori %select_n3A_92, %reduce_max3A_96 : vector<16xi32>
      %reduce_max3A_98 = tpu.scan <max>, %reduce_max3A_97 masked %reduce_max3A_94 : vector<16xi32>, vector<16xi1> -> vector<16xi32>
      %reduce_max3A_99 = arith.xori %reduce_max3A_98, %reduce_max3A_96 : vector<16xi32>
      %reduce_max3A_100 = vector.extract %reduce_max3A_99[15] : i32 from vector<16xi32>
      %scan3A_101 = arith.constant 0 : i32
      %scan3A_102 = arith.constant 8 : i32
      %scan3A_103 = arith.addi %scan3A_101, %scan3A_102 : i32
      %scan3A_104 = arith.constant 1 : i32
      %scan3A_105:2 = scf.for %scan3A_1055 = %scan3A_101 to %scan3A_103 step %scan3A_104 iter_args(%scan3A_1056 = %scan3A_84#0, %scan3A_1057 = %scan3A_84#1) -> (vector<16xf32>, vector<16xi32>)  : i32 {
        %mul3A_1058 = arith.constant 16 : i32
        %mul3A_1059 = arith.muli %scan3A_1055, %mul3A_1058 : i32
        %get3A = arith.constant 3 : i32
        %get3A_1060 = arith.index_cast %get3A : i32 to index
        %get3A_1061 = arith.index_cast %mul3A_1059 : i32 to index
        %get3A_1062 = tpu.vector_load %arg8[%get3A_1060, %get3A_1061] {strides = array<i32>} : memref<16x128xf32, #tpu.memory_space<vmem>>, vector<16xf32>,
        %mul3A_1063 = arith.constant 128 : i32
        %mul3A_1064 = arith.muli %reduce_max3A_100, %mul3A_1063 : i32
        %mul3A_1065 = arith.constant 16 : i32
        %mul3A_1066 = arith.muli %scan3A_1055, %mul3A_1065 : i32
        %add3A_1067 = arith.addi %mul3A_1064, %mul3A_1066 : i32
        %add3A_1068 = vector.broadcast %add3A_1067 : i32 to vector<16xi32>
        %add3A_1069 = arith.addi %add3A_1068, %iota3A : vector<16xi32>
        %neg3A = arith.constant 0.000000e+00 : f32
        %neg3A_1070 = vector.broadcast %neg3A : f32 to vector<16xf32>
        %neg3A_1071 = arith.subf %neg3A_1070, %get3A_1062 : vector<16xf32>
        %masked_sort3A = arith.constant dense<true> : vector<16xi1>
        %masked_sort3A_1072, %masked_sort3A_1073, %masked_sort3A_1074 = tpu.sort %neg3A_1071, %add3A_1069 masked %masked_sort3A : (vector<16xf32>, vector<16xi32>, vector<16xi1>) -> (vector<16xi1>, vector<16xf32>, vector<16xi32>)
        %neg3A_1075 = arith.constant 0.000000e+00 : f32
        %neg3A_1076 = vector.broadcast %neg3A_1075 : f32 to vector<16xf32>
        %neg3A_1077 = arith.subf %neg3A_1076, %masked_sort3A_1073 : vector<16xf32>
        %rev3A = arith.constant 15 : i32
        %rev3A_1078 = vector.broadcast %rev3A : i32 to vector<16xi32>
        %rev3A_1079 = tpu.iota {dimensions = array<i32: 0>} : vector<16xi32>
        %rev3A_1080 = arith.subi %rev3A_1078, %rev3A_1079 : vector<16xi32>
        %rev3A_1081 = tpu.dynamic_gather %neg3A_1077[%rev3A_1080] in [0] : vector<16xf32>, vector<16xi32> -> vector<16xf32>
        %rev3A_1082 = arith.constant 15 : i32
        %rev3A_1083 = vector.broadcast %rev3A_1082 : i32 to vector<16xi32>
        %rev3A_1084 = tpu.iota {dimensions = array<i32: 0>} : vector<16xi32>
        %rev3A_1085 = arith.subi %rev3A_1083, %rev3A_1084 : vector<16xi32>
        %rev3A_1086 = tpu.dynamic_gather %masked_sort3A_1074[%rev3A_1085] in [0] : vector<16xi32>, vector<16xi32> -> vector<16xi32>
        %ge3A = arith.cmpf oge, %scan3A_1056, %rev3A_1081 : vector<16xf32>
        %select_n3A_1087 = arith.select %ge3A, %scan3A_1056, %rev3A_1081 : vector<16xi1>, vector<16xf32>
        %select_n3A_1088 = arith.select %ge3A, %scan3A_1057, %rev3A_1086 : vector<16xi1>, vector<16xi32>
        %neg3A_1089 = arith.constant 0.000000e+00 : f32
        %neg3A_1090 = vector.broadcast %neg3A_1089 : f32 to vector<16xf32>
        %neg3A_1091 = arith.subf %neg3A_1090, %select_n3A_1087 : vector<16xf32>
        %masked_sort3A_1092 = arith.constant dense<true> : vector<16xi1>
        %masked_sort3A_1093, %masked_sort3A_1094, %masked_sort3A_1095 = tpu.sort %neg3A_1091, %select_n3A_1088 masked %masked_sort3A_1092 : (vector<16xf32>, vector<16xi32>, vector<16xi1>) -> (vector<16xi1>, vector<16xf32>, vector<16xi32>)
        %neg3A_1096 = arith.constant 0.000000e+00 : f32
        %neg3A_1097 = vector.broadcast %neg3A_1096 : f32 to vector<16xf32>
        %neg3A_1098 = arith.subf %neg3A_1097, %masked_sort3A_1094 : vector<16xf32>
        scf.yield %neg3A_1098, %masked_sort3A_1095 : vector<16xf32>, vector<16xi32>
      }
      %scan3A_106 = arith.constant 8 : i32
      %iota3A_107 = tpu.iota {dimensions = array<i32: 0>} : vector<16xi32>
      %eq3A_108 = arith.constant 4 : i32
      %eq3A_109 = vector.broadcast %eq3A_108 : i32 to vector<16xi32>
      %eq3A_110 = arith.cmpi eq, %iota3A_107, %eq3A_109 : vector<16xi32>
      %jit3A_111 = arith.constant -1073741824 : i32
      %broadcast_in_dim3A_112 = vector.broadcast %jit3A_111 : i32 to vector<16xi32>
      %select_n3A_113 = arith.select %eq3A_110, %scan3A_17#1, %broadcast_in_dim3A_112 : vector<16xi1>, vector<16xi32>
      %reduce_max3A_114 = arith.constant true
      %reduce_max3A_115 = vector.broadcast %reduce_max3A_114 : i1 to vector<16xi1>
      %reduce_max3A_116 = arith.constant -2147483648 : i32
      %reduce_max3A_117 = vector.broadcast %reduce_max3A_116 : i32 to vector<16xi32>
      %reduce_max3A_118 = arith.xori %select_n3A_113, %reduce_max3A_117 : vector<16xi32>
      %reduce_max3A_119 = tpu.scan <max>, %reduce_max3A_118 masked %reduce_max3A_115 : vector<16xi32>, vector<16xi1> -> vector<16xi32>
      %reduce_max3A_120 = arith.xori %reduce_max3A_119, %reduce_max3A_117 : vector<16xi32>
      %reduce_max3A_121 = vector.extract %reduce_max3A_120[15] : i32 from vector<16xi32>
      %scan3A_122 = arith.constant 0 : i32
      %scan3A_123 = arith.constant 8 : i32
      %scan3A_124 = arith.addi %scan3A_122, %scan3A_123 : i32
      %scan3A_125 = arith.constant 1 : i32
      %scan3A_126:2 = scf.for %scan3A_1055 = %scan3A_122 to %scan3A_124 step %scan3A_125 iter_args(%scan3A_1056 = %scan3A_105#0, %scan3A_1057 = %scan3A_105#1) -> (vector<16xf32>, vector<16xi32>)  : i32 {
        %mul3A_1058 = arith.constant 16 : i32
        %mul3A_1059 = arith.muli %scan3A_1055, %mul3A_1058 : i32
        %get3A = arith.constant 4 : i32
        %get3A_1060 = arith.index_cast %get3A : i32 to index
        %get3A_1061 = arith.index_cast %mul3A_1059 : i32 to index
        %get3A_1062 = tpu.vector_load %arg8[%get3A_1060, %get3A_1061] {strides = array<i32>} : memref<16x128xf32, #tpu.memory_space<vmem>>, vector<16xf32>,
        %mul3A_1063 = arith.constant 128 : i32
        %mul3A_1064 = arith.muli %reduce_max3A_121, %mul3A_1063 : i32
        %mul3A_1065 = arith.constant 16 : i32
        %mul3A_1066 = arith.muli %scan3A_1055, %mul3A_1065 : i32
        %add3A_1067 = arith.addi %mul3A_1064, %mul3A_1066 : i32
        %add3A_1068 = vector.broadcast %add3A_1067 : i32 to vector<16xi32>
        %add3A_1069 = arith.addi %add3A_1068, %iota3A : vector<16xi32>
        %neg3A = arith.constant 0.000000e+00 : f32
        %neg3A_1070 = vector.broadcast %neg3A : f32 to vector<16xf32>
        %neg3A_1071 = arith.subf %neg3A_1070, %get3A_1062 : vector<16xf32>
        %masked_sort3A = arith.constant dense<true> : vector<16xi1>
        %masked_sort3A_1072, %masked_sort3A_1073, %masked_sort3A_1074 = tpu.sort %neg3A_1071, %add3A_1069 masked %masked_sort3A : (vector<16xf32>, vector<16xi32>, vector<16xi1>) -> (vector<16xi1>, vector<16xf32>, vector<16xi32>)
        %neg3A_1075 = arith.constant 0.000000e+00 : f32
        %neg3A_1076 = vector.broadcast %neg3A_1075 : f32 to vector<16xf32>
        %neg3A_1077 = arith.subf %neg3A_1076, %masked_sort3A_1073 : vector<16xf32>
        %rev3A = arith.constant 15 : i32
        %rev3A_1078 = vector.broadcast %rev3A : i32 to vector<16xi32>
        %rev3A_1079 = tpu.iota {dimensions = array<i32: 0>} : vector<16xi32>
        %rev3A_1080 = arith.subi %rev3A_1078, %rev3A_1079 : vector<16xi32>
        %rev3A_1081 = tpu.dynamic_gather %neg3A_1077[%rev3A_1080] in [0] : vector<16xf32>, vector<16xi32> -> vector<16xf32>
        %rev3A_1082 = arith.constant 15 : i32
        %rev3A_1083 = vector.broadcast %rev3A_1082 : i32 to vector<16xi32>
        %rev3A_1084 = tpu.iota {dimensions = array<i32: 0>} : vector<16xi32>
        %rev3A_1085 = arith.subi %rev3A_1083, %rev3A_1084 : vector<16xi32>
        %rev3A_1086 = tpu.dynamic_gather %masked_sort3A_1074[%rev3A_1085] in [0] : vector<16xi32>, vector<16xi32> -> vector<16xi32>
        %ge3A = arith.cmpf oge, %scan3A_1056, %rev3A_1081 : vector<16xf32>
        %select_n3A_1087 = arith.select %ge3A, %scan3A_1056, %rev3A_1081 : vector<16xi1>, vector<16xf32>
        %select_n3A_1088 = arith.select %ge3A, %scan3A_1057, %rev3A_1086 : vector<16xi1>, vector<16xi32>
        %neg3A_1089 = arith.constant 0.000000e+00 : f32
        %neg3A_1090 = vector.broadcast %neg3A_1089 : f32 to vector<16xf32>
        %neg3A_1091 = arith.subf %neg3A_1090, %select_n3A_1087 : vector<16xf32>
        %masked_sort3A_1092 = arith.constant dense<true> : vector<16xi1>
        %masked_sort3A_1093, %masked_sort3A_1094, %masked_sort3A_1095 = tpu.sort %neg3A_1091, %select_n3A_1088 masked %masked_sort3A_1092 : (vector<16xf32>, vector<16xi32>, vector<16xi1>) -> (vector<16xi1>, vector<16xf32>, vector<16xi32>)
        %neg3A_1096 = arith.constant 0.000000e+00 : f32
        %neg3A_1097 = vector.broadcast %neg3A_1096 : f32 to vector<16xf32>
        %neg3A_1098 = arith.subf %neg3A_1097, %masked_sort3A_1094 : vector<16xf32>
        scf.yield %neg3A_1098, %masked_sort3A_1095 : vector<16xf32>, vector<16xi32>
      }
      %scan3A_127 = arith.constant 8 : i32
      %iota3A_128 = tpu.iota {dimensions = array<i32: 0>} : vector<16xi32>
      %eq3A_129 = arith.constant 5 : i32
      %eq3A_130 = vector.broadcast %eq3A_129 : i32 to vector<16xi32>
      %eq3A_131 = arith.cmpi eq, %iota3A_128, %eq3A_130 : vector<16xi32>
      %jit3A_132 = arith.constant -1073741824 : i32
      %broadcast_in_dim3A_133 = vector.broadcast %jit3A_132 : i32 to vector<16xi32>
      %select_n3A_134 = arith.select %eq3A_131, %scan3A_17#1, %broadcast_in_dim3A_133 : vector<16xi1>, vector<16xi32>
      %reduce_max3A_135 = arith.constant true
      %reduce_max3A_136 = vector.broadcast %reduce_max3A_135 : i1 to vector<16xi1>
      %reduce_max3A_137 = arith.constant -2147483648 : i32
      %reduce_max3A_138 = vector.broadcast %reduce_max3A_137 : i32 to vector<16xi32>
      %reduce_max3A_139 = arith.xori %select_n3A_134, %reduce_max3A_138 : vector<16xi32>
      %reduce_max3A_140 = tpu.scan <max>, %reduce_max3A_139 masked %reduce_max3A_136 : vector<16xi32>, vector<16xi1> -> vector<16xi32>
      %reduce_max3A_141 = arith.xori %reduce_max3A_140, %reduce_max3A_138 : vector<16xi32>
      %reduce_max3A_142 = vector.extract %reduce_max3A_141[15] : i32 from vector<16xi32>
      %scan3A_143 = arith.constant 0 : i32
      %scan3A_144 = arith.constant 8 : i32
      %scan3A_145 = arith.addi %scan3A_143, %scan3A_144 : i32
      %scan3A_146 = arith.constant 1 : i32
      %scan3A_147:2 = scf.for %scan3A_1055 = %scan3A_143 to %scan3A_145 step %scan3A_146 iter_args(%scan3A_1056 = %scan3A_126#0, %scan3A_1057 = %scan3A_126#1) -> (vector<16xf32>, vector<16xi32>)  : i32 {
        %mul3A_1058 = arith.constant 16 : i32
        %mul3A_1059 = arith.muli %scan3A_1055, %mul3A_1058 : i32
        %get3A = arith.constant 5 : i32
        %get3A_1060 = arith.index_cast %get3A : i32 to index
        %get3A_1061 = arith.index_cast %mul3A_1059 : i32 to index
        %get3A_1062 = tpu.vector_load %arg8[%get3A_1060, %get3A_1061] {strides = array<i32>} : memref<16x128xf32, #tpu.memory_space<vmem>>, vector<16xf32>,
        %mul3A_1063 = arith.constant 128 : i32
        %mul3A_1064 = arith.muli %reduce_max3A_142, %mul3A_1063 : i32
        %mul3A_1065 = arith.constant 16 : i32
        %mul3A_1066 = arith.muli %scan3A_1055, %mul3A_1065 : i32
        %add3A_1067 = arith.addi %mul3A_1064, %mul3A_1066 : i32
        %add3A_1068 = vector.broadcast %add3A_1067 : i32 to vector<16xi32>
        %add3A_1069 = arith.addi %add3A_1068, %iota3A : vector<16xi32>
        %neg3A = arith.constant 0.000000e+00 : f32
        %neg3A_1070 = vector.broadcast %neg3A : f32 to vector<16xf32>
        %neg3A_1071 = arith.subf %neg3A_1070, %get3A_1062 : vector<16xf32>
        %masked_sort3A = arith.constant dense<true> : vector<16xi1>
        %masked_sort3A_1072, %masked_sort3A_1073, %masked_sort3A_1074 = tpu.sort %neg3A_1071, %add3A_1069 masked %masked_sort3A : (vector<16xf32>, vector<16xi32>, vector<16xi1>) -> (vector<16xi1>, vector<16xf32>, vector<16xi32>)
        %neg3A_1075 = arith.constant 0.000000e+00 : f32
        %neg3A_1076 = vector.broadcast %neg3A_1075 : f32 to vector<16xf32>
        %neg3A_1077 = arith.subf %neg3A_1076, %masked_sort3A_1073 : vector<16xf32>
        %rev3A = arith.constant 15 : i32
        %rev3A_1078 = vector.broadcast %rev3A : i32 to vector<16xi32>
        %rev3A_1079 = tpu.iota {dimensions = array<i32: 0>} : vector<16xi32>
        %rev3A_1080 = arith.subi %rev3A_1078, %rev3A_1079 : vector<16xi32>
        %rev3A_1081 = tpu.dynamic_gather %neg3A_1077[%rev3A_1080] in [0] : vector<16xf32>, vector<16xi32> -> vector<16xf32>
        %rev3A_1082 = arith.constant 15 : i32
        %rev3A_1083 = vector.broadcast %rev3A_1082 : i32 to vector<16xi32>
        %rev3A_1084 = tpu.iota {dimensions = array<i32: 0>} : vector<16xi32>
        %rev3A_1085 = arith.subi %rev3A_1083, %rev3A_1084 : vector<16xi32>
        %rev3A_1086 = tpu.dynamic_gather %masked_sort3A_1074[%rev3A_1085] in [0] : vector<16xi32>, vector<16xi32> -> vector<16xi32>
        %ge3A = arith.cmpf oge, %scan3A_1056, %rev3A_1081 : vector<16xf32>
        %select_n3A_1087 = arith.select %ge3A, %scan3A_1056, %rev3A_1081 : vector<16xi1>, vector<16xf32>
        %select_n3A_1088 = arith.select %ge3A, %scan3A_1057, %rev3A_1086 : vector<16xi1>, vector<16xi32>
        %neg3A_1089 = arith.constant 0.000000e+00 : f32
        %neg3A_1090 = vector.broadcast %neg3A_1089 : f32 to vector<16xf32>
        %neg3A_1091 = arith.subf %neg3A_1090, %select_n3A_1087 : vector<16xf32>
        %masked_sort3A_1092 = arith.constant dense<true> : vector<16xi1>
        %masked_sort3A_1093, %masked_sort3A_1094, %masked_sort3A_1095 = tpu.sort %neg3A_1091, %select_n3A_1088 masked %masked_sort3A_1092 : (vector<16xf32>, vector<16xi32>, vector<16xi1>) -> (vector<16xi1>, vector<16xf32>, vector<16xi32>)
        %neg3A_1096 = arith.constant 0.000000e+00 : f32
        %neg3A_1097 = vector.broadcast %neg3A_1096 : f32 to vector<16xf32>
        %neg3A_1098 = arith.subf %neg3A_1097, %masked_sort3A_1094 : vector<16xf32>
        scf.yield %neg3A_1098, %masked_sort3A_1095 : vector<16xf32>, vector<16xi32>
      }
      %scan3A_148 = arith.constant 8 : i32
      %iota3A_149 = tpu.iota {dimensions = array<i32: 0>} : vector<16xi32>
      %eq3A_150 = arith.constant 6 : i32
      %eq3A_151 = vector.broadcast %eq3A_150 : i32 to vector<16xi32>
      %eq3A_152 = arith.cmpi eq, %iota3A_149, %eq3A_151 : vector<16xi32>
      %jit3A_153 = arith.constant -1073741824 : i32
      %broadcast_in_dim3A_154 = vector.broadcast %jit3A_153 : i32 to vector<16xi32>
      %select_n3A_155 = arith.select %eq3A_152, %scan3A_17#1, %broadcast_in_dim3A_154 : vector<16xi1>, vector<16xi32>
      %reduce_max3A_156 = arith.constant true
      %reduce_max3A_157 = vector.broadcast %reduce_max3A_156 : i1 to vector<16xi1>
      %reduce_max3A_158 = arith.constant -2147483648 : i32
      %reduce_max3A_159 = vector.broadcast %reduce_max3A_158 : i32 to vector<16xi32>
      %reduce_max3A_160 = arith.xori %select_n3A_155, %reduce_max3A_159 : vector<16xi32>
      %reduce_max3A_161 = tpu.scan <max>, %reduce_max3A_160 masked %reduce_max3A_157 : vector<16xi32>, vector<16xi1> -> vector<16xi32>
      %reduce_max3A_162 = arith.xori %reduce_max3A_161, %reduce_max3A_159 : vector<16xi32>
      %reduce_max3A_163 = vector.extract %reduce_max3A_162[15] : i32 from vector<16xi32>
      %scan3A_164 = arith.constant 0 : i32
      %scan3A_165 = arith.constant 8 : i32
      %scan3A_166 = arith.addi %scan3A_164, %scan3A_165 : i32
      %scan3A_167 = arith.constant 1 : i32
      %scan3A_168:2 = scf.for %scan3A_1055 = %scan3A_164 to %scan3A_166 step %scan3A_167 iter_args(%scan3A_1056 = %scan3A_147#0, %scan3A_1057 = %scan3A_147#1) -> (vector<16xf32>, vector<16xi32>)  : i32 {
        %mul3A_1058 = arith.constant 16 : i32
        %mul3A_1059 = arith.muli %scan3A_1055, %mul3A_1058 : i32
        %get3A = arith.constant 6 : i32
        %get3A_1060 = arith.index_cast %get3A : i32 to index
        %get3A_1061 = arith.index_cast %mul3A_1059 : i32 to index
        %get3A_1062 = tpu.vector_load %arg8[%get3A_1060, %get3A_1061] {strides = array<i32>} : memref<16x128xf32, #tpu.memory_space<vmem>>, vector<16xf32>,
        %mul3A_1063 = arith.constant 128 : i32
        %mul3A_1064 = arith.muli %reduce_max3A_163, %mul3A_1063 : i32
        %mul3A_1065 = arith.constant 16 : i32
        %mul3A_1066 = arith.muli %scan3A_1055, %mul3A_1065 : i32
        %add3A_1067 = arith.addi %mul3A_1064, %mul3A_1066 : i32
        %add3A_1068 = vector.broadcast %add3A_1067 : i32 to vector<16xi32>
        %add3A_1069 = arith.addi %add3A_1068, %iota3A : vector<16xi32>
        %neg3A = arith.constant 0.000000e+00 : f32
        %neg3A_1070 = vector.broadcast %neg3A : f32 to vector<16xf32>
        %neg3A_1071 = arith.subf %neg3A_1070, %get3A_1062 : vector<16xf32>
        %masked_sort3A = arith.constant dense<true> : vector<16xi1>
        %masked_sort3A_1072, %masked_sort3A_1073, %masked_sort3A_1074 = tpu.sort %neg3A_1071, %add3A_1069 masked %masked_sort3A : (vector<16xf32>, vector<16xi32>, vector<16xi1>) -> (vector<16xi1>, vector<16xf32>, vector<16xi32>)
        %neg3A_1075 = arith.constant 0.000000e+00 : f32
        %neg3A_1076 = vector.broadcast %neg3A_1075 : f32 to vector<16xf32>
        %neg3A_1077 = arith.subf %neg3A_1076, %masked_sort3A_1073 : vector<16xf32>
        %rev3A = arith.constant 15 : i32
        %rev3A_1078 = vector.broadcast %rev3A : i32 to vector<16xi32>
        %rev3A_1079 = tpu.iota {dimensions = array<i32: 0>} : vector<16xi32>
        %rev3A_1080 = arith.subi %rev3A_1078, %rev3A_1079 : vector<16xi32>
        %rev3A_1081 = tpu.dynamic_gather %neg3A_1077[%rev3A_1080] in [0] : vector<16xf32>, vector<16xi32> -> vector<16xf32>
        %rev3A_1082 = arith.constant 15 : i32
        %rev3A_1083 = vector.broadcast %rev3A_1082 : i32 to vector<16xi32>
        %rev3A_1084 = tpu.iota {dimensions = array<i32: 0>} : vector<16xi32>
        %rev3A_1085 = arith.subi %rev3A_1083, %rev3A_1084 : vector<16xi32>
        %rev3A_1086 = tpu.dynamic_gather %masked_sort3A_1074[%rev3A_1085] in [0] : vector<16xi32>, vector<16xi32> -> vector<16xi32>
        %ge3A = arith.cmpf oge, %scan3A_1056, %rev3A_1081 : vector<16xf32>
        %select_n3A_1087 = arith.select %ge3A, %scan3A_1056, %rev3A_1081 : vector<16xi1>, vector<16xf32>
        %select_n3A_1088 = arith.select %ge3A, %scan3A_1057, %rev3A_1086 : vector<16xi1>, vector<16xi32>
        %neg3A_1089 = arith.constant 0.000000e+00 : f32
        %neg3A_1090 = vector.broadcast %neg3A_1089 : f32 to vector<16xf32>
        %neg3A_1091 = arith.subf %neg3A_1090, %select_n3A_1087 : vector<16xf32>
        %masked_sort3A_1092 = arith.constant dense<true> : vector<16xi1>
        %masked_sort3A_1093, %masked_sort3A_1094, %masked_sort3A_1095 = tpu.sort %neg3A_1091, %select_n3A_1088 masked %masked_sort3A_1092 : (vector<16xf32>, vector<16xi32>, vector<16xi1>) -> (vector<16xi1>, vector<16xf32>, vector<16xi32>)
        %neg3A_1096 = arith.constant 0.000000e+00 : f32
        %neg3A_1097 = vector.broadcast %neg3A_1096 : f32 to vector<16xf32>
        %neg3A_1098 = arith.subf %neg3A_1097, %masked_sort3A_1094 : vector<16xf32>
        scf.yield %neg3A_1098, %masked_sort3A_1095 : vector<16xf32>, vector<16xi32>
      }
      %scan3A_169 = arith.constant 8 : i32
      %iota3A_170 = tpu.iota {dimensions = array<i32: 0>} : vector<16xi32>
      %eq3A_171 = arith.constant 7 : i32
      %eq3A_172 = vector.broadcast %eq3A_171 : i32 to vector<16xi32>
      %eq3A_173 = arith.cmpi eq, %iota3A_170, %eq3A_172 : vector<16xi32>
      %jit3A_174 = arith.constant -1073741824 : i32
      %broadcast_in_dim3A_175 = vector.broadcast %jit3A_174 : i32 to vector<16xi32>
      %select_n3A_176 = arith.select %eq3A_173, %scan3A_17#1, %broadcast_in_dim3A_175 : vector<16xi1>, vector<16xi32>
      %reduce_max3A_177 = arith.constant true
      %reduce_max3A_178 = vector.broadcast %reduce_max3A_177 : i1 to vector<16xi1>
      %reduce_max3A_179 = arith.constant -2147483648 : i32
      %reduce_max3A_180 = vector.broadcast %reduce_max3A_179 : i32 to vector<16xi32>
      %reduce_max3A_181 = arith.xori %select_n3A_176, %reduce_max3A_180 : vector<16xi32>
      %reduce_max3A_182 = tpu.scan <max>, %reduce_max3A_181 masked %reduce_max3A_178 : vector<16xi32>, vector<16xi1> -> vector<16xi32>
      %reduce_max3A_183 = arith.xori %reduce_max3A_182, %reduce_max3A_180 : vector<16xi32>
      %reduce_max3A_184 = vector.extract %reduce_max3A_183[15] : i32 from vector<16xi32>
      %scan3A_185 = arith.constant 0 : i32
      %scan3A_186 = arith.constant 8 : i32
      %scan3A_187 = arith.addi %scan3A_185, %scan3A_186 : i32
      %scan3A_188 = arith.constant 1 : i32
      %scan3A_189:2 = scf.for %scan3A_1055 = %scan3A_185 to %scan3A_187 step %scan3A_188 iter_args(%scan3A_1056 = %scan3A_168#0, %scan3A_1057 = %scan3A_168#1) -> (vector<16xf32>, vector<16xi32>)  : i32 {
        %mul3A_1058 = arith.constant 16 : i32
        %mul3A_1059 = arith.muli %scan3A_1055, %mul3A_1058 : i32
        %get3A = arith.constant 7 : i32
        %get3A_1060 = arith.index_cast %get3A : i32 to index
        %get3A_1061 = arith.index_cast %mul3A_1059 : i32 to index
        %get3A_1062 = tpu.vector_load %arg8[%get3A_1060, %get3A_1061] {strides = array<i32>} : memref<16x128xf32, #tpu.memory_space<vmem>>, vector<16xf32>,
        %mul3A_1063 = arith.constant 128 : i32
        %mul3A_1064 = arith.muli %reduce_max3A_184, %mul3A_1063 : i32
        %mul3A_1065 = arith.constant 16 : i32
        %mul3A_1066 = arith.muli %scan3A_1055, %mul3A_1065 : i32
        %add3A_1067 = arith.addi %mul3A_1064, %mul3A_1066 : i32
        %add3A_1068 = vector.broadcast %add3A_1067 : i32 to vector<16xi32>
        %add3A_1069 = arith.addi %add3A_1068, %iota3A : vector<16xi32>
        %neg3A = arith.constant 0.000000e+00 : f32
        %neg3A_1070 = vector.broadcast %neg3A : f32 to vector<16xf32>
        %neg3A_1071 = arith.subf %neg3A_1070, %get3A_1062 : vector<16xf32>
        %masked_sort3A = arith.constant dense<true> : vector<16xi1>
        %masked_sort3A_1072, %masked_sort3A_1073, %masked_sort3A_1074 = tpu.sort %neg3A_1071, %add3A_1069 masked %masked_sort3A : (vector<16xf32>, vector<16xi32>, vector<16xi1>) -> (vector<16xi1>, vector<16xf32>, vector<16xi32>)
        %neg3A_1075 = arith.constant 0.000000e+00 : f32
        %neg3A_1076 = vector.broadcast %neg3A_1075 : f32 to vector<16xf32>
        %neg3A_1077 = arith.subf %neg3A_1076, %masked_sort3A_1073 : vector<16xf32>
        %rev3A = arith.constant 15 : i32
        %rev3A_1078 = vector.broadcast %rev3A : i32 to vector<16xi32>
        %rev3A_1079 = tpu.iota {dimensions = array<i32: 0>} : vector<16xi32>
        %rev3A_1080 = arith.subi %rev3A_1078, %rev3A_1079 : vector<16xi32>
        %rev3A_1081 = tpu.dynamic_gather %neg3A_1077[%rev3A_1080] in [0] : vector<16xf32>, vector<16xi32> -> vector<16xf32>
        %rev3A_1082 = arith.constant 15 : i32
        %rev3A_1083 = vector.broadcast %rev3A_1082 : i32 to vector<16xi32>
        %rev3A_1084 = tpu.iota {dimensions = array<i32: 0>} : vector<16xi32>
        %rev3A_1085 = arith.subi %rev3A_1083, %rev3A_1084 : vector<16xi32>
        %rev3A_1086 = tpu.dynamic_gather %masked_sort3A_1074[%rev3A_1085] in [0] : vector<16xi32>, vector<16xi32> -> vector<16xi32>
        %ge3A = arith.cmpf oge, %scan3A_1056, %rev3A_1081 : vector<16xf32>
        %select_n3A_1087 = arith.select %ge3A, %scan3A_1056, %rev3A_1081 : vector<16xi1>, vector<16xf32>
        %select_n3A_1088 = arith.select %ge3A, %scan3A_1057, %rev3A_1086 : vector<16xi1>, vector<16xi32>
        %neg3A_1089 = arith.constant 0.000000e+00 : f32
        %neg3A_1090 = vector.broadcast %neg3A_1089 : f32 to vector<16xf32>
        %neg3A_1091 = arith.subf %neg3A_1090, %select_n3A_1087 : vector<16xf32>
        %masked_sort3A_1092 = arith.constant dense<true> : vector<16xi1>
        %masked_sort3A_1093, %masked_sort3A_1094, %masked_sort3A_1095 = tpu.sort %neg3A_1091, %select_n3A_1088 masked %masked_sort3A_1092 : (vector<16xf32>, vector<16xi32>, vector<16xi1>) -> (vector<16xi1>, vector<16xf32>, vector<16xi32>)
        %neg3A_1096 = arith.constant 0.000000e+00 : f32
        %neg3A_1097 = vector.broadcast %neg3A_1096 : f32 to vector<16xf32>
        %neg3A_1098 = arith.subf %neg3A_1097, %masked_sort3A_1094 : vector<16xf32>
        scf.yield %neg3A_1098, %masked_sort3A_1095 : vector<16xf32>, vector<16xi32>
      }
      %scan3A_190 = arith.constant 8 : i32
      %iota3A_191 = tpu.iota {dimensions = array<i32: 0>} : vector<16xi32>
      %eq3A_192 = arith.constant 8 : i32
      %eq3A_193 = vector.broadcast %eq3A_192 : i32 to vector<16xi32>
      %eq3A_194 = arith.cmpi eq, %iota3A_191, %eq3A_193 : vector<16xi32>
      %jit3A_195 = arith.constant -1073741824 : i32
      %broadcast_in_dim3A_196 = vector.broadcast %jit3A_195 : i32 to vector<16xi32>
      %select_n3A_197 = arith.select %eq3A_194, %scan3A_17#1, %broadcast_in_dim3A_196 : vector<16xi1>, vector<16xi32>
      %reduce_max3A_198 = arith.constant true
      %reduce_max3A_199 = vector.broadcast %reduce_max3A_198 : i1 to vector<16xi1>
      %reduce_max3A_200 = arith.constant -2147483648 : i32
      %reduce_max3A_201 = vector.broadcast %reduce_max3A_200 : i32 to vector<16xi32>
      %reduce_max3A_202 = arith.xori %select_n3A_197, %reduce_max3A_201 : vector<16xi32>
      %reduce_max3A_203 = tpu.scan <max>, %reduce_max3A_202 masked %reduce_max3A_199 : vector<16xi32>, vector<16xi1> -> vector<16xi32>
      %reduce_max3A_204 = arith.xori %reduce_max3A_203, %reduce_max3A_201 : vector<16xi32>
      %reduce_max3A_205 = vector.extract %reduce_max3A_204[15] : i32 from vector<16xi32>
      %scan3A_206 = arith.constant 0 : i32
      %scan3A_207 = arith.constant 8 : i32
      %scan3A_208 = arith.addi %scan3A_206, %scan3A_207 : i32
      %scan3A_209 = arith.constant 1 : i32
      %scan3A_210:2 = scf.for %scan3A_1055 = %scan3A_206 to %scan3A_208 step %scan3A_209 iter_args(%scan3A_1056 = %scan3A_189#0, %scan3A_1057 = %scan3A_189#1) -> (vector<16xf32>, vector<16xi32>)  : i32 {
        %mul3A_1058 = arith.constant 16 : i32
        %mul3A_1059 = arith.muli %scan3A_1055, %mul3A_1058 : i32
        %get3A = arith.constant 8 : i32
        %get3A_1060 = arith.index_cast %get3A : i32 to index
        %get3A_1061 = arith.index_cast %mul3A_1059 : i32 to index
        %get3A_1062 = tpu.vector_load %arg8[%get3A_1060, %get3A_1061] {strides = array<i32>} : memref<16x128xf32, #tpu.memory_space<vmem>>, vector<16xf32>,
        %mul3A_1063 = arith.constant 128 : i32
        %mul3A_1064 = arith.muli %reduce_max3A_205, %mul3A_1063 : i32
        %mul3A_1065 = arith.constant 16 : i32
        %mul3A_1066 = arith.muli %scan3A_1055, %mul3A_1065 : i32
        %add3A_1067 = arith.addi %mul3A_1064, %mul3A_1066 : i32
        %add3A_1068 = vector.broadcast %add3A_1067 : i32 to vector<16xi32>
        %add3A_1069 = arith.addi %add3A_1068, %iota3A : vector<16xi32>
        %neg3A = arith.constant 0.000000e+00 : f32
        %neg3A_1070 = vector.broadcast %neg3A : f32 to vector<16xf32>
        %neg3A_1071 = arith.subf %neg3A_1070, %get3A_1062 : vector<16xf32>
        %masked_sort3A = arith.constant dense<true> : vector<16xi1>
        %masked_sort3A_1072, %masked_sort3A_1073, %masked_sort3A_1074 = tpu.sort %neg3A_1071, %add3A_1069 masked %masked_sort3A : (vector<16xf32>, vector<16xi32>, vector<16xi1>) -> (vector<16xi1>, vector<16xf32>, vector<16xi32>)
        %neg3A_1075 = arith.constant 0.000000e+00 : f32
        %neg3A_1076 = vector.broadcast %neg3A_1075 : f32 to vector<16xf32>
        %neg3A_1077 = arith.subf %neg3A_1076, %masked_sort3A_1073 : vector<16xf32>
        %rev3A = arith.constant 15 : i32
        %rev3A_1078 = vector.broadcast %rev3A : i32 to vector<16xi32>
        %rev3A_1079 = tpu.iota {dimensions = array<i32: 0>} : vector<16xi32>
        %rev3A_1080 = arith.subi %rev3A_1078, %rev3A_1079 : vector<16xi32>
        %rev3A_1081 = tpu.dynamic_gather %neg3A_1077[%rev3A_1080] in [0] : vector<16xf32>, vector<16xi32> -> vector<16xf32>
        %rev3A_1082 = arith.constant 15 : i32
        %rev3A_1083 = vector.broadcast %rev3A_1082 : i32 to vector<16xi32>
        %rev3A_1084 = tpu.iota {dimensions = array<i32: 0>} : vector<16xi32>
        %rev3A_1085 = arith.subi %rev3A_1083, %rev3A_1084 : vector<16xi32>
        %rev3A_1086 = tpu.dynamic_gather %masked_sort3A_1074[%rev3A_1085] in [0] : vector<16xi32>, vector<16xi32> -> vector<16xi32>
        %ge3A = arith.cmpf oge, %scan3A_1056, %rev3A_1081 : vector<16xf32>
        %select_n3A_1087 = arith.select %ge3A, %scan3A_1056, %rev3A_1081 : vector<16xi1>, vector<16xf32>
        %select_n3A_1088 = arith.select %ge3A, %scan3A_1057, %rev3A_1086 : vector<16xi1>, vector<16xi32>
        %neg3A_1089 = arith.constant 0.000000e+00 : f32
        %neg3A_1090 = vector.broadcast %neg3A_1089 : f32 to vector<16xf32>
        %neg3A_1091 = arith.subf %neg3A_1090, %select_n3A_1087 : vector<16xf32>
        %masked_sort3A_1092 = arith.constant dense<true> : vector<16xi1>
        %masked_sort3A_1093, %masked_sort3A_1094, %masked_sort3A_1095 = tpu.sort %neg3A_1091, %select_n3A_1088 masked %masked_sort3A_1092 : (vector<16xf32>, vector<16xi32>, vector<16xi1>) -> (vector<16xi1>, vector<16xf32>, vector<16xi32>)
        %neg3A_1096 = arith.constant 0.000000e+00 : f32
        %neg3A_1097 = vector.broadcast %neg3A_1096 : f32 to vector<16xf32>
        %neg3A_1098 = arith.subf %neg3A_1097, %masked_sort3A_1094 : vector<16xf32>
        scf.yield %neg3A_1098, %masked_sort3A_1095 : vector<16xf32>, vector<16xi32>
      }
      %scan3A_211 = arith.constant 8 : i32
      %iota3A_212 = tpu.iota {dimensions = array<i32: 0>} : vector<16xi32>
      %eq3A_213 = arith.constant 9 : i32
      %eq3A_214 = vector.broadcast %eq3A_213 : i32 to vector<16xi32>
      %eq3A_215 = arith.cmpi eq, %iota3A_212, %eq3A_214 : vector<16xi32>
      %jit3A_216 = arith.constant -1073741824 : i32
      %broadcast_in_dim3A_217 = vector.broadcast %jit3A_216 : i32 to vector<16xi32>
      %select_n3A_218 = arith.select %eq3A_215, %scan3A_17#1, %broadcast_in_dim3A_217 : vector<16xi1>, vector<16xi32>
      %reduce_max3A_219 = arith.constant true
      %reduce_max3A_220 = vector.broadcast %reduce_max3A_219 : i1 to vector<16xi1>
      %reduce_max3A_221 = arith.constant -2147483648 : i32
      %reduce_max3A_222 = vector.broadcast %reduce_max3A_221 : i32 to vector<16xi32>
      %reduce_max3A_223 = arith.xori %select_n3A_218, %reduce_max3A_222 : vector<16xi32>
      %reduce_max3A_224 = tpu.scan <max>, %reduce_max3A_223 masked %reduce_max3A_220 : vector<16xi32>, vector<16xi1> -> vector<16xi32>
      %reduce_max3A_225 = arith.xori %reduce_max3A_224, %reduce_max3A_222 : vector<16xi32>
      %reduce_max3A_226 = vector.extract %reduce_max3A_225[15] : i32 from vector<16xi32>
      %scan3A_227 = arith.constant 0 : i32
      %scan3A_228 = arith.constant 8 : i32
      %scan3A_229 = arith.addi %scan3A_227, %scan3A_228 : i32
      %scan3A_230 = arith.constant 1 : i32
      %scan3A_231:2 = scf.for %scan3A_1055 = %scan3A_227 to %scan3A_229 step %scan3A_230 iter_args(%scan3A_1056 = %scan3A_210#0, %scan3A_1057 = %scan3A_210#1) -> (vector<16xf32>, vector<16xi32>)  : i32 {
        %mul3A_1058 = arith.constant 16 : i32
        %mul3A_1059 = arith.muli %scan3A_1055, %mul3A_1058 : i32
        %get3A = arith.constant 9 : i32
        %get3A_1060 = arith.index_cast %get3A : i32 to index
        %get3A_1061 = arith.index_cast %mul3A_1059 : i32 to index
        %get3A_1062 = tpu.vector_load %arg8[%get3A_1060, %get3A_1061] {strides = array<i32>} : memref<16x128xf32, #tpu.memory_space<vmem>>, vector<16xf32>,
        %mul3A_1063 = arith.constant 128 : i32
        %mul3A_1064 = arith.muli %reduce_max3A_226, %mul3A_1063 : i32
        %mul3A_1065 = arith.constant 16 : i32
        %mul3A_1066 = arith.muli %scan3A_1055, %mul3A_1065 : i32
        %add3A_1067 = arith.addi %mul3A_1064, %mul3A_1066 : i32
        %add3A_1068 = vector.broadcast %add3A_1067 : i32 to vector<16xi32>
        %add3A_1069 = arith.addi %add3A_1068, %iota3A : vector<16xi32>
        %neg3A = arith.constant 0.000000e+00 : f32
        %neg3A_1070 = vector.broadcast %neg3A : f32 to vector<16xf32>
        %neg3A_1071 = arith.subf %neg3A_1070, %get3A_1062 : vector<16xf32>
        %masked_sort3A = arith.constant dense<true> : vector<16xi1>
        %masked_sort3A_1072, %masked_sort3A_1073, %masked_sort3A_1074 = tpu.sort %neg3A_1071, %add3A_1069 masked %masked_sort3A : (vector<16xf32>, vector<16xi32>, vector<16xi1>) -> (vector<16xi1>, vector<16xf32>, vector<16xi32>)
        %neg3A_1075 = arith.constant 0.000000e+00 : f32
        %neg3A_1076 = vector.broadcast %neg3A_1075 : f32 to vector<16xf32>
        %neg3A_1077 = arith.subf %neg3A_1076, %masked_sort3A_1073 : vector<16xf32>
        %rev3A = arith.constant 15 : i32
        %rev3A_1078 = vector.broadcast %rev3A : i32 to vector<16xi32>
        %rev3A_1079 = tpu.iota {dimensions = array<i32: 0>} : vector<16xi32>
        %rev3A_1080 = arith.subi %rev3A_1078, %rev3A_1079 : vector<16xi32>
        %rev3A_1081 = tpu.dynamic_gather %neg3A_1077[%rev3A_1080] in [0] : vector<16xf32>, vector<16xi32> -> vector<16xf32>
        %rev3A_1082 = arith.constant 15 : i32
        %rev3A_1083 = vector.broadcast %rev3A_1082 : i32 to vector<16xi32>
        %rev3A_1084 = tpu.iota {dimensions = array<i32: 0>} : vector<16xi32>
        %rev3A_1085 = arith.subi %rev3A_1083, %rev3A_1084 : vector<16xi32>
        %rev3A_1086 = tpu.dynamic_gather %masked_sort3A_1074[%rev3A_1085] in [0] : vector<16xi32>, vector<16xi32> -> vector<16xi32>
        %ge3A = arith.cmpf oge, %scan3A_1056, %rev3A_1081 : vector<16xf32>
        %select_n3A_1087 = arith.select %ge3A, %scan3A_1056, %rev3A_1081 : vector<16xi1>, vector<16xf32>
        %select_n3A_1088 = arith.select %ge3A, %scan3A_1057, %rev3A_1086 : vector<16xi1>, vector<16xi32>
        %neg3A_1089 = arith.constant 0.000000e+00 : f32
        %neg3A_1090 = vector.broadcast %neg3A_1089 : f32 to vector<16xf32>
        %neg3A_1091 = arith.subf %neg3A_1090, %select_n3A_1087 : vector<16xf32>
        %masked_sort3A_1092 = arith.constant dense<true> : vector<16xi1>
        %masked_sort3A_1093, %masked_sort3A_1094, %masked_sort3A_1095 = tpu.sort %neg3A_1091, %select_n3A_1088 masked %masked_sort3A_1092 : (vector<16xf32>, vector<16xi32>, vector<16xi1>) -> (vector<16xi1>, vector<16xf32>, vector<16xi32>)
        %neg3A_1096 = arith.constant 0.000000e+00 : f32
        %neg3A_1097 = vector.broadcast %neg3A_1096 : f32 to vector<16xf32>
        %neg3A_1098 = arith.subf %neg3A_1097, %masked_sort3A_1094 : vector<16xf32>
        scf.yield %neg3A_1098, %masked_sort3A_1095 : vector<16xf32>, vector<16xi32>
      }
      %scan3A_232 = arith.constant 8 : i32
      %iota3A_233 = tpu.iota {dimensions = array<i32: 0>} : vector<16xi32>
      %eq3A_234 = arith.constant 10 : i32
      %eq3A_235 = vector.broadcast %eq3A_234 : i32 to vector<16xi32>
      %eq3A_236 = arith.cmpi eq, %iota3A_233, %eq3A_235 : vector<16xi32>
      %jit3A_237 = arith.constant -1073741824 : i32
      %broadcast_in_dim3A_238 = vector.broadcast %jit3A_237 : i32 to vector<16xi32>
      %select_n3A_239 = arith.select %eq3A_236, %scan3A_17#1, %broadcast_in_dim3A_238 : vector<16xi1>, vector<16xi32>
      %reduce_max3A_240 = arith.constant true
      %reduce_max3A_241 = vector.broadcast %reduce_max3A_240 : i1 to vector<16xi1>
      %reduce_max3A_242 = arith.constant -2147483648 : i32
      %reduce_max3A_243 = vector.broadcast %reduce_max3A_242 : i32 to vector<16xi32>
      %reduce_max3A_244 = arith.xori %select_n3A_239, %reduce_max3A_243 : vector<16xi32>
      %reduce_max3A_245 = tpu.scan <max>, %reduce_max3A_244 masked %reduce_max3A_241 : vector<16xi32>, vector<16xi1> -> vector<16xi32>
      %reduce_max3A_246 = arith.xori %reduce_max3A_245, %reduce_max3A_243 : vector<16xi32>
      %reduce_max3A_247 = vector.extract %reduce_max3A_246[15] : i32 from vector<16xi32>
      %scan3A_248 = arith.constant 0 : i32
      %scan3A_249 = arith.constant 8 : i32
      %scan3A_250 = arith.addi %scan3A_248, %scan3A_249 : i32
      %scan3A_251 = arith.constant 1 : i32
      %scan3A_252:2 = scf.for %scan3A_1055 = %scan3A_248 to %scan3A_250 step %scan3A_251 iter_args(%scan3A_1056 = %scan3A_231#0, %scan3A_1057 = %scan3A_231#1) -> (vector<16xf32>, vector<16xi32>)  : i32 {
        %mul3A_1058 = arith.constant 16 : i32
        %mul3A_1059 = arith.muli %scan3A_1055, %mul3A_1058 : i32
        %get3A = arith.constant 10 : i32
        %get3A_1060 = arith.index_cast %get3A : i32 to index
        %get3A_1061 = arith.index_cast %mul3A_1059 : i32 to index
        %get3A_1062 = tpu.vector_load %arg8[%get3A_1060, %get3A_1061] {strides = array<i32>} : memref<16x128xf32, #tpu.memory_space<vmem>>, vector<16xf32>,
        %mul3A_1063 = arith.constant 128 : i32
        %mul3A_1064 = arith.muli %reduce_max3A_247, %mul3A_1063 : i32
        %mul3A_1065 = arith.constant 16 : i32
        %mul3A_1066 = arith.muli %scan3A_1055, %mul3A_1065 : i32
        %add3A_1067 = arith.addi %mul3A_1064, %mul3A_1066 : i32
        %add3A_1068 = vector.broadcast %add3A_1067 : i32 to vector<16xi32>
        %add3A_1069 = arith.addi %add3A_1068, %iota3A : vector<16xi32>
        %neg3A = arith.constant 0.000000e+00 : f32
        %neg3A_1070 = vector.broadcast %neg3A : f32 to vector<16xf32>
        %neg3A_1071 = arith.subf %neg3A_1070, %get3A_1062 : vector<16xf32>
        %masked_sort3A = arith.constant dense<true> : vector<16xi1>
        %masked_sort3A_1072, %masked_sort3A_1073, %masked_sort3A_1074 = tpu.sort %neg3A_1071, %add3A_1069 masked %masked_sort3A : (vector<16xf32>, vector<16xi32>, vector<16xi1>) -> (vector<16xi1>, vector<16xf32>, vector<16xi32>)
        %neg3A_1075 = arith.constant 0.000000e+00 : f32
        %neg3A_1076 = vector.broadcast %neg3A_1075 : f32 to vector<16xf32>
        %neg3A_1077 = arith.subf %neg3A_1076, %masked_sort3A_1073 : vector<16xf32>
        %rev3A = arith.constant 15 : i32
        %rev3A_1078 = vector.broadcast %rev3A : i32 to vector<16xi32>
        %rev3A_1079 = tpu.iota {dimensions = array<i32: 0>} : vector<16xi32>
        %rev3A_1080 = arith.subi %rev3A_1078, %rev3A_1079 : vector<16xi32>
        %rev3A_1081 = tpu.dynamic_gather %neg3A_1077[%rev3A_1080] in [0] : vector<16xf32>, vector<16xi32> -> vector<16xf32>
        %rev3A_1082 = arith.constant 15 : i32
        %rev3A_1083 = vector.broadcast %rev3A_1082 : i32 to vector<16xi32>
        %rev3A_1084 = tpu.iota {dimensions = array<i32: 0>} : vector<16xi32>
        %rev3A_1085 = arith.subi %rev3A_1083, %rev3A_1084 : vector<16xi32>
        %rev3A_1086 = tpu.dynamic_gather %masked_sort3A_1074[%rev3A_1085] in [0] : vector<16xi32>, vector<16xi32> -> vector<16xi32>
        %ge3A = arith.cmpf oge, %scan3A_1056, %rev3A_1081 : vector<16xf32>
        %select_n3A_1087 = arith.select %ge3A, %scan3A_1056, %rev3A_1081 : vector<16xi1>, vector<16xf32>
        %select_n3A_1088 = arith.select %ge3A, %scan3A_1057, %rev3A_1086 : vector<16xi1>, vector<16xi32>
        %neg3A_1089 = arith.constant 0.000000e+00 : f32
        %neg3A_1090 = vector.broadcast %neg3A_1089 : f32 to vector<16xf32>
        %neg3A_1091 = arith.subf %neg3A_1090, %select_n3A_1087 : vector<16xf32>
        %masked_sort3A_1092 = arith.constant dense<true> : vector<16xi1>
        %masked_sort3A_1093, %masked_sort3A_1094, %masked_sort3A_1095 = tpu.sort %neg3A_1091, %select_n3A_1088 masked %masked_sort3A_1092 : (vector<16xf32>, vector<16xi32>, vector<16xi1>) -> (vector<16xi1>, vector<16xf32>, vector<16xi32>)
        %neg3A_1096 = arith.constant 0.000000e+00 : f32
        %neg3A_1097 = vector.broadcast %neg3A_1096 : f32 to vector<16xf32>
        %neg3A_1098 = arith.subf %neg3A_1097, %masked_sort3A_1094 : vector<16xf32>
        scf.yield %neg3A_1098, %masked_sort3A_1095 : vector<16xf32>, vector<16xi32>
      }
      %scan3A_253 = arith.constant 8 : i32
      %iota3A_254 = tpu.iota {dimensions = array<i32: 0>} : vector<16xi32>
      %eq3A_255 = arith.constant 11 : i32
      %eq3A_256 = vector.broadcast %eq3A_255 : i32 to vector<16xi32>
      %eq3A_257 = arith.cmpi eq, %iota3A_254, %eq3A_256 : vector<16xi32>
      %jit3A_258 = arith.constant -1073741824 : i32
      %broadcast_in_dim3A_259 = vector.broadcast %jit3A_258 : i32 to vector<16xi32>
      %select_n3A_260 = arith.select %eq3A_257, %scan3A_17#1, %broadcast_in_dim3A_259 : vector<16xi1>, vector<16xi32>
      %reduce_max3A_261 = arith.constant true
      %reduce_max3A_262 = vector.broadcast %reduce_max3A_261 : i1 to vector<16xi1>
      %reduce_max3A_263 = arith.constant -2147483648 : i32
      %reduce_max3A_264 = vector.broadcast %reduce_max3A_263 : i32 to vector<16xi32>
      %reduce_max3A_265 = arith.xori %select_n3A_260, %reduce_max3A_264 : vector<16xi32>
      %reduce_max3A_266 = tpu.scan <max>, %reduce_max3A_265 masked %reduce_max3A_262 : vector<16xi32>, vector<16xi1> -> vector<16xi32>
      %reduce_max3A_267 = arith.xori %reduce_max3A_266, %reduce_max3A_264 : vector<16xi32>
      %reduce_max3A_268 = vector.extract %reduce_max3A_267[15] : i32 from vector<16xi32>
      %scan3A_269 = arith.constant 0 : i32
      %scan3A_270 = arith.constant 8 : i32
      %scan3A_271 = arith.addi %scan3A_269, %scan3A_270 : i32
      %scan3A_272 = arith.constant 1 : i32
      %scan3A_273:2 = scf.for %scan3A_1055 = %scan3A_269 to %scan3A_271 step %scan3A_272 iter_args(%scan3A_1056 = %scan3A_252#0, %scan3A_1057 = %scan3A_252#1) -> (vector<16xf32>, vector<16xi32>)  : i32 {
        %mul3A_1058 = arith.constant 16 : i32
        %mul3A_1059 = arith.muli %scan3A_1055, %mul3A_1058 : i32
        %get3A = arith.constant 11 : i32
        %get3A_1060 = arith.index_cast %get3A : i32 to index
        %get3A_1061 = arith.index_cast %mul3A_1059 : i32 to index
        %get3A_1062 = tpu.vector_load %arg8[%get3A_1060, %get3A_1061] {strides = array<i32>} : memref<16x128xf32, #tpu.memory_space<vmem>>, vector<16xf32>,
        %mul3A_1063 = arith.constant 128 : i32
        %mul3A_1064 = arith.muli %reduce_max3A_268, %mul3A_1063 : i32
        %mul3A_1065 = arith.constant 16 : i32
        %mul3A_1066 = arith.muli %scan3A_1055, %mul3A_1065 : i32
        %add3A_1067 = arith.addi %mul3A_1064, %mul3A_1066 : i32
        %add3A_1068 = vector.broadcast %add3A_1067 : i32 to vector<16xi32>
        %add3A_1069 = arith.addi %add3A_1068, %iota3A : vector<16xi32>
        %neg3A = arith.constant 0.000000e+00 : f32
        %neg3A_1070 = vector.broadcast %neg3A : f32 to vector<16xf32>
        %neg3A_1071 = arith.subf %neg3A_1070, %get3A_1062 : vector<16xf32>
        %masked_sort3A = arith.constant dense<true> : vector<16xi1>
        %masked_sort3A_1072, %masked_sort3A_1073, %masked_sort3A_1074 = tpu.sort %neg3A_1071, %add3A_1069 masked %masked_sort3A : (vector<16xf32>, vector<16xi32>, vector<16xi1>) -> (vector<16xi1>, vector<16xf32>, vector<16xi32>)
        %neg3A_1075 = arith.constant 0.000000e+00 : f32
        %neg3A_1076 = vector.broadcast %neg3A_1075 : f32 to vector<16xf32>
        %neg3A_1077 = arith.subf %neg3A_1076, %masked_sort3A_1073 : vector<16xf32>
        %rev3A = arith.constant 15 : i32
        %rev3A_1078 = vector.broadcast %rev3A : i32 to vector<16xi32>
        %rev3A_1079 = tpu.iota {dimensions = array<i32: 0>} : vector<16xi32>
        %rev3A_1080 = arith.subi %rev3A_1078, %rev3A_1079 : vector<16xi32>
        %rev3A_1081 = tpu.dynamic_gather %neg3A_1077[%rev3A_1080] in [0] : vector<16xf32>, vector<16xi32> -> vector<16xf32>
        %rev3A_1082 = arith.constant 15 : i32
        %rev3A_1083 = vector.broadcast %rev3A_1082 : i32 to vector<16xi32>
        %rev3A_1084 = tpu.iota {dimensions = array<i32: 0>} : vector<16xi32>
        %rev3A_1085 = arith.subi %rev3A_1083, %rev3A_1084 : vector<16xi32>
        %rev3A_1086 = tpu.dynamic_gather %masked_sort3A_1074[%rev3A_1085] in [0] : vector<16xi32>, vector<16xi32> -> vector<16xi32>
        %ge3A = arith.cmpf oge, %scan3A_1056, %rev3A_1081 : vector<16xf32>
        %select_n3A_1087 = arith.select %ge3A, %scan3A_1056, %rev3A_1081 : vector<16xi1>, vector<16xf32>
        %select_n3A_1088 = arith.select %ge3A, %scan3A_1057, %rev3A_1086 : vector<16xi1>, vector<16xi32>
        %neg3A_1089 = arith.constant 0.000000e+00 : f32
        %neg3A_1090 = vector.broadcast %neg3A_1089 : f32 to vector<16xf32>
        %neg3A_1091 = arith.subf %neg3A_1090, %select_n3A_1087 : vector<16xf32>
        %masked_sort3A_1092 = arith.constant dense<true> : vector<16xi1>
        %masked_sort3A_1093, %masked_sort3A_1094, %masked_sort3A_1095 = tpu.sort %neg3A_1091, %select_n3A_1088 masked %masked_sort3A_1092 : (vector<16xf32>, vector<16xi32>, vector<16xi1>) -> (vector<16xi1>, vector<16xf32>, vector<16xi32>)
        %neg3A_1096 = arith.constant 0.000000e+00 : f32
        %neg3A_1097 = vector.broadcast %neg3A_1096 : f32 to vector<16xf32>
        %neg3A_1098 = arith.subf %neg3A_1097, %masked_sort3A_1094 : vector<16xf32>
        scf.yield %neg3A_1098, %masked_sort3A_1095 : vector<16xf32>, vector<16xi32>
      }
      %scan3A_274 = arith.constant 8 : i32
      %iota3A_275 = tpu.iota {dimensions = array<i32: 0>} : vector<16xi32>
      %eq3A_276 = arith.constant 12 : i32
      %eq3A_277 = vector.broadcast %eq3A_276 : i32 to vector<16xi32>
      %eq3A_278 = arith.cmpi eq, %iota3A_275, %eq3A_277 : vector<16xi32>
      %jit3A_279 = arith.constant -1073741824 : i32
      %broadcast_in_dim3A_280 = vector.broadcast %jit3A_279 : i32 to vector<16xi32>
      %select_n3A_281 = arith.select %eq3A_278, %scan3A_17#1, %broadcast_in_dim3A_280 : vector<16xi1>, vector<16xi32>
      %reduce_max3A_282 = arith.constant true
      %reduce_max3A_283 = vector.broadcast %reduce_max3A_282 : i1 to vector<16xi1>
      %reduce_max3A_284 = arith.constant -2147483648 : i32
      %reduce_max3A_285 = vector.broadcast %reduce_max3A_284 : i32 to vector<16xi32>
      %reduce_max3A_286 = arith.xori %select_n3A_281, %reduce_max3A_285 : vector<16xi32>
      %reduce_max3A_287 = tpu.scan <max>, %reduce_max3A_286 masked %reduce_max3A_283 : vector<16xi32>, vector<16xi1> -> vector<16xi32>
      %reduce_max3A_288 = arith.xori %reduce_max3A_287, %reduce_max3A_285 : vector<16xi32>
      %reduce_max3A_289 = vector.extract %reduce_max3A_288[15] : i32 from vector<16xi32>
      %scan3A_290 = arith.constant 0 : i32
      %scan3A_291 = arith.constant 8 : i32
      %scan3A_292 = arith.addi %scan3A_290, %scan3A_291 : i32
      %scan3A_293 = arith.constant 1 : i32
      %scan3A_294:2 = scf.for %scan3A_1055 = %scan3A_290 to %scan3A_292 step %scan3A_293 iter_args(%scan3A_1056 = %scan3A_273#0, %scan3A_1057 = %scan3A_273#1) -> (vector<16xf32>, vector<16xi32>)  : i32 {
        %mul3A_1058 = arith.constant 16 : i32
        %mul3A_1059 = arith.muli %scan3A_1055, %mul3A_1058 : i32
        %get3A = arith.constant 12 : i32
        %get3A_1060 = arith.index_cast %get3A : i32 to index
        %get3A_1061 = arith.index_cast %mul3A_1059 : i32 to index
        %get3A_1062 = tpu.vector_load %arg8[%get3A_1060, %get3A_1061] {strides = array<i32>} : memref<16x128xf32, #tpu.memory_space<vmem>>, vector<16xf32>,
        %mul3A_1063 = arith.constant 128 : i32
        %mul3A_1064 = arith.muli %reduce_max3A_289, %mul3A_1063 : i32
        %mul3A_1065 = arith.constant 16 : i32
        %mul3A_1066 = arith.muli %scan3A_1055, %mul3A_1065 : i32
        %add3A_1067 = arith.addi %mul3A_1064, %mul3A_1066 : i32
        %add3A_1068 = vector.broadcast %add3A_1067 : i32 to vector<16xi32>
        %add3A_1069 = arith.addi %add3A_1068, %iota3A : vector<16xi32>
        %neg3A = arith.constant 0.000000e+00 : f32
        %neg3A_1070 = vector.broadcast %neg3A : f32 to vector<16xf32>
        %neg3A_1071 = arith.subf %neg3A_1070, %get3A_1062 : vector<16xf32>
        %masked_sort3A = arith.constant dense<true> : vector<16xi1>
        %masked_sort3A_1072, %masked_sort3A_1073, %masked_sort3A_1074 = tpu.sort %neg3A_1071, %add3A_1069 masked %masked_sort3A : (vector<16xf32>, vector<16xi32>, vector<16xi1>) -> (vector<16xi1>, vector<16xf32>, vector<16xi32>)
        %neg3A_1075 = arith.constant 0.000000e+00 : f32
        %neg3A_1076 = vector.broadcast %neg3A_1075 : f32 to vector<16xf32>
        %neg3A_1077 = arith.subf %neg3A_1076, %masked_sort3A_1073 : vector<16xf32>
        %rev3A = arith.constant 15 : i32
        %rev3A_1078 = vector.broadcast %rev3A : i32 to vector<16xi32>
        %rev3A_1079 = tpu.iota {dimensions = array<i32: 0>} : vector<16xi32>
        %rev3A_1080 = arith.subi %rev3A_1078, %rev3A_1079 : vector<16xi32>
        %rev3A_1081 = tpu.dynamic_gather %neg3A_1077[%rev3A_1080] in [0] : vector<16xf32>, vector<16xi32> -> vector<16xf32>
        %rev3A_1082 = arith.constant 15 : i32
        %rev3A_1083 = vector.broadcast %rev3A_1082 : i32 to vector<16xi32>
        %rev3A_1084 = tpu.iota {dimensions = array<i32: 0>} : vector<16xi32>
        %rev3A_1085 = arith.subi %rev3A_1083, %rev3A_1084 : vector<16xi32>
        %rev3A_1086 = tpu.dynamic_gather %masked_sort3A_1074[%rev3A_1085] in [0] : vector<16xi32>, vector<16xi32> -> vector<16xi32>
        %ge3A = arith.cmpf oge, %scan3A_1056, %rev3A_1081 : vector<16xf32>
        %select_n3A_1087 = arith.select %ge3A, %scan3A_1056, %rev3A_1081 : vector<16xi1>, vector<16xf32>
        %select_n3A_1088 = arith.select %ge3A, %scan3A_1057, %rev3A_1086 : vector<16xi1>, vector<16xi32>
        %neg3A_1089 = arith.constant 0.000000e+00 : f32
        %neg3A_1090 = vector.broadcast %neg3A_1089 : f32 to vector<16xf32>
        %neg3A_1091 = arith.subf %neg3A_1090, %select_n3A_1087 : vector<16xf32>
        %masked_sort3A_1092 = arith.constant dense<true> : vector<16xi1>
        %masked_sort3A_1093, %masked_sort3A_1094, %masked_sort3A_1095 = tpu.sort %neg3A_1091, %select_n3A_1088 masked %masked_sort3A_1092 : (vector<16xf32>, vector<16xi32>, vector<16xi1>) -> (vector<16xi1>, vector<16xf32>, vector<16xi32>)
        %neg3A_1096 = arith.constant 0.000000e+00 : f32
        %neg3A_1097 = vector.broadcast %neg3A_1096 : f32 to vector<16xf32>
        %neg3A_1098 = arith.subf %neg3A_1097, %masked_sort3A_1094 : vector<16xf32>
        scf.yield %neg3A_1098, %masked_sort3A_1095 : vector<16xf32>, vector<16xi32>
      }
      %scan3A_295 = arith.constant 8 : i32
      %iota3A_296 = tpu.iota {dimensions = array<i32: 0>} : vector<16xi32>
      %eq3A_297 = arith.constant 13 : i32
      %eq3A_298 = vector.broadcast %eq3A_297 : i32 to vector<16xi32>
      %eq3A_299 = arith.cmpi eq, %iota3A_296, %eq3A_298 : vector<16xi32>
      %jit3A_300 = arith.constant -1073741824 : i32
      %broadcast_in_dim3A_301 = vector.broadcast %jit3A_300 : i32 to vector<16xi32>
      %select_n3A_302 = arith.select %eq3A_299, %scan3A_17#1, %broadcast_in_dim3A_301 : vector<16xi1>, vector<16xi32>
      %reduce_max3A_303 = arith.constant true
      %reduce_max3A_304 = vector.broadcast %reduce_max3A_303 : i1 to vector<16xi1>
      %reduce_max3A_305 = arith.constant -2147483648 : i32
      %reduce_max3A_306 = vector.broadcast %reduce_max3A_305 : i32 to vector<16xi32>
      %reduce_max3A_307 = arith.xori %select_n3A_302, %reduce_max3A_306 : vector<16xi32>
      %reduce_max3A_308 = tpu.scan <max>, %reduce_max3A_307 masked %reduce_max3A_304 : vector<16xi32>, vector<16xi1> -> vector<16xi32>
      %reduce_max3A_309 = arith.xori %reduce_max3A_308, %reduce_max3A_306 : vector<16xi32>
      %reduce_max3A_310 = vector.extract %reduce_max3A_309[15] : i32 from vector<16xi32>
      %scan3A_311 = arith.constant 0 : i32
      %scan3A_312 = arith.constant 8 : i32
      %scan3A_313 = arith.addi %scan3A_311, %scan3A_312 : i32
      %scan3A_314 = arith.constant 1 : i32
      %scan3A_315:2 = scf.for %scan3A_1055 = %scan3A_311 to %scan3A_313 step %scan3A_314 iter_args(%scan3A_1056 = %scan3A_294#0, %scan3A_1057 = %scan3A_294#1) -> (vector<16xf32>, vector<16xi32>)  : i32 {
        %mul3A_1058 = arith.constant 16 : i32
        %mul3A_1059 = arith.muli %scan3A_1055, %mul3A_1058 : i32
        %get3A = arith.constant 13 : i32
        %get3A_1060 = arith.index_cast %get3A : i32 to index
        %get3A_1061 = arith.index_cast %mul3A_1059 : i32 to index
        %get3A_1062 = tpu.vector_load %arg8[%get3A_1060, %get3A_1061] {strides = array<i32>} : memref<16x128xf32, #tpu.memory_space<vmem>>, vector<16xf32>,
        %mul3A_1063 = arith.constant 128 : i32
        %mul3A_1064 = arith.muli %reduce_max3A_310, %mul3A_1063 : i32
        %mul3A_1065 = arith.constant 16 : i32
        %mul3A_1066 = arith.muli %scan3A_1055, %mul3A_1065 : i32
        %add3A_1067 = arith.addi %mul3A_1064, %mul3A_1066 : i32
        %add3A_1068 = vector.broadcast %add3A_1067 : i32 to vector<16xi32>
        %add3A_1069 = arith.addi %add3A_1068, %iota3A : vector<16xi32>
        %neg3A = arith.constant 0.000000e+00 : f32
        %neg3A_1070 = vector.broadcast %neg3A : f32 to vector<16xf32>
        %neg3A_1071 = arith.subf %neg3A_1070, %get3A_1062 : vector<16xf32>
        %masked_sort3A = arith.constant dense<true> : vector<16xi1>
        %masked_sort3A_1072, %masked_sort3A_1073, %masked_sort3A_1074 = tpu.sort %neg3A_1071, %add3A_1069 masked %masked_sort3A : (vector<16xf32>, vector<16xi32>, vector<16xi1>) -> (vector<16xi1>, vector<16xf32>, vector<16xi32>)
        %neg3A_1075 = arith.constant 0.000000e+00 : f32
        %neg3A_1076 = vector.broadcast %neg3A_1075 : f32 to vector<16xf32>
        %neg3A_1077 = arith.subf %neg3A_1076, %masked_sort3A_1073 : vector<16xf32>
        %rev3A = arith.constant 15 : i32
        %rev3A_1078 = vector.broadcast %rev3A : i32 to vector<16xi32>
        %rev3A_1079 = tpu.iota {dimensions = array<i32: 0>} : vector<16xi32>
        %rev3A_1080 = arith.subi %rev3A_1078, %rev3A_1079 : vector<16xi32>
        %rev3A_1081 = tpu.dynamic_gather %neg3A_1077[%rev3A_1080] in [0] : vector<16xf32>, vector<16xi32> -> vector<16xf32>
        %rev3A_1082 = arith.constant 15 : i32
        %rev3A_1083 = vector.broadcast %rev3A_1082 : i32 to vector<16xi32>
        %rev3A_1084 = tpu.iota {dimensions = array<i32: 0>} : vector<16xi32>
        %rev3A_1085 = arith.subi %rev3A_1083, %rev3A_1084 : vector<16xi32>
        %rev3A_1086 = tpu.dynamic_gather %masked_sort3A_1074[%rev3A_1085] in [0] : vector<16xi32>, vector<16xi32> -> vector<16xi32>
        %ge3A = arith.cmpf oge, %scan3A_1056, %rev3A_1081 : vector<16xf32>
        %select_n3A_1087 = arith.select %ge3A, %scan3A_1056, %rev3A_1081 : vector<16xi1>, vector<16xf32>
        %select_n3A_1088 = arith.select %ge3A, %scan3A_1057, %rev3A_1086 : vector<16xi1>, vector<16xi32>
        %neg3A_1089 = arith.constant 0.000000e+00 : f32
        %neg3A_1090 = vector.broadcast %neg3A_1089 : f32 to vector<16xf32>
        %neg3A_1091 = arith.subf %neg3A_1090, %select_n3A_1087 : vector<16xf32>
        %masked_sort3A_1092 = arith.constant dense<true> : vector<16xi1>
        %masked_sort3A_1093, %masked_sort3A_1094, %masked_sort3A_1095 = tpu.sort %neg3A_1091, %select_n3A_1088 masked %masked_sort3A_1092 : (vector<16xf32>, vector<16xi32>, vector<16xi1>) -> (vector<16xi1>, vector<16xf32>, vector<16xi32>)
        %neg3A_1096 = arith.constant 0.000000e+00 : f32
        %neg3A_1097 = vector.broadcast %neg3A_1096 : f32 to vector<16xf32>
        %neg3A_1098 = arith.subf %neg3A_1097, %masked_sort3A_1094 : vector<16xf32>
        scf.yield %neg3A_1098, %masked_sort3A_1095 : vector<16xf32>, vector<16xi32>
      }
      %scan3A_316 = arith.constant 8 : i32
      %iota3A_317 = tpu.iota {dimensions = array<i32: 0>} : vector<16xi32>
      %eq3A_318 = arith.constant 14 : i32
      %eq3A_319 = vector.broadcast %eq3A_318 : i32 to vector<16xi32>
      %eq3A_320 = arith.cmpi eq, %iota3A_317, %eq3A_319 : vector<16xi32>
      %jit3A_321 = arith.constant -1073741824 : i32
      %broadcast_in_dim3A_322 = vector.broadcast %jit3A_321 : i32 to vector<16xi32>
      %select_n3A_323 = arith.select %eq3A_320, %scan3A_17#1, %broadcast_in_dim3A_322 : vector<16xi1>, vector<16xi32>
      %reduce_max3A_324 = arith.constant true
      %reduce_max3A_325 = vector.broadcast %reduce_max3A_324 : i1 to vector<16xi1>
      %reduce_max3A_326 = arith.constant -2147483648 : i32
      %reduce_max3A_327 = vector.broadcast %reduce_max3A_326 : i32 to vector<16xi32>
      %reduce_max3A_328 = arith.xori %select_n3A_323, %reduce_max3A_327 : vector<16xi32>
      %reduce_max3A_329 = tpu.scan <max>, %reduce_max3A_328 masked %reduce_max3A_325 : vector<16xi32>, vector<16xi1> -> vector<16xi32>
      %reduce_max3A_330 = arith.xori %reduce_max3A_329, %reduce_max3A_327 : vector<16xi32>
      %reduce_max3A_331 = vector.extract %reduce_max3A_330[15] : i32 from vector<16xi32>
      %scan3A_332 = arith.constant 0 : i32
      %scan3A_333 = arith.constant 8 : i32
      %scan3A_334 = arith.addi %scan3A_332, %scan3A_333 : i32
      %scan3A_335 = arith.constant 1 : i32
      %scan3A_336:2 = scf.for %scan3A_1055 = %scan3A_332 to %scan3A_334 step %scan3A_335 iter_args(%scan3A_1056 = %scan3A_315#0, %scan3A_1057 = %scan3A_315#1) -> (vector<16xf32>, vector<16xi32>)  : i32 {
        %mul3A_1058 = arith.constant 16 : i32
        %mul3A_1059 = arith.muli %scan3A_1055, %mul3A_1058 : i32
        %get3A = arith.constant 14 : i32
        %get3A_1060 = arith.index_cast %get3A : i32 to index
        %get3A_1061 = arith.index_cast %mul3A_1059 : i32 to index
        %get3A_1062 = tpu.vector_load %arg8[%get3A_1060, %get3A_1061] {strides = array<i32>} : memref<16x128xf32, #tpu.memory_space<vmem>>, vector<16xf32>,
        %mul3A_1063 = arith.constant 128 : i32
        %mul3A_1064 = arith.muli %reduce_max3A_331, %mul3A_1063 : i32
        %mul3A_1065 = arith.constant 16 : i32
        %mul3A_1066 = arith.muli %scan3A_1055, %mul3A_1065 : i32
        %add3A_1067 = arith.addi %mul3A_1064, %mul3A_1066 : i32
        %add3A_1068 = vector.broadcast %add3A_1067 : i32 to vector<16xi32>
        %add3A_1069 = arith.addi %add3A_1068, %iota3A : vector<16xi32>
        %neg3A = arith.constant 0.000000e+00 : f32
        %neg3A_1070 = vector.broadcast %neg3A : f32 to vector<16xf32>
        %neg3A_1071 = arith.subf %neg3A_1070, %get3A_1062 : vector<16xf32>
        %masked_sort3A = arith.constant dense<true> : vector<16xi1>
        %masked_sort3A_1072, %masked_sort3A_1073, %masked_sort3A_1074 = tpu.sort %neg3A_1071, %add3A_1069 masked %masked_sort3A : (vector<16xf32>, vector<16xi32>, vector<16xi1>) -> (vector<16xi1>, vector<16xf32>, vector<16xi32>)
        %neg3A_1075 = arith.constant 0.000000e+00 : f32
        %neg3A_1076 = vector.broadcast %neg3A_1075 : f32 to vector<16xf32>
        %neg3A_1077 = arith.subf %neg3A_1076, %masked_sort3A_1073 : vector<16xf32>
        %rev3A = arith.constant 15 : i32
        %rev3A_1078 = vector.broadcast %rev3A : i32 to vector<16xi32>
        %rev3A_1079 = tpu.iota {dimensions = array<i32: 0>} : vector<16xi32>
        %rev3A_1080 = arith.subi %rev3A_1078, %rev3A_1079 : vector<16xi32>
        %rev3A_1081 = tpu.dynamic_gather %neg3A_1077[%rev3A_1080] in [0] : vector<16xf32>, vector<16xi32> -> vector<16xf32>
        %rev3A_1082 = arith.constant 15 : i32
        %rev3A_1083 = vector.broadcast %rev3A_1082 : i32 to vector<16xi32>
        %rev3A_1084 = tpu.iota {dimensions = array<i32: 0>} : vector<16xi32>
        %rev3A_1085 = arith.subi %rev3A_1083, %rev3A_1084 : vector<16xi32>
        %rev3A_1086 = tpu.dynamic_gather %masked_sort3A_1074[%rev3A_1085] in [0] : vector<16xi32>, vector<16xi32> -> vector<16xi32>
        %ge3A = arith.cmpf oge, %scan3A_1056, %rev3A_1081 : vector<16xf32>
        %select_n3A_1087 = arith.select %ge3A, %scan3A_1056, %rev3A_1081 : vector<16xi1>, vector<16xf32>
        %select_n3A_1088 = arith.select %ge3A, %scan3A_1057, %rev3A_1086 : vector<16xi1>, vector<16xi32>
        %neg3A_1089 = arith.constant 0.000000e+00 : f32
        %neg3A_1090 = vector.broadcast %neg3A_1089 : f32 to vector<16xf32>
        %neg3A_1091 = arith.subf %neg3A_1090, %select_n3A_1087 : vector<16xf32>
        %masked_sort3A_1092 = arith.constant dense<true> : vector<16xi1>
        %masked_sort3A_1093, %masked_sort3A_1094, %masked_sort3A_1095 = tpu.sort %neg3A_1091, %select_n3A_1088 masked %masked_sort3A_1092 : (vector<16xf32>, vector<16xi32>, vector<16xi1>) -> (vector<16xi1>, vector<16xf32>, vector<16xi32>)
        %neg3A_1096 = arith.constant 0.000000e+00 : f32
        %neg3A_1097 = vector.broadcast %neg3A_1096 : f32 to vector<16xf32>
        %neg3A_1098 = arith.subf %neg3A_1097, %masked_sort3A_1094 : vector<16xf32>
        scf.yield %neg3A_1098, %masked_sort3A_1095 : vector<16xf32>, vector<16xi32>
      }
      %scan3A_337 = arith.constant 8 : i32
      %iota3A_338 = tpu.iota {dimensions = array<i32: 0>} : vector<16xi32>
      %eq3A_339 = arith.constant 15 : i32
      %eq3A_340 = vector.broadcast %eq3A_339 : i32 to vector<16xi32>
      %eq3A_341 = arith.cmpi eq, %iota3A_338, %eq3A_340 : vector<16xi32>
      %jit3A_342 = arith.constant -1073741824 : i32
      %broadcast_in_dim3A_343 = vector.broadcast %jit3A_342 : i32 to vector<16xi32>
      %select_n3A_344 = arith.select %eq3A_341, %scan3A_17#1, %broadcast_in_dim3A_343 : vector<16xi1>, vector<16xi32>
      %reduce_max3A_345 = arith.constant true
      %reduce_max3A_346 = vector.broadcast %reduce_max3A_345 : i1 to vector<16xi1>
      %reduce_max3A_347 = arith.constant -2147483648 : i32
      %reduce_max3A_348 = vector.broadcast %reduce_max3A_347 : i32 to vector<16xi32>
      %reduce_max3A_349 = arith.xori %select_n3A_344, %reduce_max3A_348 : vector<16xi32>
      %reduce_max3A_350 = tpu.scan <max>, %reduce_max3A_349 masked %reduce_max3A_346 : vector<16xi32>, vector<16xi1> -> vector<16xi32>
      %reduce_max3A_351 = arith.xori %reduce_max3A_350, %reduce_max3A_348 : vector<16xi32>
      %reduce_max3A_352 = vector.extract %reduce_max3A_351[15] : i32 from vector<16xi32>
      %scan3A_353 = arith.constant 0 : i32
      %scan3A_354 = arith.constant 8 : i32
      %scan3A_355 = arith.addi %scan3A_353, %scan3A_354 : i32
      %scan3A_356 = arith.constant 1 : i32
      %scan3A_357:2 = scf.for %scan3A_1055 = %scan3A_353 to %scan3A_355 step %scan3A_356 iter_args(%scan3A_1056 = %scan3A_336#0, %scan3A_1057 = %scan3A_336#1) -> (vector<16xf32>, vector<16xi32>)  : i32 {
        %mul3A_1058 = arith.constant 16 : i32
        %mul3A_1059 = arith.muli %scan3A_1055, %mul3A_1058 : i32
        %get3A = arith.constant 15 : i32
        %get3A_1060 = arith.index_cast %get3A : i32 to index
        %get3A_1061 = arith.index_cast %mul3A_1059 : i32 to index
        %get3A_1062 = tpu.vector_load %arg8[%get3A_1060, %get3A_1061] {strides = array<i32>} : memref<16x128xf32, #tpu.memory_space<vmem>>, vector<16xf32>,
        %mul3A_1063 = arith.constant 128 : i32
        %mul3A_1064 = arith.muli %reduce_max3A_352, %mul3A_1063 : i32
        %mul3A_1065 = arith.constant 16 : i32
        %mul3A_1066 = arith.muli %scan3A_1055, %mul3A_1065 : i32
        %add3A_1067 = arith.addi %mul3A_1064, %mul3A_1066 : i32
        %add3A_1068 = vector.broadcast %add3A_1067 : i32 to vector<16xi32>
        %add3A_1069 = arith.addi %add3A_1068, %iota3A : vector<16xi32>
        %neg3A = arith.constant 0.000000e+00 : f32
        %neg3A_1070 = vector.broadcast %neg3A : f32 to vector<16xf32>
        %neg3A_1071 = arith.subf %neg3A_1070, %get3A_1062 : vector<16xf32>
        %masked_sort3A = arith.constant dense<true> : vector<16xi1>
        %masked_sort3A_1072, %masked_sort3A_1073, %masked_sort3A_1074 = tpu.sort %neg3A_1071, %add3A_1069 masked %masked_sort3A : (vector<16xf32>, vector<16xi32>, vector<16xi1>) -> (vector<16xi1>, vector<16xf32>, vector<16xi32>)
        %neg3A_1075 = arith.constant 0.000000e+00 : f32
        %neg3A_1076 = vector.broadcast %neg3A_1075 : f32 to vector<16xf32>
        %neg3A_1077 = arith.subf %neg3A_1076, %masked_sort3A_1073 : vector<16xf32>
        %rev3A = arith.constant 15 : i32
        %rev3A_1078 = vector.broadcast %rev3A : i32 to vector<16xi32>
        %rev3A_1079 = tpu.iota {dimensions = array<i32: 0>} : vector<16xi32>
        %rev3A_1080 = arith.subi %rev3A_1078, %rev3A_1079 : vector<16xi32>
        %rev3A_1081 = tpu.dynamic_gather %neg3A_1077[%rev3A_1080] in [0] : vector<16xf32>, vector<16xi32> -> vector<16xf32>
        %rev3A_1082 = arith.constant 15 : i32
        %rev3A_1083 = vector.broadcast %rev3A_1082 : i32 to vector<16xi32>
        %rev3A_1084 = tpu.iota {dimensions = array<i32: 0>} : vector<16xi32>
        %rev3A_1085 = arith.subi %rev3A_1083, %rev3A_1084 : vector<16xi32>
        %rev3A_1086 = tpu.dynamic_gather %masked_sort3A_1074[%rev3A_1085] in [0] : vector<16xi32>, vector<16xi32> -> vector<16xi32>
        %ge3A = arith.cmpf oge, %scan3A_1056, %rev3A_1081 : vector<16xf32>
        %select_n3A_1087 = arith.select %ge3A, %scan3A_1056, %rev3A_1081 : vector<16xi1>, vector<16xf32>
        %select_n3A_1088 = arith.select %ge3A, %scan3A_1057, %rev3A_1086 : vector<16xi1>, vector<16xi32>
        %neg3A_1089 = arith.constant 0.000000e+00 : f32
        %neg3A_1090 = vector.broadcast %neg3A_1089 : f32 to vector<16xf32>
        %neg3A_1091 = arith.subf %neg3A_1090, %select_n3A_1087 : vector<16xf32>
        %masked_sort3A_1092 = arith.constant dense<true> : vector<16xi1>
        %masked_sort3A_1093, %masked_sort3A_1094, %masked_sort3A_1095 = tpu.sort %neg3A_1091, %select_n3A_1088 masked %masked_sort3A_1092 : (vector<16xf32>, vector<16xi32>, vector<16xi1>) -> (vector<16xi1>, vector<16xf32>, vector<16xi32>)
        %neg3A_1096 = arith.constant 0.000000e+00 : f32
        %neg3A_1097 = vector.broadcast %neg3A_1096 : f32 to vector<16xf32>
        %neg3A_1098 = arith.subf %neg3A_1097, %masked_sort3A_1094 : vector<16xf32>
        scf.yield %neg3A_1098, %masked_sort3A_1095 : vector<16xf32>, vector<16xi32>
      }
      %scan3A_358 = arith.constant 8 : i32
      %lt3A = arith.constant 10 : i32
      %lt3A_359 = vector.broadcast %lt3A : i32 to vector<16xi32>
      %lt3A_360 = arith.cmpi slt, %iota3A, %lt3A_359 : vector<16xi32>
      %reduce_max3A_361 = arith.constant true
      %reduce_max3A_362 = vector.broadcast %reduce_max3A_361 : i1 to vector<16xi1>
      %reduce_max3A_363 = tpu.scan <max>, %scan3A_357#0 masked %reduce_max3A_362 : vector<16xf32>, vector<16xi1> -> vector<16xf32>
      %reduce_max3A_364 = vector.extract %reduce_max3A_363[15] : f32 from vector<16xf32>
      %sub3A = vector.broadcast %reduce_max3A_364 : f32 to vector<16xf32>
      %sub3A_365 = arith.subf %scan3A_357#0, %sub3A : vector<16xf32>
      %div3A = arith.constant 7.000000e-02 : f32
      %div3A_366 = vector.broadcast %div3A : f32 to vector<16xf32>
      %div3A_367 = arith.divf %sub3A_365, %div3A_366 : vector<16xf32>
      %exp3A = math.exp %div3A_367 : vector<16xf32>
      %jit3A_368 = arith.constant 0.000000e+00 : f32
      %broadcast_in_dim3A_369 = vector.broadcast %jit3A_368 : f32 to vector<16xf32>
      %select_n3A_370 = arith.select %lt3A_360, %exp3A, %broadcast_in_dim3A_369 : vector<16xi1>, vector<16xf32>
      %reduce_sum3A = arith.constant true
      %reduce_sum3A_371 = vector.broadcast %reduce_sum3A : i1 to vector<16xi1>
      %reduce_sum3A_372 = tpu.scan <sum>, %select_n3A_370 masked %reduce_sum3A_371 : vector<16xf32>, vector<16xi1> -> vector<16xf32>
      %reduce_sum3A_373 = vector.extract %reduce_sum3A_372[15] : f32 from vector<16xf32>
      %div3A_374 = vector.broadcast %reduce_sum3A_373 : f32 to vector<16xf32>
      %div3A_375 = arith.divf %select_n3A_370, %div3A_374 : vector<16xf32>
      %max3A = arith.constant 0 : i32
      %max3A_376 = vector.broadcast %max3A : i32 to vector<16xi32>
      %max3A_377 = arith.maxsi %scan3A_357#1, %max3A_376 : vector<16xi32>
      %min3A = arith.constant 99999 : i32
      %min3A_378 = vector.broadcast %min3A : i32 to vector<16xi32>
      %min3A_379 = arith.minsi %max3A_377, %min3A_378 : vector<16xi32>
      %gather3A = tpu.vector_load_idx %arg6[%min3A_379] : memref<100352xi32, #tpu.memory_space<vmem>>[vector<16xi32>], vector<16xi32>,
      %broadcast_in_dim3A_380 = arith.constant 0.000000e+00 : f32
      %broadcast_in_dim3A_381 = vector.broadcast %broadcast_in_dim3A_380 : f32 to vector<16xf32>
      %broadcast_in_dim3A_382 = arith.constant 0.000000e+00 : f32
      %broadcast_in_dim3A_383 = vector.broadcast %broadcast_in_dim3A_382 : f32 to vector<16xf32>
      %broadcast_in_dim3A_384 = arith.constant 0.000000e+00 : f32
      %broadcast_in_dim3A_385 = vector.broadcast %broadcast_in_dim3A_384 : f32 to vector<16xf32>
      %broadcast_in_dim3A_386 = arith.constant 0.000000e+00 : f32
      %broadcast_in_dim3A_387 = vector.broadcast %broadcast_in_dim3A_386 : f32 to vector<16xf32>
      %iota3A_388 = tpu.iota {dimensions = array<i32: 0>} : vector<16xi32>
      %eq3A_389 = arith.constant 0 : i32
      %eq3A_390 = vector.broadcast %eq3A_389 : i32 to vector<16xi32>
      %eq3A_391 = arith.cmpi eq, %iota3A_388, %eq3A_390 : vector<16xi32>
      %jit3A_392 = arith.constant -3.000000e+38 : f32
      %broadcast_in_dim3A_393 = vector.broadcast %jit3A_392 : f32 to vector<16xf32>
      %select_n3A_394 = arith.select %eq3A_391, %div3A_375, %broadcast_in_dim3A_393 : vector<16xi1>, vector<16xf32>
      %reduce_max3A_395 = arith.constant true
      %reduce_max3A_396 = vector.broadcast %reduce_max3A_395 : i1 to vector<16xi1>
      %reduce_max3A_397 = tpu.scan <max>, %select_n3A_394 masked %reduce_max3A_396 : vector<16xf32>, vector<16xi1> -> vector<16xf32>
      %reduce_max3A_398 = vector.extract %reduce_max3A_397[15] : f32 from vector<16xf32>
      %iota3A_399 = tpu.iota {dimensions = array<i32: 0>} : vector<16xi32>
      %eq3A_400 = arith.constant 0 : i32
      %eq3A_401 = vector.broadcast %eq3A_400 : i32 to vector<16xi32>
      %eq3A_402 = arith.cmpi eq, %iota3A_399, %eq3A_401 : vector<16xi32>
      %jit3A_403 = arith.constant -1073741824 : i32
      %broadcast_in_dim3A_404 = vector.broadcast %jit3A_403 : i32 to vector<16xi32>
      %select_n3A_405 = arith.select %eq3A_402, %gather3A, %broadcast_in_dim3A_404 : vector<16xi1>, vector<16xi32>
      %reduce_max3A_406 = arith.constant true
      %reduce_max3A_407 = vector.broadcast %reduce_max3A_406 : i1 to vector<16xi1>
      %reduce_max3A_408 = arith.constant -2147483648 : i32
      %reduce_max3A_409 = vector.broadcast %reduce_max3A_408 : i32 to vector<16xi32>
      %reduce_max3A_410 = arith.xori %select_n3A_405, %reduce_max3A_409 : vector<16xi32>
      %reduce_max3A_411 = tpu.scan <max>, %reduce_max3A_410 masked %reduce_max3A_407 : vector<16xi32>, vector<16xi1> -> vector<16xi32>
      %reduce_max3A_412 = arith.xori %reduce_max3A_411, %reduce_max3A_409 : vector<16xi32>
      %reduce_max3A_413 = vector.extract %reduce_max3A_412[15] : i32 from vector<16xi32>
      %add3A_414 = arith.constant 0 : i32
      %add3A_415 = vector.broadcast %add3A_414 : i32 to vector<16xi32>
      %add3A_416 = arith.addi %iota3A, %add3A_415 : vector<16xi32>
      %eq3A_417 = vector.broadcast %reduce_max3A_413 : i32 to vector<16xi32>
      %eq3A_418 = arith.cmpi eq, %add3A_416, %eq3A_417 : vector<16xi32>
      %jit3A_419 = arith.constant 0.000000e+00 : f32
      %broadcast_in_dim3A_420 = vector.broadcast %reduce_max3A_398 : f32 to vector<16xf32>
      %broadcast_in_dim3A_421 = vector.broadcast %jit3A_419 : f32 to vector<16xf32>
      %select_n3A_422 = arith.select %eq3A_418, %broadcast_in_dim3A_420, %broadcast_in_dim3A_421 : vector<16xi1>, vector<16xf32>
      %add3A_423 = arith.addf %broadcast_in_dim3A_381, %select_n3A_422 : vector<16xf32>
      %add3A_424 = arith.constant 16 : i32
      %add3A_425 = vector.broadcast %add3A_424 : i32 to vector<16xi32>
      %add3A_426 = arith.addi %iota3A, %add3A_425 : vector<16xi32>
      %eq3A_427 = vector.broadcast %reduce_max3A_413 : i32 to vector<16xi32>
      %eq3A_428 = arith.cmpi eq, %add3A_426, %eq3A_427 : vector<16xi32>
      %jit3A_429 = arith.constant 0.000000e+00 : f32
      %broadcast_in_dim3A_430 = vector.broadcast %reduce_max3A_398 : f32 to vector<16xf32>
      %broadcast_in_dim3A_431 = vector.broadcast %jit3A_429 : f32 to vector<16xf32>
      %select_n3A_432 = arith.select %eq3A_428, %broadcast_in_dim3A_430, %broadcast_in_dim3A_431 : vector<16xi1>, vector<16xf32>
      %add3A_433 = arith.addf %broadcast_in_dim3A_383, %select_n3A_432 : vector<16xf32>
      %add3A_434 = arith.constant 32 : i32
      %add3A_435 = vector.broadcast %add3A_434 : i32 to vector<16xi32>
      %add3A_436 = arith.addi %iota3A, %add3A_435 : vector<16xi32>
      %eq3A_437 = vector.broadcast %reduce_max3A_413 : i32 to vector<16xi32>
      %eq3A_438 = arith.cmpi eq, %add3A_436, %eq3A_437 : vector<16xi32>
      %jit3A_439 = arith.constant 0.000000e+00 : f32
      %broadcast_in_dim3A_440 = vector.broadcast %reduce_max3A_398 : f32 to vector<16xf32>
      %broadcast_in_dim3A_441 = vector.broadcast %jit3A_439 : f32 to vector<16xf32>
      %select_n3A_442 = arith.select %eq3A_438, %broadcast_in_dim3A_440, %broadcast_in_dim3A_441 : vector<16xi1>, vector<16xf32>
      %add3A_443 = arith.addf %broadcast_in_dim3A_385, %select_n3A_442 : vector<16xf32>
      %add3A_444 = arith.constant 48 : i32
      %add3A_445 = vector.broadcast %add3A_444 : i32 to vector<16xi32>
      %add3A_446 = arith.addi %iota3A, %add3A_445 : vector<16xi32>
      %eq3A_447 = vector.broadcast %reduce_max3A_413 : i32 to vector<16xi32>
      %eq3A_448 = arith.cmpi eq, %add3A_446, %eq3A_447 : vector<16xi32>
      %jit3A_449 = arith.constant 0.000000e+00 : f32
      %broadcast_in_dim3A_450 = vector.broadcast %reduce_max3A_398 : f32 to vector<16xf32>
      %broadcast_in_dim3A_451 = vector.broadcast %jit3A_449 : f32 to vector<16xf32>
      %select_n3A_452 = arith.select %eq3A_448, %broadcast_in_dim3A_450, %broadcast_in_dim3A_451 : vector<16xi1>, vector<16xf32>
      %add3A_453 = arith.addf %broadcast_in_dim3A_387, %select_n3A_452 : vector<16xf32>
      %iota3A_454 = tpu.iota {dimensions = array<i32: 0>} : vector<16xi32>
      %eq3A_455 = arith.constant 1 : i32
      %eq3A_456 = vector.broadcast %eq3A_455 : i32 to vector<16xi32>
      %eq3A_457 = arith.cmpi eq, %iota3A_454, %eq3A_456 : vector<16xi32>
      %jit3A_458 = arith.constant -3.000000e+38 : f32
      %broadcast_in_dim3A_459 = vector.broadcast %jit3A_458 : f32 to vector<16xf32>
      %select_n3A_460 = arith.select %eq3A_457, %div3A_375, %broadcast_in_dim3A_459 : vector<16xi1>, vector<16xf32>
      %reduce_max3A_461 = arith.constant true
      %reduce_max3A_462 = vector.broadcast %reduce_max3A_461 : i1 to vector<16xi1>
      %reduce_max3A_463 = tpu.scan <max>, %select_n3A_460 masked %reduce_max3A_462 : vector<16xf32>, vector<16xi1> -> vector<16xf32>
      %reduce_max3A_464 = vector.extract %reduce_max3A_463[15] : f32 from vector<16xf32>
      %iota3A_465 = tpu.iota {dimensions = array<i32: 0>} : vector<16xi32>
      %eq3A_466 = arith.constant 1 : i32
      %eq3A_467 = vector.broadcast %eq3A_466 : i32 to vector<16xi32>
      %eq3A_468 = arith.cmpi eq, %iota3A_465, %eq3A_467 : vector<16xi32>
      %jit3A_469 = arith.constant -1073741824 : i32
      %broadcast_in_dim3A_470 = vector.broadcast %jit3A_469 : i32 to vector<16xi32>
      %select_n3A_471 = arith.select %eq3A_468, %gather3A, %broadcast_in_dim3A_470 : vector<16xi1>, vector<16xi32>
      %reduce_max3A_472 = arith.constant true
      %reduce_max3A_473 = vector.broadcast %reduce_max3A_472 : i1 to vector<16xi1>
      %reduce_max3A_474 = arith.constant -2147483648 : i32
      %reduce_max3A_475 = vector.broadcast %reduce_max3A_474 : i32 to vector<16xi32>
      %reduce_max3A_476 = arith.xori %select_n3A_471, %reduce_max3A_475 : vector<16xi32>
      %reduce_max3A_477 = tpu.scan <max>, %reduce_max3A_476 masked %reduce_max3A_473 : vector<16xi32>, vector<16xi1> -> vector<16xi32>
      %reduce_max3A_478 = arith.xori %reduce_max3A_477, %reduce_max3A_475 : vector<16xi32>
      %reduce_max3A_479 = vector.extract %reduce_max3A_478[15] : i32 from vector<16xi32>
      %add3A_480 = arith.constant 0 : i32
      %add3A_481 = vector.broadcast %add3A_480 : i32 to vector<16xi32>
      %add3A_482 = arith.addi %iota3A, %add3A_481 : vector<16xi32>
      %eq3A_483 = vector.broadcast %reduce_max3A_479 : i32 to vector<16xi32>
      %eq3A_484 = arith.cmpi eq, %add3A_482, %eq3A_483 : vector<16xi32>
      %jit3A_485 = arith.constant 0.000000e+00 : f32
      %broadcast_in_dim3A_486 = vector.broadcast %reduce_max3A_464 : f32 to vector<16xf32>
      %broadcast_in_dim3A_487 = vector.broadcast %jit3A_485 : f32 to vector<16xf32>
      %select_n3A_488 = arith.select %eq3A_484, %broadcast_in_dim3A_486, %broadcast_in_dim3A_487 : vector<16xi1>, vector<16xf32>
      %add3A_489 = arith.addf %add3A_423, %select_n3A_488 : vector<16xf32>
      %add3A_490 = arith.constant 16 : i32
      %add3A_491 = vector.broadcast %add3A_490 : i32 to vector<16xi32>
      %add3A_492 = arith.addi %iota3A, %add3A_491 : vector<16xi32>
      %eq3A_493 = vector.broadcast %reduce_max3A_479 : i32 to vector<16xi32>
      %eq3A_494 = arith.cmpi eq, %add3A_492, %eq3A_493 : vector<16xi32>
      %jit3A_495 = arith.constant 0.000000e+00 : f32
      %broadcast_in_dim3A_496 = vector.broadcast %reduce_max3A_464 : f32 to vector<16xf32>
      %broadcast_in_dim3A_497 = vector.broadcast %jit3A_495 : f32 to vector<16xf32>
      %select_n3A_498 = arith.select %eq3A_494, %broadcast_in_dim3A_496, %broadcast_in_dim3A_497 : vector<16xi1>, vector<16xf32>
      %add3A_499 = arith.addf %add3A_433, %select_n3A_498 : vector<16xf32>
      %add3A_500 = arith.constant 32 : i32
      %add3A_501 = vector.broadcast %add3A_500 : i32 to vector<16xi32>
      %add3A_502 = arith.addi %iota3A, %add3A_501 : vector<16xi32>
      %eq3A_503 = vector.broadcast %reduce_max3A_479 : i32 to vector<16xi32>
      %eq3A_504 = arith.cmpi eq, %add3A_502, %eq3A_503 : vector<16xi32>
      %jit3A_505 = arith.constant 0.000000e+00 : f32
      %broadcast_in_dim3A_506 = vector.broadcast %reduce_max3A_464 : f32 to vector<16xf32>
      %broadcast_in_dim3A_507 = vector.broadcast %jit3A_505 : f32 to vector<16xf32>
      %select_n3A_508 = arith.select %eq3A_504, %broadcast_in_dim3A_506, %broadcast_in_dim3A_507 : vector<16xi1>, vector<16xf32>
      %add3A_509 = arith.addf %add3A_443, %select_n3A_508 : vector<16xf32>
      %add3A_510 = arith.constant 48 : i32
      %add3A_511 = vector.broadcast %add3A_510 : i32 to vector<16xi32>
      %add3A_512 = arith.addi %iota3A, %add3A_511 : vector<16xi32>
      %eq3A_513 = vector.broadcast %reduce_max3A_479 : i32 to vector<16xi32>
      %eq3A_514 = arith.cmpi eq, %add3A_512, %eq3A_513 : vector<16xi32>
      %jit3A_515 = arith.constant 0.000000e+00 : f32
      %broadcast_in_dim3A_516 = vector.broadcast %reduce_max3A_464 : f32 to vector<16xf32>
      %broadcast_in_dim3A_517 = vector.broadcast %jit3A_515 : f32 to vector<16xf32>
      %select_n3A_518 = arith.select %eq3A_514, %broadcast_in_dim3A_516, %broadcast_in_dim3A_517 : vector<16xi1>, vector<16xf32>
      %add3A_519 = arith.addf %add3A_453, %select_n3A_518 : vector<16xf32>
      %iota3A_520 = tpu.iota {dimensions = array<i32: 0>} : vector<16xi32>
      %eq3A_521 = arith.constant 2 : i32
      %eq3A_522 = vector.broadcast %eq3A_521 : i32 to vector<16xi32>
      %eq3A_523 = arith.cmpi eq, %iota3A_520, %eq3A_522 : vector<16xi32>
      %jit3A_524 = arith.constant -3.000000e+38 : f32
      %broadcast_in_dim3A_525 = vector.broadcast %jit3A_524 : f32 to vector<16xf32>
      %select_n3A_526 = arith.select %eq3A_523, %div3A_375, %broadcast_in_dim3A_525 : vector<16xi1>, vector<16xf32>
      %reduce_max3A_527 = arith.constant true
      %reduce_max3A_528 = vector.broadcast %reduce_max3A_527 : i1 to vector<16xi1>
      %reduce_max3A_529 = tpu.scan <max>, %select_n3A_526 masked %reduce_max3A_528 : vector<16xf32>, vector<16xi1> -> vector<16xf32>
      %reduce_max3A_530 = vector.extract %reduce_max3A_529[15] : f32 from vector<16xf32>
      %iota3A_531 = tpu.iota {dimensions = array<i32: 0>} : vector<16xi32>
      %eq3A_532 = arith.constant 2 : i32
      %eq3A_533 = vector.broadcast %eq3A_532 : i32 to vector<16xi32>
      %eq3A_534 = arith.cmpi eq, %iota3A_531, %eq3A_533 : vector<16xi32>
      %jit3A_535 = arith.constant -1073741824 : i32
      %broadcast_in_dim3A_536 = vector.broadcast %jit3A_535 : i32 to vector<16xi32>
      %select_n3A_537 = arith.select %eq3A_534, %gather3A, %broadcast_in_dim3A_536 : vector<16xi1>, vector<16xi32>
      %reduce_max3A_538 = arith.constant true
      %reduce_max3A_539 = vector.broadcast %reduce_max3A_538 : i1 to vector<16xi1>
      %reduce_max3A_540 = arith.constant -2147483648 : i32
      %reduce_max3A_541 = vector.broadcast %reduce_max3A_540 : i32 to vector<16xi32>
      %reduce_max3A_542 = arith.xori %select_n3A_537, %reduce_max3A_541 : vector<16xi32>
      %reduce_max3A_543 = tpu.scan <max>, %reduce_max3A_542 masked %reduce_max3A_539 : vector<16xi32>, vector<16xi1> -> vector<16xi32>
      %reduce_max3A_544 = arith.xori %reduce_max3A_543, %reduce_max3A_541 : vector<16xi32>
      %reduce_max3A_545 = vector.extract %reduce_max3A_544[15] : i32 from vector<16xi32>
      %add3A_546 = arith.constant 0 : i32
      %add3A_547 = vector.broadcast %add3A_546 : i32 to vector<16xi32>
      %add3A_548 = arith.addi %iota3A, %add3A_547 : vector<16xi32>
      %eq3A_549 = vector.broadcast %reduce_max3A_545 : i32 to vector<16xi32>
      %eq3A_550 = arith.cmpi eq, %add3A_548, %eq3A_549 : vector<16xi32>
      %jit3A_551 = arith.constant 0.000000e+00 : f32
      %broadcast_in_dim3A_552 = vector.broadcast %reduce_max3A_530 : f32 to vector<16xf32>
      %broadcast_in_dim3A_553 = vector.broadcast %jit3A_551 : f32 to vector<16xf32>
      %select_n3A_554 = arith.select %eq3A_550, %broadcast_in_dim3A_552, %broadcast_in_dim3A_553 : vector<16xi1>, vector<16xf32>
      %add3A_555 = arith.addf %add3A_489, %select_n3A_554 : vector<16xf32>
      %add3A_556 = arith.constant 16 : i32
      %add3A_557 = vector.broadcast %add3A_556 : i32 to vector<16xi32>
      %add3A_558 = arith.addi %iota3A, %add3A_557 : vector<16xi32>
      %eq3A_559 = vector.broadcast %reduce_max3A_545 : i32 to vector<16xi32>
      %eq3A_560 = arith.cmpi eq, %add3A_558, %eq3A_559 : vector<16xi32>
      %jit3A_561 = arith.constant 0.000000e+00 : f32
      %broadcast_in_dim3A_562 = vector.broadcast %reduce_max3A_530 : f32 to vector<16xf32>
      %broadcast_in_dim3A_563 = vector.broadcast %jit3A_561 : f32 to vector<16xf32>
      %select_n3A_564 = arith.select %eq3A_560, %broadcast_in_dim3A_562, %broadcast_in_dim3A_563 : vector<16xi1>, vector<16xf32>
      %add3A_565 = arith.addf %add3A_499, %select_n3A_564 : vector<16xf32>
      %add3A_566 = arith.constant 32 : i32
      %add3A_567 = vector.broadcast %add3A_566 : i32 to vector<16xi32>
      %add3A_568 = arith.addi %iota3A, %add3A_567 : vector<16xi32>
      %eq3A_569 = vector.broadcast %reduce_max3A_545 : i32 to vector<16xi32>
      %eq3A_570 = arith.cmpi eq, %add3A_568, %eq3A_569 : vector<16xi32>
      %jit3A_571 = arith.constant 0.000000e+00 : f32
      %broadcast_in_dim3A_572 = vector.broadcast %reduce_max3A_530 : f32 to vector<16xf32>
      %broadcast_in_dim3A_573 = vector.broadcast %jit3A_571 : f32 to vector<16xf32>
      %select_n3A_574 = arith.select %eq3A_570, %broadcast_in_dim3A_572, %broadcast_in_dim3A_573 : vector<16xi1>, vector<16xf32>
      %add3A_575 = arith.addf %add3A_509, %select_n3A_574 : vector<16xf32>
      %add3A_576 = arith.constant 48 : i32
      %add3A_577 = vector.broadcast %add3A_576 : i32 to vector<16xi32>
      %add3A_578 = arith.addi %iota3A, %add3A_577 : vector<16xi32>
      %eq3A_579 = vector.broadcast %reduce_max3A_545 : i32 to vector<16xi32>
      %eq3A_580 = arith.cmpi eq, %add3A_578, %eq3A_579 : vector<16xi32>
      %jit3A_581 = arith.constant 0.000000e+00 : f32
      %broadcast_in_dim3A_582 = vector.broadcast %reduce_max3A_530 : f32 to vector<16xf32>
      %broadcast_in_dim3A_583 = vector.broadcast %jit3A_581 : f32 to vector<16xf32>
      %select_n3A_584 = arith.select %eq3A_580, %broadcast_in_dim3A_582, %broadcast_in_dim3A_583 : vector<16xi1>, vector<16xf32>
      %add3A_585 = arith.addf %add3A_519, %select_n3A_584 : vector<16xf32>
      %iota3A_586 = tpu.iota {dimensions = array<i32: 0>} : vector<16xi32>
      %eq3A_587 = arith.constant 3 : i32
      %eq3A_588 = vector.broadcast %eq3A_587 : i32 to vector<16xi32>
      %eq3A_589 = arith.cmpi eq, %iota3A_586, %eq3A_588 : vector<16xi32>
      %jit3A_590 = arith.constant -3.000000e+38 : f32
      %broadcast_in_dim3A_591 = vector.broadcast %jit3A_590 : f32 to vector<16xf32>
      %select_n3A_592 = arith.select %eq3A_589, %div3A_375, %broadcast_in_dim3A_591 : vector<16xi1>, vector<16xf32>
      %reduce_max3A_593 = arith.constant true
      %reduce_max3A_594 = vector.broadcast %reduce_max3A_593 : i1 to vector<16xi1>
      %reduce_max3A_595 = tpu.scan <max>, %select_n3A_592 masked %reduce_max3A_594 : vector<16xf32>, vector<16xi1> -> vector<16xf32>
      %reduce_max3A_596 = vector.extract %reduce_max3A_595[15] : f32 from vector<16xf32>
      %iota3A_597 = tpu.iota {dimensions = array<i32: 0>} : vector<16xi32>
      %eq3A_598 = arith.constant 3 : i32
      %eq3A_599 = vector.broadcast %eq3A_598 : i32 to vector<16xi32>
      %eq3A_600 = arith.cmpi eq, %iota3A_597, %eq3A_599 : vector<16xi32>
      %jit3A_601 = arith.constant -1073741824 : i32
      %broadcast_in_dim3A_602 = vector.broadcast %jit3A_601 : i32 to vector<16xi32>
      %select_n3A_603 = arith.select %eq3A_600, %gather3A, %broadcast_in_dim3A_602 : vector<16xi1>, vector<16xi32>
      %reduce_max3A_604 = arith.constant true
      %reduce_max3A_605 = vector.broadcast %reduce_max3A_604 : i1 to vector<16xi1>
      %reduce_max3A_606 = arith.constant -2147483648 : i32
      %reduce_max3A_607 = vector.broadcast %reduce_max3A_606 : i32 to vector<16xi32>
      %reduce_max3A_608 = arith.xori %select_n3A_603, %reduce_max3A_607 : vector<16xi32>
      %reduce_max3A_609 = tpu.scan <max>, %reduce_max3A_608 masked %reduce_max3A_605 : vector<16xi32>, vector<16xi1> -> vector<16xi32>
      %reduce_max3A_610 = arith.xori %reduce_max3A_609, %reduce_max3A_607 : vector<16xi32>
      %reduce_max3A_611 = vector.extract %reduce_max3A_610[15] : i32 from vector<16xi32>
      %add3A_612 = arith.constant 0 : i32
      %add3A_613 = vector.broadcast %add3A_612 : i32 to vector<16xi32>
      %add3A_614 = arith.addi %iota3A, %add3A_613 : vector<16xi32>
      %eq3A_615 = vector.broadcast %reduce_max3A_611 : i32 to vector<16xi32>
      %eq3A_616 = arith.cmpi eq, %add3A_614, %eq3A_615 : vector<16xi32>
      %jit3A_617 = arith.constant 0.000000e+00 : f32
      %broadcast_in_dim3A_618 = vector.broadcast %reduce_max3A_596 : f32 to vector<16xf32>
      %broadcast_in_dim3A_619 = vector.broadcast %jit3A_617 : f32 to vector<16xf32>
      %select_n3A_620 = arith.select %eq3A_616, %broadcast_in_dim3A_618, %broadcast_in_dim3A_619 : vector<16xi1>, vector<16xf32>
      %add3A_621 = arith.addf %add3A_555, %select_n3A_620 : vector<16xf32>
      %add3A_622 = arith.constant 16 : i32
      %add3A_623 = vector.broadcast %add3A_622 : i32 to vector<16xi32>
      %add3A_624 = arith.addi %iota3A, %add3A_623 : vector<16xi32>
      %eq3A_625 = vector.broadcast %reduce_max3A_611 : i32 to vector<16xi32>
      %eq3A_626 = arith.cmpi eq, %add3A_624, %eq3A_625 : vector<16xi32>
      %jit3A_627 = arith.constant 0.000000e+00 : f32
      %broadcast_in_dim3A_628 = vector.broadcast %reduce_max3A_596 : f32 to vector<16xf32>
      %broadcast_in_dim3A_629 = vector.broadcast %jit3A_627 : f32 to vector<16xf32>
      %select_n3A_630 = arith.select %eq3A_626, %broadcast_in_dim3A_628, %broadcast_in_dim3A_629 : vector<16xi1>, vector<16xf32>
      %add3A_631 = arith.addf %add3A_565, %select_n3A_630 : vector<16xf32>
      %add3A_632 = arith.constant 32 : i32
      %add3A_633 = vector.broadcast %add3A_632 : i32 to vector<16xi32>
      %add3A_634 = arith.addi %iota3A, %add3A_633 : vector<16xi32>
      %eq3A_635 = vector.broadcast %reduce_max3A_611 : i32 to vector<16xi32>
      %eq3A_636 = arith.cmpi eq, %add3A_634, %eq3A_635 : vector<16xi32>
      %jit3A_637 = arith.constant 0.000000e+00 : f32
      %broadcast_in_dim3A_638 = vector.broadcast %reduce_max3A_596 : f32 to vector<16xf32>
      %broadcast_in_dim3A_639 = vector.broadcast %jit3A_637 : f32 to vector<16xf32>
      %select_n3A_640 = arith.select %eq3A_636, %broadcast_in_dim3A_638, %broadcast_in_dim3A_639 : vector<16xi1>, vector<16xf32>
      %add3A_641 = arith.addf %add3A_575, %select_n3A_640 : vector<16xf32>
      %add3A_642 = arith.constant 48 : i32
      %add3A_643 = vector.broadcast %add3A_642 : i32 to vector<16xi32>
      %add3A_644 = arith.addi %iota3A, %add3A_643 : vector<16xi32>
      %eq3A_645 = vector.broadcast %reduce_max3A_611 : i32 to vector<16xi32>
      %eq3A_646 = arith.cmpi eq, %add3A_644, %eq3A_645 : vector<16xi32>
      %jit3A_647 = arith.constant 0.000000e+00 : f32
      %broadcast_in_dim3A_648 = vector.broadcast %reduce_max3A_596 : f32 to vector<16xf32>
      %broadcast_in_dim3A_649 = vector.broadcast %jit3A_647 : f32 to vector<16xf32>
      %select_n3A_650 = arith.select %eq3A_646, %broadcast_in_dim3A_648, %broadcast_in_dim3A_649 : vector<16xi1>, vector<16xf32>
      %add3A_651 = arith.addf %add3A_585, %select_n3A_650 : vector<16xf32>
      %iota3A_652 = tpu.iota {dimensions = array<i32: 0>} : vector<16xi32>
      %eq3A_653 = arith.constant 4 : i32
      %eq3A_654 = vector.broadcast %eq3A_653 : i32 to vector<16xi32>
      %eq3A_655 = arith.cmpi eq, %iota3A_652, %eq3A_654 : vector<16xi32>
      %jit3A_656 = arith.constant -3.000000e+38 : f32
      %broadcast_in_dim3A_657 = vector.broadcast %jit3A_656 : f32 to vector<16xf32>
      %select_n3A_658 = arith.select %eq3A_655, %div3A_375, %broadcast_in_dim3A_657 : vector<16xi1>, vector<16xf32>
      %reduce_max3A_659 = arith.constant true
      %reduce_max3A_660 = vector.broadcast %reduce_max3A_659 : i1 to vector<16xi1>
      %reduce_max3A_661 = tpu.scan <max>, %select_n3A_658 masked %reduce_max3A_660 : vector<16xf32>, vector<16xi1> -> vector<16xf32>
      %reduce_max3A_662 = vector.extract %reduce_max3A_661[15] : f32 from vector<16xf32>
      %iota3A_663 = tpu.iota {dimensions = array<i32: 0>} : vector<16xi32>
      %eq3A_664 = arith.constant 4 : i32
      %eq3A_665 = vector.broadcast %eq3A_664 : i32 to vector<16xi32>
      %eq3A_666 = arith.cmpi eq, %iota3A_663, %eq3A_665 : vector<16xi32>
      %jit3A_667 = arith.constant -1073741824 : i32
      %broadcast_in_dim3A_668 = vector.broadcast %jit3A_667 : i32 to vector<16xi32>
      %select_n3A_669 = arith.select %eq3A_666, %gather3A, %broadcast_in_dim3A_668 : vector<16xi1>, vector<16xi32>
      %reduce_max3A_670 = arith.constant true
      %reduce_max3A_671 = vector.broadcast %reduce_max3A_670 : i1 to vector<16xi1>
      %reduce_max3A_672 = arith.constant -2147483648 : i32
      %reduce_max3A_673 = vector.broadcast %reduce_max3A_672 : i32 to vector<16xi32>
      %reduce_max3A_674 = arith.xori %select_n3A_669, %reduce_max3A_673 : vector<16xi32>
      %reduce_max3A_675 = tpu.scan <max>, %reduce_max3A_674 masked %reduce_max3A_671 : vector<16xi32>, vector<16xi1> -> vector<16xi32>
      %reduce_max3A_676 = arith.xori %reduce_max3A_675, %reduce_max3A_673 : vector<16xi32>
      %reduce_max3A_677 = vector.extract %reduce_max3A_676[15] : i32 from vector<16xi32>
      %add3A_678 = arith.constant 0 : i32
      %add3A_679 = vector.broadcast %add3A_678 : i32 to vector<16xi32>
      %add3A_680 = arith.addi %iota3A, %add3A_679 : vector<16xi32>
      %eq3A_681 = vector.broadcast %reduce_max3A_677 : i32 to vector<16xi32>
      %eq3A_682 = arith.cmpi eq, %add3A_680, %eq3A_681 : vector<16xi32>
      %jit3A_683 = arith.constant 0.000000e+00 : f32
      %broadcast_in_dim3A_684 = vector.broadcast %reduce_max3A_662 : f32 to vector<16xf32>
      %broadcast_in_dim3A_685 = vector.broadcast %jit3A_683 : f32 to vector<16xf32>
      %select_n3A_686 = arith.select %eq3A_682, %broadcast_in_dim3A_684, %broadcast_in_dim3A_685 : vector<16xi1>, vector<16xf32>
      %add3A_687 = arith.addf %add3A_621, %select_n3A_686 : vector<16xf32>
      %add3A_688 = arith.constant 16 : i32
      %add3A_689 = vector.broadcast %add3A_688 : i32 to vector<16xi32>
      %add3A_690 = arith.addi %iota3A, %add3A_689 : vector<16xi32>
      %eq3A_691 = vector.broadcast %reduce_max3A_677 : i32 to vector<16xi32>
      %eq3A_692 = arith.cmpi eq, %add3A_690, %eq3A_691 : vector<16xi32>
      %jit3A_693 = arith.constant 0.000000e+00 : f32
      %broadcast_in_dim3A_694 = vector.broadcast %reduce_max3A_662 : f32 to vector<16xf32>
      %broadcast_in_dim3A_695 = vector.broadcast %jit3A_693 : f32 to vector<16xf32>
      %select_n3A_696 = arith.select %eq3A_692, %broadcast_in_dim3A_694, %broadcast_in_dim3A_695 : vector<16xi1>, vector<16xf32>
      %add3A_697 = arith.addf %add3A_631, %select_n3A_696 : vector<16xf32>
      %add3A_698 = arith.constant 32 : i32
      %add3A_699 = vector.broadcast %add3A_698 : i32 to vector<16xi32>
      %add3A_700 = arith.addi %iota3A, %add3A_699 : vector<16xi32>
      %eq3A_701 = vector.broadcast %reduce_max3A_677 : i32 to vector<16xi32>
      %eq3A_702 = arith.cmpi eq, %add3A_700, %eq3A_701 : vector<16xi32>
      %jit3A_703 = arith.constant 0.000000e+00 : f32
      %broadcast_in_dim3A_704 = vector.broadcast %reduce_max3A_662 : f32 to vector<16xf32>
      %broadcast_in_dim3A_705 = vector.broadcast %jit3A_703 : f32 to vector<16xf32>
      %select_n3A_706 = arith.select %eq3A_702, %broadcast_in_dim3A_704, %broadcast_in_dim3A_705 : vector<16xi1>, vector<16xf32>
      %add3A_707 = arith.addf %add3A_641, %select_n3A_706 : vector<16xf32>
      %add3A_708 = arith.constant 48 : i32
      %add3A_709 = vector.broadcast %add3A_708 : i32 to vector<16xi32>
      %add3A_710 = arith.addi %iota3A, %add3A_709 : vector<16xi32>
      %eq3A_711 = vector.broadcast %reduce_max3A_677 : i32 to vector<16xi32>
      %eq3A_712 = arith.cmpi eq, %add3A_710, %eq3A_711 : vector<16xi32>
      %jit3A_713 = arith.constant 0.000000e+00 : f32
      %broadcast_in_dim3A_714 = vector.broadcast %reduce_max3A_662 : f32 to vector<16xf32>
      %broadcast_in_dim3A_715 = vector.broadcast %jit3A_713 : f32 to vector<16xf32>
      %select_n3A_716 = arith.select %eq3A_712, %broadcast_in_dim3A_714, %broadcast_in_dim3A_715 : vector<16xi1>, vector<16xf32>
      %add3A_717 = arith.addf %add3A_651, %select_n3A_716 : vector<16xf32>
      %iota3A_718 = tpu.iota {dimensions = array<i32: 0>} : vector<16xi32>
      %eq3A_719 = arith.constant 5 : i32
      %eq3A_720 = vector.broadcast %eq3A_719 : i32 to vector<16xi32>
      %eq3A_721 = arith.cmpi eq, %iota3A_718, %eq3A_720 : vector<16xi32>
      %jit3A_722 = arith.constant -3.000000e+38 : f32
      %broadcast_in_dim3A_723 = vector.broadcast %jit3A_722 : f32 to vector<16xf32>
      %select_n3A_724 = arith.select %eq3A_721, %div3A_375, %broadcast_in_dim3A_723 : vector<16xi1>, vector<16xf32>
      %reduce_max3A_725 = arith.constant true
      %reduce_max3A_726 = vector.broadcast %reduce_max3A_725 : i1 to vector<16xi1>
      %reduce_max3A_727 = tpu.scan <max>, %select_n3A_724 masked %reduce_max3A_726 : vector<16xf32>, vector<16xi1> -> vector<16xf32>
      %reduce_max3A_728 = vector.extract %reduce_max3A_727[15] : f32 from vector<16xf32>
      %iota3A_729 = tpu.iota {dimensions = array<i32: 0>} : vector<16xi32>
      %eq3A_730 = arith.constant 5 : i32
      %eq3A_731 = vector.broadcast %eq3A_730 : i32 to vector<16xi32>
      %eq3A_732 = arith.cmpi eq, %iota3A_729, %eq3A_731 : vector<16xi32>
      %jit3A_733 = arith.constant -1073741824 : i32
      %broadcast_in_dim3A_734 = vector.broadcast %jit3A_733 : i32 to vector<16xi32>
      %select_n3A_735 = arith.select %eq3A_732, %gather3A, %broadcast_in_dim3A_734 : vector<16xi1>, vector<16xi32>
      %reduce_max3A_736 = arith.constant true
      %reduce_max3A_737 = vector.broadcast %reduce_max3A_736 : i1 to vector<16xi1>
      %reduce_max3A_738 = arith.constant -2147483648 : i32
      %reduce_max3A_739 = vector.broadcast %reduce_max3A_738 : i32 to vector<16xi32>
      %reduce_max3A_740 = arith.xori %select_n3A_735, %reduce_max3A_739 : vector<16xi32>
      %reduce_max3A_741 = tpu.scan <max>, %reduce_max3A_740 masked %reduce_max3A_737 : vector<16xi32>, vector<16xi1> -> vector<16xi32>
      %reduce_max3A_742 = arith.xori %reduce_max3A_741, %reduce_max3A_739 : vector<16xi32>
      %reduce_max3A_743 = vector.extract %reduce_max3A_742[15] : i32 from vector<16xi32>
      %add3A_744 = arith.constant 0 : i32
      %add3A_745 = vector.broadcast %add3A_744 : i32 to vector<16xi32>
      %add3A_746 = arith.addi %iota3A, %add3A_745 : vector<16xi32>
      %eq3A_747 = vector.broadcast %reduce_max3A_743 : i32 to vector<16xi32>
      %eq3A_748 = arith.cmpi eq, %add3A_746, %eq3A_747 : vector<16xi32>
      %jit3A_749 = arith.constant 0.000000e+00 : f32
      %broadcast_in_dim3A_750 = vector.broadcast %reduce_max3A_728 : f32 to vector<16xf32>
      %broadcast_in_dim3A_751 = vector.broadcast %jit3A_749 : f32 to vector<16xf32>
      %select_n3A_752 = arith.select %eq3A_748, %broadcast_in_dim3A_750, %broadcast_in_dim3A_751 : vector<16xi1>, vector<16xf32>
      %add3A_753 = arith.addf %add3A_687, %select_n3A_752 : vector<16xf32>
      %add3A_754 = arith.constant 16 : i32
      %add3A_755 = vector.broadcast %add3A_754 : i32 to vector<16xi32>
      %add3A_756 = arith.addi %iota3A, %add3A_755 : vector<16xi32>
      %eq3A_757 = vector.broadcast %reduce_max3A_743 : i32 to vector<16xi32>
      %eq3A_758 = arith.cmpi eq, %add3A_756, %eq3A_757 : vector<16xi32>
      %jit3A_759 = arith.constant 0.000000e+00 : f32
      %broadcast_in_dim3A_760 = vector.broadcast %reduce_max3A_728 : f32 to vector<16xf32>
      %broadcast_in_dim3A_761 = vector.broadcast %jit3A_759 : f32 to vector<16xf32>
      %select_n3A_762 = arith.select %eq3A_758, %broadcast_in_dim3A_760, %broadcast_in_dim3A_761 : vector<16xi1>, vector<16xf32>
      %add3A_763 = arith.addf %add3A_697, %select_n3A_762 : vector<16xf32>
      %add3A_764 = arith.constant 32 : i32
      %add3A_765 = vector.broadcast %add3A_764 : i32 to vector<16xi32>
      %add3A_766 = arith.addi %iota3A, %add3A_765 : vector<16xi32>
      %eq3A_767 = vector.broadcast %reduce_max3A_743 : i32 to vector<16xi32>
      %eq3A_768 = arith.cmpi eq, %add3A_766, %eq3A_767 : vector<16xi32>
      %jit3A_769 = arith.constant 0.000000e+00 : f32
      %broadcast_in_dim3A_770 = vector.broadcast %reduce_max3A_728 : f32 to vector<16xf32>
      %broadcast_in_dim3A_771 = vector.broadcast %jit3A_769 : f32 to vector<16xf32>
      %select_n3A_772 = arith.select %eq3A_768, %broadcast_in_dim3A_770, %broadcast_in_dim3A_771 : vector<16xi1>, vector<16xf32>
      %add3A_773 = arith.addf %add3A_707, %select_n3A_772 : vector<16xf32>
      %add3A_774 = arith.constant 48 : i32
      %add3A_775 = vector.broadcast %add3A_774 : i32 to vector<16xi32>
      %add3A_776 = arith.addi %iota3A, %add3A_775 : vector<16xi32>
      %eq3A_777 = vector.broadcast %reduce_max3A_743 : i32 to vector<16xi32>
      %eq3A_778 = arith.cmpi eq, %add3A_776, %eq3A_777 : vector<16xi32>
      %jit3A_779 = arith.constant 0.000000e+00 : f32
      %broadcast_in_dim3A_780 = vector.broadcast %reduce_max3A_728 : f32 to vector<16xf32>
      %broadcast_in_dim3A_781 = vector.broadcast %jit3A_779 : f32 to vector<16xf32>
      %select_n3A_782 = arith.select %eq3A_778, %broadcast_in_dim3A_780, %broadcast_in_dim3A_781 : vector<16xi1>, vector<16xf32>
      %add3A_783 = arith.addf %add3A_717, %select_n3A_782 : vector<16xf32>
      %iota3A_784 = tpu.iota {dimensions = array<i32: 0>} : vector<16xi32>
      %eq3A_785 = arith.constant 6 : i32
      %eq3A_786 = vector.broadcast %eq3A_785 : i32 to vector<16xi32>
      %eq3A_787 = arith.cmpi eq, %iota3A_784, %eq3A_786 : vector<16xi32>
      %jit3A_788 = arith.constant -3.000000e+38 : f32
      %broadcast_in_dim3A_789 = vector.broadcast %jit3A_788 : f32 to vector<16xf32>
      %select_n3A_790 = arith.select %eq3A_787, %div3A_375, %broadcast_in_dim3A_789 : vector<16xi1>, vector<16xf32>
      %reduce_max3A_791 = arith.constant true
      %reduce_max3A_792 = vector.broadcast %reduce_max3A_791 : i1 to vector<16xi1>
      %reduce_max3A_793 = tpu.scan <max>, %select_n3A_790 masked %reduce_max3A_792 : vector<16xf32>, vector<16xi1> -> vector<16xf32>
      %reduce_max3A_794 = vector.extract %reduce_max3A_793[15] : f32 from vector<16xf32>
      %iota3A_795 = tpu.iota {dimensions = array<i32: 0>} : vector<16xi32>
      %eq3A_796 = arith.constant 6 : i32
      %eq3A_797 = vector.broadcast %eq3A_796 : i32 to vector<16xi32>
      %eq3A_798 = arith.cmpi eq, %iota3A_795, %eq3A_797 : vector<16xi32>
      %jit3A_799 = arith.constant -1073741824 : i32
      %broadcast_in_dim3A_800 = vector.broadcast %jit3A_799 : i32 to vector<16xi32>
      %select_n3A_801 = arith.select %eq3A_798, %gather3A, %broadcast_in_dim3A_800 : vector<16xi1>, vector<16xi32>
      %reduce_max3A_802 = arith.constant true
      %reduce_max3A_803 = vector.broadcast %reduce_max3A_802 : i1 to vector<16xi1>
      %reduce_max3A_804 = arith.constant -2147483648 : i32
      %reduce_max3A_805 = vector.broadcast %reduce_max3A_804 : i32 to vector<16xi32>
      %reduce_max3A_806 = arith.xori %select_n3A_801, %reduce_max3A_805 : vector<16xi32>
      %reduce_max3A_807 = tpu.scan <max>, %reduce_max3A_806 masked %reduce_max3A_803 : vector<16xi32>, vector<16xi1> -> vector<16xi32>
      %reduce_max3A_808 = arith.xori %reduce_max3A_807, %reduce_max3A_805 : vector<16xi32>
      %reduce_max3A_809 = vector.extract %reduce_max3A_808[15] : i32 from vector<16xi32>
      %add3A_810 = arith.constant 0 : i32
      %add3A_811 = vector.broadcast %add3A_810 : i32 to vector<16xi32>
      %add3A_812 = arith.addi %iota3A, %add3A_811 : vector<16xi32>
      %eq3A_813 = vector.broadcast %reduce_max3A_809 : i32 to vector<16xi32>
      %eq3A_814 = arith.cmpi eq, %add3A_812, %eq3A_813 : vector<16xi32>
      %jit3A_815 = arith.constant 0.000000e+00 : f32
      %broadcast_in_dim3A_816 = vector.broadcast %reduce_max3A_794 : f32 to vector<16xf32>
      %broadcast_in_dim3A_817 = vector.broadcast %jit3A_815 : f32 to vector<16xf32>
      %select_n3A_818 = arith.select %eq3A_814, %broadcast_in_dim3A_816, %broadcast_in_dim3A_817 : vector<16xi1>, vector<16xf32>
      %add3A_819 = arith.addf %add3A_753, %select_n3A_818 : vector<16xf32>
      %add3A_820 = arith.constant 16 : i32
      %add3A_821 = vector.broadcast %add3A_820 : i32 to vector<16xi32>
      %add3A_822 = arith.addi %iota3A, %add3A_821 : vector<16xi32>
      %eq3A_823 = vector.broadcast %reduce_max3A_809 : i32 to vector<16xi32>
      %eq3A_824 = arith.cmpi eq, %add3A_822, %eq3A_823 : vector<16xi32>
      %jit3A_825 = arith.constant 0.000000e+00 : f32
      %broadcast_in_dim3A_826 = vector.broadcast %reduce_max3A_794 : f32 to vector<16xf32>
      %broadcast_in_dim3A_827 = vector.broadcast %jit3A_825 : f32 to vector<16xf32>
      %select_n3A_828 = arith.select %eq3A_824, %broadcast_in_dim3A_826, %broadcast_in_dim3A_827 : vector<16xi1>, vector<16xf32>
      %add3A_829 = arith.addf %add3A_763, %select_n3A_828 : vector<16xf32>
      %add3A_830 = arith.constant 32 : i32
      %add3A_831 = vector.broadcast %add3A_830 : i32 to vector<16xi32>
      %add3A_832 = arith.addi %iota3A, %add3A_831 : vector<16xi32>
      %eq3A_833 = vector.broadcast %reduce_max3A_809 : i32 to vector<16xi32>
      %eq3A_834 = arith.cmpi eq, %add3A_832, %eq3A_833 : vector<16xi32>
      %jit3A_835 = arith.constant 0.000000e+00 : f32
      %broadcast_in_dim3A_836 = vector.broadcast %reduce_max3A_794 : f32 to vector<16xf32>
      %broadcast_in_dim3A_837 = vector.broadcast %jit3A_835 : f32 to vector<16xf32>
      %select_n3A_838 = arith.select %eq3A_834, %broadcast_in_dim3A_836, %broadcast_in_dim3A_837 : vector<16xi1>, vector<16xf32>
      %add3A_839 = arith.addf %add3A_773, %select_n3A_838 : vector<16xf32>
      %add3A_840 = arith.constant 48 : i32
      %add3A_841 = vector.broadcast %add3A_840 : i32 to vector<16xi32>
      %add3A_842 = arith.addi %iota3A, %add3A_841 : vector<16xi32>
      %eq3A_843 = vector.broadcast %reduce_max3A_809 : i32 to vector<16xi32>
      %eq3A_844 = arith.cmpi eq, %add3A_842, %eq3A_843 : vector<16xi32>
      %jit3A_845 = arith.constant 0.000000e+00 : f32
      %broadcast_in_dim3A_846 = vector.broadcast %reduce_max3A_794 : f32 to vector<16xf32>
      %broadcast_in_dim3A_847 = vector.broadcast %jit3A_845 : f32 to vector<16xf32>
      %select_n3A_848 = arith.select %eq3A_844, %broadcast_in_dim3A_846, %broadcast_in_dim3A_847 : vector<16xi1>, vector<16xf32>
      %add3A_849 = arith.addf %add3A_783, %select_n3A_848 : vector<16xf32>
      %iota3A_850 = tpu.iota {dimensions = array<i32: 0>} : vector<16xi32>
      %eq3A_851 = arith.constant 7 : i32
      %eq3A_852 = vector.broadcast %eq3A_851 : i32 to vector<16xi32>
      %eq3A_853 = arith.cmpi eq, %iota3A_850, %eq3A_852 : vector<16xi32>
      %jit3A_854 = arith.constant -3.000000e+38 : f32
      %broadcast_in_dim3A_855 = vector.broadcast %jit3A_854 : f32 to vector<16xf32>
      %select_n3A_856 = arith.select %eq3A_853, %div3A_375, %broadcast_in_dim3A_855 : vector<16xi1>, vector<16xf32>
      %reduce_max3A_857 = arith.constant true
      %reduce_max3A_858 = vector.broadcast %reduce_max3A_857 : i1 to vector<16xi1>
      %reduce_max3A_859 = tpu.scan <max>, %select_n3A_856 masked %reduce_max3A_858 : vector<16xf32>, vector<16xi1> -> vector<16xf32>
      %reduce_max3A_860 = vector.extract %reduce_max3A_859[15] : f32 from vector<16xf32>
      %iota3A_861 = tpu.iota {dimensions = array<i32: 0>} : vector<16xi32>
      %eq3A_862 = arith.constant 7 : i32
      %eq3A_863 = vector.broadcast %eq3A_862 : i32 to vector<16xi32>
      %eq3A_864 = arith.cmpi eq, %iota3A_861, %eq3A_863 : vector<16xi32>
      %jit3A_865 = arith.constant -1073741824 : i32
      %broadcast_in_dim3A_866 = vector.broadcast %jit3A_865 : i32 to vector<16xi32>
      %select_n3A_867 = arith.select %eq3A_864, %gather3A, %broadcast_in_dim3A_866 : vector<16xi1>, vector<16xi32>
      %reduce_max3A_868 = arith.constant true
      %reduce_max3A_869 = vector.broadcast %reduce_max3A_868 : i1 to vector<16xi1>
      %reduce_max3A_870 = arith.constant -2147483648 : i32
      %reduce_max3A_871 = vector.broadcast %reduce_max3A_870 : i32 to vector<16xi32>
      %reduce_max3A_872 = arith.xori %select_n3A_867, %reduce_max3A_871 : vector<16xi32>
      %reduce_max3A_873 = tpu.scan <max>, %reduce_max3A_872 masked %reduce_max3A_869 : vector<16xi32>, vector<16xi1> -> vector<16xi32>
      %reduce_max3A_874 = arith.xori %reduce_max3A_873, %reduce_max3A_871 : vector<16xi32>
      %reduce_max3A_875 = vector.extract %reduce_max3A_874[15] : i32 from vector<16xi32>
      %add3A_876 = arith.constant 0 : i32
      %add3A_877 = vector.broadcast %add3A_876 : i32 to vector<16xi32>
      %add3A_878 = arith.addi %iota3A, %add3A_877 : vector<16xi32>
      %eq3A_879 = vector.broadcast %reduce_max3A_875 : i32 to vector<16xi32>
      %eq3A_880 = arith.cmpi eq, %add3A_878, %eq3A_879 : vector<16xi32>
      %jit3A_881 = arith.constant 0.000000e+00 : f32
      %broadcast_in_dim3A_882 = vector.broadcast %reduce_max3A_860 : f32 to vector<16xf32>
      %broadcast_in_dim3A_883 = vector.broadcast %jit3A_881 : f32 to vector<16xf32>
      %select_n3A_884 = arith.select %eq3A_880, %broadcast_in_dim3A_882, %broadcast_in_dim3A_883 : vector<16xi1>, vector<16xf32>
      %add3A_885 = arith.addf %add3A_819, %select_n3A_884 : vector<16xf32>
      %add3A_886 = arith.constant 16 : i32
      %add3A_887 = vector.broadcast %add3A_886 : i32 to vector<16xi32>
      %add3A_888 = arith.addi %iota3A, %add3A_887 : vector<16xi32>
      %eq3A_889 = vector.broadcast %reduce_max3A_875 : i32 to vector<16xi32>
      %eq3A_890 = arith.cmpi eq, %add3A_888, %eq3A_889 : vector<16xi32>
      %jit3A_891 = arith.constant 0.000000e+00 : f32
      %broadcast_in_dim3A_892 = vector.broadcast %reduce_max3A_860 : f32 to vector<16xf32>
      %broadcast_in_dim3A_893 = vector.broadcast %jit3A_891 : f32 to vector<16xf32>
      %select_n3A_894 = arith.select %eq3A_890, %broadcast_in_dim3A_892, %broadcast_in_dim3A_893 : vector<16xi1>, vector<16xf32>
      %add3A_895 = arith.addf %add3A_829, %select_n3A_894 : vector<16xf32>
      %add3A_896 = arith.constant 32 : i32
      %add3A_897 = vector.broadcast %add3A_896 : i32 to vector<16xi32>
      %add3A_898 = arith.addi %iota3A, %add3A_897 : vector<16xi32>
      %eq3A_899 = vector.broadcast %reduce_max3A_875 : i32 to vector<16xi32>
      %eq3A_900 = arith.cmpi eq, %add3A_898, %eq3A_899 : vector<16xi32>
      %jit3A_901 = arith.constant 0.000000e+00 : f32
      %broadcast_in_dim3A_902 = vector.broadcast %reduce_max3A_860 : f32 to vector<16xf32>
      %broadcast_in_dim3A_903 = vector.broadcast %jit3A_901 : f32 to vector<16xf32>
      %select_n3A_904 = arith.select %eq3A_900, %broadcast_in_dim3A_902, %broadcast_in_dim3A_903 : vector<16xi1>, vector<16xf32>
      %add3A_905 = arith.addf %add3A_839, %select_n3A_904 : vector<16xf32>
      %add3A_906 = arith.constant 48 : i32
      %add3A_907 = vector.broadcast %add3A_906 : i32 to vector<16xi32>
      %add3A_908 = arith.addi %iota3A, %add3A_907 : vector<16xi32>
      %eq3A_909 = vector.broadcast %reduce_max3A_875 : i32 to vector<16xi32>
      %eq3A_910 = arith.cmpi eq, %add3A_908, %eq3A_909 : vector<16xi32>
      %jit3A_911 = arith.constant 0.000000e+00 : f32
      %broadcast_in_dim3A_912 = vector.broadcast %reduce_max3A_860 : f32 to vector<16xf32>
      %broadcast_in_dim3A_913 = vector.broadcast %jit3A_911 : f32 to vector<16xf32>
      %select_n3A_914 = arith.select %eq3A_910, %broadcast_in_dim3A_912, %broadcast_in_dim3A_913 : vector<16xi1>, vector<16xf32>
      %add3A_915 = arith.addf %add3A_849, %select_n3A_914 : vector<16xf32>
      %iota3A_916 = tpu.iota {dimensions = array<i32: 0>} : vector<16xi32>
      %eq3A_917 = arith.constant 8 : i32
      %eq3A_918 = vector.broadcast %eq3A_917 : i32 to vector<16xi32>
      %eq3A_919 = arith.cmpi eq, %iota3A_916, %eq3A_918 : vector<16xi32>
      %jit3A_920 = arith.constant -3.000000e+38 : f32
      %broadcast_in_dim3A_921 = vector.broadcast %jit3A_920 : f32 to vector<16xf32>
      %select_n3A_922 = arith.select %eq3A_919, %div3A_375, %broadcast_in_dim3A_921 : vector<16xi1>, vector<16xf32>
      %reduce_max3A_923 = arith.constant true
      %reduce_max3A_924 = vector.broadcast %reduce_max3A_923 : i1 to vector<16xi1>
      %reduce_max3A_925 = tpu.scan <max>, %select_n3A_922 masked %reduce_max3A_924 : vector<16xf32>, vector<16xi1> -> vector<16xf32>
      %reduce_max3A_926 = vector.extract %reduce_max3A_925[15] : f32 from vector<16xf32>
      %iota3A_927 = tpu.iota {dimensions = array<i32: 0>} : vector<16xi32>
      %eq3A_928 = arith.constant 8 : i32
      %eq3A_929 = vector.broadcast %eq3A_928 : i32 to vector<16xi32>
      %eq3A_930 = arith.cmpi eq, %iota3A_927, %eq3A_929 : vector<16xi32>
      %jit3A_931 = arith.constant -1073741824 : i32
      %broadcast_in_dim3A_932 = vector.broadcast %jit3A_931 : i32 to vector<16xi32>
      %select_n3A_933 = arith.select %eq3A_930, %gather3A, %broadcast_in_dim3A_932 : vector<16xi1>, vector<16xi32>
      %reduce_max3A_934 = arith.constant true
      %reduce_max3A_935 = vector.broadcast %reduce_max3A_934 : i1 to vector<16xi1>
      %reduce_max3A_936 = arith.constant -2147483648 : i32
      %reduce_max3A_937 = vector.broadcast %reduce_max3A_936 : i32 to vector<16xi32>
      %reduce_max3A_938 = arith.xori %select_n3A_933, %reduce_max3A_937 : vector<16xi32>
      %reduce_max3A_939 = tpu.scan <max>, %reduce_max3A_938 masked %reduce_max3A_935 : vector<16xi32>, vector<16xi1> -> vector<16xi32>
      %reduce_max3A_940 = arith.xori %reduce_max3A_939, %reduce_max3A_937 : vector<16xi32>
      %reduce_max3A_941 = vector.extract %reduce_max3A_940[15] : i32 from vector<16xi32>
      %add3A_942 = arith.constant 0 : i32
      %add3A_943 = vector.broadcast %add3A_942 : i32 to vector<16xi32>
      %add3A_944 = arith.addi %iota3A, %add3A_943 : vector<16xi32>
      %eq3A_945 = vector.broadcast %reduce_max3A_941 : i32 to vector<16xi32>
      %eq3A_946 = arith.cmpi eq, %add3A_944, %eq3A_945 : vector<16xi32>
      %jit3A_947 = arith.constant 0.000000e+00 : f32
      %broadcast_in_dim3A_948 = vector.broadcast %reduce_max3A_926 : f32 to vector<16xf32>
      %broadcast_in_dim3A_949 = vector.broadcast %jit3A_947 : f32 to vector<16xf32>
      %select_n3A_950 = arith.select %eq3A_946, %broadcast_in_dim3A_948, %broadcast_in_dim3A_949 : vector<16xi1>, vector<16xf32>
      %add3A_951 = arith.addf %add3A_885, %select_n3A_950 : vector<16xf32>
      %add3A_952 = arith.constant 16 : i32
      %add3A_953 = vector.broadcast %add3A_952 : i32 to vector<16xi32>
      %add3A_954 = arith.addi %iota3A, %add3A_953 : vector<16xi32>
      %eq3A_955 = vector.broadcast %reduce_max3A_941 : i32 to vector<16xi32>
      %eq3A_956 = arith.cmpi eq, %add3A_954, %eq3A_955 : vector<16xi32>
      %jit3A_957 = arith.constant 0.000000e+00 : f32
      %broadcast_in_dim3A_958 = vector.broadcast %reduce_max3A_926 : f32 to vector<16xf32>
      %broadcast_in_dim3A_959 = vector.broadcast %jit3A_957 : f32 to vector<16xf32>
      %select_n3A_960 = arith.select %eq3A_956, %broadcast_in_dim3A_958, %broadcast_in_dim3A_959 : vector<16xi1>, vector<16xf32>
      %add3A_961 = arith.addf %add3A_895, %select_n3A_960 : vector<16xf32>
      %add3A_962 = arith.constant 32 : i32
      %add3A_963 = vector.broadcast %add3A_962 : i32 to vector<16xi32>
      %add3A_964 = arith.addi %iota3A, %add3A_963 : vector<16xi32>
      %eq3A_965 = vector.broadcast %reduce_max3A_941 : i32 to vector<16xi32>
      %eq3A_966 = arith.cmpi eq, %add3A_964, %eq3A_965 : vector<16xi32>
      %jit3A_967 = arith.constant 0.000000e+00 : f32
      %broadcast_in_dim3A_968 = vector.broadcast %reduce_max3A_926 : f32 to vector<16xf32>
      %broadcast_in_dim3A_969 = vector.broadcast %jit3A_967 : f32 to vector<16xf32>
      %select_n3A_970 = arith.select %eq3A_966, %broadcast_in_dim3A_968, %broadcast_in_dim3A_969 : vector<16xi1>, vector<16xf32>
      %add3A_971 = arith.addf %add3A_905, %select_n3A_970 : vector<16xf32>
      %add3A_972 = arith.constant 48 : i32
      %add3A_973 = vector.broadcast %add3A_972 : i32 to vector<16xi32>
      %add3A_974 = arith.addi %iota3A, %add3A_973 : vector<16xi32>
      %eq3A_975 = vector.broadcast %reduce_max3A_941 : i32 to vector<16xi32>
      %eq3A_976 = arith.cmpi eq, %add3A_974, %eq3A_975 : vector<16xi32>
      %jit3A_977 = arith.constant 0.000000e+00 : f32
      %broadcast_in_dim3A_978 = vector.broadcast %reduce_max3A_926 : f32 to vector<16xf32>
      %broadcast_in_dim3A_979 = vector.broadcast %jit3A_977 : f32 to vector<16xf32>
      %select_n3A_980 = arith.select %eq3A_976, %broadcast_in_dim3A_978, %broadcast_in_dim3A_979 : vector<16xi1>, vector<16xf32>
      %add3A_981 = arith.addf %add3A_915, %select_n3A_980 : vector<16xf32>
      %iota3A_982 = tpu.iota {dimensions = array<i32: 0>} : vector<16xi32>
      %eq3A_983 = arith.constant 9 : i32
      %eq3A_984 = vector.broadcast %eq3A_983 : i32 to vector<16xi32>
      %eq3A_985 = arith.cmpi eq, %iota3A_982, %eq3A_984 : vector<16xi32>
      %jit3A_986 = arith.constant -3.000000e+38 : f32
      %broadcast_in_dim3A_987 = vector.broadcast %jit3A_986 : f32 to vector<16xf32>
      %select_n3A_988 = arith.select %eq3A_985, %div3A_375, %broadcast_in_dim3A_987 : vector<16xi1>, vector<16xf32>
      %reduce_max3A_989 = arith.constant true
      %reduce_max3A_990 = vector.broadcast %reduce_max3A_989 : i1 to vector<16xi1>
      %reduce_max3A_991 = tpu.scan <max>, %select_n3A_988 masked %reduce_max3A_990 : vector<16xf32>, vector<16xi1> -> vector<16xf32>
      %reduce_max3A_992 = vector.extract %reduce_max3A_991[15] : f32 from vector<16xf32>
      %iota3A_993 = tpu.iota {dimensions = array<i32: 0>} : vector<16xi32>
      %eq3A_994 = arith.constant 9 : i32
      %eq3A_995 = vector.broadcast %eq3A_994 : i32 to vector<16xi32>
      %eq3A_996 = arith.cmpi eq, %iota3A_993, %eq3A_995 : vector<16xi32>
      %jit3A_997 = arith.constant -1073741824 : i32
      %broadcast_in_dim3A_998 = vector.broadcast %jit3A_997 : i32 to vector<16xi32>
      %select_n3A_999 = arith.select %eq3A_996, %gather3A, %broadcast_in_dim3A_998 : vector<16xi1>, vector<16xi32>
      %reduce_max3A_1000 = arith.constant true
      %reduce_max3A_1001 = vector.broadcast %reduce_max3A_1000 : i1 to vector<16xi1>
      %reduce_max3A_1002 = arith.constant -2147483648 : i32
      %reduce_max3A_1003 = vector.broadcast %reduce_max3A_1002 : i32 to vector<16xi32>
      %reduce_max3A_1004 = arith.xori %select_n3A_999, %reduce_max3A_1003 : vector<16xi32>
      %reduce_max3A_1005 = tpu.scan <max>, %reduce_max3A_1004 masked %reduce_max3A_1001 : vector<16xi32>, vector<16xi1> -> vector<16xi32>
      %reduce_max3A_1006 = arith.xori %reduce_max3A_1005, %reduce_max3A_1003 : vector<16xi32>
      %reduce_max3A_1007 = vector.extract %reduce_max3A_1006[15] : i32 from vector<16xi32>
      %add3A_1008 = arith.constant 0 : i32
      %add3A_1009 = vector.broadcast %add3A_1008 : i32 to vector<16xi32>
      %add3A_1010 = arith.addi %iota3A, %add3A_1009 : vector<16xi32>
      %eq3A_1011 = vector.broadcast %reduce_max3A_1007 : i32 to vector<16xi32>
      %eq3A_1012 = arith.cmpi eq, %add3A_1010, %eq3A_1011 : vector<16xi32>
      %jit3A_1013 = arith.constant 0.000000e+00 : f32
      %broadcast_in_dim3A_1014 = vector.broadcast %reduce_max3A_992 : f32 to vector<16xf32>
      %broadcast_in_dim3A_1015 = vector.broadcast %jit3A_1013 : f32 to vector<16xf32>
      %select_n3A_1016 = arith.select %eq3A_1012, %broadcast_in_dim3A_1014, %broadcast_in_dim3A_1015 : vector<16xi1>, vector<16xf32>
      %add3A_1017 = arith.addf %add3A_951, %select_n3A_1016 : vector<16xf32>
      %add3A_1018 = arith.constant 16 : i32
      %add3A_1019 = vector.broadcast %add3A_1018 : i32 to vector<16xi32>
      %add3A_1020 = arith.addi %iota3A, %add3A_1019 : vector<16xi32>
      %eq3A_1021 = vector.broadcast %reduce_max3A_1007 : i32 to vector<16xi32>
      %eq3A_1022 = arith.cmpi eq, %add3A_1020, %eq3A_1021 : vector<16xi32>
      %jit3A_1023 = arith.constant 0.000000e+00 : f32
      %broadcast_in_dim3A_1024 = vector.broadcast %reduce_max3A_992 : f32 to vector<16xf32>
      %broadcast_in_dim3A_1025 = vector.broadcast %jit3A_1023 : f32 to vector<16xf32>
      %select_n3A_1026 = arith.select %eq3A_1022, %broadcast_in_dim3A_1024, %broadcast_in_dim3A_1025 : vector<16xi1>, vector<16xf32>
      %add3A_1027 = arith.addf %add3A_961, %select_n3A_1026 : vector<16xf32>
      %add3A_1028 = arith.constant 32 : i32
      %add3A_1029 = vector.broadcast %add3A_1028 : i32 to vector<16xi32>
      %add3A_1030 = arith.addi %iota3A, %add3A_1029 : vector<16xi32>
      %eq3A_1031 = vector.broadcast %reduce_max3A_1007 : i32 to vector<16xi32>
      %eq3A_1032 = arith.cmpi eq, %add3A_1030, %eq3A_1031 : vector<16xi32>
      %jit3A_1033 = arith.constant 0.000000e+00 : f32
      %broadcast_in_dim3A_1034 = vector.broadcast %reduce_max3A_992 : f32 to vector<16xf32>
      %broadcast_in_dim3A_1035 = vector.broadcast %jit3A_1033 : f32 to vector<16xf32>
      %select_n3A_1036 = arith.select %eq3A_1032, %broadcast_in_dim3A_1034, %broadcast_in_dim3A_1035 : vector<16xi1>, vector<16xf32>
      %add3A_1037 = arith.addf %add3A_971, %select_n3A_1036 : vector<16xf32>
      %add3A_1038 = arith.constant 48 : i32
      %add3A_1039 = vector.broadcast %add3A_1038 : i32 to vector<16xi32>
      %add3A_1040 = arith.addi %iota3A, %add3A_1039 : vector<16xi32>
      %eq3A_1041 = vector.broadcast %reduce_max3A_1007 : i32 to vector<16xi32>
      %eq3A_1042 = arith.cmpi eq, %add3A_1040, %eq3A_1041 : vector<16xi32>
      %jit3A_1043 = arith.constant 0.000000e+00 : f32
      %broadcast_in_dim3A_1044 = vector.broadcast %reduce_max3A_992 : f32 to vector<16xf32>
      %broadcast_in_dim3A_1045 = vector.broadcast %jit3A_1043 : f32 to vector<16xf32>
      %select_n3A_1046 = arith.select %eq3A_1042, %broadcast_in_dim3A_1044, %broadcast_in_dim3A_1045 : vector<16xi1>, vector<16xf32>
      %add3A_1047 = arith.addf %add3A_981, %select_n3A_1046 : vector<16xf32>
      %swap3A = arith.constant 0 : index
      %swap3A_1048 = tpu.vector_load %arg9[%swap3A] {strides = array<i32>} : memref<64xf32, #tpu.memory_space<vmem>>, vector<16xf32>,
      tpu.vector_store %arg9[%swap3A], %add3A_1017 {strides = array<i32>} : memref<64xf32, #tpu.memory_space<vmem>>, vector<16xf32>,
      %swap3A_1049 = arith.constant 16 : index
      %swap3A_1050 = tpu.vector_load %arg9[%swap3A_1049] {strides = array<i32>} : memref<64xf32, #tpu.memory_space<vmem>>, vector<16xf32>,
      tpu.vector_store %arg9[%swap3A_1049], %add3A_1027 {strides = array<i32>} : memref<64xf32, #tpu.memory_space<vmem>>, vector<16xf32>,
      %swap3A_1051 = arith.constant 32 : index
      %swap3A_1052 = tpu.vector_load %arg9[%swap3A_1051] {strides = array<i32>} : memref<64xf32, #tpu.memory_space<vmem>>, vector<16xf32>,
      tpu.vector_store %arg9[%swap3A_1051], %add3A_1037 {strides = array<i32>} : memref<64xf32, #tpu.memory_space<vmem>>, vector<16xf32>,
      %swap3A_1053 = arith.constant 48 : index
      %swap3A_1054 = tpu.vector_load %arg9[%swap3A_1053] {strides = array<i32>} : memref<64xf32, #tpu.memory_space<vmem>>, vector<16xf32>,
      tpu.vector_store %arg9[%swap3A_1053], %add3A_1047 {strides = array<i32>} : memref<64xf32, #tpu.memory_space<vmem>>, vector<16xf32>,
      "tpu.region"() ({
        %run_scoped3A = tpu.sem_alloc : memref<!tpu.dma_semaphore, #tpu.memory_space<semaphore_mem>>
        %dma_start3A_1055 = arith.constant 0 : i32
        %dma_start3A_1056 = tpu.memref_slice %arg5[%add3A_9, %dma_start3A_1055] : memref<512x64xf32, #tpu.memory_space<hbm>> -> memref<1x64xf32, #tpu.memory_space<hbm>>
        %dma_start3A_1057 = tpu.memref_squeeze %dma_start3A_1056 : memref<1x64xf32, #tpu.memory_space<hbm>> -> memref<64xf32, #tpu.memory_space<hbm>>
        %dma_start3A_1058 = arith.constant 0 : i32
        %dma_start3A_1059 = tpu.memref_slice %arg5[%add3A_9, %dma_start3A_1058] : memref<512x64xf32, #tpu.memory_space<hbm>> -> memref<1x64xf32, #tpu.memory_space<hbm>>
        %dma_start3A_1060 = tpu.memref_squeeze %dma_start3A_1059 : memref<1x64xf32, #tpu.memory_space<hbm>> -> memref<64xf32, #tpu.memory_space<hbm>>
        tpu.enqueue_dma source(%arg9 : memref<64xf32, #tpu.memory_space<vmem>>) target(%dma_start3A_1060 : memref<64xf32, #tpu.memory_space<hbm>>) target_semaphore(%run_scoped3A : memref<!tpu.dma_semaphore, #tpu.memory_space<semaphore_mem>>)
        %dma_wait3A_1061 = arith.constant 0 : i32
        %dma_wait3A_1062 = tpu.memref_slice %arg5[%add3A_9, %dma_wait3A_1061] : memref<512x64xf32, #tpu.memory_space<hbm>> -> memref<1x64xf32, #tpu.memory_space<hbm>>
        %dma_wait3A_1063 = tpu.memref_squeeze %dma_wait3A_1062 : memref<1x64xf32, #tpu.memory_space<hbm>> -> memref<64xf32, #tpu.memory_space<hbm>>
        %dma_wait3A_1064 = arith.constant 0 : i32
        %dma_wait3A_1065 = tpu.memref_slice %arg5[%add3A_9, %dma_wait3A_1064] : memref<512x64xf32, #tpu.memory_space<hbm>> -> memref<1x64xf32, #tpu.memory_space<hbm>>
        %dma_wait3A_1066 = tpu.memref_squeeze %dma_wait3A_1065 : memref<1x64xf32, #tpu.memory_space<hbm>> -> memref<64xf32, #tpu.memory_space<hbm>>
        tpu.wait_dma2 semaphore(%run_scoped3A : memref<!tpu.dma_semaphore, #tpu.memory_space<semaphore_mem>>) src(%arg9 : memref<64xf32, #tpu.memory_space<vmem>>) dst(%dma_wait3A_1066 : memref<64xf32, #tpu.memory_space<hbm>>)
        tpu.yield
      }) : () -> ()
    }
    %scan3A_5 = arith.constant 16 : i32
    return
  }
}

#map = affine_map<(d0, d1) -> (0, 0)>
#map1 = affine_map<(d0, d1) -> (0)>
module attributes {stable_mosaic.version = 14 : i64} {
  func.func @_sck_body(%arg0: i32, %arg1: i32, %arg2: memref<401408x128xf32, #tpu.memory_space<hbm>>, %arg3: memref<512x784xf32, #tpu.memory_space<hbm>>, %arg4: memref<100352xi32, #tpu.memory_space<hbm>>, %arg5: memref<512x64xf32, #tpu.memory_space<hbm>>, %arg6: memref<100352xi32, #tpu.memory_space<vmem>>, %arg7: memref<784xf32, #tpu.memory_space<vmem>>, %arg8: memref<16x128xf32, #tpu.memory_space<vmem>>, %arg9: memref<64xf32, #tpu.memory_space<vmem>>, %arg10: memref<!tpu.dma_semaphore, #tpu.memory_space<semaphore_mem>>) attributes {dimension_semantics = [#tpu.dimension_semantics<core_parallel>, #tpu.dimension_semantics<subcore_parallel>], iteration_bounds = array<i64: 2, 16>, scalar_prefetch = 0 : i64, scratch_operands = 5 : i64, tpu.core_type = #tpu.core_type<sc_vector_subcore>, window_params = [{transform_indices = #map}, {transform_indices = #map}, {transform_indices = #map1}, {transform_indices = #map}]} {
    %mul3A = arith.constant 2 : i32
    %mul3A_0 = arith.muli %arg1, %mul3A : i32
    %add3A = arith.addi %mul3A_0, %arg0 : i32
    %iota3A = tpu.iota {dimensions = array<i32: 0>} : vector<16xi32>
    "tpu.region"() ({
      %run_scoped3A = tpu.sem_alloc : memref<!tpu.dma_semaphore, #tpu.memory_space<semaphore_mem>>
      tpu.enqueue_dma source(%arg4 : memref<100352xi32, #tpu.memory_space<hbm>>) target(%arg6 : memref<100352xi32, #tpu.memory_space<vmem>>) target_semaphore(%run_scoped3A : memref<!tpu.dma_semaphore, #tpu.memory_space<semaphore_mem>>)
      tpu.wait_dma2 semaphore(%run_scoped3A : memref<!tpu.dma_semaphore, #tpu.memory_space<semaphore_mem>>) src(%arg4 : memref<100352xi32, #tpu.memory_space<hbm>>) dst(%arg6 : memref<100352xi32, #tpu.memory_space<vmem>>)
      tpu.yield
    }) : () -> ()
    %scan3A = arith.constant 0 : i32
    %scan3A_1 = arith.constant 0 : i32
    %scan3A_2 = arith.constant 16 : i32
    %scan3A_3 = arith.addi %scan3A_1, %scan3A_2 : i32
    %scan3A_4 = arith.constant 1 : i32
    scf.for %scan3A_6 = %scan3A_1 to %scan3A_3 step %scan3A_4  : i32 {
      %mul3A_7 = arith.constant 16 : i32
      %mul3A_8 = arith.muli %add3A, %mul3A_7 : i32
      %add3A_9 = arith.addi %mul3A_8, %scan3A_6 : i32
      "tpu.region"() ({
        %run_scoped3A = tpu.sem_alloc : memref<!tpu.dma_semaphore, #tpu.memory_space<semaphore_mem>>
        %dma_start3A_1055 = arith.constant 0 : i32
        %dma_start3A_1056 = tpu.memref_slice %arg3[%add3A_9, %dma_start3A_1055] : memref<512x784xf32, #tpu.memory_space<hbm>> -> memref<1x784xf32, #tpu.memory_space<hbm>>
        %dma_start3A_1057 = tpu.memref_squeeze %dma_start3A_1056 : memref<1x784xf32, #tpu.memory_space<hbm>> -> memref<784xf32, #tpu.memory_space<hbm>>
        %dma_start3A_1058 = arith.constant 0 : i32
        %dma_start3A_1059 = tpu.memref_slice %arg3[%add3A_9, %dma_start3A_1058] : memref<512x784xf32, #tpu.memory_space<hbm>> -> memref<1x784xf32, #tpu.memory_space<hbm>>
        %dma_start3A_1060 = tpu.memref_squeeze %dma_start3A_1059 : memref<1x784xf32, #tpu.memory_space<hbm>> -> memref<784xf32, #tpu.memory_space<hbm>>
        tpu.enqueue_dma source(%dma_start3A_1060 : memref<784xf32, #tpu.memory_space<hbm>>) target(%arg7 : memref<784xf32, #tpu.memory_space<vmem>>) target_semaphore(%run_scoped3A : memref<!tpu.dma_semaphore, #tpu.memory_space<semaphore_mem>>)
        %dma_wait3A_1061 = arith.constant 0 : i32
        %dma_wait3A_1062 = tpu.memref_slice %arg3[%add3A_9, %dma_wait3A_1061] : memref<512x784xf32, #tpu.memory_space<hbm>> -> memref<1x784xf32, #tpu.memory_space<hbm>>
        %dma_wait3A_1063 = tpu.memref_squeeze %dma_wait3A_1062 : memref<1x784xf32, #tpu.memory_space<hbm>> -> memref<784xf32, #tpu.memory_space<hbm>>
        %dma_wait3A_1064 = arith.constant 0 : i32
        %dma_wait3A_1065 = tpu.memref_slice %arg3[%add3A_9, %dma_wait3A_1064] : memref<512x784xf32, #tpu.memory_space<hbm>> -> memref<1x784xf32, #tpu.memory_space<hbm>>
        %dma_wait3A_1066 = tpu.memref_squeeze %dma_wait3A_1065 : memref<1x784xf32, #tpu.memory_space<hbm>> -> memref<784xf32, #tpu.memory_space<hbm>>
        tpu.wait_dma2 semaphore(%run_scoped3A : memref<!tpu.dma_semaphore, #tpu.memory_space<semaphore_mem>>) src(%dma_wait3A_1066 : memref<784xf32, #tpu.memory_space<hbm>>) dst(%arg7 : memref<784xf32, #tpu.memory_space<vmem>>)
        tpu.yield
      }) : () -> ()
      %broadcast_in_dim3A = arith.constant -3.000000e+38 : f32
      %broadcast_in_dim3A_10 = vector.broadcast %broadcast_in_dim3A : f32 to vector<16xf32>
      %broadcast_in_dim3A_11 = arith.constant 0 : i32
      %broadcast_in_dim3A_12 = vector.broadcast %broadcast_in_dim3A_11 : i32 to vector<16xi32>
      %scan3A_13 = arith.constant 0 : i32
      %scan3A_14 = arith.constant 49 : i32
      %scan3A_15 = arith.addi %scan3A_13, %scan3A_14 : i32
      %scan3A_16 = arith.constant 1 : i32
      %scan3A_17:2 = scf.for %scan3A_1055 = %scan3A_13 to %scan3A_15 step %scan3A_16 iter_args(%scan3A_1056 = %broadcast_in_dim3A_10, %scan3A_1057 = %broadcast_in_dim3A_12) -> (vector<16xf32>, vector<16xi32>)  : i32 {
        %mul3A_1058 = arith.constant 16 : i32
        %mul3A_1059 = arith.muli %scan3A_1055, %mul3A_1058 : i32
        %get3A = arith.index_cast %mul3A_1059 : i32 to index
        %get3A_1060 = tpu.vector_load %arg7[%get3A] {strides = array<i32>} : memref<784xf32, #tpu.memory_space<vmem>>, vector<16xf32>,
        %mul3A_1061 = arith.constant 16 : i32
        %mul3A_1062 = arith.muli %scan3A_1055, %mul3A_1061 : i32
        %add3A_1063 = vector.broadcast %mul3A_1062 : i32 to vector<16xi32>
        %add3A_1064 = arith.addi %add3A_1063, %iota3A : vector<16xi32>
        %neg3A = arith.constant 0.000000e+00 : f32
        %neg3A_1065 = vector.broadcast %neg3A : f32 to vector<16xf32>
        %neg3A_1066 = arith.subf %neg3A_1065, %get3A_1060 : vector<16xf32>
        %masked_sort3A = arith.constant dense<true> : vector<16xi1>
        %masked_sort3A_1067, %masked_sort3A_1068, %masked_sort3A_1069 = tpu.sort %neg3A_1066, %add3A_1064 masked %masked_sort3A : (vector<16xf32>, vector<16xi32>, vector<16xi1>) -> (vector<16xi1>, vector<16xf32>, vector<16xi32>)
        %neg3A_1070 = arith.constant 0.000000e+00 : f32
        %neg3A_1071 = vector.broadcast %neg3A_1070 : f32 to vector<16xf32>
        %neg3A_1072 = arith.subf %neg3A_1071, %masked_sort3A_1068 : vector<16xf32>
        %rev3A = arith.constant 15 : i32
        %rev3A_1073 = vector.broadcast %rev3A : i32 to vector<16xi32>
        %rev3A_1074 = tpu.iota {dimensions = array<i32: 0>} : vector<16xi32>
        %rev3A_1075 = arith.subi %rev3A_1073, %rev3A_1074 : vector<16xi32>
        %rev3A_1076 = tpu.dynamic_gather %neg3A_1072[%rev3A_1075] in [0] : vector<16xf32>, vector<16xi32> -> vector<16xf32>
        %rev3A_1077 = arith.constant 15 : i32
        %rev3A_1078 = vector.broadcast %rev3A_1077 : i32 to vector<16xi32>
        %rev3A_1079 = tpu.iota {dimensions = array<i32: 0>} : vector<16xi32>
        %rev3A_1080 = arith.subi %rev3A_1078, %rev3A_1079 : vector<16xi32>
        %rev3A_1081 = tpu.dynamic_gather %masked_sort3A_1069[%rev3A_1080] in [0] : vector<16xi32>, vector<16xi32> -> vector<16xi32>
        %ge3A = arith.cmpf oge, %scan3A_1056, %rev3A_1076 : vector<16xf32>
        %select_n3A_1082 = arith.select %ge3A, %scan3A_1056, %rev3A_1076 : vector<16xi1>, vector<16xf32>
        %select_n3A_1083 = arith.select %ge3A, %scan3A_1057, %rev3A_1081 : vector<16xi1>, vector<16xi32>
        %neg3A_1084 = arith.constant 0.000000e+00 : f32
        %neg3A_1085 = vector.broadcast %neg3A_1084 : f32 to vector<16xf32>
        %neg3A_1086 = arith.subf %neg3A_1085, %select_n3A_1082 : vector<16xf32>
        %masked_sort3A_1087 = arith.constant dense<true> : vector<16xi1>
        %masked_sort3A_1088, %masked_sort3A_1089, %masked_sort3A_1090 = tpu.sort %neg3A_1086, %select_n3A_1083 masked %masked_sort3A_1087 : (vector<16xf32>, vector<16xi32>, vector<16xi1>) -> (vector<16xi1>, vector<16xf32>, vector<16xi32>)
        %neg3A_1091 = arith.constant 0.000000e+00 : f32
        %neg3A_1092 = vector.broadcast %neg3A_1091 : f32 to vector<16xf32>
        %neg3A_1093 = arith.subf %neg3A_1092, %masked_sort3A_1089 : vector<16xf32>
        scf.yield %neg3A_1093, %masked_sort3A_1090 : vector<16xf32>, vector<16xi32>
      }
      %scan3A_18 = arith.constant 49 : i32
      %mul3A_19 = arith.constant 784 : i32
      %mul3A_20 = arith.muli %add3A_9, %mul3A_19 : i32
      %add3A_21 = vector.broadcast %mul3A_20 : i32 to vector<16xi32>
      %add3A_22 = arith.addi %add3A_21, %scan3A_17#1 : vector<16xi32>
      %dma_start3A = arith.constant 0 : i32
      %dma_start3A_23 = arith.constant 0 : i32
      %dma_start3A_24 = tpu.memref_slice %arg2[%dma_start3A, %dma_start3A_23] : memref<401408x128xf32, #tpu.memory_space<hbm>> -> memref<401408x128xf32, #tpu.memory_space<hbm>>
      tpu.enqueue_indirect_dma source(%dma_start3A_24 : memref<401408x128xf32, #tpu.memory_space<hbm>>) target(%arg8 : memref<16x128xf32, #tpu.memory_space<vmem>>) offsets(%add3A_22 : vector<16xi32>) semaphore(%arg10 : memref<!tpu.dma_semaphore, #tpu.memory_space<semaphore_mem>>)
      %dma_wait3A = arith.constant 0 : i32
      %dma_wait3A_25 = arith.constant 0 : i32
      %dma_wait3A_26 = tpu.memref_slice %arg2[%dma_wait3A, %dma_wait3A_25] : memref<401408x128xf32, #tpu.memory_space<hbm>> -> memref<401408x128xf32, #tpu.memory_space<hbm>>
      tpu.wait_indirect_dma semaphore(%arg10 : memref<!tpu.dma_semaphore, #tpu.memory_space<semaphore_mem>>) src(%dma_wait3A_26 : memref<401408x128xf32, #tpu.memory_space<hbm>>) dst(%arg8 : memref<16x128xf32, #tpu.memory_space<vmem>>)
      %iota3A_27 = tpu.iota {dimensions = array<i32: 0>} : vector<16xi32>
      %eq3A = arith.constant 0 : i32
      %eq3A_28 = vector.broadcast %eq3A : i32 to vector<16xi32>
      %eq3A_29 = arith.cmpi eq, %iota3A_27, %eq3A_28 : vector<16xi32>
      %jit3A = arith.constant -1073741824 : i32
      %broadcast_in_dim3A_30 = vector.broadcast %jit3A : i32 to vector<16xi32>
      %select_n3A = arith.select %eq3A_29, %scan3A_17#1, %broadcast_in_dim3A_30 : vector<16xi1>, vector<16xi32>
      %reduce_max3A = arith.constant true
      %reduce_max3A_31 = vector.broadcast %reduce_max3A : i1 to vector<16xi1>
      %reduce_max3A_32 = arith.constant -2147483648 : i32
      %reduce_max3A_33 = vector.broadcast %reduce_max3A_32 : i32 to vector<16xi32>
      %reduce_max3A_34 = arith.xori %select_n3A, %reduce_max3A_33 : vector<16xi32>
      %reduce_max3A_35 = tpu.scan <max>, %reduce_max3A_34 masked %reduce_max3A_31 : vector<16xi32>, vector<16xi1> -> vector<16xi32>
      %reduce_max3A_36 = arith.xori %reduce_max3A_35, %reduce_max3A_33 : vector<16xi32>
      %reduce_max3A_37 = vector.extract %reduce_max3A_36[15] : i32 from vector<16xi32>
      %scan3A_38 = arith.constant 0 : i32
      %scan3A_39 = arith.constant 8 : i32
      %scan3A_40 = arith.addi %scan3A_38, %scan3A_39 : i32
      %scan3A_41 = arith.constant 1 : i32
      %scan3A_42:2 = scf.for %scan3A_1055 = %scan3A_38 to %scan3A_40 step %scan3A_41 iter_args(%scan3A_1056 = %broadcast_in_dim3A_10, %scan3A_1057 = %broadcast_in_dim3A_12) -> (vector<16xf32>, vector<16xi32>)  : i32 {
        %mul3A_1058 = arith.constant 16 : i32
        %mul3A_1059 = arith.muli %scan3A_1055, %mul3A_1058 : i32
        %get3A = arith.constant 0 : i32
        %get3A_1060 = arith.index_cast %get3A : i32 to index
        %get3A_1061 = arith.index_cast %mul3A_1059 : i32 to index
        %get3A_1062 = tpu.vector_load %arg8[%get3A_1060, %get3A_1061] {strides = array<i32>} : memref<16x128xf32, #tpu.memory_space<vmem>>, vector<16xf32>,
        %mul3A_1063 = arith.constant 128 : i32
        %mul3A_1064 = arith.muli %reduce_max3A_37, %mul3A_1063 : i32
        %mul3A_1065 = arith.constant 16 : i32
        %mul3A_1066 = arith.muli %scan3A_1055, %mul3A_1065 : i32
        %add3A_1067 = arith.addi %mul3A_1064, %mul3A_1066 : i32
        %add3A_1068 = vector.broadcast %add3A_1067 : i32 to vector<16xi32>
        %add3A_1069 = arith.addi %add3A_1068, %iota3A : vector<16xi32>
        %neg3A = arith.constant 0.000000e+00 : f32
        %neg3A_1070 = vector.broadcast %neg3A : f32 to vector<16xf32>
        %neg3A_1071 = arith.subf %neg3A_1070, %get3A_1062 : vector<16xf32>
        %masked_sort3A = arith.constant dense<true> : vector<16xi1>
        %masked_sort3A_1072, %masked_sort3A_1073, %masked_sort3A_1074 = tpu.sort %neg3A_1071, %add3A_1069 masked %masked_sort3A : (vector<16xf32>, vector<16xi32>, vector<16xi1>) -> (vector<16xi1>, vector<16xf32>, vector<16xi32>)
        %neg3A_1075 = arith.constant 0.000000e+00 : f32
        %neg3A_1076 = vector.broadcast %neg3A_1075 : f32 to vector<16xf32>
        %neg3A_1077 = arith.subf %neg3A_1076, %masked_sort3A_1073 : vector<16xf32>
        %rev3A = arith.constant 15 : i32
        %rev3A_1078 = vector.broadcast %rev3A : i32 to vector<16xi32>
        %rev3A_1079 = tpu.iota {dimensions = array<i32: 0>} : vector<16xi32>
        %rev3A_1080 = arith.subi %rev3A_1078, %rev3A_1079 : vector<16xi32>
        %rev3A_1081 = tpu.dynamic_gather %neg3A_1077[%rev3A_1080] in [0] : vector<16xf32>, vector<16xi32> -> vector<16xf32>
        %rev3A_1082 = arith.constant 15 : i32
        %rev3A_1083 = vector.broadcast %rev3A_1082 : i32 to vector<16xi32>
        %rev3A_1084 = tpu.iota {dimensions = array<i32: 0>} : vector<16xi32>
        %rev3A_1085 = arith.subi %rev3A_1083, %rev3A_1084 : vector<16xi32>
        %rev3A_1086 = tpu.dynamic_gather %masked_sort3A_1074[%rev3A_1085] in [0] : vector<16xi32>, vector<16xi32> -> vector<16xi32>
        %ge3A = arith.cmpf oge, %scan3A_1056, %rev3A_1081 : vector<16xf32>
        %select_n3A_1087 = arith.select %ge3A, %scan3A_1056, %rev3A_1081 : vector<16xi1>, vector<16xf32>
        %select_n3A_1088 = arith.select %ge3A, %scan3A_1057, %rev3A_1086 : vector<16xi1>, vector<16xi32>
        %neg3A_1089 = arith.constant 0.000000e+00 : f32
        %neg3A_1090 = vector.broadcast %neg3A_1089 : f32 to vector<16xf32>
        %neg3A_1091 = arith.subf %neg3A_1090, %select_n3A_1087 : vector<16xf32>
        %masked_sort3A_1092 = arith.constant dense<true> : vector<16xi1>
        %masked_sort3A_1093, %masked_sort3A_1094, %masked_sort3A_1095 = tpu.sort %neg3A_1091, %select_n3A_1088 masked %masked_sort3A_1092 : (vector<16xf32>, vector<16xi32>, vector<16xi1>) -> (vector<16xi1>, vector<16xf32>, vector<16xi32>)
        %neg3A_1096 = arith.constant 0.000000e+00 : f32
        %neg3A_1097 = vector.broadcast %neg3A_1096 : f32 to vector<16xf32>
        %neg3A_1098 = arith.subf %neg3A_1097, %masked_sort3A_1094 : vector<16xf32>
        scf.yield %neg3A_1098, %masked_sort3A_1095 : vector<16xf32>, vector<16xi32>
      }
      %scan3A_43 = arith.constant 8 : i32
      %iota3A_44 = tpu.iota {dimensions = array<i32: 0>} : vector<16xi32>
      %eq3A_45 = arith.constant 1 : i32
      %eq3A_46 = vector.broadcast %eq3A_45 : i32 to vector<16xi32>
      %eq3A_47 = arith.cmpi eq, %iota3A_44, %eq3A_46 : vector<16xi32>
      %jit3A_48 = arith.constant -1073741824 : i32
      %broadcast_in_dim3A_49 = vector.broadcast %jit3A_48 : i32 to vector<16xi32>
      %select_n3A_50 = arith.select %eq3A_47, %scan3A_17#1, %broadcast_in_dim3A_49 : vector<16xi1>, vector<16xi32>
      %reduce_max3A_51 = arith.constant true
      %reduce_max3A_52 = vector.broadcast %reduce_max3A_51 : i1 to vector<16xi1>
      %reduce_max3A_53 = arith.constant -2147483648 : i32
      %reduce_max3A_54 = vector.broadcast %reduce_max3A_53 : i32 to vector<16xi32>
      %reduce_max3A_55 = arith.xori %select_n3A_50, %reduce_max3A_54 : vector<16xi32>
      %reduce_max3A_56 = tpu.scan <max>, %reduce_max3A_55 masked %reduce_max3A_52 : vector<16xi32>, vector<16xi1> -> vector<16xi32>
      %reduce_max3A_57 = arith.xori %reduce_max3A_56, %reduce_max3A_54 : vector<16xi32>
      %reduce_max3A_58 = vector.extract %reduce_max3A_57[15] : i32 from vector<16xi32>
      %scan3A_59 = arith.constant 0 : i32
      %scan3A_60 = arith.constant 8 : i32
      %scan3A_61 = arith.addi %scan3A_59, %scan3A_60 : i32
      %scan3A_62 = arith.constant 1 : i32
      %scan3A_63:2 = scf.for %scan3A_1055 = %scan3A_59 to %scan3A_61 step %scan3A_62 iter_args(%scan3A_1056 = %scan3A_42#0, %scan3A_1057 = %scan3A_42#1) -> (vector<16xf32>, vector<16xi32>)  : i32 {
        %mul3A_1058 = arith.constant 16 : i32
        %mul3A_1059 = arith.muli %scan3A_1055, %mul3A_1058 : i32
        %get3A = arith.constant 1 : i32
        %get3A_1060 = arith.index_cast %get3A : i32 to index
        %get3A_1061 = arith.index_cast %mul3A_1059 : i32 to index
        %get3A_1062 = tpu.vector_load %arg8[%get3A_1060, %get3A_1061] {strides = array<i32>} : memref<16x128xf32, #tpu.memory_space<vmem>>, vector<16xf32>,
        %mul3A_1063 = arith.constant 128 : i32
        %mul3A_1064 = arith.muli %reduce_max3A_58, %mul3A_1063 : i32
        %mul3A_1065 = arith.constant 16 : i32
        %mul3A_1066 = arith.muli %scan3A_1055, %mul3A_1065 : i32
        %add3A_1067 = arith.addi %mul3A_1064, %mul3A_1066 : i32
        %add3A_1068 = vector.broadcast %add3A_1067 : i32 to vector<16xi32>
        %add3A_1069 = arith.addi %add3A_1068, %iota3A : vector<16xi32>
        %neg3A = arith.constant 0.000000e+00 : f32
        %neg3A_1070 = vector.broadcast %neg3A : f32 to vector<16xf32>
        %neg3A_1071 = arith.subf %neg3A_1070, %get3A_1062 : vector<16xf32>
        %masked_sort3A = arith.constant dense<true> : vector<16xi1>
        %masked_sort3A_1072, %masked_sort3A_1073, %masked_sort3A_1074 = tpu.sort %neg3A_1071, %add3A_1069 masked %masked_sort3A : (vector<16xf32>, vector<16xi32>, vector<16xi1>) -> (vector<16xi1>, vector<16xf32>, vector<16xi32>)
        %neg3A_1075 = arith.constant 0.000000e+00 : f32
        %neg3A_1076 = vector.broadcast %neg3A_1075 : f32 to vector<16xf32>
        %neg3A_1077 = arith.subf %neg3A_1076, %masked_sort3A_1073 : vector<16xf32>
        %rev3A = arith.constant 15 : i32
        %rev3A_1078 = vector.broadcast %rev3A : i32 to vector<16xi32>
        %rev3A_1079 = tpu.iota {dimensions = array<i32: 0>} : vector<16xi32>
        %rev3A_1080 = arith.subi %rev3A_1078, %rev3A_1079 : vector<16xi32>
        %rev3A_1081 = tpu.dynamic_gather %neg3A_1077[%rev3A_1080] in [0] : vector<16xf32>, vector<16xi32> -> vector<16xf32>
        %rev3A_1082 = arith.constant 15 : i32
        %rev3A_1083 = vector.broadcast %rev3A_1082 : i32 to vector<16xi32>
        %rev3A_1084 = tpu.iota {dimensions = array<i32: 0>} : vector<16xi32>
        %rev3A_1085 = arith.subi %rev3A_1083, %rev3A_1084 : vector<16xi32>
        %rev3A_1086 = tpu.dynamic_gather %masked_sort3A_1074[%rev3A_1085] in [0] : vector<16xi32>, vector<16xi32> -> vector<16xi32>
        %ge3A = arith.cmpf oge, %scan3A_1056, %rev3A_1081 : vector<16xf32>
        %select_n3A_1087 = arith.select %ge3A, %scan3A_1056, %rev3A_1081 : vector<16xi1>, vector<16xf32>
        %select_n3A_1088 = arith.select %ge3A, %scan3A_1057, %rev3A_1086 : vector<16xi1>, vector<16xi32>
        %neg3A_1089 = arith.constant 0.000000e+00 : f32
        %neg3A_1090 = vector.broadcast %neg3A_1089 : f32 to vector<16xf32>
        %neg3A_1091 = arith.subf %neg3A_1090, %select_n3A_1087 : vector<16xf32>
        %masked_sort3A_1092 = arith.constant dense<true> : vector<16xi1>
        %masked_sort3A_1093, %masked_sort3A_1094, %masked_sort3A_1095 = tpu.sort %neg3A_1091, %select_n3A_1088 masked %masked_sort3A_1092 : (vector<16xf32>, vector<16xi32>, vector<16xi1>) -> (vector<16xi1>, vector<16xf32>, vector<16xi32>)
        %neg3A_1096 = arith.constant 0.000000e+00 : f32
        %neg3A_1097 = vector.broadcast %neg3A_1096 : f32 to vector<16xf32>
        %neg3A_1098 = arith.subf %neg3A_1097, %masked_sort3A_1094 : vector<16xf32>
        scf.yield %neg3A_1098, %masked_sort3A_1095 : vector<16xf32>, vector<16xi32>
      }
      %scan3A_64 = arith.constant 8 : i32
      %iota3A_65 = tpu.iota {dimensions = array<i32: 0>} : vector<16xi32>
      %eq3A_66 = arith.constant 2 : i32
      %eq3A_67 = vector.broadcast %eq3A_66 : i32 to vector<16xi32>
      %eq3A_68 = arith.cmpi eq, %iota3A_65, %eq3A_67 : vector<16xi32>
      %jit3A_69 = arith.constant -1073741824 : i32
      %broadcast_in_dim3A_70 = vector.broadcast %jit3A_69 : i32 to vector<16xi32>
      %select_n3A_71 = arith.select %eq3A_68, %scan3A_17#1, %broadcast_in_dim3A_70 : vector<16xi1>, vector<16xi32>
      %reduce_max3A_72 = arith.constant true
      %reduce_max3A_73 = vector.broadcast %reduce_max3A_72 : i1 to vector<16xi1>
      %reduce_max3A_74 = arith.constant -2147483648 : i32
      %reduce_max3A_75 = vector.broadcast %reduce_max3A_74 : i32 to vector<16xi32>
      %reduce_max3A_76 = arith.xori %select_n3A_71, %reduce_max3A_75 : vector<16xi32>
      %reduce_max3A_77 = tpu.scan <max>, %reduce_max3A_76 masked %reduce_max3A_73 : vector<16xi32>, vector<16xi1> -> vector<16xi32>
      %reduce_max3A_78 = arith.xori %reduce_max3A_77, %reduce_max3A_75 : vector<16xi32>
      %reduce_max3A_79 = vector.extract %reduce_max3A_78[15] : i32 from vector<16xi32>
      %scan3A_80 = arith.constant 0 : i32
      %scan3A_81 = arith.constant 8 : i32
      %scan3A_82 = arith.addi %scan3A_80, %scan3A_81 : i32
      %scan3A_83 = arith.constant 1 : i32
      %scan3A_84:2 = scf.for %scan3A_1055 = %scan3A_80 to %scan3A_82 step %scan3A_83 iter_args(%scan3A_1056 = %scan3A_63#0, %scan3A_1057 = %scan3A_63#1) -> (vector<16xf32>, vector<16xi32>)  : i32 {
        %mul3A_1058 = arith.constant 16 : i32
        %mul3A_1059 = arith.muli %scan3A_1055, %mul3A_1058 : i32
        %get3A = arith.constant 2 : i32
        %get3A_1060 = arith.index_cast %get3A : i32 to index
        %get3A_1061 = arith.index_cast %mul3A_1059 : i32 to index
        %get3A_1062 = tpu.vector_load %arg8[%get3A_1060, %get3A_1061] {strides = array<i32>} : memref<16x128xf32, #tpu.memory_space<vmem>>, vector<16xf32>,
        %mul3A_1063 = arith.constant 128 : i32
        %mul3A_1064 = arith.muli %reduce_max3A_79, %mul3A_1063 : i32
        %mul3A_1065 = arith.constant 16 : i32
        %mul3A_1066 = arith.muli %scan3A_1055, %mul3A_1065 : i32
        %add3A_1067 = arith.addi %mul3A_1064, %mul3A_1066 : i32
        %add3A_1068 = vector.broadcast %add3A_1067 : i32 to vector<16xi32>
        %add3A_1069 = arith.addi %add3A_1068, %iota3A : vector<16xi32>
        %neg3A = arith.constant 0.000000e+00 : f32
        %neg3A_1070 = vector.broadcast %neg3A : f32 to vector<16xf32>
        %neg3A_1071 = arith.subf %neg3A_1070, %get3A_1062 : vector<16xf32>
        %masked_sort3A = arith.constant dense<true> : vector<16xi1>
        %masked_sort3A_1072, %masked_sort3A_1073, %masked_sort3A_1074 = tpu.sort %neg3A_1071, %add3A_1069 masked %masked_sort3A : (vector<16xf32>, vector<16xi32>, vector<16xi1>) -> (vector<16xi1>, vector<16xf32>, vector<16xi32>)
        %neg3A_1075 = arith.constant 0.000000e+00 : f32
        %neg3A_1076 = vector.broadcast %neg3A_1075 : f32 to vector<16xf32>
        %neg3A_1077 = arith.subf %neg3A_1076, %masked_sort3A_1073 : vector<16xf32>
        %rev3A = arith.constant 15 : i32
        %rev3A_1078 = vector.broadcast %rev3A : i32 to vector<16xi32>
        %rev3A_1079 = tpu.iota {dimensions = array<i32: 0>} : vector<16xi32>
        %rev3A_1080 = arith.subi %rev3A_1078, %rev3A_1079 : vector<16xi32>
        %rev3A_1081 = tpu.dynamic_gather %neg3A_1077[%rev3A_1080] in [0] : vector<16xf32>, vector<16xi32> -> vector<16xf32>
        %rev3A_1082 = arith.constant 15 : i32
        %rev3A_1083 = vector.broadcast %rev3A_1082 : i32 to vector<16xi32>
        %rev3A_1084 = tpu.iota {dimensions = array<i32: 0>} : vector<16xi32>
        %rev3A_1085 = arith.subi %rev3A_1083, %rev3A_1084 : vector<16xi32>
        %rev3A_1086 = tpu.dynamic_gather %masked_sort3A_1074[%rev3A_1085] in [0] : vector<16xi32>, vector<16xi32> -> vector<16xi32>
        %ge3A = arith.cmpf oge, %scan3A_1056, %rev3A_1081 : vector<16xf32>
        %select_n3A_1087 = arith.select %ge3A, %scan3A_1056, %rev3A_1081 : vector<16xi1>, vector<16xf32>
        %select_n3A_1088 = arith.select %ge3A, %scan3A_1057, %rev3A_1086 : vector<16xi1>, vector<16xi32>
        %neg3A_1089 = arith.constant 0.000000e+00 : f32
        %neg3A_1090 = vector.broadcast %neg3A_1089 : f32 to vector<16xf32>
        %neg3A_1091 = arith.subf %neg3A_1090, %select_n3A_1087 : vector<16xf32>
        %masked_sort3A_1092 = arith.constant dense<true> : vector<16xi1>
        %masked_sort3A_1093, %masked_sort3A_1094, %masked_sort3A_1095 = tpu.sort %neg3A_1091, %select_n3A_1088 masked %masked_sort3A_1092 : (vector<16xf32>, vector<16xi32>, vector<16xi1>) -> (vector<16xi1>, vector<16xf32>, vector<16xi32>)
        %neg3A_1096 = arith.constant 0.000000e+00 : f32
        %neg3A_1097 = vector.broadcast %neg3A_1096 : f32 to vector<16xf32>
        %neg3A_1098 = arith.subf %neg3A_1097, %masked_sort3A_1094 : vector<16xf32>
        scf.yield %neg3A_1098, %masked_sort3A_1095 : vector<16xf32>, vector<16xi32>
      }
      %scan3A_85 = arith.constant 8 : i32
      %iota3A_86 = tpu.iota {dimensions = array<i32: 0>} : vector<16xi32>
      %eq3A_87 = arith.constant 3 : i32
      %eq3A_88 = vector.broadcast %eq3A_87 : i32 to vector<16xi32>
      %eq3A_89 = arith.cmpi eq, %iota3A_86, %eq3A_88 : vector<16xi32>
      %jit3A_90 = arith.constant -1073741824 : i32
      %broadcast_in_dim3A_91 = vector.broadcast %jit3A_90 : i32 to vector<16xi32>
      %select_n3A_92 = arith.select %eq3A_89, %scan3A_17#1, %broadcast_in_dim3A_91 : vector<16xi1>, vector<16xi32>
      %reduce_max3A_93 = arith.constant true
      %reduce_max3A_94 = vector.broadcast %reduce_max3A_93 : i1 to vector<16xi1>
      %reduce_max3A_95 = arith.constant -2147483648 : i32
      %reduce_max3A_96 = vector.broadcast %reduce_max3A_95 : i32 to vector<16xi32>
      %reduce_max3A_97 = arith.xori %select_n3A_92, %reduce_max3A_96 : vector<16xi32>
      %reduce_max3A_98 = tpu.scan <max>, %reduce_max3A_97 masked %reduce_max3A_94 : vector<16xi32>, vector<16xi1> -> vector<16xi32>
      %reduce_max3A_99 = arith.xori %reduce_max3A_98, %reduce_max3A_96 : vector<16xi32>
      %reduce_max3A_100 = vector.extract %reduce_max3A_99[15] : i32 from vector<16xi32>
      %scan3A_101 = arith.constant 0 : i32
      %scan3A_102 = arith.constant 8 : i32
      %scan3A_103 = arith.addi %scan3A_101, %scan3A_102 : i32
      %scan3A_104 = arith.constant 1 : i32
      %scan3A_105:2 = scf.for %scan3A_1055 = %scan3A_101 to %scan3A_103 step %scan3A_104 iter_args(%scan3A_1056 = %scan3A_84#0, %scan3A_1057 = %scan3A_84#1) -> (vector<16xf32>, vector<16xi32>)  : i32 {
        %mul3A_1058 = arith.constant 16 : i32
        %mul3A_1059 = arith.muli %scan3A_1055, %mul3A_1058 : i32
        %get3A = arith.constant 3 : i32
        %get3A_1060 = arith.index_cast %get3A : i32 to index
        %get3A_1061 = arith.index_cast %mul3A_1059 : i32 to index
        %get3A_1062 = tpu.vector_load %arg8[%get3A_1060, %get3A_1061] {strides = array<i32>} : memref<16x128xf32, #tpu.memory_space<vmem>>, vector<16xf32>,
        %mul3A_1063 = arith.constant 128 : i32
        %mul3A_1064 = arith.muli %reduce_max3A_100, %mul3A_1063 : i32
        %mul3A_1065 = arith.constant 16 : i32
        %mul3A_1066 = arith.muli %scan3A_1055, %mul3A_1065 : i32
        %add3A_1067 = arith.addi %mul3A_1064, %mul3A_1066 : i32
        %add3A_1068 = vector.broadcast %add3A_1067 : i32 to vector<16xi32>
        %add3A_1069 = arith.addi %add3A_1068, %iota3A : vector<16xi32>
        %neg3A = arith.constant 0.000000e+00 : f32
        %neg3A_1070 = vector.broadcast %neg3A : f32 to vector<16xf32>
        %neg3A_1071 = arith.subf %neg3A_1070, %get3A_1062 : vector<16xf32>
        %masked_sort3A = arith.constant dense<true> : vector<16xi1>
        %masked_sort3A_1072, %masked_sort3A_1073, %masked_sort3A_1074 = tpu.sort %neg3A_1071, %add3A_1069 masked %masked_sort3A : (vector<16xf32>, vector<16xi32>, vector<16xi1>) -> (vector<16xi1>, vector<16xf32>, vector<16xi32>)
        %neg3A_1075 = arith.constant 0.000000e+00 : f32
        %neg3A_1076 = vector.broadcast %neg3A_1075 : f32 to vector<16xf32>
        %neg3A_1077 = arith.subf %neg3A_1076, %masked_sort3A_1073 : vector<16xf32>
        %rev3A = arith.constant 15 : i32
        %rev3A_1078 = vector.broadcast %rev3A : i32 to vector<16xi32>
        %rev3A_1079 = tpu.iota {dimensions = array<i32: 0>} : vector<16xi32>
        %rev3A_1080 = arith.subi %rev3A_1078, %rev3A_1079 : vector<16xi32>
        %rev3A_1081 = tpu.dynamic_gather %neg3A_1077[%rev3A_1080] in [0] : vector<16xf32>, vector<16xi32> -> vector<16xf32>
        %rev3A_1082 = arith.constant 15 : i32
        %rev3A_1083 = vector.broadcast %rev3A_1082 : i32 to vector<16xi32>
        %rev3A_1084 = tpu.iota {dimensions = array<i32: 0>} : vector<16xi32>
        %rev3A_1085 = arith.subi %rev3A_1083, %rev3A_1084 : vector<16xi32>
        %rev3A_1086 = tpu.dynamic_gather %masked_sort3A_1074[%rev3A_1085] in [0] : vector<16xi32>, vector<16xi32> -> vector<16xi32>
        %ge3A = arith.cmpf oge, %scan3A_1056, %rev3A_1081 : vector<16xf32>
        %select_n3A_1087 = arith.select %ge3A, %scan3A_1056, %rev3A_1081 : vector<16xi1>, vector<16xf32>
        %select_n3A_1088 = arith.select %ge3A, %scan3A_1057, %rev3A_1086 : vector<16xi1>, vector<16xi32>
        %neg3A_1089 = arith.constant 0.000000e+00 : f32
        %neg3A_1090 = vector.broadcast %neg3A_1089 : f32 to vector<16xf32>
        %neg3A_1091 = arith.subf %neg3A_1090, %select_n3A_1087 : vector<16xf32>
        %masked_sort3A_1092 = arith.constant dense<true> : vector<16xi1>
        %masked_sort3A_1093, %masked_sort3A_1094, %masked_sort3A_1095 = tpu.sort %neg3A_1091, %select_n3A_1088 masked %masked_sort3A_1092 : (vector<16xf32>, vector<16xi32>, vector<16xi1>) -> (vector<16xi1>, vector<16xf32>, vector<16xi32>)
        %neg3A_1096 = arith.constant 0.000000e+00 : f32
        %neg3A_1097 = vector.broadcast %neg3A_1096 : f32 to vector<16xf32>
        %neg3A_1098 = arith.subf %neg3A_1097, %masked_sort3A_1094 : vector<16xf32>
        scf.yield %neg3A_1098, %masked_sort3A_1095 : vector<16xf32>, vector<16xi32>
      }
      %scan3A_106 = arith.constant 8 : i32
      %iota3A_107 = tpu.iota {dimensions = array<i32: 0>} : vector<16xi32>
      %eq3A_108 = arith.constant 4 : i32
      %eq3A_109 = vector.broadcast %eq3A_108 : i32 to vector<16xi32>
      %eq3A_110 = arith.cmpi eq, %iota3A_107, %eq3A_109 : vector<16xi32>
      %jit3A_111 = arith.constant -1073741824 : i32
      %broadcast_in_dim3A_112 = vector.broadcast %jit3A_111 : i32 to vector<16xi32>
      %select_n3A_113 = arith.select %eq3A_110, %scan3A_17#1, %broadcast_in_dim3A_112 : vector<16xi1>, vector<16xi32>
      %reduce_max3A_114 = arith.constant true
      %reduce_max3A_115 = vector.broadcast %reduce_max3A_114 : i1 to vector<16xi1>
      %reduce_max3A_116 = arith.constant -2147483648 : i32
      %reduce_max3A_117 = vector.broadcast %reduce_max3A_116 : i32 to vector<16xi32>
      %reduce_max3A_118 = arith.xori %select_n3A_113, %reduce_max3A_117 : vector<16xi32>
      %reduce_max3A_119 = tpu.scan <max>, %reduce_max3A_118 masked %reduce_max3A_115 : vector<16xi32>, vector<16xi1> -> vector<16xi32>
      %reduce_max3A_120 = arith.xori %reduce_max3A_119, %reduce_max3A_117 : vector<16xi32>
      %reduce_max3A_121 = vector.extract %reduce_max3A_120[15] : i32 from vector<16xi32>
      %scan3A_122 = arith.constant 0 : i32
      %scan3A_123 = arith.constant 8 : i32
      %scan3A_124 = arith.addi %scan3A_122, %scan3A_123 : i32
      %scan3A_125 = arith.constant 1 : i32
      %scan3A_126:2 = scf.for %scan3A_1055 = %scan3A_122 to %scan3A_124 step %scan3A_125 iter_args(%scan3A_1056 = %scan3A_105#0, %scan3A_1057 = %scan3A_105#1) -> (vector<16xf32>, vector<16xi32>)  : i32 {
        %mul3A_1058 = arith.constant 16 : i32
        %mul3A_1059 = arith.muli %scan3A_1055, %mul3A_1058 : i32
        %get3A = arith.constant 4 : i32
        %get3A_1060 = arith.index_cast %get3A : i32 to index
        %get3A_1061 = arith.index_cast %mul3A_1059 : i32 to index
        %get3A_1062 = tpu.vector_load %arg8[%get3A_1060, %get3A_1061] {strides = array<i32>} : memref<16x128xf32, #tpu.memory_space<vmem>>, vector<16xf32>,
        %mul3A_1063 = arith.constant 128 : i32
        %mul3A_1064 = arith.muli %reduce_max3A_121, %mul3A_1063 : i32
        %mul3A_1065 = arith.constant 16 : i32
        %mul3A_1066 = arith.muli %scan3A_1055, %mul3A_1065 : i32
        %add3A_1067 = arith.addi %mul3A_1064, %mul3A_1066 : i32
        %add3A_1068 = vector.broadcast %add3A_1067 : i32 to vector<16xi32>
        %add3A_1069 = arith.addi %add3A_1068, %iota3A : vector<16xi32>
        %neg3A = arith.constant 0.000000e+00 : f32
        %neg3A_1070 = vector.broadcast %neg3A : f32 to vector<16xf32>
        %neg3A_1071 = arith.subf %neg3A_1070, %get3A_1062 : vector<16xf32>
        %masked_sort3A = arith.constant dense<true> : vector<16xi1>
        %masked_sort3A_1072, %masked_sort3A_1073, %masked_sort3A_1074 = tpu.sort %neg3A_1071, %add3A_1069 masked %masked_sort3A : (vector<16xf32>, vector<16xi32>, vector<16xi1>) -> (vector<16xi1>, vector<16xf32>, vector<16xi32>)
        %neg3A_1075 = arith.constant 0.000000e+00 : f32
        %neg3A_1076 = vector.broadcast %neg3A_1075 : f32 to vector<16xf32>
        %neg3A_1077 = arith.subf %neg3A_1076, %masked_sort3A_1073 : vector<16xf32>
        %rev3A = arith.constant 15 : i32
        %rev3A_1078 = vector.broadcast %rev3A : i32 to vector<16xi32>
        %rev3A_1079 = tpu.iota {dimensions = array<i32: 0>} : vector<16xi32>
        %rev3A_1080 = arith.subi %rev3A_1078, %rev3A_1079 : vector<16xi32>
        %rev3A_1081 = tpu.dynamic_gather %neg3A_1077[%rev3A_1080] in [0] : vector<16xf32>, vector<16xi32> -> vector<16xf32>
        %rev3A_1082 = arith.constant 15 : i32
        %rev3A_1083 = vector.broadcast %rev3A_1082 : i32 to vector<16xi32>
        %rev3A_1084 = tpu.iota {dimensions = array<i32: 0>} : vector<16xi32>
        %rev3A_1085 = arith.subi %rev3A_1083, %rev3A_1084 : vector<16xi32>
        %rev3A_1086 = tpu.dynamic_gather %masked_sort3A_1074[%rev3A_1085] in [0] : vector<16xi32>, vector<16xi32> -> vector<16xi32>
        %ge3A = arith.cmpf oge, %scan3A_1056, %rev3A_1081 : vector<16xf32>
        %select_n3A_1087 = arith.select %ge3A, %scan3A_1056, %rev3A_1081 : vector<16xi1>, vector<16xf32>
        %select_n3A_1088 = arith.select %ge3A, %scan3A_1057, %rev3A_1086 : vector<16xi1>, vector<16xi32>
        %neg3A_1089 = arith.constant 0.000000e+00 : f32
        %neg3A_1090 = vector.broadcast %neg3A_1089 : f32 to vector<16xf32>
        %neg3A_1091 = arith.subf %neg3A_1090, %select_n3A_1087 : vector<16xf32>
        %masked_sort3A_1092 = arith.constant dense<true> : vector<16xi1>
        %masked_sort3A_1093, %masked_sort3A_1094, %masked_sort3A_1095 = tpu.sort %neg3A_1091, %select_n3A_1088 masked %masked_sort3A_1092 : (vector<16xf32>, vector<16xi32>, vector<16xi1>) -> (vector<16xi1>, vector<16xf32>, vector<16xi32>)
        %neg3A_1096 = arith.constant 0.000000e+00 : f32
        %neg3A_1097 = vector.broadcast %neg3A_1096 : f32 to vector<16xf32>
        %neg3A_1098 = arith.subf %neg3A_1097, %masked_sort3A_1094 : vector<16xf32>
        scf.yield %neg3A_1098, %masked_sort3A_1095 : vector<16xf32>, vector<16xi32>
      }
      %scan3A_127 = arith.constant 8 : i32
      %iota3A_128 = tpu.iota {dimensions = array<i32: 0>} : vector<16xi32>
      %eq3A_129 = arith.constant 5 : i32
      %eq3A_130 = vector.broadcast %eq3A_129 : i32 to vector<16xi32>
      %eq3A_131 = arith.cmpi eq, %iota3A_128, %eq3A_130 : vector<16xi32>
      %jit3A_132 = arith.constant -1073741824 : i32
      %broadcast_in_dim3A_133 = vector.broadcast %jit3A_132 : i32 to vector<16xi32>
      %select_n3A_134 = arith.select %eq3A_131, %scan3A_17#1, %broadcast_in_dim3A_133 : vector<16xi1>, vector<16xi32>
      %reduce_max3A_135 = arith.constant true
      %reduce_max3A_136 = vector.broadcast %reduce_max3A_135 : i1 to vector<16xi1>
      %reduce_max3A_137 = arith.constant -2147483648 : i32
      %reduce_max3A_138 = vector.broadcast %reduce_max3A_137 : i32 to vector<16xi32>
      %reduce_max3A_139 = arith.xori %select_n3A_134, %reduce_max3A_138 : vector<16xi32>
      %reduce_max3A_140 = tpu.scan <max>, %reduce_max3A_139 masked %reduce_max3A_136 : vector<16xi32>, vector<16xi1> -> vector<16xi32>
      %reduce_max3A_141 = arith.xori %reduce_max3A_140, %reduce_max3A_138 : vector<16xi32>
      %reduce_max3A_142 = vector.extract %reduce_max3A_141[15] : i32 from vector<16xi32>
      %scan3A_143 = arith.constant 0 : i32
      %scan3A_144 = arith.constant 8 : i32
      %scan3A_145 = arith.addi %scan3A_143, %scan3A_144 : i32
      %scan3A_146 = arith.constant 1 : i32
      %scan3A_147:2 = scf.for %scan3A_1055 = %scan3A_143 to %scan3A_145 step %scan3A_146 iter_args(%scan3A_1056 = %scan3A_126#0, %scan3A_1057 = %scan3A_126#1) -> (vector<16xf32>, vector<16xi32>)  : i32 {
        %mul3A_1058 = arith.constant 16 : i32
        %mul3A_1059 = arith.muli %scan3A_1055, %mul3A_1058 : i32
        %get3A = arith.constant 5 : i32
        %get3A_1060 = arith.index_cast %get3A : i32 to index
        %get3A_1061 = arith.index_cast %mul3A_1059 : i32 to index
        %get3A_1062 = tpu.vector_load %arg8[%get3A_1060, %get3A_1061] {strides = array<i32>} : memref<16x128xf32, #tpu.memory_space<vmem>>, vector<16xf32>,
        %mul3A_1063 = arith.constant 128 : i32
        %mul3A_1064 = arith.muli %reduce_max3A_142, %mul3A_1063 : i32
        %mul3A_1065 = arith.constant 16 : i32
        %mul3A_1066 = arith.muli %scan3A_1055, %mul3A_1065 : i32
        %add3A_1067 = arith.addi %mul3A_1064, %mul3A_1066 : i32
        %add3A_1068 = vector.broadcast %add3A_1067 : i32 to vector<16xi32>
        %add3A_1069 = arith.addi %add3A_1068, %iota3A : vector<16xi32>
        %neg3A = arith.constant 0.000000e+00 : f32
        %neg3A_1070 = vector.broadcast %neg3A : f32 to vector<16xf32>
        %neg3A_1071 = arith.subf %neg3A_1070, %get3A_1062 : vector<16xf32>
        %masked_sort3A = arith.constant dense<true> : vector<16xi1>
        %masked_sort3A_1072, %masked_sort3A_1073, %masked_sort3A_1074 = tpu.sort %neg3A_1071, %add3A_1069 masked %masked_sort3A : (vector<16xf32>, vector<16xi32>, vector<16xi1>) -> (vector<16xi1>, vector<16xf32>, vector<16xi32>)
        %neg3A_1075 = arith.constant 0.000000e+00 : f32
        %neg3A_1076 = vector.broadcast %neg3A_1075 : f32 to vector<16xf32>
        %neg3A_1077 = arith.subf %neg3A_1076, %masked_sort3A_1073 : vector<16xf32>
        %rev3A = arith.constant 15 : i32
        %rev3A_1078 = vector.broadcast %rev3A : i32 to vector<16xi32>
        %rev3A_1079 = tpu.iota {dimensions = array<i32: 0>} : vector<16xi32>
        %rev3A_1080 = arith.subi %rev3A_1078, %rev3A_1079 : vector<16xi32>
        %rev3A_1081 = tpu.dynamic_gather %neg3A_1077[%rev3A_1080] in [0] : vector<16xf32>, vector<16xi32> -> vector<16xf32>
        %rev3A_1082 = arith.constant 15 : i32
        %rev3A_1083 = vector.broadcast %rev3A_1082 : i32 to vector<16xi32>
        %rev3A_1084 = tpu.iota {dimensions = array<i32: 0>} : vector<16xi32>
        %rev3A_1085 = arith.subi %rev3A_1083, %rev3A_1084 : vector<16xi32>
        %rev3A_1086 = tpu.dynamic_gather %masked_sort3A_1074[%rev3A_1085] in [0] : vector<16xi32>, vector<16xi32> -> vector<16xi32>
        %ge3A = arith.cmpf oge, %scan3A_1056, %rev3A_1081 : vector<16xf32>
        %select_n3A_1087 = arith.select %ge3A, %scan3A_1056, %rev3A_1081 : vector<16xi1>, vector<16xf32>
        %select_n3A_1088 = arith.select %ge3A, %scan3A_1057, %rev3A_1086 : vector<16xi1>, vector<16xi32>
        %neg3A_1089 = arith.constant 0.000000e+00 : f32
        %neg3A_1090 = vector.broadcast %neg3A_1089 : f32 to vector<16xf32>
        %neg3A_1091 = arith.subf %neg3A_1090, %select_n3A_1087 : vector<16xf32>
        %masked_sort3A_1092 = arith.constant dense<true> : vector<16xi1>
        %masked_sort3A_1093, %masked_sort3A_1094, %masked_sort3A_1095 = tpu.sort %neg3A_1091, %select_n3A_1088 masked %masked_sort3A_1092 : (vector<16xf32>, vector<16xi32>, vector<16xi1>) -> (vector<16xi1>, vector<16xf32>, vector<16xi32>)
        %neg3A_1096 = arith.constant 0.000000e+00 : f32
        %neg3A_1097 = vector.broadcast %neg3A_1096 : f32 to vector<16xf32>
        %neg3A_1098 = arith.subf %neg3A_1097, %masked_sort3A_1094 : vector<16xf32>
        scf.yield %neg3A_1098, %masked_sort3A_1095 : vector<16xf32>, vector<16xi32>
      }
      %scan3A_148 = arith.constant 8 : i32
      %iota3A_149 = tpu.iota {dimensions = array<i32: 0>} : vector<16xi32>
      %eq3A_150 = arith.constant 6 : i32
      %eq3A_151 = vector.broadcast %eq3A_150 : i32 to vector<16xi32>
      %eq3A_152 = arith.cmpi eq, %iota3A_149, %eq3A_151 : vector<16xi32>
      %jit3A_153 = arith.constant -1073741824 : i32
      %broadcast_in_dim3A_154 = vector.broadcast %jit3A_153 : i32 to vector<16xi32>
      %select_n3A_155 = arith.select %eq3A_152, %scan3A_17#1, %broadcast_in_dim3A_154 : vector<16xi1>, vector<16xi32>
      %reduce_max3A_156 = arith.constant true
      %reduce_max3A_157 = vector.broadcast %reduce_max3A_156 : i1 to vector<16xi1>
      %reduce_max3A_158 = arith.constant -2147483648 : i32
      %reduce_max3A_159 = vector.broadcast %reduce_max3A_158 : i32 to vector<16xi32>
      %reduce_max3A_160 = arith.xori %select_n3A_155, %reduce_max3A_159 : vector<16xi32>
      %reduce_max3A_161 = tpu.scan <max>, %reduce_max3A_160 masked %reduce_max3A_157 : vector<16xi32>, vector<16xi1> -> vector<16xi32>
      %reduce_max3A_162 = arith.xori %reduce_max3A_161, %reduce_max3A_159 : vector<16xi32>
      %reduce_max3A_163 = vector.extract %reduce_max3A_162[15] : i32 from vector<16xi32>
      %scan3A_164 = arith.constant 0 : i32
      %scan3A_165 = arith.constant 8 : i32
      %scan3A_166 = arith.addi %scan3A_164, %scan3A_165 : i32
      %scan3A_167 = arith.constant 1 : i32
      %scan3A_168:2 = scf.for %scan3A_1055 = %scan3A_164 to %scan3A_166 step %scan3A_167 iter_args(%scan3A_1056 = %scan3A_147#0, %scan3A_1057 = %scan3A_147#1) -> (vector<16xf32>, vector<16xi32>)  : i32 {
        %mul3A_1058 = arith.constant 16 : i32
        %mul3A_1059 = arith.muli %scan3A_1055, %mul3A_1058 : i32
        %get3A = arith.constant 6 : i32
        %get3A_1060 = arith.index_cast %get3A : i32 to index
        %get3A_1061 = arith.index_cast %mul3A_1059 : i32 to index
        %get3A_1062 = tpu.vector_load %arg8[%get3A_1060, %get3A_1061] {strides = array<i32>} : memref<16x128xf32, #tpu.memory_space<vmem>>, vector<16xf32>,
        %mul3A_1063 = arith.constant 128 : i32
        %mul3A_1064 = arith.muli %reduce_max3A_163, %mul3A_1063 : i32
        %mul3A_1065 = arith.constant 16 : i32
        %mul3A_1066 = arith.muli %scan3A_1055, %mul3A_1065 : i32
        %add3A_1067 = arith.addi %mul3A_1064, %mul3A_1066 : i32
        %add3A_1068 = vector.broadcast %add3A_1067 : i32 to vector<16xi32>
        %add3A_1069 = arith.addi %add3A_1068, %iota3A : vector<16xi32>
        %neg3A = arith.constant 0.000000e+00 : f32
        %neg3A_1070 = vector.broadcast %neg3A : f32 to vector<16xf32>
        %neg3A_1071 = arith.subf %neg3A_1070, %get3A_1062 : vector<16xf32>
        %masked_sort3A = arith.constant dense<true> : vector<16xi1>
        %masked_sort3A_1072, %masked_sort3A_1073, %masked_sort3A_1074 = tpu.sort %neg3A_1071, %add3A_1069 masked %masked_sort3A : (vector<16xf32>, vector<16xi32>, vector<16xi1>) -> (vector<16xi1>, vector<16xf32>, vector<16xi32>)
        %neg3A_1075 = arith.constant 0.000000e+00 : f32
        %neg3A_1076 = vector.broadcast %neg3A_1075 : f32 to vector<16xf32>
        %neg3A_1077 = arith.subf %neg3A_1076, %masked_sort3A_1073 : vector<16xf32>
        %rev3A = arith.constant 15 : i32
        %rev3A_1078 = vector.broadcast %rev3A : i32 to vector<16xi32>
        %rev3A_1079 = tpu.iota {dimensions = array<i32: 0>} : vector<16xi32>
        %rev3A_1080 = arith.subi %rev3A_1078, %rev3A_1079 : vector<16xi32>
        %rev3A_1081 = tpu.dynamic_gather %neg3A_1077[%rev3A_1080] in [0] : vector<16xf32>, vector<16xi32> -> vector<16xf32>
        %rev3A_1082 = arith.constant 15 : i32
        %rev3A_1083 = vector.broadcast %rev3A_1082 : i32 to vector<16xi32>
        %rev3A_1084 = tpu.iota {dimensions = array<i32: 0>} : vector<16xi32>
        %rev3A_1085 = arith.subi %rev3A_1083, %rev3A_1084 : vector<16xi32>
        %rev3A_1086 = tpu.dynamic_gather %masked_sort3A_1074[%rev3A_1085] in [0] : vector<16xi32>, vector<16xi32> -> vector<16xi32>
        %ge3A = arith.cmpf oge, %scan3A_1056, %rev3A_1081 : vector<16xf32>
        %select_n3A_1087 = arith.select %ge3A, %scan3A_1056, %rev3A_1081 : vector<16xi1>, vector<16xf32>
        %select_n3A_1088 = arith.select %ge3A, %scan3A_1057, %rev3A_1086 : vector<16xi1>, vector<16xi32>
        %neg3A_1089 = arith.constant 0.000000e+00 : f32
        %neg3A_1090 = vector.broadcast %neg3A_1089 : f32 to vector<16xf32>
        %neg3A_1091 = arith.subf %neg3A_1090, %select_n3A_1087 : vector<16xf32>
        %masked_sort3A_1092 = arith.constant dense<true> : vector<16xi1>
        %masked_sort3A_1093, %masked_sort3A_1094, %masked_sort3A_1095 = tpu.sort %neg3A_1091, %select_n3A_1088 masked %masked_sort3A_1092 : (vector<16xf32>, vector<16xi32>, vector<16xi1>) -> (vector<16xi1>, vector<16xf32>, vector<16xi32>)
        %neg3A_1096 = arith.constant 0.000000e+00 : f32
        %neg3A_1097 = vector.broadcast %neg3A_1096 : f32 to vector<16xf32>
        %neg3A_1098 = arith.subf %neg3A_1097, %masked_sort3A_1094 : vector<16xf32>
        scf.yield %neg3A_1098, %masked_sort3A_1095 : vector<16xf32>, vector<16xi32>
      }
      %scan3A_169 = arith.constant 8 : i32
      %iota3A_170 = tpu.iota {dimensions = array<i32: 0>} : vector<16xi32>
      %eq3A_171 = arith.constant 7 : i32
      %eq3A_172 = vector.broadcast %eq3A_171 : i32 to vector<16xi32>
      %eq3A_173 = arith.cmpi eq, %iota3A_170, %eq3A_172 : vector<16xi32>
      %jit3A_174 = arith.constant -1073741824 : i32
      %broadcast_in_dim3A_175 = vector.broadcast %jit3A_174 : i32 to vector<16xi32>
      %select_n3A_176 = arith.select %eq3A_173, %scan3A_17#1, %broadcast_in_dim3A_175 : vector<16xi1>, vector<16xi32>
      %reduce_max3A_177 = arith.constant true
      %reduce_max3A_178 = vector.broadcast %reduce_max3A_177 : i1 to vector<16xi1>
      %reduce_max3A_179 = arith.constant -2147483648 : i32
      %reduce_max3A_180 = vector.broadcast %reduce_max3A_179 : i32 to vector<16xi32>
      %reduce_max3A_181 = arith.xori %select_n3A_176, %reduce_max3A_180 : vector<16xi32>
      %reduce_max3A_182 = tpu.scan <max>, %reduce_max3A_181 masked %reduce_max3A_178 : vector<16xi32>, vector<16xi1> -> vector<16xi32>
      %reduce_max3A_183 = arith.xori %reduce_max3A_182, %reduce_max3A_180 : vector<16xi32>
      %reduce_max3A_184 = vector.extract %reduce_max3A_183[15] : i32 from vector<16xi32>
      %scan3A_185 = arith.constant 0 : i32
      %scan3A_186 = arith.constant 8 : i32
      %scan3A_187 = arith.addi %scan3A_185, %scan3A_186 : i32
      %scan3A_188 = arith.constant 1 : i32
      %scan3A_189:2 = scf.for %scan3A_1055 = %scan3A_185 to %scan3A_187 step %scan3A_188 iter_args(%scan3A_1056 = %scan3A_168#0, %scan3A_1057 = %scan3A_168#1) -> (vector<16xf32>, vector<16xi32>)  : i32 {
        %mul3A_1058 = arith.constant 16 : i32
        %mul3A_1059 = arith.muli %scan3A_1055, %mul3A_1058 : i32
        %get3A = arith.constant 7 : i32
        %get3A_1060 = arith.index_cast %get3A : i32 to index
        %get3A_1061 = arith.index_cast %mul3A_1059 : i32 to index
        %get3A_1062 = tpu.vector_load %arg8[%get3A_1060, %get3A_1061] {strides = array<i32>} : memref<16x128xf32, #tpu.memory_space<vmem>>, vector<16xf32>,
        %mul3A_1063 = arith.constant 128 : i32
        %mul3A_1064 = arith.muli %reduce_max3A_184, %mul3A_1063 : i32
        %mul3A_1065 = arith.constant 16 : i32
        %mul3A_1066 = arith.muli %scan3A_1055, %mul3A_1065 : i32
        %add3A_1067 = arith.addi %mul3A_1064, %mul3A_1066 : i32
        %add3A_1068 = vector.broadcast %add3A_1067 : i32 to vector<16xi32>
        %add3A_1069 = arith.addi %add3A_1068, %iota3A : vector<16xi32>
        %neg3A = arith.constant 0.000000e+00 : f32
        %neg3A_1070 = vector.broadcast %neg3A : f32 to vector<16xf32>
        %neg3A_1071 = arith.subf %neg3A_1070, %get3A_1062 : vector<16xf32>
        %masked_sort3A = arith.constant dense<true> : vector<16xi1>
        %masked_sort3A_1072, %masked_sort3A_1073, %masked_sort3A_1074 = tpu.sort %neg3A_1071, %add3A_1069 masked %masked_sort3A : (vector<16xf32>, vector<16xi32>, vector<16xi1>) -> (vector<16xi1>, vector<16xf32>, vector<16xi32>)
        %neg3A_1075 = arith.constant 0.000000e+00 : f32
        %neg3A_1076 = vector.broadcast %neg3A_1075 : f32 to vector<16xf32>
        %neg3A_1077 = arith.subf %neg3A_1076, %masked_sort3A_1073 : vector<16xf32>
        %rev3A = arith.constant 15 : i32
        %rev3A_1078 = vector.broadcast %rev3A : i32 to vector<16xi32>
        %rev3A_1079 = tpu.iota {dimensions = array<i32: 0>} : vector<16xi32>
        %rev3A_1080 = arith.subi %rev3A_1078, %rev3A_1079 : vector<16xi32>
        %rev3A_1081 = tpu.dynamic_gather %neg3A_1077[%rev3A_1080] in [0] : vector<16xf32>, vector<16xi32> -> vector<16xf32>
        %rev3A_1082 = arith.constant 15 : i32
        %rev3A_1083 = vector.broadcast %rev3A_1082 : i32 to vector<16xi32>
        %rev3A_1084 = tpu.iota {dimensions = array<i32: 0>} : vector<16xi32>
        %rev3A_1085 = arith.subi %rev3A_1083, %rev3A_1084 : vector<16xi32>
        %rev3A_1086 = tpu.dynamic_gather %masked_sort3A_1074[%rev3A_1085] in [0] : vector<16xi32>, vector<16xi32> -> vector<16xi32>
        %ge3A = arith.cmpf oge, %scan3A_1056, %rev3A_1081 : vector<16xf32>
        %select_n3A_1087 = arith.select %ge3A, %scan3A_1056, %rev3A_1081 : vector<16xi1>, vector<16xf32>
        %select_n3A_1088 = arith.select %ge3A, %scan3A_1057, %rev3A_1086 : vector<16xi1>, vector<16xi32>
        %neg3A_1089 = arith.constant 0.000000e+00 : f32
        %neg3A_1090 = vector.broadcast %neg3A_1089 : f32 to vector<16xf32>
        %neg3A_1091 = arith.subf %neg3A_1090, %select_n3A_1087 : vector<16xf32>
        %masked_sort3A_1092 = arith.constant dense<true> : vector<16xi1>
        %masked_sort3A_1093, %masked_sort3A_1094, %masked_sort3A_1095 = tpu.sort %neg3A_1091, %select_n3A_1088 masked %masked_sort3A_1092 : (vector<16xf32>, vector<16xi32>, vector<16xi1>) -> (vector<16xi1>, vector<16xf32>, vector<16xi32>)
        %neg3A_1096 = arith.constant 0.000000e+00 : f32
        %neg3A_1097 = vector.broadcast %neg3A_1096 : f32 to vector<16xf32>
        %neg3A_1098 = arith.subf %neg3A_1097, %masked_sort3A_1094 : vector<16xf32>
        scf.yield %neg3A_1098, %masked_sort3A_1095 : vector<16xf32>, vector<16xi32>
      }
      %scan3A_190 = arith.constant 8 : i32
      %iota3A_191 = tpu.iota {dimensions = array<i32: 0>} : vector<16xi32>
      %eq3A_192 = arith.constant 8 : i32
      %eq3A_193 = vector.broadcast %eq3A_192 : i32 to vector<16xi32>
      %eq3A_194 = arith.cmpi eq, %iota3A_191, %eq3A_193 : vector<16xi32>
      %jit3A_195 = arith.constant -1073741824 : i32
      %broadcast_in_dim3A_196 = vector.broadcast %jit3A_195 : i32 to vector<16xi32>
      %select_n3A_197 = arith.select %eq3A_194, %scan3A_17#1, %broadcast_in_dim3A_196 : vector<16xi1>, vector<16xi32>
      %reduce_max3A_198 = arith.constant true
      %reduce_max3A_199 = vector.broadcast %reduce_max3A_198 : i1 to vector<16xi1>
      %reduce_max3A_200 = arith.constant -2147483648 : i32
      %reduce_max3A_201 = vector.broadcast %reduce_max3A_200 : i32 to vector<16xi32>
      %reduce_max3A_202 = arith.xori %select_n3A_197, %reduce_max3A_201 : vector<16xi32>
      %reduce_max3A_203 = tpu.scan <max>, %reduce_max3A_202 masked %reduce_max3A_199 : vector<16xi32>, vector<16xi1> -> vector<16xi32>
      %reduce_max3A_204 = arith.xori %reduce_max3A_203, %reduce_max3A_201 : vector<16xi32>
      %reduce_max3A_205 = vector.extract %reduce_max3A_204[15] : i32 from vector<16xi32>
      %scan3A_206 = arith.constant 0 : i32
      %scan3A_207 = arith.constant 8 : i32
      %scan3A_208 = arith.addi %scan3A_206, %scan3A_207 : i32
      %scan3A_209 = arith.constant 1 : i32
      %scan3A_210:2 = scf.for %scan3A_1055 = %scan3A_206 to %scan3A_208 step %scan3A_209 iter_args(%scan3A_1056 = %scan3A_189#0, %scan3A_1057 = %scan3A_189#1) -> (vector<16xf32>, vector<16xi32>)  : i32 {
        %mul3A_1058 = arith.constant 16 : i32
        %mul3A_1059 = arith.muli %scan3A_1055, %mul3A_1058 : i32
        %get3A = arith.constant 8 : i32
        %get3A_1060 = arith.index_cast %get3A : i32 to index
        %get3A_1061 = arith.index_cast %mul3A_1059 : i32 to index
        %get3A_1062 = tpu.vector_load %arg8[%get3A_1060, %get3A_1061] {strides = array<i32>} : memref<16x128xf32, #tpu.memory_space<vmem>>, vector<16xf32>,
        %mul3A_1063 = arith.constant 128 : i32
        %mul3A_1064 = arith.muli %reduce_max3A_205, %mul3A_1063 : i32
        %mul3A_1065 = arith.constant 16 : i32
        %mul3A_1066 = arith.muli %scan3A_1055, %mul3A_1065 : i32
        %add3A_1067 = arith.addi %mul3A_1064, %mul3A_1066 : i32
        %add3A_1068 = vector.broadcast %add3A_1067 : i32 to vector<16xi32>
        %add3A_1069 = arith.addi %add3A_1068, %iota3A : vector<16xi32>
        %neg3A = arith.constant 0.000000e+00 : f32
        %neg3A_1070 = vector.broadcast %neg3A : f32 to vector<16xf32>
        %neg3A_1071 = arith.subf %neg3A_1070, %get3A_1062 : vector<16xf32>
        %masked_sort3A = arith.constant dense<true> : vector<16xi1>
        %masked_sort3A_1072, %masked_sort3A_1073, %masked_sort3A_1074 = tpu.sort %neg3A_1071, %add3A_1069 masked %masked_sort3A : (vector<16xf32>, vector<16xi32>, vector<16xi1>) -> (vector<16xi1>, vector<16xf32>, vector<16xi32>)
        %neg3A_1075 = arith.constant 0.000000e+00 : f32
        %neg3A_1076 = vector.broadcast %neg3A_1075 : f32 to vector<16xf32>
        %neg3A_1077 = arith.subf %neg3A_1076, %masked_sort3A_1073 : vector<16xf32>
        %rev3A = arith.constant 15 : i32
        %rev3A_1078 = vector.broadcast %rev3A : i32 to vector<16xi32>
        %rev3A_1079 = tpu.iota {dimensions = array<i32: 0>} : vector<16xi32>
        %rev3A_1080 = arith.subi %rev3A_1078, %rev3A_1079 : vector<16xi32>
        %rev3A_1081 = tpu.dynamic_gather %neg3A_1077[%rev3A_1080] in [0] : vector<16xf32>, vector<16xi32> -> vector<16xf32>
        %rev3A_1082 = arith.constant 15 : i32
        %rev3A_1083 = vector.broadcast %rev3A_1082 : i32 to vector<16xi32>
        %rev3A_1084 = tpu.iota {dimensions = array<i32: 0>} : vector<16xi32>
        %rev3A_1085 = arith.subi %rev3A_1083, %rev3A_1084 : vector<16xi32>
        %rev3A_1086 = tpu.dynamic_gather %masked_sort3A_1074[%rev3A_1085] in [0] : vector<16xi32>, vector<16xi32> -> vector<16xi32>
        %ge3A = arith.cmpf oge, %scan3A_1056, %rev3A_1081 : vector<16xf32>
        %select_n3A_1087 = arith.select %ge3A, %scan3A_1056, %rev3A_1081 : vector<16xi1>, vector<16xf32>
        %select_n3A_1088 = arith.select %ge3A, %scan3A_1057, %rev3A_1086 : vector<16xi1>, vector<16xi32>
        %neg3A_1089 = arith.constant 0.000000e+00 : f32
        %neg3A_1090 = vector.broadcast %neg3A_1089 : f32 to vector<16xf32>
        %neg3A_1091 = arith.subf %neg3A_1090, %select_n3A_1087 : vector<16xf32>
        %masked_sort3A_1092 = arith.constant dense<true> : vector<16xi1>
        %masked_sort3A_1093, %masked_sort3A_1094, %masked_sort3A_1095 = tpu.sort %neg3A_1091, %select_n3A_1088 masked %masked_sort3A_1092 : (vector<16xf32>, vector<16xi32>, vector<16xi1>) -> (vector<16xi1>, vector<16xf32>, vector<16xi32>)
        %neg3A_1096 = arith.constant 0.000000e+00 : f32
        %neg3A_1097 = vector.broadcast %neg3A_1096 : f32 to vector<16xf32>
        %neg3A_1098 = arith.subf %neg3A_1097, %masked_sort3A_1094 : vector<16xf32>
        scf.yield %neg3A_1098, %masked_sort3A_1095 : vector<16xf32>, vector<16xi32>
      }
      %scan3A_211 = arith.constant 8 : i32
      %iota3A_212 = tpu.iota {dimensions = array<i32: 0>} : vector<16xi32>
      %eq3A_213 = arith.constant 9 : i32
      %eq3A_214 = vector.broadcast %eq3A_213 : i32 to vector<16xi32>
      %eq3A_215 = arith.cmpi eq, %iota3A_212, %eq3A_214 : vector<16xi32>
      %jit3A_216 = arith.constant -1073741824 : i32
      %broadcast_in_dim3A_217 = vector.broadcast %jit3A_216 : i32 to vector<16xi32>
      %select_n3A_218 = arith.select %eq3A_215, %scan3A_17#1, %broadcast_in_dim3A_217 : vector<16xi1>, vector<16xi32>
      %reduce_max3A_219 = arith.constant true
      %reduce_max3A_220 = vector.broadcast %reduce_max3A_219 : i1 to vector<16xi1>
      %reduce_max3A_221 = arith.constant -2147483648 : i32
      %reduce_max3A_222 = vector.broadcast %reduce_max3A_221 : i32 to vector<16xi32>
      %reduce_max3A_223 = arith.xori %select_n3A_218, %reduce_max3A_222 : vector<16xi32>
      %reduce_max3A_224 = tpu.scan <max>, %reduce_max3A_223 masked %reduce_max3A_220 : vector<16xi32>, vector<16xi1> -> vector<16xi32>
      %reduce_max3A_225 = arith.xori %reduce_max3A_224, %reduce_max3A_222 : vector<16xi32>
      %reduce_max3A_226 = vector.extract %reduce_max3A_225[15] : i32 from vector<16xi32>
      %scan3A_227 = arith.constant 0 : i32
      %scan3A_228 = arith.constant 8 : i32
      %scan3A_229 = arith.addi %scan3A_227, %scan3A_228 : i32
      %scan3A_230 = arith.constant 1 : i32
      %scan3A_231:2 = scf.for %scan3A_1055 = %scan3A_227 to %scan3A_229 step %scan3A_230 iter_args(%scan3A_1056 = %scan3A_210#0, %scan3A_1057 = %scan3A_210#1) -> (vector<16xf32>, vector<16xi32>)  : i32 {
        %mul3A_1058 = arith.constant 16 : i32
        %mul3A_1059 = arith.muli %scan3A_1055, %mul3A_1058 : i32
        %get3A = arith.constant 9 : i32
        %get3A_1060 = arith.index_cast %get3A : i32 to index
        %get3A_1061 = arith.index_cast %mul3A_1059 : i32 to index
        %get3A_1062 = tpu.vector_load %arg8[%get3A_1060, %get3A_1061] {strides = array<i32>} : memref<16x128xf32, #tpu.memory_space<vmem>>, vector<16xf32>,
        %mul3A_1063 = arith.constant 128 : i32
        %mul3A_1064 = arith.muli %reduce_max3A_226, %mul3A_1063 : i32
        %mul3A_1065 = arith.constant 16 : i32
        %mul3A_1066 = arith.muli %scan3A_1055, %mul3A_1065 : i32
        %add3A_1067 = arith.addi %mul3A_1064, %mul3A_1066 : i32
        %add3A_1068 = vector.broadcast %add3A_1067 : i32 to vector<16xi32>
        %add3A_1069 = arith.addi %add3A_1068, %iota3A : vector<16xi32>
        %neg3A = arith.constant 0.000000e+00 : f32
        %neg3A_1070 = vector.broadcast %neg3A : f32 to vector<16xf32>
        %neg3A_1071 = arith.subf %neg3A_1070, %get3A_1062 : vector<16xf32>
        %masked_sort3A = arith.constant dense<true> : vector<16xi1>
        %masked_sort3A_1072, %masked_sort3A_1073, %masked_sort3A_1074 = tpu.sort %neg3A_1071, %add3A_1069 masked %masked_sort3A : (vector<16xf32>, vector<16xi32>, vector<16xi1>) -> (vector<16xi1>, vector<16xf32>, vector<16xi32>)
        %neg3A_1075 = arith.constant 0.000000e+00 : f32
        %neg3A_1076 = vector.broadcast %neg3A_1075 : f32 to vector<16xf32>
        %neg3A_1077 = arith.subf %neg3A_1076, %masked_sort3A_1073 : vector<16xf32>
        %rev3A = arith.constant 15 : i32
        %rev3A_1078 = vector.broadcast %rev3A : i32 to vector<16xi32>
        %rev3A_1079 = tpu.iota {dimensions = array<i32: 0>} : vector<16xi32>
        %rev3A_1080 = arith.subi %rev3A_1078, %rev3A_1079 : vector<16xi32>
        %rev3A_1081 = tpu.dynamic_gather %neg3A_1077[%rev3A_1080] in [0] : vector<16xf32>, vector<16xi32> -> vector<16xf32>
        %rev3A_1082 = arith.constant 15 : i32
        %rev3A_1083 = vector.broadcast %rev3A_1082 : i32 to vector<16xi32>
        %rev3A_1084 = tpu.iota {dimensions = array<i32: 0>} : vector<16xi32>
        %rev3A_1085 = arith.subi %rev3A_1083, %rev3A_1084 : vector<16xi32>
        %rev3A_1086 = tpu.dynamic_gather %masked_sort3A_1074[%rev3A_1085] in [0] : vector<16xi32>, vector<16xi32> -> vector<16xi32>
        %ge3A = arith.cmpf oge, %scan3A_1056, %rev3A_1081 : vector<16xf32>
        %select_n3A_1087 = arith.select %ge3A, %scan3A_1056, %rev3A_1081 : vector<16xi1>, vector<16xf32>
        %select_n3A_1088 = arith.select %ge3A, %scan3A_1057, %rev3A_1086 : vector<16xi1>, vector<16xi32>
        %neg3A_1089 = arith.constant 0.000000e+00 : f32
        %neg3A_1090 = vector.broadcast %neg3A_1089 : f32 to vector<16xf32>
        %neg3A_1091 = arith.subf %neg3A_1090, %select_n3A_1087 : vector<16xf32>
        %masked_sort3A_1092 = arith.constant dense<true> : vector<16xi1>
        %masked_sort3A_1093, %masked_sort3A_1094, %masked_sort3A_1095 = tpu.sort %neg3A_1091, %select_n3A_1088 masked %masked_sort3A_1092 : (vector<16xf32>, vector<16xi32>, vector<16xi1>) -> (vector<16xi1>, vector<16xf32>, vector<16xi32>)
        %neg3A_1096 = arith.constant 0.000000e+00 : f32
        %neg3A_1097 = vector.broadcast %neg3A_1096 : f32 to vector<16xf32>
        %neg3A_1098 = arith.subf %neg3A_1097, %masked_sort3A_1094 : vector<16xf32>
        scf.yield %neg3A_1098, %masked_sort3A_1095 : vector<16xf32>, vector<16xi32>
      }
      %scan3A_232 = arith.constant 8 : i32
      %iota3A_233 = tpu.iota {dimensions = array<i32: 0>} : vector<16xi32>
      %eq3A_234 = arith.constant 10 : i32
      %eq3A_235 = vector.broadcast %eq3A_234 : i32 to vector<16xi32>
      %eq3A_236 = arith.cmpi eq, %iota3A_233, %eq3A_235 : vector<16xi32>
      %jit3A_237 = arith.constant -1073741824 : i32
      %broadcast_in_dim3A_238 = vector.broadcast %jit3A_237 : i32 to vector<16xi32>
      %select_n3A_239 = arith.select %eq3A_236, %scan3A_17#1, %broadcast_in_dim3A_238 : vector<16xi1>, vector<16xi32>
      %reduce_max3A_240 = arith.constant true
      %reduce_max3A_241 = vector.broadcast %reduce_max3A_240 : i1 to vector<16xi1>
      %reduce_max3A_242 = arith.constant -2147483648 : i32
      %reduce_max3A_243 = vector.broadcast %reduce_max3A_242 : i32 to vector<16xi32>
      %reduce_max3A_244 = arith.xori %select_n3A_239, %reduce_max3A_243 : vector<16xi32>
      %reduce_max3A_245 = tpu.scan <max>, %reduce_max3A_244 masked %reduce_max3A_241 : vector<16xi32>, vector<16xi1> -> vector<16xi32>
      %reduce_max3A_246 = arith.xori %reduce_max3A_245, %reduce_max3A_243 : vector<16xi32>
      %reduce_max3A_247 = vector.extract %reduce_max3A_246[15] : i32 from vector<16xi32>
      %scan3A_248 = arith.constant 0 : i32
      %scan3A_249 = arith.constant 8 : i32
      %scan3A_250 = arith.addi %scan3A_248, %scan3A_249 : i32
      %scan3A_251 = arith.constant 1 : i32
      %scan3A_252:2 = scf.for %scan3A_1055 = %scan3A_248 to %scan3A_250 step %scan3A_251 iter_args(%scan3A_1056 = %scan3A_231#0, %scan3A_1057 = %scan3A_231#1) -> (vector<16xf32>, vector<16xi32>)  : i32 {
        %mul3A_1058 = arith.constant 16 : i32
        %mul3A_1059 = arith.muli %scan3A_1055, %mul3A_1058 : i32
        %get3A = arith.constant 10 : i32
        %get3A_1060 = arith.index_cast %get3A : i32 to index
        %get3A_1061 = arith.index_cast %mul3A_1059 : i32 to index
        %get3A_1062 = tpu.vector_load %arg8[%get3A_1060, %get3A_1061] {strides = array<i32>} : memref<16x128xf32, #tpu.memory_space<vmem>>, vector<16xf32>,
        %mul3A_1063 = arith.constant 128 : i32
        %mul3A_1064 = arith.muli %reduce_max3A_247, %mul3A_1063 : i32
        %mul3A_1065 = arith.constant 16 : i32
        %mul3A_1066 = arith.muli %scan3A_1055, %mul3A_1065 : i32
        %add3A_1067 = arith.addi %mul3A_1064, %mul3A_1066 : i32
        %add3A_1068 = vector.broadcast %add3A_1067 : i32 to vector<16xi32>
        %add3A_1069 = arith.addi %add3A_1068, %iota3A : vector<16xi32>
        %neg3A = arith.constant 0.000000e+00 : f32
        %neg3A_1070 = vector.broadcast %neg3A : f32 to vector<16xf32>
        %neg3A_1071 = arith.subf %neg3A_1070, %get3A_1062 : vector<16xf32>
        %masked_sort3A = arith.constant dense<true> : vector<16xi1>
        %masked_sort3A_1072, %masked_sort3A_1073, %masked_sort3A_1074 = tpu.sort %neg3A_1071, %add3A_1069 masked %masked_sort3A : (vector<16xf32>, vector<16xi32>, vector<16xi1>) -> (vector<16xi1>, vector<16xf32>, vector<16xi32>)
        %neg3A_1075 = arith.constant 0.000000e+00 : f32
        %neg3A_1076 = vector.broadcast %neg3A_1075 : f32 to vector<16xf32>
        %neg3A_1077 = arith.subf %neg3A_1076, %masked_sort3A_1073 : vector<16xf32>
        %rev3A = arith.constant 15 : i32
        %rev3A_1078 = vector.broadcast %rev3A : i32 to vector<16xi32>
        %rev3A_1079 = tpu.iota {dimensions = array<i32: 0>} : vector<16xi32>
        %rev3A_1080 = arith.subi %rev3A_1078, %rev3A_1079 : vector<16xi32>
        %rev3A_1081 = tpu.dynamic_gather %neg3A_1077[%rev3A_1080] in [0] : vector<16xf32>, vector<16xi32> -> vector<16xf32>
        %rev3A_1082 = arith.constant 15 : i32
        %rev3A_1083 = vector.broadcast %rev3A_1082 : i32 to vector<16xi32>
        %rev3A_1084 = tpu.iota {dimensions = array<i32: 0>} : vector<16xi32>
        %rev3A_1085 = arith.subi %rev3A_1083, %rev3A_1084 : vector<16xi32>
        %rev3A_1086 = tpu.dynamic_gather %masked_sort3A_1074[%rev3A_1085] in [0] : vector<16xi32>, vector<16xi32> -> vector<16xi32>
        %ge3A = arith.cmpf oge, %scan3A_1056, %rev3A_1081 : vector<16xf32>
        %select_n3A_1087 = arith.select %ge3A, %scan3A_1056, %rev3A_1081 : vector<16xi1>, vector<16xf32>
        %select_n3A_1088 = arith.select %ge3A, %scan3A_1057, %rev3A_1086 : vector<16xi1>, vector<16xi32>
        %neg3A_1089 = arith.constant 0.000000e+00 : f32
        %neg3A_1090 = vector.broadcast %neg3A_1089 : f32 to vector<16xf32>
        %neg3A_1091 = arith.subf %neg3A_1090, %select_n3A_1087 : vector<16xf32>
        %masked_sort3A_1092 = arith.constant dense<true> : vector<16xi1>
        %masked_sort3A_1093, %masked_sort3A_1094, %masked_sort3A_1095 = tpu.sort %neg3A_1091, %select_n3A_1088 masked %masked_sort3A_1092 : (vector<16xf32>, vector<16xi32>, vector<16xi1>) -> (vector<16xi1>, vector<16xf32>, vector<16xi32>)
        %neg3A_1096 = arith.constant 0.000000e+00 : f32
        %neg3A_1097 = vector.broadcast %neg3A_1096 : f32 to vector<16xf32>
        %neg3A_1098 = arith.subf %neg3A_1097, %masked_sort3A_1094 : vector<16xf32>
        scf.yield %neg3A_1098, %masked_sort3A_1095 : vector<16xf32>, vector<16xi32>
      }
      %scan3A_253 = arith.constant 8 : i32
      %iota3A_254 = tpu.iota {dimensions = array<i32: 0>} : vector<16xi32>
      %eq3A_255 = arith.constant 11 : i32
      %eq3A_256 = vector.broadcast %eq3A_255 : i32 to vector<16xi32>
      %eq3A_257 = arith.cmpi eq, %iota3A_254, %eq3A_256 : vector<16xi32>
      %jit3A_258 = arith.constant -1073741824 : i32
      %broadcast_in_dim3A_259 = vector.broadcast %jit3A_258 : i32 to vector<16xi32>
      %select_n3A_260 = arith.select %eq3A_257, %scan3A_17#1, %broadcast_in_dim3A_259 : vector<16xi1>, vector<16xi32>
      %reduce_max3A_261 = arith.constant true
      %reduce_max3A_262 = vector.broadcast %reduce_max3A_261 : i1 to vector<16xi1>
      %reduce_max3A_263 = arith.constant -2147483648 : i32
      %reduce_max3A_264 = vector.broadcast %reduce_max3A_263 : i32 to vector<16xi32>
      %reduce_max3A_265 = arith.xori %select_n3A_260, %reduce_max3A_264 : vector<16xi32>
      %reduce_max3A_266 = tpu.scan <max>, %reduce_max3A_265 masked %reduce_max3A_262 : vector<16xi32>, vector<16xi1> -> vector<16xi32>
      %reduce_max3A_267 = arith.xori %reduce_max3A_266, %reduce_max3A_264 : vector<16xi32>
      %reduce_max3A_268 = vector.extract %reduce_max3A_267[15] : i32 from vector<16xi32>
      %scan3A_269 = arith.constant 0 : i32
      %scan3A_270 = arith.constant 8 : i32
      %scan3A_271 = arith.addi %scan3A_269, %scan3A_270 : i32
      %scan3A_272 = arith.constant 1 : i32
      %scan3A_273:2 = scf.for %scan3A_1055 = %scan3A_269 to %scan3A_271 step %scan3A_272 iter_args(%scan3A_1056 = %scan3A_252#0, %scan3A_1057 = %scan3A_252#1) -> (vector<16xf32>, vector<16xi32>)  : i32 {
        %mul3A_1058 = arith.constant 16 : i32
        %mul3A_1059 = arith.muli %scan3A_1055, %mul3A_1058 : i32
        %get3A = arith.constant 11 : i32
        %get3A_1060 = arith.index_cast %get3A : i32 to index
        %get3A_1061 = arith.index_cast %mul3A_1059 : i32 to index
        %get3A_1062 = tpu.vector_load %arg8[%get3A_1060, %get3A_1061] {strides = array<i32>} : memref<16x128xf32, #tpu.memory_space<vmem>>, vector<16xf32>,
        %mul3A_1063 = arith.constant 128 : i32
        %mul3A_1064 = arith.muli %reduce_max3A_268, %mul3A_1063 : i32
        %mul3A_1065 = arith.constant 16 : i32
        %mul3A_1066 = arith.muli %scan3A_1055, %mul3A_1065 : i32
        %add3A_1067 = arith.addi %mul3A_1064, %mul3A_1066 : i32
        %add3A_1068 = vector.broadcast %add3A_1067 : i32 to vector<16xi32>
        %add3A_1069 = arith.addi %add3A_1068, %iota3A : vector<16xi32>
        %neg3A = arith.constant 0.000000e+00 : f32
        %neg3A_1070 = vector.broadcast %neg3A : f32 to vector<16xf32>
        %neg3A_1071 = arith.subf %neg3A_1070, %get3A_1062 : vector<16xf32>
        %masked_sort3A = arith.constant dense<true> : vector<16xi1>
        %masked_sort3A_1072, %masked_sort3A_1073, %masked_sort3A_1074 = tpu.sort %neg3A_1071, %add3A_1069 masked %masked_sort3A : (vector<16xf32>, vector<16xi32>, vector<16xi1>) -> (vector<16xi1>, vector<16xf32>, vector<16xi32>)
        %neg3A_1075 = arith.constant 0.000000e+00 : f32
        %neg3A_1076 = vector.broadcast %neg3A_1075 : f32 to vector<16xf32>
        %neg3A_1077 = arith.subf %neg3A_1076, %masked_sort3A_1073 : vector<16xf32>
        %rev3A = arith.constant 15 : i32
        %rev3A_1078 = vector.broadcast %rev3A : i32 to vector<16xi32>
        %rev3A_1079 = tpu.iota {dimensions = array<i32: 0>} : vector<16xi32>
        %rev3A_1080 = arith.subi %rev3A_1078, %rev3A_1079 : vector<16xi32>
        %rev3A_1081 = tpu.dynamic_gather %neg3A_1077[%rev3A_1080] in [0] : vector<16xf32>, vector<16xi32> -> vector<16xf32>
        %rev3A_1082 = arith.constant 15 : i32
        %rev3A_1083 = vector.broadcast %rev3A_1082 : i32 to vector<16xi32>
        %rev3A_1084 = tpu.iota {dimensions = array<i32: 0>} : vector<16xi32>
        %rev3A_1085 = arith.subi %rev3A_1083, %rev3A_1084 : vector<16xi32>
        %rev3A_1086 = tpu.dynamic_gather %masked_sort3A_1074[%rev3A_1085] in [0] : vector<16xi32>, vector<16xi32> -> vector<16xi32>
        %ge3A = arith.cmpf oge, %scan3A_1056, %rev3A_1081 : vector<16xf32>
        %select_n3A_1087 = arith.select %ge3A, %scan3A_1056, %rev3A_1081 : vector<16xi1>, vector<16xf32>
        %select_n3A_1088 = arith.select %ge3A, %scan3A_1057, %rev3A_1086 : vector<16xi1>, vector<16xi32>
        %neg3A_1089 = arith.constant 0.000000e+00 : f32
        %neg3A_1090 = vector.broadcast %neg3A_1089 : f32 to vector<16xf32>
        %neg3A_1091 = arith.subf %neg3A_1090, %select_n3A_1087 : vector<16xf32>
        %masked_sort3A_1092 = arith.constant dense<true> : vector<16xi1>
        %masked_sort3A_1093, %masked_sort3A_1094, %masked_sort3A_1095 = tpu.sort %neg3A_1091, %select_n3A_1088 masked %masked_sort3A_1092 : (vector<16xf32>, vector<16xi32>, vector<16xi1>) -> (vector<16xi1>, vector<16xf32>, vector<16xi32>)
        %neg3A_1096 = arith.constant 0.000000e+00 : f32
        %neg3A_1097 = vector.broadcast %neg3A_1096 : f32 to vector<16xf32>
        %neg3A_1098 = arith.subf %neg3A_1097, %masked_sort3A_1094 : vector<16xf32>
        scf.yield %neg3A_1098, %masked_sort3A_1095 : vector<16xf32>, vector<16xi32>
      }
      %scan3A_274 = arith.constant 8 : i32
      %iota3A_275 = tpu.iota {dimensions = array<i32: 0>} : vector<16xi32>
      %eq3A_276 = arith.constant 12 : i32
      %eq3A_277 = vector.broadcast %eq3A_276 : i32 to vector<16xi32>
      %eq3A_278 = arith.cmpi eq, %iota3A_275, %eq3A_277 : vector<16xi32>
      %jit3A_279 = arith.constant -1073741824 : i32
      %broadcast_in_dim3A_280 = vector.broadcast %jit3A_279 : i32 to vector<16xi32>
      %select_n3A_281 = arith.select %eq3A_278, %scan3A_17#1, %broadcast_in_dim3A_280 : vector<16xi1>, vector<16xi32>
      %reduce_max3A_282 = arith.constant true
      %reduce_max3A_283 = vector.broadcast %reduce_max3A_282 : i1 to vector<16xi1>
      %reduce_max3A_284 = arith.constant -2147483648 : i32
      %reduce_max3A_285 = vector.broadcast %reduce_max3A_284 : i32 to vector<16xi32>
      %reduce_max3A_286 = arith.xori %select_n3A_281, %reduce_max3A_285 : vector<16xi32>
      %reduce_max3A_287 = tpu.scan <max>, %reduce_max3A_286 masked %reduce_max3A_283 : vector<16xi32>, vector<16xi1> -> vector<16xi32>
      %reduce_max3A_288 = arith.xori %reduce_max3A_287, %reduce_max3A_285 : vector<16xi32>
      %reduce_max3A_289 = vector.extract %reduce_max3A_288[15] : i32 from vector<16xi32>
      %scan3A_290 = arith.constant 0 : i32
      %scan3A_291 = arith.constant 8 : i32
      %scan3A_292 = arith.addi %scan3A_290, %scan3A_291 : i32
      %scan3A_293 = arith.constant 1 : i32
      %scan3A_294:2 = scf.for %scan3A_1055 = %scan3A_290 to %scan3A_292 step %scan3A_293 iter_args(%scan3A_1056 = %scan3A_273#0, %scan3A_1057 = %scan3A_273#1) -> (vector<16xf32>, vector<16xi32>)  : i32 {
        %mul3A_1058 = arith.constant 16 : i32
        %mul3A_1059 = arith.muli %scan3A_1055, %mul3A_1058 : i32
        %get3A = arith.constant 12 : i32
        %get3A_1060 = arith.index_cast %get3A : i32 to index
        %get3A_1061 = arith.index_cast %mul3A_1059 : i32 to index
        %get3A_1062 = tpu.vector_load %arg8[%get3A_1060, %get3A_1061] {strides = array<i32>} : memref<16x128xf32, #tpu.memory_space<vmem>>, vector<16xf32>,
        %mul3A_1063 = arith.constant 128 : i32
        %mul3A_1064 = arith.muli %reduce_max3A_289, %mul3A_1063 : i32
        %mul3A_1065 = arith.constant 16 : i32
        %mul3A_1066 = arith.muli %scan3A_1055, %mul3A_1065 : i32
        %add3A_1067 = arith.addi %mul3A_1064, %mul3A_1066 : i32
        %add3A_1068 = vector.broadcast %add3A_1067 : i32 to vector<16xi32>
        %add3A_1069 = arith.addi %add3A_1068, %iota3A : vector<16xi32>
        %neg3A = arith.constant 0.000000e+00 : f32
        %neg3A_1070 = vector.broadcast %neg3A : f32 to vector<16xf32>
        %neg3A_1071 = arith.subf %neg3A_1070, %get3A_1062 : vector<16xf32>
        %masked_sort3A = arith.constant dense<true> : vector<16xi1>
        %masked_sort3A_1072, %masked_sort3A_1073, %masked_sort3A_1074 = tpu.sort %neg3A_1071, %add3A_1069 masked %masked_sort3A : (vector<16xf32>, vector<16xi32>, vector<16xi1>) -> (vector<16xi1>, vector<16xf32>, vector<16xi32>)
        %neg3A_1075 = arith.constant 0.000000e+00 : f32
        %neg3A_1076 = vector.broadcast %neg3A_1075 : f32 to vector<16xf32>
        %neg3A_1077 = arith.subf %neg3A_1076, %masked_sort3A_1073 : vector<16xf32>
        %rev3A = arith.constant 15 : i32
        %rev3A_1078 = vector.broadcast %rev3A : i32 to vector<16xi32>
        %rev3A_1079 = tpu.iota {dimensions = array<i32: 0>} : vector<16xi32>
        %rev3A_1080 = arith.subi %rev3A_1078, %rev3A_1079 : vector<16xi32>
        %rev3A_1081 = tpu.dynamic_gather %neg3A_1077[%rev3A_1080] in [0] : vector<16xf32>, vector<16xi32> -> vector<16xf32>
        %rev3A_1082 = arith.constant 15 : i32
        %rev3A_1083 = vector.broadcast %rev3A_1082 : i32 to vector<16xi32>
        %rev3A_1084 = tpu.iota {dimensions = array<i32: 0>} : vector<16xi32>
        %rev3A_1085 = arith.subi %rev3A_1083, %rev3A_1084 : vector<16xi32>
        %rev3A_1086 = tpu.dynamic_gather %masked_sort3A_1074[%rev3A_1085] in [0] : vector<16xi32>, vector<16xi32> -> vector<16xi32>
        %ge3A = arith.cmpf oge, %scan3A_1056, %rev3A_1081 : vector<16xf32>
        %select_n3A_1087 = arith.select %ge3A, %scan3A_1056, %rev3A_1081 : vector<16xi1>, vector<16xf32>
        %select_n3A_1088 = arith.select %ge3A, %scan3A_1057, %rev3A_1086 : vector<16xi1>, vector<16xi32>
        %neg3A_1089 = arith.constant 0.000000e+00 : f32
        %neg3A_1090 = vector.broadcast %neg3A_1089 : f32 to vector<16xf32>
        %neg3A_1091 = arith.subf %neg3A_1090, %select_n3A_1087 : vector<16xf32>
        %masked_sort3A_1092 = arith.constant dense<true> : vector<16xi1>
        %masked_sort3A_1093, %masked_sort3A_1094, %masked_sort3A_1095 = tpu.sort %neg3A_1091, %select_n3A_1088 masked %masked_sort3A_1092 : (vector<16xf32>, vector<16xi32>, vector<16xi1>) -> (vector<16xi1>, vector<16xf32>, vector<16xi32>)
        %neg3A_1096 = arith.constant 0.000000e+00 : f32
        %neg3A_1097 = vector.broadcast %neg3A_1096 : f32 to vector<16xf32>
        %neg3A_1098 = arith.subf %neg3A_1097, %masked_sort3A_1094 : vector<16xf32>
        scf.yield %neg3A_1098, %masked_sort3A_1095 : vector<16xf32>, vector<16xi32>
      }
      %scan3A_295 = arith.constant 8 : i32
      %iota3A_296 = tpu.iota {dimensions = array<i32: 0>} : vector<16xi32>
      %eq3A_297 = arith.constant 13 : i32
      %eq3A_298 = vector.broadcast %eq3A_297 : i32 to vector<16xi32>
      %eq3A_299 = arith.cmpi eq, %iota3A_296, %eq3A_298 : vector<16xi32>
      %jit3A_300 = arith.constant -1073741824 : i32
      %broadcast_in_dim3A_301 = vector.broadcast %jit3A_300 : i32 to vector<16xi32>
      %select_n3A_302 = arith.select %eq3A_299, %scan3A_17#1, %broadcast_in_dim3A_301 : vector<16xi1>, vector<16xi32>
      %reduce_max3A_303 = arith.constant true
      %reduce_max3A_304 = vector.broadcast %reduce_max3A_303 : i1 to vector<16xi1>
      %reduce_max3A_305 = arith.constant -2147483648 : i32
      %reduce_max3A_306 = vector.broadcast %reduce_max3A_305 : i32 to vector<16xi32>
      %reduce_max3A_307 = arith.xori %select_n3A_302, %reduce_max3A_306 : vector<16xi32>
      %reduce_max3A_308 = tpu.scan <max>, %reduce_max3A_307 masked %reduce_max3A_304 : vector<16xi32>, vector<16xi1> -> vector<16xi32>
      %reduce_max3A_309 = arith.xori %reduce_max3A_308, %reduce_max3A_306 : vector<16xi32>
      %reduce_max3A_310 = vector.extract %reduce_max3A_309[15] : i32 from vector<16xi32>
      %scan3A_311 = arith.constant 0 : i32
      %scan3A_312 = arith.constant 8 : i32
      %scan3A_313 = arith.addi %scan3A_311, %scan3A_312 : i32
      %scan3A_314 = arith.constant 1 : i32
      %scan3A_315:2 = scf.for %scan3A_1055 = %scan3A_311 to %scan3A_313 step %scan3A_314 iter_args(%scan3A_1056 = %scan3A_294#0, %scan3A_1057 = %scan3A_294#1) -> (vector<16xf32>, vector<16xi32>)  : i32 {
        %mul3A_1058 = arith.constant 16 : i32
        %mul3A_1059 = arith.muli %scan3A_1055, %mul3A_1058 : i32
        %get3A = arith.constant 13 : i32
        %get3A_1060 = arith.index_cast %get3A : i32 to index
        %get3A_1061 = arith.index_cast %mul3A_1059 : i32 to index
        %get3A_1062 = tpu.vector_load %arg8[%get3A_1060, %get3A_1061] {strides = array<i32>} : memref<16x128xf32, #tpu.memory_space<vmem>>, vector<16xf32>,
        %mul3A_1063 = arith.constant 128 : i32
        %mul3A_1064 = arith.muli %reduce_max3A_310, %mul3A_1063 : i32
        %mul3A_1065 = arith.constant 16 : i32
        %mul3A_1066 = arith.muli %scan3A_1055, %mul3A_1065 : i32
        %add3A_1067 = arith.addi %mul3A_1064, %mul3A_1066 : i32
        %add3A_1068 = vector.broadcast %add3A_1067 : i32 to vector<16xi32>
        %add3A_1069 = arith.addi %add3A_1068, %iota3A : vector<16xi32>
        %neg3A = arith.constant 0.000000e+00 : f32
        %neg3A_1070 = vector.broadcast %neg3A : f32 to vector<16xf32>
        %neg3A_1071 = arith.subf %neg3A_1070, %get3A_1062 : vector<16xf32>
        %masked_sort3A = arith.constant dense<true> : vector<16xi1>
        %masked_sort3A_1072, %masked_sort3A_1073, %masked_sort3A_1074 = tpu.sort %neg3A_1071, %add3A_1069 masked %masked_sort3A : (vector<16xf32>, vector<16xi32>, vector<16xi1>) -> (vector<16xi1>, vector<16xf32>, vector<16xi32>)
        %neg3A_1075 = arith.constant 0.000000e+00 : f32
        %neg3A_1076 = vector.broadcast %neg3A_1075 : f32 to vector<16xf32>
        %neg3A_1077 = arith.subf %neg3A_1076, %masked_sort3A_1073 : vector<16xf32>
        %rev3A = arith.constant 15 : i32
        %rev3A_1078 = vector.broadcast %rev3A : i32 to vector<16xi32>
        %rev3A_1079 = tpu.iota {dimensions = array<i32: 0>} : vector<16xi32>
        %rev3A_1080 = arith.subi %rev3A_1078, %rev3A_1079 : vector<16xi32>
        %rev3A_1081 = tpu.dynamic_gather %neg3A_1077[%rev3A_1080] in [0] : vector<16xf32>, vector<16xi32> -> vector<16xf32>
        %rev3A_1082 = arith.constant 15 : i32
        %rev3A_1083 = vector.broadcast %rev3A_1082 : i32 to vector<16xi32>
        %rev3A_1084 = tpu.iota {dimensions = array<i32: 0>} : vector<16xi32>
        %rev3A_1085 = arith.subi %rev3A_1083, %rev3A_1084 : vector<16xi32>
        %rev3A_1086 = tpu.dynamic_gather %masked_sort3A_1074[%rev3A_1085] in [0] : vector<16xi32>, vector<16xi32> -> vector<16xi32>
        %ge3A = arith.cmpf oge, %scan3A_1056, %rev3A_1081 : vector<16xf32>
        %select_n3A_1087 = arith.select %ge3A, %scan3A_1056, %rev3A_1081 : vector<16xi1>, vector<16xf32>
        %select_n3A_1088 = arith.select %ge3A, %scan3A_1057, %rev3A_1086 : vector<16xi1>, vector<16xi32>
        %neg3A_1089 = arith.constant 0.000000e+00 : f32
        %neg3A_1090 = vector.broadcast %neg3A_1089 : f32 to vector<16xf32>
        %neg3A_1091 = arith.subf %neg3A_1090, %select_n3A_1087 : vector<16xf32>
        %masked_sort3A_1092 = arith.constant dense<true> : vector<16xi1>
        %masked_sort3A_1093, %masked_sort3A_1094, %masked_sort3A_1095 = tpu.sort %neg3A_1091, %select_n3A_1088 masked %masked_sort3A_1092 : (vector<16xf32>, vector<16xi32>, vector<16xi1>) -> (vector<16xi1>, vector<16xf32>, vector<16xi32>)
        %neg3A_1096 = arith.constant 0.000000e+00 : f32
        %neg3A_1097 = vector.broadcast %neg3A_1096 : f32 to vector<16xf32>
        %neg3A_1098 = arith.subf %neg3A_1097, %masked_sort3A_1094 : vector<16xf32>
        scf.yield %neg3A_1098, %masked_sort3A_1095 : vector<16xf32>, vector<16xi32>
      }
      %scan3A_316 = arith.constant 8 : i32
      %iota3A_317 = tpu.iota {dimensions = array<i32: 0>} : vector<16xi32>
      %eq3A_318 = arith.constant 14 : i32
      %eq3A_319 = vector.broadcast %eq3A_318 : i32 to vector<16xi32>
      %eq3A_320 = arith.cmpi eq, %iota3A_317, %eq3A_319 : vector<16xi32>
      %jit3A_321 = arith.constant -1073741824 : i32
      %broadcast_in_dim3A_322 = vector.broadcast %jit3A_321 : i32 to vector<16xi32>
      %select_n3A_323 = arith.select %eq3A_320, %scan3A_17#1, %broadcast_in_dim3A_322 : vector<16xi1>, vector<16xi32>
      %reduce_max3A_324 = arith.constant true
      %reduce_max3A_325 = vector.broadcast %reduce_max3A_324 : i1 to vector<16xi1>
      %reduce_max3A_326 = arith.constant -2147483648 : i32
      %reduce_max3A_327 = vector.broadcast %reduce_max3A_326 : i32 to vector<16xi32>
      %reduce_max3A_328 = arith.xori %select_n3A_323, %reduce_max3A_327 : vector<16xi32>
      %reduce_max3A_329 = tpu.scan <max>, %reduce_max3A_328 masked %reduce_max3A_325 : vector<16xi32>, vector<16xi1> -> vector<16xi32>
      %reduce_max3A_330 = arith.xori %reduce_max3A_329, %reduce_max3A_327 : vector<16xi32>
      %reduce_max3A_331 = vector.extract %reduce_max3A_330[15] : i32 from vector<16xi32>
      %scan3A_332 = arith.constant 0 : i32
      %scan3A_333 = arith.constant 8 : i32
      %scan3A_334 = arith.addi %scan3A_332, %scan3A_333 : i32
      %scan3A_335 = arith.constant 1 : i32
      %scan3A_336:2 = scf.for %scan3A_1055 = %scan3A_332 to %scan3A_334 step %scan3A_335 iter_args(%scan3A_1056 = %scan3A_315#0, %scan3A_1057 = %scan3A_315#1) -> (vector<16xf32>, vector<16xi32>)  : i32 {
        %mul3A_1058 = arith.constant 16 : i32
        %mul3A_1059 = arith.muli %scan3A_1055, %mul3A_1058 : i32
        %get3A = arith.constant 14 : i32
        %get3A_1060 = arith.index_cast %get3A : i32 to index
        %get3A_1061 = arith.index_cast %mul3A_1059 : i32 to index
        %get3A_1062 = tpu.vector_load %arg8[%get3A_1060, %get3A_1061] {strides = array<i32>} : memref<16x128xf32, #tpu.memory_space<vmem>>, vector<16xf32>,
        %mul3A_1063 = arith.constant 128 : i32
        %mul3A_1064 = arith.muli %reduce_max3A_331, %mul3A_1063 : i32
        %mul3A_1065 = arith.constant 16 : i32
        %mul3A_1066 = arith.muli %scan3A_1055, %mul3A_1065 : i32
        %add3A_1067 = arith.addi %mul3A_1064, %mul3A_1066 : i32
        %add3A_1068 = vector.broadcast %add3A_1067 : i32 to vector<16xi32>
        %add3A_1069 = arith.addi %add3A_1068, %iota3A : vector<16xi32>
        %neg3A = arith.constant 0.000000e+00 : f32
        %neg3A_1070 = vector.broadcast %neg3A : f32 to vector<16xf32>
        %neg3A_1071 = arith.subf %neg3A_1070, %get3A_1062 : vector<16xf32>
        %masked_sort3A = arith.constant dense<true> : vector<16xi1>
        %masked_sort3A_1072, %masked_sort3A_1073, %masked_sort3A_1074 = tpu.sort %neg3A_1071, %add3A_1069 masked %masked_sort3A : (vector<16xf32>, vector<16xi32>, vector<16xi1>) -> (vector<16xi1>, vector<16xf32>, vector<16xi32>)
        %neg3A_1075 = arith.constant 0.000000e+00 : f32
        %neg3A_1076 = vector.broadcast %neg3A_1075 : f32 to vector<16xf32>
        %neg3A_1077 = arith.subf %neg3A_1076, %masked_sort3A_1073 : vector<16xf32>
        %rev3A = arith.constant 15 : i32
        %rev3A_1078 = vector.broadcast %rev3A : i32 to vector<16xi32>
        %rev3A_1079 = tpu.iota {dimensions = array<i32: 0>} : vector<16xi32>
        %rev3A_1080 = arith.subi %rev3A_1078, %rev3A_1079 : vector<16xi32>
        %rev3A_1081 = tpu.dynamic_gather %neg3A_1077[%rev3A_1080] in [0] : vector<16xf32>, vector<16xi32> -> vector<16xf32>
        %rev3A_1082 = arith.constant 15 : i32
        %rev3A_1083 = vector.broadcast %rev3A_1082 : i32 to vector<16xi32>
        %rev3A_1084 = tpu.iota {dimensions = array<i32: 0>} : vector<16xi32>
        %rev3A_1085 = arith.subi %rev3A_1083, %rev3A_1084 : vector<16xi32>
        %rev3A_1086 = tpu.dynamic_gather %masked_sort3A_1074[%rev3A_1085] in [0] : vector<16xi32>, vector<16xi32> -> vector<16xi32>
        %ge3A = arith.cmpf oge, %scan3A_1056, %rev3A_1081 : vector<16xf32>
        %select_n3A_1087 = arith.select %ge3A, %scan3A_1056, %rev3A_1081 : vector<16xi1>, vector<16xf32>
        %select_n3A_1088 = arith.select %ge3A, %scan3A_1057, %rev3A_1086 : vector<16xi1>, vector<16xi32>
        %neg3A_1089 = arith.constant 0.000000e+00 : f32
        %neg3A_1090 = vector.broadcast %neg3A_1089 : f32 to vector<16xf32>
        %neg3A_1091 = arith.subf %neg3A_1090, %select_n3A_1087 : vector<16xf32>
        %masked_sort3A_1092 = arith.constant dense<true> : vector<16xi1>
        %masked_sort3A_1093, %masked_sort3A_1094, %masked_sort3A_1095 = tpu.sort %neg3A_1091, %select_n3A_1088 masked %masked_sort3A_1092 : (vector<16xf32>, vector<16xi32>, vector<16xi1>) -> (vector<16xi1>, vector<16xf32>, vector<16xi32>)
        %neg3A_1096 = arith.constant 0.000000e+00 : f32
        %neg3A_1097 = vector.broadcast %neg3A_1096 : f32 to vector<16xf32>
        %neg3A_1098 = arith.subf %neg3A_1097, %masked_sort3A_1094 : vector<16xf32>
        scf.yield %neg3A_1098, %masked_sort3A_1095 : vector<16xf32>, vector<16xi32>
      }
      %scan3A_337 = arith.constant 8 : i32
      %iota3A_338 = tpu.iota {dimensions = array<i32: 0>} : vector<16xi32>
      %eq3A_339 = arith.constant 15 : i32
      %eq3A_340 = vector.broadcast %eq3A_339 : i32 to vector<16xi32>
      %eq3A_341 = arith.cmpi eq, %iota3A_338, %eq3A_340 : vector<16xi32>
      %jit3A_342 = arith.constant -1073741824 : i32
      %broadcast_in_dim3A_343 = vector.broadcast %jit3A_342 : i32 to vector<16xi32>
      %select_n3A_344 = arith.select %eq3A_341, %scan3A_17#1, %broadcast_in_dim3A_343 : vector<16xi1>, vector<16xi32>
      %reduce_max3A_345 = arith.constant true
      %reduce_max3A_346 = vector.broadcast %reduce_max3A_345 : i1 to vector<16xi1>
      %reduce_max3A_347 = arith.constant -2147483648 : i32
      %reduce_max3A_348 = vector.broadcast %reduce_max3A_347 : i32 to vector<16xi32>
      %reduce_max3A_349 = arith.xori %select_n3A_344, %reduce_max3A_348 : vector<16xi32>
      %reduce_max3A_350 = tpu.scan <max>, %reduce_max3A_349 masked %reduce_max3A_346 : vector<16xi32>, vector<16xi1> -> vector<16xi32>
      %reduce_max3A_351 = arith.xori %reduce_max3A_350, %reduce_max3A_348 : vector<16xi32>
      %reduce_max3A_352 = vector.extract %reduce_max3A_351[15] : i32 from vector<16xi32>
      %scan3A_353 = arith.constant 0 : i32
      %scan3A_354 = arith.constant 8 : i32
      %scan3A_355 = arith.addi %scan3A_353, %scan3A_354 : i32
      %scan3A_356 = arith.constant 1 : i32
      %scan3A_357:2 = scf.for %scan3A_1055 = %scan3A_353 to %scan3A_355 step %scan3A_356 iter_args(%scan3A_1056 = %scan3A_336#0, %scan3A_1057 = %scan3A_336#1) -> (vector<16xf32>, vector<16xi32>)  : i32 {
        %mul3A_1058 = arith.constant 16 : i32
        %mul3A_1059 = arith.muli %scan3A_1055, %mul3A_1058 : i32
        %get3A = arith.constant 15 : i32
        %get3A_1060 = arith.index_cast %get3A : i32 to index
        %get3A_1061 = arith.index_cast %mul3A_1059 : i32 to index
        %get3A_1062 = tpu.vector_load %arg8[%get3A_1060, %get3A_1061] {strides = array<i32>} : memref<16x128xf32, #tpu.memory_space<vmem>>, vector<16xf32>,
        %mul3A_1063 = arith.constant 128 : i32
        %mul3A_1064 = arith.muli %reduce_max3A_352, %mul3A_1063 : i32
        %mul3A_1065 = arith.constant 16 : i32
        %mul3A_1066 = arith.muli %scan3A_1055, %mul3A_1065 : i32
        %add3A_1067 = arith.addi %mul3A_1064, %mul3A_1066 : i32
        %add3A_1068 = vector.broadcast %add3A_1067 : i32 to vector<16xi32>
        %add3A_1069 = arith.addi %add3A_1068, %iota3A : vector<16xi32>
        %neg3A = arith.constant 0.000000e+00 : f32
        %neg3A_1070 = vector.broadcast %neg3A : f32 to vector<16xf32>
        %neg3A_1071 = arith.subf %neg3A_1070, %get3A_1062 : vector<16xf32>
        %masked_sort3A = arith.constant dense<true> : vector<16xi1>
        %masked_sort3A_1072, %masked_sort3A_1073, %masked_sort3A_1074 = tpu.sort %neg3A_1071, %add3A_1069 masked %masked_sort3A : (vector<16xf32>, vector<16xi32>, vector<16xi1>) -> (vector<16xi1>, vector<16xf32>, vector<16xi32>)
        %neg3A_1075 = arith.constant 0.000000e+00 : f32
        %neg3A_1076 = vector.broadcast %neg3A_1075 : f32 to vector<16xf32>
        %neg3A_1077 = arith.subf %neg3A_1076, %masked_sort3A_1073 : vector<16xf32>
        %rev3A = arith.constant 15 : i32
        %rev3A_1078 = vector.broadcast %rev3A : i32 to vector<16xi32>
        %rev3A_1079 = tpu.iota {dimensions = array<i32: 0>} : vector<16xi32>
        %rev3A_1080 = arith.subi %rev3A_1078, %rev3A_1079 : vector<16xi32>
        %rev3A_1081 = tpu.dynamic_gather %neg3A_1077[%rev3A_1080] in [0] : vector<16xf32>, vector<16xi32> -> vector<16xf32>
        %rev3A_1082 = arith.constant 15 : i32
        %rev3A_1083 = vector.broadcast %rev3A_1082 : i32 to vector<16xi32>
        %rev3A_1084 = tpu.iota {dimensions = array<i32: 0>} : vector<16xi32>
        %rev3A_1085 = arith.subi %rev3A_1083, %rev3A_1084 : vector<16xi32>
        %rev3A_1086 = tpu.dynamic_gather %masked_sort3A_1074[%rev3A_1085] in [0] : vector<16xi32>, vector<16xi32> -> vector<16xi32>
        %ge3A = arith.cmpf oge, %scan3A_1056, %rev3A_1081 : vector<16xf32>
        %select_n3A_1087 = arith.select %ge3A, %scan3A_1056, %rev3A_1081 : vector<16xi1>, vector<16xf32>
        %select_n3A_1088 = arith.select %ge3A, %scan3A_1057, %rev3A_1086 : vector<16xi1>, vector<16xi32>
        %neg3A_1089 = arith.constant 0.000000e+00 : f32
        %neg3A_1090 = vector.broadcast %neg3A_1089 : f32 to vector<16xf32>
        %neg3A_1091 = arith.subf %neg3A_1090, %select_n3A_1087 : vector<16xf32>
        %masked_sort3A_1092 = arith.constant dense<true> : vector<16xi1>
        %masked_sort3A_1093, %masked_sort3A_1094, %masked_sort3A_1095 = tpu.sort %neg3A_1091, %select_n3A_1088 masked %masked_sort3A_1092 : (vector<16xf32>, vector<16xi32>, vector<16xi1>) -> (vector<16xi1>, vector<16xf32>, vector<16xi32>)
        %neg3A_1096 = arith.constant 0.000000e+00 : f32
        %neg3A_1097 = vector.broadcast %neg3A_1096 : f32 to vector<16xf32>
        %neg3A_1098 = arith.subf %neg3A_1097, %masked_sort3A_1094 : vector<16xf32>
        scf.yield %neg3A_1098, %masked_sort3A_1095 : vector<16xf32>, vector<16xi32>
      }
      %scan3A_358 = arith.constant 8 : i32
      %lt3A = arith.constant 10 : i32
      %lt3A_359 = vector.broadcast %lt3A : i32 to vector<16xi32>
      %lt3A_360 = arith.cmpi slt, %iota3A, %lt3A_359 : vector<16xi32>
      %reduce_max3A_361 = arith.constant true
      %reduce_max3A_362 = vector.broadcast %reduce_max3A_361 : i1 to vector<16xi1>
      %reduce_max3A_363 = tpu.scan <max>, %scan3A_357#0 masked %reduce_max3A_362 : vector<16xf32>, vector<16xi1> -> vector<16xf32>
      %reduce_max3A_364 = vector.extract %reduce_max3A_363[15] : f32 from vector<16xf32>
      %sub3A = vector.broadcast %reduce_max3A_364 : f32 to vector<16xf32>
      %sub3A_365 = arith.subf %scan3A_357#0, %sub3A : vector<16xf32>
      %div3A = arith.constant 7.000000e-02 : f32
      %div3A_366 = vector.broadcast %div3A : f32 to vector<16xf32>
      %div3A_367 = arith.divf %sub3A_365, %div3A_366 : vector<16xf32>
      %exp3A = math.exp %div3A_367 : vector<16xf32>
      %jit3A_368 = arith.constant 0.000000e+00 : f32
      %broadcast_in_dim3A_369 = vector.broadcast %jit3A_368 : f32 to vector<16xf32>
      %select_n3A_370 = arith.select %lt3A_360, %exp3A, %broadcast_in_dim3A_369 : vector<16xi1>, vector<16xf32>
      %reduce_sum3A = arith.constant true
      %reduce_sum3A_371 = vector.broadcast %reduce_sum3A : i1 to vector<16xi1>
      %reduce_sum3A_372 = tpu.scan <sum>, %select_n3A_370 masked %reduce_sum3A_371 : vector<16xf32>, vector<16xi1> -> vector<16xf32>
      %reduce_sum3A_373 = vector.extract %reduce_sum3A_372[15] : f32 from vector<16xf32>
      %div3A_374 = vector.broadcast %reduce_sum3A_373 : f32 to vector<16xf32>
      %div3A_375 = arith.divf %select_n3A_370, %div3A_374 : vector<16xf32>
      %max3A = arith.constant 0 : i32
      %max3A_376 = vector.broadcast %max3A : i32 to vector<16xi32>
      %max3A_377 = arith.maxsi %scan3A_357#1, %max3A_376 : vector<16xi32>
      %min3A = arith.constant 99999 : i32
      %min3A_378 = vector.broadcast %min3A : i32 to vector<16xi32>
      %min3A_379 = arith.minsi %max3A_377, %min3A_378 : vector<16xi32>
      %gather3A = tpu.vector_load_idx %arg6[%min3A_379] : memref<100352xi32, #tpu.memory_space<vmem>>[vector<16xi32>], vector<16xi32>,
      %broadcast_in_dim3A_380 = arith.constant 0.000000e+00 : f32
      %broadcast_in_dim3A_381 = vector.broadcast %broadcast_in_dim3A_380 : f32 to vector<16xf32>
      %broadcast_in_dim3A_382 = arith.constant 0.000000e+00 : f32
      %broadcast_in_dim3A_383 = vector.broadcast %broadcast_in_dim3A_382 : f32 to vector<16xf32>
      %broadcast_in_dim3A_384 = arith.constant 0.000000e+00 : f32
      %broadcast_in_dim3A_385 = vector.broadcast %broadcast_in_dim3A_384 : f32 to vector<16xf32>
      %broadcast_in_dim3A_386 = arith.constant 0.000000e+00 : f32
      %broadcast_in_dim3A_387 = vector.broadcast %broadcast_in_dim3A_386 : f32 to vector<16xf32>
      %iota3A_388 = tpu.iota {dimensions = array<i32: 0>} : vector<16xi32>
      %eq3A_389 = arith.constant 0 : i32
      %eq3A_390 = vector.broadcast %eq3A_389 : i32 to vector<16xi32>
      %eq3A_391 = arith.cmpi eq, %iota3A_388, %eq3A_390 : vector<16xi32>
      %jit3A_392 = arith.constant -3.000000e+38 : f32
      %broadcast_in_dim3A_393 = vector.broadcast %jit3A_392 : f32 to vector<16xf32>
      %select_n3A_394 = arith.select %eq3A_391, %div3A_375, %broadcast_in_dim3A_393 : vector<16xi1>, vector<16xf32>
      %reduce_max3A_395 = arith.constant true
      %reduce_max3A_396 = vector.broadcast %reduce_max3A_395 : i1 to vector<16xi1>
      %reduce_max3A_397 = tpu.scan <max>, %select_n3A_394 masked %reduce_max3A_396 : vector<16xf32>, vector<16xi1> -> vector<16xf32>
      %reduce_max3A_398 = vector.extract %reduce_max3A_397[15] : f32 from vector<16xf32>
      %iota3A_399 = tpu.iota {dimensions = array<i32: 0>} : vector<16xi32>
      %eq3A_400 = arith.constant 0 : i32
      %eq3A_401 = vector.broadcast %eq3A_400 : i32 to vector<16xi32>
      %eq3A_402 = arith.cmpi eq, %iota3A_399, %eq3A_401 : vector<16xi32>
      %jit3A_403 = arith.constant -1073741824 : i32
      %broadcast_in_dim3A_404 = vector.broadcast %jit3A_403 : i32 to vector<16xi32>
      %select_n3A_405 = arith.select %eq3A_402, %gather3A, %broadcast_in_dim3A_404 : vector<16xi1>, vector<16xi32>
      %reduce_max3A_406 = arith.constant true
      %reduce_max3A_407 = vector.broadcast %reduce_max3A_406 : i1 to vector<16xi1>
      %reduce_max3A_408 = arith.constant -2147483648 : i32
      %reduce_max3A_409 = vector.broadcast %reduce_max3A_408 : i32 to vector<16xi32>
      %reduce_max3A_410 = arith.xori %select_n3A_405, %reduce_max3A_409 : vector<16xi32>
      %reduce_max3A_411 = tpu.scan <max>, %reduce_max3A_410 masked %reduce_max3A_407 : vector<16xi32>, vector<16xi1> -> vector<16xi32>
      %reduce_max3A_412 = arith.xori %reduce_max3A_411, %reduce_max3A_409 : vector<16xi32>
      %reduce_max3A_413 = vector.extract %reduce_max3A_412[15] : i32 from vector<16xi32>
      %add3A_414 = arith.constant 0 : i32
      %add3A_415 = vector.broadcast %add3A_414 : i32 to vector<16xi32>
      %add3A_416 = arith.addi %iota3A, %add3A_415 : vector<16xi32>
      %eq3A_417 = vector.broadcast %reduce_max3A_413 : i32 to vector<16xi32>
      %eq3A_418 = arith.cmpi eq, %add3A_416, %eq3A_417 : vector<16xi32>
      %jit3A_419 = arith.constant 0.000000e+00 : f32
      %broadcast_in_dim3A_420 = vector.broadcast %reduce_max3A_398 : f32 to vector<16xf32>
      %broadcast_in_dim3A_421 = vector.broadcast %jit3A_419 : f32 to vector<16xf32>
      %select_n3A_422 = arith.select %eq3A_418, %broadcast_in_dim3A_420, %broadcast_in_dim3A_421 : vector<16xi1>, vector<16xf32>
      %add3A_423 = arith.addf %broadcast_in_dim3A_381, %select_n3A_422 : vector<16xf32>
      %add3A_424 = arith.constant 16 : i32
      %add3A_425 = vector.broadcast %add3A_424 : i32 to vector<16xi32>
      %add3A_426 = arith.addi %iota3A, %add3A_425 : vector<16xi32>
      %eq3A_427 = vector.broadcast %reduce_max3A_413 : i32 to vector<16xi32>
      %eq3A_428 = arith.cmpi eq, %add3A_426, %eq3A_427 : vector<16xi32>
      %jit3A_429 = arith.constant 0.000000e+00 : f32
      %broadcast_in_dim3A_430 = vector.broadcast %reduce_max3A_398 : f32 to vector<16xf32>
      %broadcast_in_dim3A_431 = vector.broadcast %jit3A_429 : f32 to vector<16xf32>
      %select_n3A_432 = arith.select %eq3A_428, %broadcast_in_dim3A_430, %broadcast_in_dim3A_431 : vector<16xi1>, vector<16xf32>
      %add3A_433 = arith.addf %broadcast_in_dim3A_383, %select_n3A_432 : vector<16xf32>
      %add3A_434 = arith.constant 32 : i32
      %add3A_435 = vector.broadcast %add3A_434 : i32 to vector<16xi32>
      %add3A_436 = arith.addi %iota3A, %add3A_435 : vector<16xi32>
      %eq3A_437 = vector.broadcast %reduce_max3A_413 : i32 to vector<16xi32>
      %eq3A_438 = arith.cmpi eq, %add3A_436, %eq3A_437 : vector<16xi32>
      %jit3A_439 = arith.constant 0.000000e+00 : f32
      %broadcast_in_dim3A_440 = vector.broadcast %reduce_max3A_398 : f32 to vector<16xf32>
      %broadcast_in_dim3A_441 = vector.broadcast %jit3A_439 : f32 to vector<16xf32>
      %select_n3A_442 = arith.select %eq3A_438, %broadcast_in_dim3A_440, %broadcast_in_dim3A_441 : vector<16xi1>, vector<16xf32>
      %add3A_443 = arith.addf %broadcast_in_dim3A_385, %select_n3A_442 : vector<16xf32>
      %add3A_444 = arith.constant 48 : i32
      %add3A_445 = vector.broadcast %add3A_444 : i32 to vector<16xi32>
      %add3A_446 = arith.addi %iota3A, %add3A_445 : vector<16xi32>
      %eq3A_447 = vector.broadcast %reduce_max3A_413 : i32 to vector<16xi32>
      %eq3A_448 = arith.cmpi eq, %add3A_446, %eq3A_447 : vector<16xi32>
      %jit3A_449 = arith.constant 0.000000e+00 : f32
      %broadcast_in_dim3A_450 = vector.broadcast %reduce_max3A_398 : f32 to vector<16xf32>
      %broadcast_in_dim3A_451 = vector.broadcast %jit3A_449 : f32 to vector<16xf32>
      %select_n3A_452 = arith.select %eq3A_448, %broadcast_in_dim3A_450, %broadcast_in_dim3A_451 : vector<16xi1>, vector<16xf32>
      %add3A_453 = arith.addf %broadcast_in_dim3A_387, %select_n3A_452 : vector<16xf32>
      %iota3A_454 = tpu.iota {dimensions = array<i32: 0>} : vector<16xi32>
      %eq3A_455 = arith.constant 1 : i32
      %eq3A_456 = vector.broadcast %eq3A_455 : i32 to vector<16xi32>
      %eq3A_457 = arith.cmpi eq, %iota3A_454, %eq3A_456 : vector<16xi32>
      %jit3A_458 = arith.constant -3.000000e+38 : f32
      %broadcast_in_dim3A_459 = vector.broadcast %jit3A_458 : f32 to vector<16xf32>
      %select_n3A_460 = arith.select %eq3A_457, %div3A_375, %broadcast_in_dim3A_459 : vector<16xi1>, vector<16xf32>
      %reduce_max3A_461 = arith.constant true
      %reduce_max3A_462 = vector.broadcast %reduce_max3A_461 : i1 to vector<16xi1>
      %reduce_max3A_463 = tpu.scan <max>, %select_n3A_460 masked %reduce_max3A_462 : vector<16xf32>, vector<16xi1> -> vector<16xf32>
      %reduce_max3A_464 = vector.extract %reduce_max3A_463[15] : f32 from vector<16xf32>
      %iota3A_465 = tpu.iota {dimensions = array<i32: 0>} : vector<16xi32>
      %eq3A_466 = arith.constant 1 : i32
      %eq3A_467 = vector.broadcast %eq3A_466 : i32 to vector<16xi32>
      %eq3A_468 = arith.cmpi eq, %iota3A_465, %eq3A_467 : vector<16xi32>
      %jit3A_469 = arith.constant -1073741824 : i32
      %broadcast_in_dim3A_470 = vector.broadcast %jit3A_469 : i32 to vector<16xi32>
      %select_n3A_471 = arith.select %eq3A_468, %gather3A, %broadcast_in_dim3A_470 : vector<16xi1>, vector<16xi32>
      %reduce_max3A_472 = arith.constant true
      %reduce_max3A_473 = vector.broadcast %reduce_max3A_472 : i1 to vector<16xi1>
      %reduce_max3A_474 = arith.constant -2147483648 : i32
      %reduce_max3A_475 = vector.broadcast %reduce_max3A_474 : i32 to vector<16xi32>
      %reduce_max3A_476 = arith.xori %select_n3A_471, %reduce_max3A_475 : vector<16xi32>
      %reduce_max3A_477 = tpu.scan <max>, %reduce_max3A_476 masked %reduce_max3A_473 : vector<16xi32>, vector<16xi1> -> vector<16xi32>
      %reduce_max3A_478 = arith.xori %reduce_max3A_477, %reduce_max3A_475 : vector<16xi32>
      %reduce_max3A_479 = vector.extract %reduce_max3A_478[15] : i32 from vector<16xi32>
      %add3A_480 = arith.constant 0 : i32
      %add3A_481 = vector.broadcast %add3A_480 : i32 to vector<16xi32>
      %add3A_482 = arith.addi %iota3A, %add3A_481 : vector<16xi32>
      %eq3A_483 = vector.broadcast %reduce_max3A_479 : i32 to vector<16xi32>
      %eq3A_484 = arith.cmpi eq, %add3A_482, %eq3A_483 : vector<16xi32>
      %jit3A_485 = arith.constant 0.000000e+00 : f32
      %broadcast_in_dim3A_486 = vector.broadcast %reduce_max3A_464 : f32 to vector<16xf32>
      %broadcast_in_dim3A_487 = vector.broadcast %jit3A_485 : f32 to vector<16xf32>
      %select_n3A_488 = arith.select %eq3A_484, %broadcast_in_dim3A_486, %broadcast_in_dim3A_487 : vector<16xi1>, vector<16xf32>
      %add3A_489 = arith.addf %add3A_423, %select_n3A_488 : vector<16xf32>
      %add3A_490 = arith.constant 16 : i32
      %add3A_491 = vector.broadcast %add3A_490 : i32 to vector<16xi32>
      %add3A_492 = arith.addi %iota3A, %add3A_491 : vector<16xi32>
      %eq3A_493 = vector.broadcast %reduce_max3A_479 : i32 to vector<16xi32>
      %eq3A_494 = arith.cmpi eq, %add3A_492, %eq3A_493 : vector<16xi32>
      %jit3A_495 = arith.constant 0.000000e+00 : f32
      %broadcast_in_dim3A_496 = vector.broadcast %reduce_max3A_464 : f32 to vector<16xf32>
      %broadcast_in_dim3A_497 = vector.broadcast %jit3A_495 : f32 to vector<16xf32>
      %select_n3A_498 = arith.select %eq3A_494, %broadcast_in_dim3A_496, %broadcast_in_dim3A_497 : vector<16xi1>, vector<16xf32>
      %add3A_499 = arith.addf %add3A_433, %select_n3A_498 : vector<16xf32>
      %add3A_500 = arith.constant 32 : i32
      %add3A_501 = vector.broadcast %add3A_500 : i32 to vector<16xi32>
      %add3A_502 = arith.addi %iota3A, %add3A_501 : vector<16xi32>
      %eq3A_503 = vector.broadcast %reduce_max3A_479 : i32 to vector<16xi32>
      %eq3A_504 = arith.cmpi eq, %add3A_502, %eq3A_503 : vector<16xi32>
      %jit3A_505 = arith.constant 0.000000e+00 : f32
      %broadcast_in_dim3A_506 = vector.broadcast %reduce_max3A_464 : f32 to vector<16xf32>
      %broadcast_in_dim3A_507 = vector.broadcast %jit3A_505 : f32 to vector<16xf32>
      %select_n3A_508 = arith.select %eq3A_504, %broadcast_in_dim3A_506, %broadcast_in_dim3A_507 : vector<16xi1>, vector<16xf32>
      %add3A_509 = arith.addf %add3A_443, %select_n3A_508 : vector<16xf32>
      %add3A_510 = arith.constant 48 : i32
      %add3A_511 = vector.broadcast %add3A_510 : i32 to vector<16xi32>
      %add3A_512 = arith.addi %iota3A, %add3A_511 : vector<16xi32>
      %eq3A_513 = vector.broadcast %reduce_max3A_479 : i32 to vector<16xi32>
      %eq3A_514 = arith.cmpi eq, %add3A_512, %eq3A_513 : vector<16xi32>
      %jit3A_515 = arith.constant 0.000000e+00 : f32
      %broadcast_in_dim3A_516 = vector.broadcast %reduce_max3A_464 : f32 to vector<16xf32>
      %broadcast_in_dim3A_517 = vector.broadcast %jit3A_515 : f32 to vector<16xf32>
      %select_n3A_518 = arith.select %eq3A_514, %broadcast_in_dim3A_516, %broadcast_in_dim3A_517 : vector<16xi1>, vector<16xf32>
      %add3A_519 = arith.addf %add3A_453, %select_n3A_518 : vector<16xf32>
      %iota3A_520 = tpu.iota {dimensions = array<i32: 0>} : vector<16xi32>
      %eq3A_521 = arith.constant 2 : i32
      %eq3A_522 = vector.broadcast %eq3A_521 : i32 to vector<16xi32>
      %eq3A_523 = arith.cmpi eq, %iota3A_520, %eq3A_522 : vector<16xi32>
      %jit3A_524 = arith.constant -3.000000e+38 : f32
      %broadcast_in_dim3A_525 = vector.broadcast %jit3A_524 : f32 to vector<16xf32>
      %select_n3A_526 = arith.select %eq3A_523, %div3A_375, %broadcast_in_dim3A_525 : vector<16xi1>, vector<16xf32>
      %reduce_max3A_527 = arith.constant true
      %reduce_max3A_528 = vector.broadcast %reduce_max3A_527 : i1 to vector<16xi1>
      %reduce_max3A_529 = tpu.scan <max>, %select_n3A_526 masked %reduce_max3A_528 : vector<16xf32>, vector<16xi1> -> vector<16xf32>
      %reduce_max3A_530 = vector.extract %reduce_max3A_529[15] : f32 from vector<16xf32>
      %iota3A_531 = tpu.iota {dimensions = array<i32: 0>} : vector<16xi32>
      %eq3A_532 = arith.constant 2 : i32
      %eq3A_533 = vector.broadcast %eq3A_532 : i32 to vector<16xi32>
      %eq3A_534 = arith.cmpi eq, %iota3A_531, %eq3A_533 : vector<16xi32>
      %jit3A_535 = arith.constant -1073741824 : i32
      %broadcast_in_dim3A_536 = vector.broadcast %jit3A_535 : i32 to vector<16xi32>
      %select_n3A_537 = arith.select %eq3A_534, %gather3A, %broadcast_in_dim3A_536 : vector<16xi1>, vector<16xi32>
      %reduce_max3A_538 = arith.constant true
      %reduce_max3A_539 = vector.broadcast %reduce_max3A_538 : i1 to vector<16xi1>
      %reduce_max3A_540 = arith.constant -2147483648 : i32
      %reduce_max3A_541 = vector.broadcast %reduce_max3A_540 : i32 to vector<16xi32>
      %reduce_max3A_542 = arith.xori %select_n3A_537, %reduce_max3A_541 : vector<16xi32>
      %reduce_max3A_543 = tpu.scan <max>, %reduce_max3A_542 masked %reduce_max3A_539 : vector<16xi32>, vector<16xi1> -> vector<16xi32>
      %reduce_max3A_544 = arith.xori %reduce_max3A_543, %reduce_max3A_541 : vector<16xi32>
      %reduce_max3A_545 = vector.extract %reduce_max3A_544[15] : i32 from vector<16xi32>
      %add3A_546 = arith.constant 0 : i32
      %add3A_547 = vector.broadcast %add3A_546 : i32 to vector<16xi32>
      %add3A_548 = arith.addi %iota3A, %add3A_547 : vector<16xi32>
      %eq3A_549 = vector.broadcast %reduce_max3A_545 : i32 to vector<16xi32>
      %eq3A_550 = arith.cmpi eq, %add3A_548, %eq3A_549 : vector<16xi32>
      %jit3A_551 = arith.constant 0.000000e+00 : f32
      %broadcast_in_dim3A_552 = vector.broadcast %reduce_max3A_530 : f32 to vector<16xf32>
      %broadcast_in_dim3A_553 = vector.broadcast %jit3A_551 : f32 to vector<16xf32>
      %select_n3A_554 = arith.select %eq3A_550, %broadcast_in_dim3A_552, %broadcast_in_dim3A_553 : vector<16xi1>, vector<16xf32>
      %add3A_555 = arith.addf %add3A_489, %select_n3A_554 : vector<16xf32>
      %add3A_556 = arith.constant 16 : i32
      %add3A_557 = vector.broadcast %add3A_556 : i32 to vector<16xi32>
      %add3A_558 = arith.addi %iota3A, %add3A_557 : vector<16xi32>
      %eq3A_559 = vector.broadcast %reduce_max3A_545 : i32 to vector<16xi32>
      %eq3A_560 = arith.cmpi eq, %add3A_558, %eq3A_559 : vector<16xi32>
      %jit3A_561 = arith.constant 0.000000e+00 : f32
      %broadcast_in_dim3A_562 = vector.broadcast %reduce_max3A_530 : f32 to vector<16xf32>
      %broadcast_in_dim3A_563 = vector.broadcast %jit3A_561 : f32 to vector<16xf32>
      %select_n3A_564 = arith.select %eq3A_560, %broadcast_in_dim3A_562, %broadcast_in_dim3A_563 : vector<16xi1>, vector<16xf32>
      %add3A_565 = arith.addf %add3A_499, %select_n3A_564 : vector<16xf32>
      %add3A_566 = arith.constant 32 : i32
      %add3A_567 = vector.broadcast %add3A_566 : i32 to vector<16xi32>
      %add3A_568 = arith.addi %iota3A, %add3A_567 : vector<16xi32>
      %eq3A_569 = vector.broadcast %reduce_max3A_545 : i32 to vector<16xi32>
      %eq3A_570 = arith.cmpi eq, %add3A_568, %eq3A_569 : vector<16xi32>
      %jit3A_571 = arith.constant 0.000000e+00 : f32
      %broadcast_in_dim3A_572 = vector.broadcast %reduce_max3A_530 : f32 to vector<16xf32>
      %broadcast_in_dim3A_573 = vector.broadcast %jit3A_571 : f32 to vector<16xf32>
      %select_n3A_574 = arith.select %eq3A_570, %broadcast_in_dim3A_572, %broadcast_in_dim3A_573 : vector<16xi1>, vector<16xf32>
      %add3A_575 = arith.addf %add3A_509, %select_n3A_574 : vector<16xf32>
      %add3A_576 = arith.constant 48 : i32
      %add3A_577 = vector.broadcast %add3A_576 : i32 to vector<16xi32>
      %add3A_578 = arith.addi %iota3A, %add3A_577 : vector<16xi32>
      %eq3A_579 = vector.broadcast %reduce_max3A_545 : i32 to vector<16xi32>
      %eq3A_580 = arith.cmpi eq, %add3A_578, %eq3A_579 : vector<16xi32>
      %jit3A_581 = arith.constant 0.000000e+00 : f32
      %broadcast_in_dim3A_582 = vector.broadcast %reduce_max3A_530 : f32 to vector<16xf32>
      %broadcast_in_dim3A_583 = vector.broadcast %jit3A_581 : f32 to vector<16xf32>
      %select_n3A_584 = arith.select %eq3A_580, %broadcast_in_dim3A_582, %broadcast_in_dim3A_583 : vector<16xi1>, vector<16xf32>
      %add3A_585 = arith.addf %add3A_519, %select_n3A_584 : vector<16xf32>
      %iota3A_586 = tpu.iota {dimensions = array<i32: 0>} : vector<16xi32>
      %eq3A_587 = arith.constant 3 : i32
      %eq3A_588 = vector.broadcast %eq3A_587 : i32 to vector<16xi32>
      %eq3A_589 = arith.cmpi eq, %iota3A_586, %eq3A_588 : vector<16xi32>
      %jit3A_590 = arith.constant -3.000000e+38 : f32
      %broadcast_in_dim3A_591 = vector.broadcast %jit3A_590 : f32 to vector<16xf32>
      %select_n3A_592 = arith.select %eq3A_589, %div3A_375, %broadcast_in_dim3A_591 : vector<16xi1>, vector<16xf32>
      %reduce_max3A_593 = arith.constant true
      %reduce_max3A_594 = vector.broadcast %reduce_max3A_593 : i1 to vector<16xi1>
      %reduce_max3A_595 = tpu.scan <max>, %select_n3A_592 masked %reduce_max3A_594 : vector<16xf32>, vector<16xi1> -> vector<16xf32>
      %reduce_max3A_596 = vector.extract %reduce_max3A_595[15] : f32 from vector<16xf32>
      %iota3A_597 = tpu.iota {dimensions = array<i32: 0>} : vector<16xi32>
      %eq3A_598 = arith.constant 3 : i32
      %eq3A_599 = vector.broadcast %eq3A_598 : i32 to vector<16xi32>
      %eq3A_600 = arith.cmpi eq, %iota3A_597, %eq3A_599 : vector<16xi32>
      %jit3A_601 = arith.constant -1073741824 : i32
      %broadcast_in_dim3A_602 = vector.broadcast %jit3A_601 : i32 to vector<16xi32>
      %select_n3A_603 = arith.select %eq3A_600, %gather3A, %broadcast_in_dim3A_602 : vector<16xi1>, vector<16xi32>
      %reduce_max3A_604 = arith.constant true
      %reduce_max3A_605 = vector.broadcast %reduce_max3A_604 : i1 to vector<16xi1>
      %reduce_max3A_606 = arith.constant -2147483648 : i32
      %reduce_max3A_607 = vector.broadcast %reduce_max3A_606 : i32 to vector<16xi32>
      %reduce_max3A_608 = arith.xori %select_n3A_603, %reduce_max3A_607 : vector<16xi32>
      %reduce_max3A_609 = tpu.scan <max>, %reduce_max3A_608 masked %reduce_max3A_605 : vector<16xi32>, vector<16xi1> -> vector<16xi32>
      %reduce_max3A_610 = arith.xori %reduce_max3A_609, %reduce_max3A_607 : vector<16xi32>
      %reduce_max3A_611 = vector.extract %reduce_max3A_610[15] : i32 from vector<16xi32>
      %add3A_612 = arith.constant 0 : i32
      %add3A_613 = vector.broadcast %add3A_612 : i32 to vector<16xi32>
      %add3A_614 = arith.addi %iota3A, %add3A_613 : vector<16xi32>
      %eq3A_615 = vector.broadcast %reduce_max3A_611 : i32 to vector<16xi32>
      %eq3A_616 = arith.cmpi eq, %add3A_614, %eq3A_615 : vector<16xi32>
      %jit3A_617 = arith.constant 0.000000e+00 : f32
      %broadcast_in_dim3A_618 = vector.broadcast %reduce_max3A_596 : f32 to vector<16xf32>
      %broadcast_in_dim3A_619 = vector.broadcast %jit3A_617 : f32 to vector<16xf32>
      %select_n3A_620 = arith.select %eq3A_616, %broadcast_in_dim3A_618, %broadcast_in_dim3A_619 : vector<16xi1>, vector<16xf32>
      %add3A_621 = arith.addf %add3A_555, %select_n3A_620 : vector<16xf32>
      %add3A_622 = arith.constant 16 : i32
      %add3A_623 = vector.broadcast %add3A_622 : i32 to vector<16xi32>
      %add3A_624 = arith.addi %iota3A, %add3A_623 : vector<16xi32>
      %eq3A_625 = vector.broadcast %reduce_max3A_611 : i32 to vector<16xi32>
      %eq3A_626 = arith.cmpi eq, %add3A_624, %eq3A_625 : vector<16xi32>
      %jit3A_627 = arith.constant 0.000000e+00 : f32
      %broadcast_in_dim3A_628 = vector.broadcast %reduce_max3A_596 : f32 to vector<16xf32>
      %broadcast_in_dim3A_629 = vector.broadcast %jit3A_627 : f32 to vector<16xf32>
      %select_n3A_630 = arith.select %eq3A_626, %broadcast_in_dim3A_628, %broadcast_in_dim3A_629 : vector<16xi1>, vector<16xf32>
      %add3A_631 = arith.addf %add3A_565, %select_n3A_630 : vector<16xf32>
      %add3A_632 = arith.constant 32 : i32
      %add3A_633 = vector.broadcast %add3A_632 : i32 to vector<16xi32>
      %add3A_634 = arith.addi %iota3A, %add3A_633 : vector<16xi32>
      %eq3A_635 = vector.broadcast %reduce_max3A_611 : i32 to vector<16xi32>
      %eq3A_636 = arith.cmpi eq, %add3A_634, %eq3A_635 : vector<16xi32>
      %jit3A_637 = arith.constant 0.000000e+00 : f32
      %broadcast_in_dim3A_638 = vector.broadcast %reduce_max3A_596 : f32 to vector<16xf32>
      %broadcast_in_dim3A_639 = vector.broadcast %jit3A_637 : f32 to vector<16xf32>
      %select_n3A_640 = arith.select %eq3A_636, %broadcast_in_dim3A_638, %broadcast_in_dim3A_639 : vector<16xi1>, vector<16xf32>
      %add3A_641 = arith.addf %add3A_575, %select_n3A_640 : vector<16xf32>
      %add3A_642 = arith.constant 48 : i32
      %add3A_643 = vector.broadcast %add3A_642 : i32 to vector<16xi32>
      %add3A_644 = arith.addi %iota3A, %add3A_643 : vector<16xi32>
      %eq3A_645 = vector.broadcast %reduce_max3A_611 : i32 to vector<16xi32>
      %eq3A_646 = arith.cmpi eq, %add3A_644, %eq3A_645 : vector<16xi32>
      %jit3A_647 = arith.constant 0.000000e+00 : f32
      %broadcast_in_dim3A_648 = vector.broadcast %reduce_max3A_596 : f32 to vector<16xf32>
      %broadcast_in_dim3A_649 = vector.broadcast %jit3A_647 : f32 to vector<16xf32>
      %select_n3A_650 = arith.select %eq3A_646, %broadcast_in_dim3A_648, %broadcast_in_dim3A_649 : vector<16xi1>, vector<16xf32>
      %add3A_651 = arith.addf %add3A_585, %select_n3A_650 : vector<16xf32>
      %iota3A_652 = tpu.iota {dimensions = array<i32: 0>} : vector<16xi32>
      %eq3A_653 = arith.constant 4 : i32
      %eq3A_654 = vector.broadcast %eq3A_653 : i32 to vector<16xi32>
      %eq3A_655 = arith.cmpi eq, %iota3A_652, %eq3A_654 : vector<16xi32>
      %jit3A_656 = arith.constant -3.000000e+38 : f32
      %broadcast_in_dim3A_657 = vector.broadcast %jit3A_656 : f32 to vector<16xf32>
      %select_n3A_658 = arith.select %eq3A_655, %div3A_375, %broadcast_in_dim3A_657 : vector<16xi1>, vector<16xf32>
      %reduce_max3A_659 = arith.constant true
      %reduce_max3A_660 = vector.broadcast %reduce_max3A_659 : i1 to vector<16xi1>
      %reduce_max3A_661 = tpu.scan <max>, %select_n3A_658 masked %reduce_max3A_660 : vector<16xf32>, vector<16xi1> -> vector<16xf32>
      %reduce_max3A_662 = vector.extract %reduce_max3A_661[15] : f32 from vector<16xf32>
      %iota3A_663 = tpu.iota {dimensions = array<i32: 0>} : vector<16xi32>
      %eq3A_664 = arith.constant 4 : i32
      %eq3A_665 = vector.broadcast %eq3A_664 : i32 to vector<16xi32>
      %eq3A_666 = arith.cmpi eq, %iota3A_663, %eq3A_665 : vector<16xi32>
      %jit3A_667 = arith.constant -1073741824 : i32
      %broadcast_in_dim3A_668 = vector.broadcast %jit3A_667 : i32 to vector<16xi32>
      %select_n3A_669 = arith.select %eq3A_666, %gather3A, %broadcast_in_dim3A_668 : vector<16xi1>, vector<16xi32>
      %reduce_max3A_670 = arith.constant true
      %reduce_max3A_671 = vector.broadcast %reduce_max3A_670 : i1 to vector<16xi1>
      %reduce_max3A_672 = arith.constant -2147483648 : i32
      %reduce_max3A_673 = vector.broadcast %reduce_max3A_672 : i32 to vector<16xi32>
      %reduce_max3A_674 = arith.xori %select_n3A_669, %reduce_max3A_673 : vector<16xi32>
      %reduce_max3A_675 = tpu.scan <max>, %reduce_max3A_674 masked %reduce_max3A_671 : vector<16xi32>, vector<16xi1> -> vector<16xi32>
      %reduce_max3A_676 = arith.xori %reduce_max3A_675, %reduce_max3A_673 : vector<16xi32>
      %reduce_max3A_677 = vector.extract %reduce_max3A_676[15] : i32 from vector<16xi32>
      %add3A_678 = arith.constant 0 : i32
      %add3A_679 = vector.broadcast %add3A_678 : i32 to vector<16xi32>
      %add3A_680 = arith.addi %iota3A, %add3A_679 : vector<16xi32>
      %eq3A_681 = vector.broadcast %reduce_max3A_677 : i32 to vector<16xi32>
      %eq3A_682 = arith.cmpi eq, %add3A_680, %eq3A_681 : vector<16xi32>
      %jit3A_683 = arith.constant 0.000000e+00 : f32
      %broadcast_in_dim3A_684 = vector.broadcast %reduce_max3A_662 : f32 to vector<16xf32>
      %broadcast_in_dim3A_685 = vector.broadcast %jit3A_683 : f32 to vector<16xf32>
      %select_n3A_686 = arith.select %eq3A_682, %broadcast_in_dim3A_684, %broadcast_in_dim3A_685 : vector<16xi1>, vector<16xf32>
      %add3A_687 = arith.addf %add3A_621, %select_n3A_686 : vector<16xf32>
      %add3A_688 = arith.constant 16 : i32
      %add3A_689 = vector.broadcast %add3A_688 : i32 to vector<16xi32>
      %add3A_690 = arith.addi %iota3A, %add3A_689 : vector<16xi32>
      %eq3A_691 = vector.broadcast %reduce_max3A_677 : i32 to vector<16xi32>
      %eq3A_692 = arith.cmpi eq, %add3A_690, %eq3A_691 : vector<16xi32>
      %jit3A_693 = arith.constant 0.000000e+00 : f32
      %broadcast_in_dim3A_694 = vector.broadcast %reduce_max3A_662 : f32 to vector<16xf32>
      %broadcast_in_dim3A_695 = vector.broadcast %jit3A_693 : f32 to vector<16xf32>
      %select_n3A_696 = arith.select %eq3A_692, %broadcast_in_dim3A_694, %broadcast_in_dim3A_695 : vector<16xi1>, vector<16xf32>
      %add3A_697 = arith.addf %add3A_631, %select_n3A_696 : vector<16xf32>
      %add3A_698 = arith.constant 32 : i32
      %add3A_699 = vector.broadcast %add3A_698 : i32 to vector<16xi32>
      %add3A_700 = arith.addi %iota3A, %add3A_699 : vector<16xi32>
      %eq3A_701 = vector.broadcast %reduce_max3A_677 : i32 to vector<16xi32>
      %eq3A_702 = arith.cmpi eq, %add3A_700, %eq3A_701 : vector<16xi32>
      %jit3A_703 = arith.constant 0.000000e+00 : f32
      %broadcast_in_dim3A_704 = vector.broadcast %reduce_max3A_662 : f32 to vector<16xf32>
      %broadcast_in_dim3A_705 = vector.broadcast %jit3A_703 : f32 to vector<16xf32>
      %select_n3A_706 = arith.select %eq3A_702, %broadcast_in_dim3A_704, %broadcast_in_dim3A_705 : vector<16xi1>, vector<16xf32>
      %add3A_707 = arith.addf %add3A_641, %select_n3A_706 : vector<16xf32>
      %add3A_708 = arith.constant 48 : i32
      %add3A_709 = vector.broadcast %add3A_708 : i32 to vector<16xi32>
      %add3A_710 = arith.addi %iota3A, %add3A_709 : vector<16xi32>
      %eq3A_711 = vector.broadcast %reduce_max3A_677 : i32 to vector<16xi32>
      %eq3A_712 = arith.cmpi eq, %add3A_710, %eq3A_711 : vector<16xi32>
      %jit3A_713 = arith.constant 0.000000e+00 : f32
      %broadcast_in_dim3A_714 = vector.broadcast %reduce_max3A_662 : f32 to vector<16xf32>
      %broadcast_in_dim3A_715 = vector.broadcast %jit3A_713 : f32 to vector<16xf32>
      %select_n3A_716 = arith.select %eq3A_712, %broadcast_in_dim3A_714, %broadcast_in_dim3A_715 : vector<16xi1>, vector<16xf32>
      %add3A_717 = arith.addf %add3A_651, %select_n3A_716 : vector<16xf32>
      %iota3A_718 = tpu.iota {dimensions = array<i32: 0>} : vector<16xi32>
      %eq3A_719 = arith.constant 5 : i32
      %eq3A_720 = vector.broadcast %eq3A_719 : i32 to vector<16xi32>
      %eq3A_721 = arith.cmpi eq, %iota3A_718, %eq3A_720 : vector<16xi32>
      %jit3A_722 = arith.constant -3.000000e+38 : f32
      %broadcast_in_dim3A_723 = vector.broadcast %jit3A_722 : f32 to vector<16xf32>
      %select_n3A_724 = arith.select %eq3A_721, %div3A_375, %broadcast_in_dim3A_723 : vector<16xi1>, vector<16xf32>
      %reduce_max3A_725 = arith.constant true
      %reduce_max3A_726 = vector.broadcast %reduce_max3A_725 : i1 to vector<16xi1>
      %reduce_max3A_727 = tpu.scan <max>, %select_n3A_724 masked %reduce_max3A_726 : vector<16xf32>, vector<16xi1> -> vector<16xf32>
      %reduce_max3A_728 = vector.extract %reduce_max3A_727[15] : f32 from vector<16xf32>
      %iota3A_729 = tpu.iota {dimensions = array<i32: 0>} : vector<16xi32>
      %eq3A_730 = arith.constant 5 : i32
      %eq3A_731 = vector.broadcast %eq3A_730 : i32 to vector<16xi32>
      %eq3A_732 = arith.cmpi eq, %iota3A_729, %eq3A_731 : vector<16xi32>
      %jit3A_733 = arith.constant -1073741824 : i32
      %broadcast_in_dim3A_734 = vector.broadcast %jit3A_733 : i32 to vector<16xi32>
      %select_n3A_735 = arith.select %eq3A_732, %gather3A, %broadcast_in_dim3A_734 : vector<16xi1>, vector<16xi32>
      %reduce_max3A_736 = arith.constant true
      %reduce_max3A_737 = vector.broadcast %reduce_max3A_736 : i1 to vector<16xi1>
      %reduce_max3A_738 = arith.constant -2147483648 : i32
      %reduce_max3A_739 = vector.broadcast %reduce_max3A_738 : i32 to vector<16xi32>
      %reduce_max3A_740 = arith.xori %select_n3A_735, %reduce_max3A_739 : vector<16xi32>
      %reduce_max3A_741 = tpu.scan <max>, %reduce_max3A_740 masked %reduce_max3A_737 : vector<16xi32>, vector<16xi1> -> vector<16xi32>
      %reduce_max3A_742 = arith.xori %reduce_max3A_741, %reduce_max3A_739 : vector<16xi32>
      %reduce_max3A_743 = vector.extract %reduce_max3A_742[15] : i32 from vector<16xi32>
      %add3A_744 = arith.constant 0 : i32
      %add3A_745 = vector.broadcast %add3A_744 : i32 to vector<16xi32>
      %add3A_746 = arith.addi %iota3A, %add3A_745 : vector<16xi32>
      %eq3A_747 = vector.broadcast %reduce_max3A_743 : i32 to vector<16xi32>
      %eq3A_748 = arith.cmpi eq, %add3A_746, %eq3A_747 : vector<16xi32>
      %jit3A_749 = arith.constant 0.000000e+00 : f32
      %broadcast_in_dim3A_750 = vector.broadcast %reduce_max3A_728 : f32 to vector<16xf32>
      %broadcast_in_dim3A_751 = vector.broadcast %jit3A_749 : f32 to vector<16xf32>
      %select_n3A_752 = arith.select %eq3A_748, %broadcast_in_dim3A_750, %broadcast_in_dim3A_751 : vector<16xi1>, vector<16xf32>
      %add3A_753 = arith.addf %add3A_687, %select_n3A_752 : vector<16xf32>
      %add3A_754 = arith.constant 16 : i32
      %add3A_755 = vector.broadcast %add3A_754 : i32 to vector<16xi32>
      %add3A_756 = arith.addi %iota3A, %add3A_755 : vector<16xi32>
      %eq3A_757 = vector.broadcast %reduce_max3A_743 : i32 to vector<16xi32>
      %eq3A_758 = arith.cmpi eq, %add3A_756, %eq3A_757 : vector<16xi32>
      %jit3A_759 = arith.constant 0.000000e+00 : f32
      %broadcast_in_dim3A_760 = vector.broadcast %reduce_max3A_728 : f32 to vector<16xf32>
      %broadcast_in_dim3A_761 = vector.broadcast %jit3A_759 : f32 to vector<16xf32>
      %select_n3A_762 = arith.select %eq3A_758, %broadcast_in_dim3A_760, %broadcast_in_dim3A_761 : vector<16xi1>, vector<16xf32>
      %add3A_763 = arith.addf %add3A_697, %select_n3A_762 : vector<16xf32>
      %add3A_764 = arith.constant 32 : i32
      %add3A_765 = vector.broadcast %add3A_764 : i32 to vector<16xi32>
      %add3A_766 = arith.addi %iota3A, %add3A_765 : vector<16xi32>
      %eq3A_767 = vector.broadcast %reduce_max3A_743 : i32 to vector<16xi32>
      %eq3A_768 = arith.cmpi eq, %add3A_766, %eq3A_767 : vector<16xi32>
      %jit3A_769 = arith.constant 0.000000e+00 : f32
      %broadcast_in_dim3A_770 = vector.broadcast %reduce_max3A_728 : f32 to vector<16xf32>
      %broadcast_in_dim3A_771 = vector.broadcast %jit3A_769 : f32 to vector<16xf32>
      %select_n3A_772 = arith.select %eq3A_768, %broadcast_in_dim3A_770, %broadcast_in_dim3A_771 : vector<16xi1>, vector<16xf32>
      %add3A_773 = arith.addf %add3A_707, %select_n3A_772 : vector<16xf32>
      %add3A_774 = arith.constant 48 : i32
      %add3A_775 = vector.broadcast %add3A_774 : i32 to vector<16xi32>
      %add3A_776 = arith.addi %iota3A, %add3A_775 : vector<16xi32>
      %eq3A_777 = vector.broadcast %reduce_max3A_743 : i32 to vector<16xi32>
      %eq3A_778 = arith.cmpi eq, %add3A_776, %eq3A_777 : vector<16xi32>
      %jit3A_779 = arith.constant 0.000000e+00 : f32
      %broadcast_in_dim3A_780 = vector.broadcast %reduce_max3A_728 : f32 to vector<16xf32>
      %broadcast_in_dim3A_781 = vector.broadcast %jit3A_779 : f32 to vector<16xf32>
      %select_n3A_782 = arith.select %eq3A_778, %broadcast_in_dim3A_780, %broadcast_in_dim3A_781 : vector<16xi1>, vector<16xf32>
      %add3A_783 = arith.addf %add3A_717, %select_n3A_782 : vector<16xf32>
      %iota3A_784 = tpu.iota {dimensions = array<i32: 0>} : vector<16xi32>
      %eq3A_785 = arith.constant 6 : i32
      %eq3A_786 = vector.broadcast %eq3A_785 : i32 to vector<16xi32>
      %eq3A_787 = arith.cmpi eq, %iota3A_784, %eq3A_786 : vector<16xi32>
      %jit3A_788 = arith.constant -3.000000e+38 : f32
      %broadcast_in_dim3A_789 = vector.broadcast %jit3A_788 : f32 to vector<16xf32>
      %select_n3A_790 = arith.select %eq3A_787, %div3A_375, %broadcast_in_dim3A_789 : vector<16xi1>, vector<16xf32>
      %reduce_max3A_791 = arith.constant true
      %reduce_max3A_792 = vector.broadcast %reduce_max3A_791 : i1 to vector<16xi1>
      %reduce_max3A_793 = tpu.scan <max>, %select_n3A_790 masked %reduce_max3A_792 : vector<16xf32>, vector<16xi1> -> vector<16xf32>
      %reduce_max3A_794 = vector.extract %reduce_max3A_793[15] : f32 from vector<16xf32>
      %iota3A_795 = tpu.iota {dimensions = array<i32: 0>} : vector<16xi32>
      %eq3A_796 = arith.constant 6 : i32
      %eq3A_797 = vector.broadcast %eq3A_796 : i32 to vector<16xi32>
      %eq3A_798 = arith.cmpi eq, %iota3A_795, %eq3A_797 : vector<16xi32>
      %jit3A_799 = arith.constant -1073741824 : i32
      %broadcast_in_dim3A_800 = vector.broadcast %jit3A_799 : i32 to vector<16xi32>
      %select_n3A_801 = arith.select %eq3A_798, %gather3A, %broadcast_in_dim3A_800 : vector<16xi1>, vector<16xi32>
      %reduce_max3A_802 = arith.constant true
      %reduce_max3A_803 = vector.broadcast %reduce_max3A_802 : i1 to vector<16xi1>
      %reduce_max3A_804 = arith.constant -2147483648 : i32
      %reduce_max3A_805 = vector.broadcast %reduce_max3A_804 : i32 to vector<16xi32>
      %reduce_max3A_806 = arith.xori %select_n3A_801, %reduce_max3A_805 : vector<16xi32>
      %reduce_max3A_807 = tpu.scan <max>, %reduce_max3A_806 masked %reduce_max3A_803 : vector<16xi32>, vector<16xi1> -> vector<16xi32>
      %reduce_max3A_808 = arith.xori %reduce_max3A_807, %reduce_max3A_805 : vector<16xi32>
      %reduce_max3A_809 = vector.extract %reduce_max3A_808[15] : i32 from vector<16xi32>
      %add3A_810 = arith.constant 0 : i32
      %add3A_811 = vector.broadcast %add3A_810 : i32 to vector<16xi32>
      %add3A_812 = arith.addi %iota3A, %add3A_811 : vector<16xi32>
      %eq3A_813 = vector.broadcast %reduce_max3A_809 : i32 to vector<16xi32>
      %eq3A_814 = arith.cmpi eq, %add3A_812, %eq3A_813 : vector<16xi32>
      %jit3A_815 = arith.constant 0.000000e+00 : f32
      %broadcast_in_dim3A_816 = vector.broadcast %reduce_max3A_794 : f32 to vector<16xf32>
      %broadcast_in_dim3A_817 = vector.broadcast %jit3A_815 : f32 to vector<16xf32>
      %select_n3A_818 = arith.select %eq3A_814, %broadcast_in_dim3A_816, %broadcast_in_dim3A_817 : vector<16xi1>, vector<16xf32>
      %add3A_819 = arith.addf %add3A_753, %select_n3A_818 : vector<16xf32>
      %add3A_820 = arith.constant 16 : i32
      %add3A_821 = vector.broadcast %add3A_820 : i32 to vector<16xi32>
      %add3A_822 = arith.addi %iota3A, %add3A_821 : vector<16xi32>
      %eq3A_823 = vector.broadcast %reduce_max3A_809 : i32 to vector<16xi32>
      %eq3A_824 = arith.cmpi eq, %add3A_822, %eq3A_823 : vector<16xi32>
      %jit3A_825 = arith.constant 0.000000e+00 : f32
      %broadcast_in_dim3A_826 = vector.broadcast %reduce_max3A_794 : f32 to vector<16xf32>
      %broadcast_in_dim3A_827 = vector.broadcast %jit3A_825 : f32 to vector<16xf32>
      %select_n3A_828 = arith.select %eq3A_824, %broadcast_in_dim3A_826, %broadcast_in_dim3A_827 : vector<16xi1>, vector<16xf32>
      %add3A_829 = arith.addf %add3A_763, %select_n3A_828 : vector<16xf32>
      %add3A_830 = arith.constant 32 : i32
      %add3A_831 = vector.broadcast %add3A_830 : i32 to vector<16xi32>
      %add3A_832 = arith.addi %iota3A, %add3A_831 : vector<16xi32>
      %eq3A_833 = vector.broadcast %reduce_max3A_809 : i32 to vector<16xi32>
      %eq3A_834 = arith.cmpi eq, %add3A_832, %eq3A_833 : vector<16xi32>
      %jit3A_835 = arith.constant 0.000000e+00 : f32
      %broadcast_in_dim3A_836 = vector.broadcast %reduce_max3A_794 : f32 to vector<16xf32>
      %broadcast_in_dim3A_837 = vector.broadcast %jit3A_835 : f32 to vector<16xf32>
      %select_n3A_838 = arith.select %eq3A_834, %broadcast_in_dim3A_836, %broadcast_in_dim3A_837 : vector<16xi1>, vector<16xf32>
      %add3A_839 = arith.addf %add3A_773, %select_n3A_838 : vector<16xf32>
      %add3A_840 = arith.constant 48 : i32
      %add3A_841 = vector.broadcast %add3A_840 : i32 to vector<16xi32>
      %add3A_842 = arith.addi %iota3A, %add3A_841 : vector<16xi32>
      %eq3A_843 = vector.broadcast %reduce_max3A_809 : i32 to vector<16xi32>
      %eq3A_844 = arith.cmpi eq, %add3A_842, %eq3A_843 : vector<16xi32>
      %jit3A_845 = arith.constant 0.000000e+00 : f32
      %broadcast_in_dim3A_846 = vector.broadcast %reduce_max3A_794 : f32 to vector<16xf32>
      %broadcast_in_dim3A_847 = vector.broadcast %jit3A_845 : f32 to vector<16xf32>
      %select_n3A_848 = arith.select %eq3A_844, %broadcast_in_dim3A_846, %broadcast_in_dim3A_847 : vector<16xi1>, vector<16xf32>
      %add3A_849 = arith.addf %add3A_783, %select_n3A_848 : vector<16xf32>
      %iota3A_850 = tpu.iota {dimensions = array<i32: 0>} : vector<16xi32>
      %eq3A_851 = arith.constant 7 : i32
      %eq3A_852 = vector.broadcast %eq3A_851 : i32 to vector<16xi32>
      %eq3A_853 = arith.cmpi eq, %iota3A_850, %eq3A_852 : vector<16xi32>
      %jit3A_854 = arith.constant -3.000000e+38 : f32
      %broadcast_in_dim3A_855 = vector.broadcast %jit3A_854 : f32 to vector<16xf32>
      %select_n3A_856 = arith.select %eq3A_853, %div3A_375, %broadcast_in_dim3A_855 : vector<16xi1>, vector<16xf32>
      %reduce_max3A_857 = arith.constant true
      %reduce_max3A_858 = vector.broadcast %reduce_max3A_857 : i1 to vector<16xi1>
      %reduce_max3A_859 = tpu.scan <max>, %select_n3A_856 masked %reduce_max3A_858 : vector<16xf32>, vector<16xi1> -> vector<16xf32>
      %reduce_max3A_860 = vector.extract %reduce_max3A_859[15] : f32 from vector<16xf32>
      %iota3A_861 = tpu.iota {dimensions = array<i32: 0>} : vector<16xi32>
      %eq3A_862 = arith.constant 7 : i32
      %eq3A_863 = vector.broadcast %eq3A_862 : i32 to vector<16xi32>
      %eq3A_864 = arith.cmpi eq, %iota3A_861, %eq3A_863 : vector<16xi32>
      %jit3A_865 = arith.constant -1073741824 : i32
      %broadcast_in_dim3A_866 = vector.broadcast %jit3A_865 : i32 to vector<16xi32>
      %select_n3A_867 = arith.select %eq3A_864, %gather3A, %broadcast_in_dim3A_866 : vector<16xi1>, vector<16xi32>
      %reduce_max3A_868 = arith.constant true
      %reduce_max3A_869 = vector.broadcast %reduce_max3A_868 : i1 to vector<16xi1>
      %reduce_max3A_870 = arith.constant -2147483648 : i32
      %reduce_max3A_871 = vector.broadcast %reduce_max3A_870 : i32 to vector<16xi32>
      %reduce_max3A_872 = arith.xori %select_n3A_867, %reduce_max3A_871 : vector<16xi32>
      %reduce_max3A_873 = tpu.scan <max>, %reduce_max3A_872 masked %reduce_max3A_869 : vector<16xi32>, vector<16xi1> -> vector<16xi32>
      %reduce_max3A_874 = arith.xori %reduce_max3A_873, %reduce_max3A_871 : vector<16xi32>
      %reduce_max3A_875 = vector.extract %reduce_max3A_874[15] : i32 from vector<16xi32>
      %add3A_876 = arith.constant 0 : i32
      %add3A_877 = vector.broadcast %add3A_876 : i32 to vector<16xi32>
      %add3A_878 = arith.addi %iota3A, %add3A_877 : vector<16xi32>
      %eq3A_879 = vector.broadcast %reduce_max3A_875 : i32 to vector<16xi32>
      %eq3A_880 = arith.cmpi eq, %add3A_878, %eq3A_879 : vector<16xi32>
      %jit3A_881 = arith.constant 0.000000e+00 : f32
      %broadcast_in_dim3A_882 = vector.broadcast %reduce_max3A_860 : f32 to vector<16xf32>
      %broadcast_in_dim3A_883 = vector.broadcast %jit3A_881 : f32 to vector<16xf32>
      %select_n3A_884 = arith.select %eq3A_880, %broadcast_in_dim3A_882, %broadcast_in_dim3A_883 : vector<16xi1>, vector<16xf32>
      %add3A_885 = arith.addf %add3A_819, %select_n3A_884 : vector<16xf32>
      %add3A_886 = arith.constant 16 : i32
      %add3A_887 = vector.broadcast %add3A_886 : i32 to vector<16xi32>
      %add3A_888 = arith.addi %iota3A, %add3A_887 : vector<16xi32>
      %eq3A_889 = vector.broadcast %reduce_max3A_875 : i32 to vector<16xi32>
      %eq3A_890 = arith.cmpi eq, %add3A_888, %eq3A_889 : vector<16xi32>
      %jit3A_891 = arith.constant 0.000000e+00 : f32
      %broadcast_in_dim3A_892 = vector.broadcast %reduce_max3A_860 : f32 to vector<16xf32>
      %broadcast_in_dim3A_893 = vector.broadcast %jit3A_891 : f32 to vector<16xf32>
      %select_n3A_894 = arith.select %eq3A_890, %broadcast_in_dim3A_892, %broadcast_in_dim3A_893 : vector<16xi1>, vector<16xf32>
      %add3A_895 = arith.addf %add3A_829, %select_n3A_894 : vector<16xf32>
      %add3A_896 = arith.constant 32 : i32
      %add3A_897 = vector.broadcast %add3A_896 : i32 to vector<16xi32>
      %add3A_898 = arith.addi %iota3A, %add3A_897 : vector<16xi32>
      %eq3A_899 = vector.broadcast %reduce_max3A_875 : i32 to vector<16xi32>
      %eq3A_900 = arith.cmpi eq, %add3A_898, %eq3A_899 : vector<16xi32>
      %jit3A_901 = arith.constant 0.000000e+00 : f32
      %broadcast_in_dim3A_902 = vector.broadcast %reduce_max3A_860 : f32 to vector<16xf32>
      %broadcast_in_dim3A_903 = vector.broadcast %jit3A_901 : f32 to vector<16xf32>
      %select_n3A_904 = arith.select %eq3A_900, %broadcast_in_dim3A_902, %broadcast_in_dim3A_903 : vector<16xi1>, vector<16xf32>
      %add3A_905 = arith.addf %add3A_839, %select_n3A_904 : vector<16xf32>
      %add3A_906 = arith.constant 48 : i32
      %add3A_907 = vector.broadcast %add3A_906 : i32 to vector<16xi32>
      %add3A_908 = arith.addi %iota3A, %add3A_907 : vector<16xi32>
      %eq3A_909 = vector.broadcast %reduce_max3A_875 : i32 to vector<16xi32>
      %eq3A_910 = arith.cmpi eq, %add3A_908, %eq3A_909 : vector<16xi32>
      %jit3A_911 = arith.constant 0.000000e+00 : f32
      %broadcast_in_dim3A_912 = vector.broadcast %reduce_max3A_860 : f32 to vector<16xf32>
      %broadcast_in_dim3A_913 = vector.broadcast %jit3A_911 : f32 to vector<16xf32>
      %select_n3A_914 = arith.select %eq3A_910, %broadcast_in_dim3A_912, %broadcast_in_dim3A_913 : vector<16xi1>, vector<16xf32>
      %add3A_915 = arith.addf %add3A_849, %select_n3A_914 : vector<16xf32>
      %iota3A_916 = tpu.iota {dimensions = array<i32: 0>} : vector<16xi32>
      %eq3A_917 = arith.constant 8 : i32
      %eq3A_918 = vector.broadcast %eq3A_917 : i32 to vector<16xi32>
      %eq3A_919 = arith.cmpi eq, %iota3A_916, %eq3A_918 : vector<16xi32>
      %jit3A_920 = arith.constant -3.000000e+38 : f32
      %broadcast_in_dim3A_921 = vector.broadcast %jit3A_920 : f32 to vector<16xf32>
      %select_n3A_922 = arith.select %eq3A_919, %div3A_375, %broadcast_in_dim3A_921 : vector<16xi1>, vector<16xf32>
      %reduce_max3A_923 = arith.constant true
      %reduce_max3A_924 = vector.broadcast %reduce_max3A_923 : i1 to vector<16xi1>
      %reduce_max3A_925 = tpu.scan <max>, %select_n3A_922 masked %reduce_max3A_924 : vector<16xf32>, vector<16xi1> -> vector<16xf32>
      %reduce_max3A_926 = vector.extract %reduce_max3A_925[15] : f32 from vector<16xf32>
      %iota3A_927 = tpu.iota {dimensions = array<i32: 0>} : vector<16xi32>
      %eq3A_928 = arith.constant 8 : i32
      %eq3A_929 = vector.broadcast %eq3A_928 : i32 to vector<16xi32>
      %eq3A_930 = arith.cmpi eq, %iota3A_927, %eq3A_929 : vector<16xi32>
      %jit3A_931 = arith.constant -1073741824 : i32
      %broadcast_in_dim3A_932 = vector.broadcast %jit3A_931 : i32 to vector<16xi32>
      %select_n3A_933 = arith.select %eq3A_930, %gather3A, %broadcast_in_dim3A_932 : vector<16xi1>, vector<16xi32>
      %reduce_max3A_934 = arith.constant true
      %reduce_max3A_935 = vector.broadcast %reduce_max3A_934 : i1 to vector<16xi1>
      %reduce_max3A_936 = arith.constant -2147483648 : i32
      %reduce_max3A_937 = vector.broadcast %reduce_max3A_936 : i32 to vector<16xi32>
      %reduce_max3A_938 = arith.xori %select_n3A_933, %reduce_max3A_937 : vector<16xi32>
      %reduce_max3A_939 = tpu.scan <max>, %reduce_max3A_938 masked %reduce_max3A_935 : vector<16xi32>, vector<16xi1> -> vector<16xi32>
      %reduce_max3A_940 = arith.xori %reduce_max3A_939, %reduce_max3A_937 : vector<16xi32>
      %reduce_max3A_941 = vector.extract %reduce_max3A_940[15] : i32 from vector<16xi32>
      %add3A_942 = arith.constant 0 : i32
      %add3A_943 = vector.broadcast %add3A_942 : i32 to vector<16xi32>
      %add3A_944 = arith.addi %iota3A, %add3A_943 : vector<16xi32>
      %eq3A_945 = vector.broadcast %reduce_max3A_941 : i32 to vector<16xi32>
      %eq3A_946 = arith.cmpi eq, %add3A_944, %eq3A_945 : vector<16xi32>
      %jit3A_947 = arith.constant 0.000000e+00 : f32
      %broadcast_in_dim3A_948 = vector.broadcast %reduce_max3A_926 : f32 to vector<16xf32>
      %broadcast_in_dim3A_949 = vector.broadcast %jit3A_947 : f32 to vector<16xf32>
      %select_n3A_950 = arith.select %eq3A_946, %broadcast_in_dim3A_948, %broadcast_in_dim3A_949 : vector<16xi1>, vector<16xf32>
      %add3A_951 = arith.addf %add3A_885, %select_n3A_950 : vector<16xf32>
      %add3A_952 = arith.constant 16 : i32
      %add3A_953 = vector.broadcast %add3A_952 : i32 to vector<16xi32>
      %add3A_954 = arith.addi %iota3A, %add3A_953 : vector<16xi32>
      %eq3A_955 = vector.broadcast %reduce_max3A_941 : i32 to vector<16xi32>
      %eq3A_956 = arith.cmpi eq, %add3A_954, %eq3A_955 : vector<16xi32>
      %jit3A_957 = arith.constant 0.000000e+00 : f32
      %broadcast_in_dim3A_958 = vector.broadcast %reduce_max3A_926 : f32 to vector<16xf32>
      %broadcast_in_dim3A_959 = vector.broadcast %jit3A_957 : f32 to vector<16xf32>
      %select_n3A_960 = arith.select %eq3A_956, %broadcast_in_dim3A_958, %broadcast_in_dim3A_959 : vector<16xi1>, vector<16xf32>
      %add3A_961 = arith.addf %add3A_895, %select_n3A_960 : vector<16xf32>
      %add3A_962 = arith.constant 32 : i32
      %add3A_963 = vector.broadcast %add3A_962 : i32 to vector<16xi32>
      %add3A_964 = arith.addi %iota3A, %add3A_963 : vector<16xi32>
      %eq3A_965 = vector.broadcast %reduce_max3A_941 : i32 to vector<16xi32>
      %eq3A_966 = arith.cmpi eq, %add3A_964, %eq3A_965 : vector<16xi32>
      %jit3A_967 = arith.constant 0.000000e+00 : f32
      %broadcast_in_dim3A_968 = vector.broadcast %reduce_max3A_926 : f32 to vector<16xf32>
      %broadcast_in_dim3A_969 = vector.broadcast %jit3A_967 : f32 to vector<16xf32>
      %select_n3A_970 = arith.select %eq3A_966, %broadcast_in_dim3A_968, %broadcast_in_dim3A_969 : vector<16xi1>, vector<16xf32>
      %add3A_971 = arith.addf %add3A_905, %select_n3A_970 : vector<16xf32>
      %add3A_972 = arith.constant 48 : i32
      %add3A_973 = vector.broadcast %add3A_972 : i32 to vector<16xi32>
      %add3A_974 = arith.addi %iota3A, %add3A_973 : vector<16xi32>
      %eq3A_975 = vector.broadcast %reduce_max3A_941 : i32 to vector<16xi32>
      %eq3A_976 = arith.cmpi eq, %add3A_974, %eq3A_975 : vector<16xi32>
      %jit3A_977 = arith.constant 0.000000e+00 : f32
      %broadcast_in_dim3A_978 = vector.broadcast %reduce_max3A_926 : f32 to vector<16xf32>
      %broadcast_in_dim3A_979 = vector.broadcast %jit3A_977 : f32 to vector<16xf32>
      %select_n3A_980 = arith.select %eq3A_976, %broadcast_in_dim3A_978, %broadcast_in_dim3A_979 : vector<16xi1>, vector<16xf32>
      %add3A_981 = arith.addf %add3A_915, %select_n3A_980 : vector<16xf32>
      %iota3A_982 = tpu.iota {dimensions = array<i32: 0>} : vector<16xi32>
      %eq3A_983 = arith.constant 9 : i32
      %eq3A_984 = vector.broadcast %eq3A_983 : i32 to vector<16xi32>
      %eq3A_985 = arith.cmpi eq, %iota3A_982, %eq3A_984 : vector<16xi32>
      %jit3A_986 = arith.constant -3.000000e+38 : f32
      %broadcast_in_dim3A_987 = vector.broadcast %jit3A_986 : f32 to vector<16xf32>
      %select_n3A_988 = arith.select %eq3A_985, %div3A_375, %broadcast_in_dim3A_987 : vector<16xi1>, vector<16xf32>
      %reduce_max3A_989 = arith.constant true
      %reduce_max3A_990 = vector.broadcast %reduce_max3A_989 : i1 to vector<16xi1>
      %reduce_max3A_991 = tpu.scan <max>, %select_n3A_988 masked %reduce_max3A_990 : vector<16xf32>, vector<16xi1> -> vector<16xf32>
      %reduce_max3A_992 = vector.extract %reduce_max3A_991[15] : f32 from vector<16xf32>
      %iota3A_993 = tpu.iota {dimensions = array<i32: 0>} : vector<16xi32>
      %eq3A_994 = arith.constant 9 : i32
      %eq3A_995 = vector.broadcast %eq3A_994 : i32 to vector<16xi32>
      %eq3A_996 = arith.cmpi eq, %iota3A_993, %eq3A_995 : vector<16xi32>
      %jit3A_997 = arith.constant -1073741824 : i32
      %broadcast_in_dim3A_998 = vector.broadcast %jit3A_997 : i32 to vector<16xi32>
      %select_n3A_999 = arith.select %eq3A_996, %gather3A, %broadcast_in_dim3A_998 : vector<16xi1>, vector<16xi32>
      %reduce_max3A_1000 = arith.constant true
      %reduce_max3A_1001 = vector.broadcast %reduce_max3A_1000 : i1 to vector<16xi1>
      %reduce_max3A_1002 = arith.constant -2147483648 : i32
      %reduce_max3A_1003 = vector.broadcast %reduce_max3A_1002 : i32 to vector<16xi32>
      %reduce_max3A_1004 = arith.xori %select_n3A_999, %reduce_max3A_1003 : vector<16xi32>
      %reduce_max3A_1005 = tpu.scan <max>, %reduce_max3A_1004 masked %reduce_max3A_1001 : vector<16xi32>, vector<16xi1> -> vector<16xi32>
      %reduce_max3A_1006 = arith.xori %reduce_max3A_1005, %reduce_max3A_1003 : vector<16xi32>
      %reduce_max3A_1007 = vector.extract %reduce_max3A_1006[15] : i32 from vector<16xi32>
      %add3A_1008 = arith.constant 0 : i32
      %add3A_1009 = vector.broadcast %add3A_1008 : i32 to vector<16xi32>
      %add3A_1010 = arith.addi %iota3A, %add3A_1009 : vector<16xi32>
      %eq3A_1011 = vector.broadcast %reduce_max3A_1007 : i32 to vector<16xi32>
      %eq3A_1012 = arith.cmpi eq, %add3A_1010, %eq3A_1011 : vector<16xi32>
      %jit3A_1013 = arith.constant 0.000000e+00 : f32
      %broadcast_in_dim3A_1014 = vector.broadcast %reduce_max3A_992 : f32 to vector<16xf32>
      %broadcast_in_dim3A_1015 = vector.broadcast %jit3A_1013 : f32 to vector<16xf32>
      %select_n3A_1016 = arith.select %eq3A_1012, %broadcast_in_dim3A_1014, %broadcast_in_dim3A_1015 : vector<16xi1>, vector<16xf32>
      %add3A_1017 = arith.addf %add3A_951, %select_n3A_1016 : vector<16xf32>
      %add3A_1018 = arith.constant 16 : i32
      %add3A_1019 = vector.broadcast %add3A_1018 : i32 to vector<16xi32>
      %add3A_1020 = arith.addi %iota3A, %add3A_1019 : vector<16xi32>
      %eq3A_1021 = vector.broadcast %reduce_max3A_1007 : i32 to vector<16xi32>
      %eq3A_1022 = arith.cmpi eq, %add3A_1020, %eq3A_1021 : vector<16xi32>
      %jit3A_1023 = arith.constant 0.000000e+00 : f32
      %broadcast_in_dim3A_1024 = vector.broadcast %reduce_max3A_992 : f32 to vector<16xf32>
      %broadcast_in_dim3A_1025 = vector.broadcast %jit3A_1023 : f32 to vector<16xf32>
      %select_n3A_1026 = arith.select %eq3A_1022, %broadcast_in_dim3A_1024, %broadcast_in_dim3A_1025 : vector<16xi1>, vector<16xf32>
      %add3A_1027 = arith.addf %add3A_961, %select_n3A_1026 : vector<16xf32>
      %add3A_1028 = arith.constant 32 : i32
      %add3A_1029 = vector.broadcast %add3A_1028 : i32 to vector<16xi32>
      %add3A_1030 = arith.addi %iota3A, %add3A_1029 : vector<16xi32>
      %eq3A_1031 = vector.broadcast %reduce_max3A_1007 : i32 to vector<16xi32>
      %eq3A_1032 = arith.cmpi eq, %add3A_1030, %eq3A_1031 : vector<16xi32>
      %jit3A_1033 = arith.constant 0.000000e+00 : f32
      %broadcast_in_dim3A_1034 = vector.broadcast %reduce_max3A_992 : f32 to vector<16xf32>
      %broadcast_in_dim3A_1035 = vector.broadcast %jit3A_1033 : f32 to vector<16xf32>
      %select_n3A_1036 = arith.select %eq3A_1032, %broadcast_in_dim3A_1034, %broadcast_in_dim3A_1035 : vector<16xi1>, vector<16xf32>
      %add3A_1037 = arith.addf %add3A_971, %select_n3A_1036 : vector<16xf32>
      %add3A_1038 = arith.constant 48 : i32
      %add3A_1039 = vector.broadcast %add3A_1038 : i32 to vector<16xi32>
      %add3A_1040 = arith.addi %iota3A, %add3A_1039 : vector<16xi32>
      %eq3A_1041 = vector.broadcast %reduce_max3A_1007 : i32 to vector<16xi32>
      %eq3A_1042 = arith.cmpi eq, %add3A_1040, %eq3A_1041 : vector<16xi32>
      %jit3A_1043 = arith.constant 0.000000e+00 : f32
      %broadcast_in_dim3A_1044 = vector.broadcast %reduce_max3A_992 : f32 to vector<16xf32>
      %broadcast_in_dim3A_1045 = vector.broadcast %jit3A_1043 : f32 to vector<16xf32>
      %select_n3A_1046 = arith.select %eq3A_1042, %broadcast_in_dim3A_1044, %broadcast_in_dim3A_1045 : vector<16xi1>, vector<16xf32>
      %add3A_1047 = arith.addf %add3A_981, %select_n3A_1046 : vector<16xf32>
      %swap3A = arith.constant 0 : index
      %swap3A_1048 = tpu.vector_load %arg9[%swap3A] {strides = array<i32>} : memref<64xf32, #tpu.memory_space<vmem>>, vector<16xf32>,
      tpu.vector_store %arg9[%swap3A], %add3A_1017 {strides = array<i32>} : memref<64xf32, #tpu.memory_space<vmem>>, vector<16xf32>,
      %swap3A_1049 = arith.constant 16 : index
      %swap3A_1050 = tpu.vector_load %arg9[%swap3A_1049] {strides = array<i32>} : memref<64xf32, #tpu.memory_space<vmem>>, vector<16xf32>,
      tpu.vector_store %arg9[%swap3A_1049], %add3A_1027 {strides = array<i32>} : memref<64xf32, #tpu.memory_space<vmem>>, vector<16xf32>,
      %swap3A_1051 = arith.constant 32 : index
      %swap3A_1052 = tpu.vector_load %arg9[%swap3A_1051] {strides = array<i32>} : memref<64xf32, #tpu.memory_space<vmem>>, vector<16xf32>,
      tpu.vector_store %arg9[%swap3A_1051], %add3A_1037 {strides = array<i32>} : memref<64xf32, #tpu.memory_space<vmem>>, vector<16xf32>,
      %swap3A_1053 = arith.constant 48 : index
      %swap3A_1054 = tpu.vector_load %arg9[%swap3A_1053] {strides = array<i32>} : memref<64xf32, #tpu.memory_space<vmem>>, vector<16xf32>,
      tpu.vector_store %arg9[%swap3A_1053], %add3A_1047 {strides = array<i32>} : memref<64xf32, #tpu.memory_space<vmem>>, vector<16xf32>,
      "tpu.region"() ({
        %run_scoped3A = tpu.sem_alloc : memref<!tpu.dma_semaphore, #tpu.memory_space<semaphore_mem>>
        %dma_start3A_1055 = arith.constant 0 : i32
        %dma_start3A_1056 = tpu.memref_slice %arg5[%add3A_9, %dma_start3A_1055] : memref<512x64xf32, #tpu.memory_space<hbm>> -> memref<1x64xf32, #tpu.memory_space<hbm>>
        %dma_start3A_1057 = tpu.memref_squeeze %dma_start3A_1056 : memref<1x64xf32, #tpu.memory_space<hbm>> -> memref<64xf32, #tpu.memory_space<hbm>>
        %dma_start3A_1058 = arith.constant 0 : i32
        %dma_start3A_1059 = tpu.memref_slice %arg5[%add3A_9, %dma_start3A_1058] : memref<512x64xf32, #tpu.memory_space<hbm>> -> memref<1x64xf32, #tpu.memory_space<hbm>>
        %dma_start3A_1060 = tpu.memref_squeeze %dma_start3A_1059 : memref<1x64xf32, #tpu.memory_space<hbm>> -> memref<64xf32, #tpu.memory_space<hbm>>
        tpu.enqueue_dma source(%arg9 : memref<64xf32, #tpu.memory_space<vmem>>) target(%dma_start3A_1060 : memref<64xf32, #tpu.memory_space<hbm>>) target_semaphore(%run_scoped3A : memref<!tpu.dma_semaphore, #tpu.memory_space<semaphore_mem>>)
        %dma_wait3A_1061 = arith.constant 0 : i32
        %dma_wait3A_1062 = tpu.memref_slice %arg5[%add3A_9, %dma_wait3A_1061] : memref<512x64xf32, #tpu.memory_space<hbm>> -> memref<1x64xf32, #tpu.memory_space<hbm>>
        %dma_wait3A_1063 = tpu.memref_squeeze %dma_wait3A_1062 : memref<1x64xf32, #tpu.memory_space<hbm>> -> memref<64xf32, #tpu.memory_space<hbm>>
        %dma_wait3A_1064 = arith.constant 0 : i32
        %dma_wait3A_1065 = tpu.memref_slice %arg5[%add3A_9, %dma_wait3A_1064] : memref<512x64xf32, #tpu.memory_space<hbm>> -> memref<1x64xf32, #tpu.memory_space<hbm>>
        %dma_wait3A_1066 = tpu.memref_squeeze %dma_wait3A_1065 : memref<1x64xf32, #tpu.memory_space<hbm>> -> memref<64xf32, #tpu.memory_space<hbm>>
        tpu.wait_dma2 semaphore(%run_scoped3A : memref<!tpu.dma_semaphore, #tpu.memory_space<semaphore_mem>>) src(%arg9 : memref<64xf32, #tpu.memory_space<vmem>>) dst(%dma_wait3A_1066 : memref<64xf32, #tpu.memory_space<hbm>>)
        tpu.yield
      }) : () -> ()
    }
    %scan3A_5 = arith.constant 16 : i32
    return
  }
}

module attributes {stable_mosaic.version = 14 : i64} {
  func.func @_simk_body(%arg0: i32, %arg1: memref<512x32xbf16, #tpu.memory_space<vmem>>, %arg2: memref<2048x32xbf16, #tpu.memory_space<vmem>>, %arg3: memref<512x2048xf32, #tpu.memory_space<vmem>>, %arg4: memref<1x512x16xf32, #tpu.memory_space<vmem>>) attributes {dimension_semantics = [#tpu.dimension_semantics<arbitrary>], iteration_bounds = array<i64: 49>, scalar_prefetch = 0 : i64, scratch_operands = 0 : i64, tpu.core_type = #tpu.core_type<tc>, window_params = [{pipeline_mode = #tpu.pipeline_mode<synchronous>, transform_indices = @transform_0, window_bounds = array<i64: 512, 32>}, {transform_indices = @transform_1, window_bounds = array<i64: 2048, 32>}, {transform_indices = @transform_2, window_bounds = array<i64: 512, 2048>}, {transform_indices = @transform_3, window_bounds = array<i64: 1, 512, 16>}]} {
    %get3A = arith.constant 0 : index
    %get3A_0 = arith.constant 0 : index
    %get3A_1 = vector.load %arg1[%get3A, %get3A_0] : memref<512x32xbf16, #tpu.memory_space<vmem>>, vector<512x32xbf16>
    %get3A_2 = arith.constant 0 : index
    %get3A_3 = arith.constant 0 : index
    %get3A_4 = vector.load %arg2[%get3A_2, %get3A_3] : memref<2048x32xbf16, #tpu.memory_space<vmem>>, vector<2048x32xbf16>
    %dot_general3A = arith.constant dense<0.000000e+00> : vector<512x2048xf32>
    %dot_general3A_5 = tpu.matmul %get3A_1, %get3A_4, %dot_general3A {dimension_numbers = #tpu.dot_dimension_numbers<[1], [1], [0], [0], [0, 0, 1, 0], [], []>, transpose_lhs_hint = false} : vector<512x32xbf16>, vector<2048x32xbf16>, vector<512x2048xf32> -> vector<512x2048xf32>
    %lt3A = arith.constant 48 : i32
    %lt3A_6 = arith.cmpi slt, %arg0, %lt3A : i32
    %convert_element_type3A = arith.extui %lt3A_6 : i1 to i32
    %cond3A = arith.constant 0 : i32
    %cond3A_7 = arith.cmpi ne, %convert_element_type3A, %cond3A : i32
    scf.if %cond3A_7 {
      %swap3A = arith.constant 0 : index
      %swap3A_12 = arith.constant 0 : index
      %swap3A_13 = vector.load %arg3[%swap3A, %swap3A_12] : memref<512x2048xf32, #tpu.memory_space<vmem>>, vector<512x2048xf32>
      tpu.vector_store %arg3[%swap3A, %swap3A_12], %dot_general3A_5 {strides = array<i32>} : memref<512x2048xf32, #tpu.memory_space<vmem>>, vector<512x2048xf32>,
      %reshape3A = vector.shape_cast %dot_general3A_5 : vector<512x2048xf32> to vector<512x16x128xf32>
      %reduce_max3A = arith.constant dense<0xFF800000> : vector<512x16xf32>
      %reduce_max3A_14 = vector.multi_reduction <maximumf>, %reshape3A, %reduce_max3A [2] : vector<512x16x128xf32> to vector<512x16xf32>
      %swap3A_15 = arith.constant 0 : index
      %swap3A_16 = arith.constant 0 : index
      %swap3A_17 = arith.constant 0 : index
      %swap3A_18 = vector.load %arg4[%swap3A_15, %swap3A_16, %swap3A_17] : memref<1x512x16xf32, #tpu.memory_space<vmem>>, vector<1x512x16xf32>
      %swap3A_19 = vector.shape_cast %swap3A_18 : vector<1x512x16xf32> to vector<512x16xf32>
      %swap3A_20 = vector.shape_cast %reduce_max3A_14 : vector<512x16xf32> to vector<1x512x16xf32>
      tpu.vector_store %arg4[%swap3A_15, %swap3A_16, %swap3A_17], %swap3A_20 {strides = array<i32>} : memref<1x512x16xf32, #tpu.memory_space<vmem>>, vector<1x512x16xf32>,
    } else {
    }
    %eq3A = arith.constant 48 : i32
    %eq3A_8 = arith.cmpi eq, %arg0, %eq3A : i32
    %convert_element_type3A_9 = arith.extui %eq3A_8 : i1 to i32
    %cond3A_10 = arith.constant 0 : i32
    %cond3A_11 = arith.cmpi ne, %convert_element_type3A_9, %cond3A_10 : i32
    scf.if %cond3A_11 {
      %mul3A = arith.constant 2048 : i32
      %mul3A_12 = arith.muli %arg0, %mul3A : i32
      %iota3A = tpu.iota {dimensions = array<i32: 1>} : vector<512x2048xi32>
      %add3A = vector.broadcast %mul3A_12 : i32 to vector<512x2048xi32>
      %add3A_13 = arith.addi %add3A, %iota3A : vector<512x2048xi32>
      %ge3A = arith.constant 100000 : i32
      %ge3A_14 = vector.broadcast %ge3A : i32 to vector<512x2048xi32>
      %ge3A_15 = arith.cmpi sge, %add3A_13, %ge3A_14 : vector<512x2048xi32>
      %jit3A = arith.constant -1.000000e+30 : f32
      %broadcast_in_dim3A = vector.broadcast %jit3A : f32 to vector<512x2048xf32>
      %select_n3A = arith.select %ge3A_15, %broadcast_in_dim3A, %dot_general3A_5 : vector<512x2048xi1>, vector<512x2048xf32>
      %swap3A = arith.constant 0 : index
      %swap3A_16 = arith.constant 0 : index
      %swap3A_17 = vector.load %arg3[%swap3A, %swap3A_16] : memref<512x2048xf32, #tpu.memory_space<vmem>>, vector<512x2048xf32>
      tpu.vector_store %arg3[%swap3A, %swap3A_16], %select_n3A {strides = array<i32>} : memref<512x2048xf32, #tpu.memory_space<vmem>>, vector<512x2048xf32>,
      %reshape3A = vector.shape_cast %select_n3A : vector<512x2048xf32> to vector<512x16x128xf32>
      %reduce_max3A = arith.constant dense<0xFF800000> : vector<512x16xf32>
      %reduce_max3A_18 = vector.multi_reduction <maximumf>, %reshape3A, %reduce_max3A [2] : vector<512x16x128xf32> to vector<512x16xf32>
      %swap3A_19 = arith.constant 0 : index
      %swap3A_20 = arith.constant 0 : index
      %swap3A_21 = arith.constant 0 : index
      %swap3A_22 = vector.load %arg4[%swap3A_19, %swap3A_20, %swap3A_21] : memref<1x512x16xf32, #tpu.memory_space<vmem>>, vector<1x512x16xf32>
      %swap3A_23 = vector.shape_cast %swap3A_22 : vector<1x512x16xf32> to vector<512x16xf32>
      %swap3A_24 = vector.shape_cast %reduce_max3A_18 : vector<512x16xf32> to vector<1x512x16xf32>
      tpu.vector_store %arg4[%swap3A_19, %swap3A_20, %swap3A_21], %swap3A_24 {strides = array<i32>} : memref<1x512x16xf32, #tpu.memory_space<vmem>>, vector<1x512x16xf32>,
    } else {
    }
    return
  }
  func.func @transform_0(%arg0: i32) -> (i32, i32) {
    %c0_i32 = arith.constant 0 : i32
    %c0_i32_0 = arith.constant 0 : i32
    %c0_i32_1 = arith.constant 0 : i32
    return %c0_i32, %c0_i32_0 : i32, i32
  }
  func.func @transform_1(%arg0: i32) -> (i32, i32) {
    %c0_i32 = arith.constant 0 : i32
    %c0_i32_0 = arith.constant 0 : i32
    return %arg0, %c0_i32 : i32, i32
  }
  func.func @transform_2(%arg0: i32) -> (i32, i32) {
    %c0_i32 = arith.constant 0 : i32
    %c0_i32_0 = arith.constant 0 : i32
    return %c0_i32, %arg0 : i32, i32
  }
  func.func @transform_3(%arg0: i32) -> (i32, i32, i32) {
    %c0_i32 = arith.constant 0 : i32
    %c0_i32_0 = arith.constant 0 : i32
    %c0_i32_1 = arith.constant 0 : i32
    return %arg0, %c0_i32, %c0_i32_0 : i32, i32, i32
  }
}

</mosaic_0001>

<sc_bundles>
// kernel: kernel.6.cloned.1.call-start
scs
__scs_entry_jumppad:
0x0: {  	(pc) =	sbr.rel $0x88, $3  }
0x1: {  	(tag) =	ssettag $0x0;
	lr =	simm.s32 $0x1  }
0x2: {  	[smem:$0x3F9E] =	sst lr;
	_ =	strace $0xD0000000  }
0x3: {  	_ = 	snop  }
0x4: {  	_ = 	snop  }
0x5: {  	_ = 	snop  }
0x6: {  	_ = 	snop  }
0x7: {  	_ = 	snop  }
__scs_overlays_trampoline_lowered:
0x8: {  	[smem:$0x3FAD] =	sst s0  }
0x9: {  	[smem:$0x3FAE] =	sst s1  }
0xa: {  	[smem:$0x3FAF] =	sst s2  }
0xb: {  	[smem:$0x3FB0] =	sst s3  }
0xc: {  	[smem:$0x3FB1] =	sst s4  }
0xd: {  	[smem:$0x3FB2] =	sst s5  }
0xe: {  	[smem:$0x3FB3] =	sst s6  }
0xf: {  	[smem:$0x3FB4] =	sst s7  }
0x10: {  	[smem:$0x3FB5] =	sst s8  }
0x11: {  	[smem:$0x3FB6] =	sst s9;
	s0 =	simm.s32 @!p0 $0x0  }
0x12: {  	s1 =	sld [smem:$0x3F9C];
	s0 =	simm.s32 @p0 $0x1  }
0x13: {  	[smem:$0x3FB7] =	sst s0;
	s0 =	simm.s32 @!p1 $0x0  }
0x14: {  	s2 =	sld [smem:$0x3F9B];
	s0 =	simm.s32 @p1 $0x1  }
0x15: {  	[smem:$0x3FB8] =	sst s0;
	s0 =	simm.s32 @!p2 $0x0  }
0x16: {  	s3 =	sld [smem:$0x3FDB];
	s0 =	simm.s32 @p2 $0x1  }
0x17: {  	s4 =	simm.s32 $0x1BF5;
	[smem:$0x3FBA] =	sst s0  }
0x18: {  	s0 =	sld [smem:$0x3F9D];
	_ =	swait.ge [sflag:s4], $0x0  }
0x19: {  	s7 =	sld [smem:$0x3F9E]  }
0x1a: {  	s8 =	sadd.s32 $0xFFFFE003, lr  }
0x1b: {  	s9 =	sadd.s32 $0xFFFFFEF7, lr;
	s5 =	simm.s32 $0xFFFFFFFF;
	p2 =	slt.u32 s8, $0xFFFFF086  }
0x1c: {  	p1 =	slt.u32 s9, $0xF7A;
	s5 =	simm.s32 @!p2 $0x0  }
0x1d: {  	s5 =	simm.s32 @p1 $0x1;
	p0 =	seq.s32 s7, s2  }
0x1e: {  	s7 =	smul.u32 @!p0 $0xF7A, s2;
	p2 =	seq.s32 @!p0 s5, $0x0  }
0x1f: {  	s9 =	smul.u32 $0xF7A, s1;
	s8 =	simm.s32 @!p0 $0x1BF5;
	p2 =	por !p2, p0  }
0x20: {  	[sflag:s8] =	ssyncset.s32 @!p0 $0xFFFFF086;
	s6 =	sadd.s32 @!p0 s3, s7;
	s7 =	simm.s32 @!p0 $0x108  }
0x21: {  	s3 =	sadd.s32 s3, s9;
	s6 =	sadd.s32 @!p0 $0x88, s6;
	s7 =	simm.s32 @p2 $0x1082  }
0x22: {  	[simem:s7], [sflag:s8] =	dma.local @!p0 [hbm:s6], $0xF7A  }
0x23: {  	s9 =	sor.u32 $0xD0000000, s2;
	s6 =	simm.s32 $0x108;
	_ =	swait.ge @!p0 [sflag:s8], $0x0  }
0x24: {  	s3 =	sadd.s32 $0x88, s3;
	s6 =	simm.s32 @!p1 $0x1082;
	[sflag:s4] =	ssyncset.s32 $0xFFFFF086  }
0x25: {  	[simem:s6], [sflag:s4] =	dma.local [hbm:s3], $0xF7A  }
0x26: {  	[smem:$0x3F9E] =	sst s1;
	(tag) =	ssettag s2;
	_ =	strace s9  }
0x27: {  	s1 =	sld [smem:$0x3FAE]  }
0x28: {  	s2 =	sld [smem:$0x3FAF]  }
0x29: {  	s4 =	sld [smem:$0x3FB1]  }
0x2a: {  	p0 =	seq.s32 s5, $0x0;
	s5 =	sld [smem:$0x3FB2]  }
0x2b: {  	s6 =	sld [smem:$0x3FB3]  }
0x2c: {  	s7 =	sld [smem:$0x3FB4]  }
0x2d: {  	s3 =	simm.s32 $0x108;
	s8 =	sld [smem:$0x3FB5]  }
0x2e: {  	s3 =	simm.s32 @!p0 $0x1082;
	s9 =	sld [smem:$0x3FB6]  }
0x2f: {  	lr =	sadd.s32 s0, s3;
	s0 =	sld [smem:$0x3FAD]  }
0x30: {  	s3 =	sld [smem:$0x3FB0]  }
0x31: {  	[smem:$0x3FB9] =	sst s10  }
0x32: {  	s10 =	sld [smem:$0x3FB7];
	_ =	sdelay $0x3  }
0x33: {  	p0 =	seq.s32 s10, $0x1;
	s10 =	sld [smem:$0x3FB9];
	_ =	sdelay $0x3  }
0x34: {  	[smem:$0x3FB9] =	sst s10  }
0x35: {  	s10 =	sld [smem:$0x3FB8];
	_ =	sdelay $0x3  }
0x36: {  	p1 =	seq.s32 s10, $0x1;
	s10 =	sld [smem:$0x3FB9];
	_ =	sdelay $0x3  }
0x37: {  	[smem:$0x3FB9] =	sst s10  }
0x38: {  	s10 =	sld [smem:$0x3FBA]  }
0x39: {  	_ = 	snop;
	(pc) =	sbr.ind lr, $3  }
0x3a: {  	_ = 	snop  }
0x3b: {  	_ = 	snop  }
0x3c: {  	p2 =	seq.s32 s10, $0x1;
	s10 =	sld [smem:$0x3FB9]  }
0x3d: {  	_ =	shalt  }
0x3e: {  	_ =	shalt  }
0x3f: {  	_ =	shalt  }
0x40: {  	_ =	shalt  }
0x41: {  	_ =	shalt  }
0x42: {  	_ =	shalt  }
0x43: {  	_ =	shalt  }
0x44: {  	_ =	shalt  }
0x45: {  	_ =	shalt  }
0x46: {  	_ =	shalt  }
0x47: {  	_ =	shalt  }
0x48: {  	_ =	shalt  }
0x49: {  	_ =	shalt  }
0x4a: {  	_ =	shalt  }
0x4b: {  	_ =	shalt  }
0x4c: {  	_ =	shalt  }
0x4d: {  	_ =	shalt  }
0x4e: {  	_ =	shalt  }
0x4f: {  	_ =	shalt  }
0x50: {  	_ =	shalt  }
0x51: {  	_ =	shalt  }
0x52: {  	_ =	shalt  }
0x53: {  	_ =	shalt  }
0x54: {  	_ =	shalt  }
0x55: {  	_ =	shalt  }
0x56: {  	_ =	shalt  }
0x57: {  	_ =	shalt  }
0x58: {  	_ =	shalt  }
0x59: {  	_ =	shalt  }
0x5a: {  	_ =	shalt  }
0x5b: {  	_ =	shalt  }
0x5c: {  	_ =	shalt  }
0x5d: {  	_ =	shalt  }
0x5e: {  	_ =	shalt  }
0x5f: {  	_ =	shalt  }
0x60: {  	_ =	shalt  }
0x61: {  	_ =	shalt  }
0x62: {  	_ =	shalt  }
0x63: {  	_ =	shalt  }
0x64: {  	_ =	shalt  }
0x65: {  	_ =	shalt  }
0x66: {  	_ =	shalt  }
0x67: {  	_ =	shalt  }
0x68: {  	_ =	shalt  }
0x69: {  	_ =	shalt  }
0x6a: {  	_ =	shalt  }
0x6b: {  	_ =	shalt  }
0x6c: {  	_ =	shalt  }
0x6d: {  	_ =	shalt  }
0x6e: {  	_ =	shalt  }
0x6f: {  	_ =	shalt  }
0x70: {  	_ =	shalt  }
0x71: {  	_ =	shalt  }
0x72: {  	_ =	shalt  }
0x73: {  	_ =	shalt  }
0x74: {  	_ =	shalt  }
0x75: {  	_ =	shalt  }
0x76: {  	_ =	shalt  }
0x77: {  	_ =	shalt  }
0x78: {  	_ =	shalt  }
0x79: {  	_ =	shalt  }
0x7a: {  	_ =	shalt  }
0x7b: {  	_ =	shalt  }
0x7c: {  	_ =	shalt  }
0x7d: {  	_ =	shalt  }
0x7e: {  	_ =	shalt  }
0x7f: {  	_ =	shalt  }
0x80: {  	_ =	shalt  }
0x81: {  	_ =	shalt  }
0x82: {  	_ =	shalt  }
0x83: {  	_ =	shalt  }
0x84: {  	_ =	shalt  }
0x85: {  	_ =	shalt  }
0x86: {  	_ =	shalt  }
0x87: {  	_ =	shalt  }
.Lfunc_end0:
.L_simem_size_0:
called_computation_lowered:
.L_overlay_start_0:
0x88: {  	s2 =	sld [smem:$0x3FD9]  }
0x89: {  	s3 =	sld [smem:$0x3FFE];
	_ =	sdelay $0x1  }
0x8a: {  	s1 =	srdreg.scid  }
0x8b: {  	s0 =	sand.u32 $0x1, s1  }
0x8c: {  	s16 =	sshll.u32 s0, $0xA;
	s2 =	sadd.s32 s3, s2  }
0x8d: {  	s2 =	sadd.s32 s2, s16  }
0x8e: {  	[smem:$0x3FC5] =	sst s2  }
0x8f: {  	_ = 	snop  }
0x90: {  	(tm) =	ssettm $0x1  }
0x91: {  	s17 =	sld [smem:$0x3FFB];
	_ =	sdelay $0x3  }
0x92: {  	_ =	strace s17  }
0x93: {  	s2 =	sld [smem:$0x3FFC];
	_ =	sdelay $0x3  }
0x94: {  	_ =	strace s2  }
0x95: {  	s2 =	sld [smem:$0x3FFD];
	_ =	sdelay $0x3  }
0x96: {  	_ =	strace s2  }
0x97: {  	_ =	strace $0x8FFFFFFF  }
0x98: {  	s18 =	sld [smem:$0x3FDB];
	_ =	sdelay $0x1  }
0x99: {  	s19 =	simm.s32 $_scs_section_size  }
0x9a: {  	s4 =	simm.s32 $_size__tile_overlayer_lowered;
	s5 =	simm.s32 $_tile_overlayer_lowered  }
0x9b: {  	s22 =	simm.s32 $0x1BFF;
	s21 =	sshll.u32 s5, $0x1;
	s2 =	sadd.s32 s19, s18  }
0x9c: {  	s6 =	simm.s32 $0x0;
	s20 =	sshll.u32 s4, $0x1;
	s4 =	sadd.s32 s21, s2  }
0x9d: {  	[timem:s6], [sflag:s22] =	dma.local [hbm:s4], s20  }
0x9e: {  	_ =	swait.ge [sflag:s22], s20  }
0x9f: {  	s3 =	ssub.s32 $0x0, s20;
	[sflag:s22] =	ssyncset.done $0x0  }
0xa0: {  	[sflag:s22] =	ssyncadd.s32 s3;
	_ =	sdelay $0x1  }
0xa1: {  	s23 =	simm.s32 $0x1B8B  }
0xa2: {  	_ =	swait.ge [sflag:s23], $0x1  }
0xa3: {  	[sflag:s23] =	ssyncset.done $0x0  }
0xa4: {  	s25 =	simm.s32 $0x1B8E;
	s24 =	sld [smem:$0x3FFE];
	[sflag:s23] =	ssyncadd.s32 $0xFFFFFFFF  }
0xa5: {  	s26 =	simm.s32 $execute0_lowered;
	[smem:$0x3FD2] =	sst s25  }
0xa6: {  	s4 =	sshll.u32 s26, $0x1;
	_ =	strace $0x80000046;
	[dreg:$0x1] =	wrdreg $0xFFFFFFFF  }
0xa7: {  	s28 =	simm.s32 $_size_execute0_lowered;
	s2 =	sadd.s32 s2, s4;
	[dreg:$0x0] =	wrdreg $0x0  }
0xa8: {  	s4 =	sshll.u32 s28, $0x1;
	[dreg:$0x2] =	wrdreg s2  }
0xa9: {  	[dreg:$0x3] =	wrdreg s4  }
0xaa: {  	[dreg:$0x4] =	wrdreg $0xC0  }
0xab: {  	_ =	task [dreg:s6], $0x5FFFF  }
0xac: {  	[dreg:$0x1] =	wrdreg $0xFFFFFFFF  }
0xad: {  	[dreg:$0x0] =	wrdreg $0x60  }
0xae: {  	[dreg:$0x2] =	wrdreg s24  }
0xaf: {  	[dreg:$0x3] =	wrdreg $0x9  }
0xb0: {  	_ =	task.clear_ibuf [dreg:s6], $0x4FFFF;
	_ =	strace $0x90000046  }
0xb1: {  	s29 =	simm.s32 $0x9;
	_ =	strace $0x80000048  }
0xb2: {  	_ =	swait.ge [sflag:s29], $0x1  }
0xb3: {  	[sflag:s29] =	ssyncadd.s32 $0xFFFFFFFF  }
0xb4: {  	_ =	strace $0x90000048  }
0xb5: {  	_ =	sfence  }
0xb6: {  	s30 =	sld [smem:$0x0];
	_ =	sdelay $0x2  }
0xb7: {  	s31 =	sshll.u32 s1, $0xD;
	s1 =	sshrl.u32 s1, $0x2  }
0xb8: {  	s3 =	sand.u32 $0x4000, s31;
	s1 =	sadd.s32 s1, s30  }
0xb9: {  	s0 =	sor.u32 s3, s0;
	s1 =	sshll.u32 s1, $0x11  }
0xba: {  	s0 =	sor.u32 s1, s0  }
0xbb: {  	s0 =	sadd.s32 $0x8F2B, s0  }
0xbc: {  	[sflag:s0] =	ssyncadd.remote.s32 $0x1  }
0xbd: {  	_ =	sfence.sel $0xFFFF  }
0xbe: {  	[dreg:$0x0] =	wrdreg $0xFFFFFFFF;
	(pc) =	sbr.abs _section_cstart, $3  }
0xbf: {  	[dreg:$0x1] =	wrdreg $0xFFFFFFFF  }
0xc0: {  	_ =	task.clear_ibuf [dreg:s6], $0x2FFFF;
	_ =	strace $0x9FFFFFFF  }
0xc1: {  	(tm) =	ssettm $0x7FFFFFFF  }
tec
execute0_lowered:
.L_overlay_start_1:
0x0: {  	(tag) =	ssettag $0x1  }
0x1: {  	s5 =	rddreg [dreg:$0x0];
	s1 =	simm.s32 $0x0  }
0x2: {  	[smem:$0x7FF] =	sst s1  }
0x3: {  	s0 =	rddreg [dreg:$0x1];
	v0 =	vimm.f32 $7.000000030e-02;
	_ =	strace $0x80000047  }
0x4: {  	(erf) = vrcp.f32 v0;
	_ =	sdelay $0x2  }
0x5: {  	s3 =	srdreg.scid;
	s10 =	simm.s32 $0x80;
	s11 =	simm.s32 $0x400  }
0x6: {  	vm0 =	vmmov $0xffff;
	s12 =	simm.s32 $0x18B80;
	s13 =	simm.s32 $0x1;
	s14 =	simm.s32 $0x19380  }
0x7: {  	vm1 =	vmmov $0x1;
	vm2 =	vcmask $0x308;
	vm3 =	vcmask $0x70C;
	s15 =	simm.s32 $0x0;
	s2 =	sadd.s32 $0x6E4C00, s5;
	s7 =	sand.u32 $0x1, s3  }
0x8: {  	vm4 =	vcmask $0xB10;
	vm5 =	vcmask $0xF14;
	s3 =	sadd.s32 $0xC4C00, s5;
	s4 =	sadd.s32 $0xD2C00, s5;
	s8 =	ssub.s32 $0x2, s7;
	v0 =	vlaneseq.u32  }
0x9: {  	vm6 =	vcmask $0x1318;
	vm7 =	vcmask $0x171C;
	s6 =	sadd.s32 $0xD5E00, s5;
	s5 =	stileid.u32;
	s9 =	sshrl.u32 s8, $0x1;
	v1 =	vmul.u32 $0xFFFFFFFF, v0  }
0xa: {  	vm8 =	vcmask $0x1B20;
	vm9 =	vcmask $0x1F24;
	vm10 =	vcmask $0x2328;
	s31 =	sshll.u32 s5, $0x5;
	s7 =	sshll.u32 s7, $0x4;
	s8 =	ssub.s32 s8, s9  }
0xb: {  	vm14 =	vcmask $0x3338;
	vm15 =	vcmask $0x373C;
	s7 =	sor.u32 s7, s31;
	s9 =	simm.s32 $0x2;
	s8 =	smax.u32 s8, $0x1;
	v1 =	vadd.s32 $0xF, v1;
	v2 =	vpop (erf)  }
.LBB2_1:
0xc: {  	[tilespmem:s1], [sflag:$0x2] =	stream.linear.gather [hbm4b:s4+s1], $0x18800, $0x38;
	[tilespmem:$0x19400] =	vst v63  }
0xd: {  	_ =	swait.ge [sflag:s9], $0x18800  }
0xe: {  	[sflag:s9] =	ssyncset.done $0x0  }
0xf: {  	s16 =	simm.s32 $0x0;
	[sflag:s9] =	ssyncadd.s32 $0xFFFE7800  }
.LBB2_2:
0x10: {  	s19 =	sadd.s32 s7, s16  }
0x11: {  	s17 =	sshrl.u32 s19, $0x3  }
0x12: {  	s18 =	sshll.u32 s16, $0x7;
	s20 =	smul.u32 $0x1C00, s17  }
0x13: {  	s18 =	sand.u32 $0x380, s18  }
0x14: {  	s20 =	sor.u32 s18, s20  }
0x15: {  	s20 =	sshrl.u32 s20, $0x3  }
0x16: {  	s21 =	simm.s32 $0x18800;
	s20 =	sadd.s32 s3, s20  }
0x17: {  	[tilespmem:s21], [sflag:$0x2] =	stream.strided.gather [hbm4b:s20+s10], $0x380, s11, s10, $0x38;
	[tilespmem:$0x19400] =	vst v63  }
0x18: {  	_ =	swait.ge [sflag:s9], $0x380  }
0x19: {  	[sflag:s9] =	ssyncset.done $0x0  }
0x1a: {  	[sflag:s9] =	ssyncadd.s32 $0xFFFFFC80  }
0x1b: {  	v3 =	vld [tilespmem:s21+$0x0];
	_ =	sdelay $0x4  }
0x1c: {  	s29 =	simm.s32 $0x0;
	v3 =	vsub.f32 $0.0e+00, v3  }
0x1d: {  	v4 =	vor.u32 s29, v0  }
0x1e: {  	(xrf1) =	vsort.ascd.msk.f32 $0xffff, v3, v4;
	_ =	sdelay $0x3  }
0x1f: {  	s30 =	simm.s32 $0x18810  }
0x20: {  	v3 =	vld [tilespmem:s30+$0x0];
	_ =	sdelay $0x3  }
0x21: {  	s31 =	simm.s32 $0x10  }
0x22: {  	v4 =	vor.u32 s31, v0;
	v3 =	vsub.f32 $0.0e+00, v3;
	_ =	sdelay $0x3  }
0x23: {  	(xrf1) =	vsort.ascd.msk.f32 $0xffff, v3, v4;
	v3, v4, _ =	vpop (xrf1)  }
0x24: {  	v3 =	vsub.f32 $0.0e+00, v3;
	_ =	sdelay $0x1  }
0x25: {  	v3 =	vperm.xlane v3, v1  }
0x26: {  	v5 =	vimm.f32 $-3.000000010e+38  }
0x27: {  	vm11 =	vge.f32 v5, v3  }
0x28: {  	v4 =	vperm.xlane v4, v1;
	v3 =	vsel vm11, v5, v3  }
0x29: {  	v5 =	vimm.s32 $0x0;
	v3 =	vsub.f32 $0.0e+00, v3  }
0x2a: {  	v4 =	vsel vm11, v5, v4  }
0x2b: {  	(xrf1) =	vsort.ascd.msk.f32 $0xffff, v3, v4;
	_ =	sdelay $0xa  }
0x2c: {  	s21 =	simm.s32 $0x18820  }
0x2d: {  	s22 =	simm.s32 $0x30;
	s20 =	simm.s32 $0x20;
	v3 =	vld [tilespmem:s21+$0x0];
	v5, v4, _ =	vpop (xrf1)  }
.LBB2_3:
0x2e: {  	p0 =	sne.s32 s22, $0x300;
	v5 =	vsub.f32 $0.0e+00, v5  }
0x2f: {  	v7, v6, _ =	vpop (xrf1)  }
0x30: {  	v5 =	vperm.xlane v5, v1;
	v7 =	vsub.f32 $0.0e+00, v7  }
0x31: {  	v4 =	vperm.xlane v4, v1  }
0x32: {  	v3 =	vsub.f32 $0.0e+00, v3;
	vm11 =	vge.f32 v7, v5  }
0x33: {  	v8 =	vor.u32 s20, v0;
	s20 =	smov.u32 s22;
	v5 =	vsel vm11, v7, v5;
	v4 =	vsel vm11, v6, v4  }
0x34: {  	(xrf1) =	vsort.ascd.msk.f32 $0xffff, v3, v8;
	v3 =	vsub.f32 $0.0e+00, v5;
	_ =	sdelay $0x1  }
0x35: {  	(xrf1) =	vsort.ascd.msk.f32 $0xffff, v3, v4;
	_ =	sdelay $0x7  }
.Ltmp0:
0x36: {  	(pc) =	sbr.rel @p0 .LBB2_3-.Ltmp0, $3  }
0x37: {  	_ =	sdelay $0x1  }
0x38: {  	s21 =	sadd.s32 $0x10, s21  }
0x39: {  	s22 =	sadd.s32 $0x10, s22;
	v3 =	vld [tilespmem:s21+$0x0];
	v5, v4, _ =	vpop (xrf1)  }
0x3a: {  	v5 =	vsub.f32 $0.0e+00, v5  }
0x3b: {  	v6, v7, _ =	vpop (xrf1)  }
0x3c: {  	v5 =	vperm.xlane v5, v1;
	v6 =	vsub.f32 $0.0e+00, v6;
	_ =	sdelay $0x1  }
0x3d: {  	v3 =	vsub.f32 $0.0e+00, v3;
	vm11 =	vge.f32 v6, v5  }
0x3e: {  	v4 =	vperm.xlane v4, v1;
	v8 =	vor.u32 s20, v0;
	v5 =	vsel vm11, v6, v5  }
0x3f: {  	(xrf1) =	vsort.ascd.msk.f32 $0xffff, v3, v8;
	v3 =	vsub.f32 $0.0e+00, v5  }
0x40: {  	v4 =	vsel vm11, v7, v4  }
0x41: {  	(xrf1) =	vsort.ascd.msk.f32 $0xffff, v3, v4;
	_ =	sdelay $0xb  }
0x42: {  	v3, v4, _ =	vpop (xrf1)  }
0x43: {  	v3 =	vsub.f32 $0.0e+00, v3  }
0x44: {  	v5, v6, _ =	vpop (xrf1)  }
0x45: {  	v3 =	vperm.xlane v3, v1;
	v5 =	vsub.f32 $0.0e+00, v5;
	_ =	sdelay $0x1  }
0x46: {  	vm11 =	vge.f32 v5, v3  }
0x47: {  	v4 =	vperm.xlane v4, v1;
	v3 =	vsel vm11, v5, v3  }
0x48: {  	v3 =	vsub.f32 $0.0e+00, v3  }
0x49: {  	v4 =	vsel vm11, v6, v4  }
0x4a: {  	(xrf1) =	vsort.ascd.msk.f32 $0xffff, v3, v4;
	_ =	sdelay $0xc  }
0x4b: {  	s19 =	smul.u32 $0x310, s19  }
0x4c: {  	v4, v3, _ =	vpop (xrf1)  }
0x4d: {  	v4 =	vadd.s32 s19, v3;
	_ =	sdelay $0x3  }
0x4e: {  	s28 =	simm.s32 $0x0  }
0x4f: {  	[tilespmem:s12], [sflag:$0x1] =	stream.indirect_vreg.gather [hbm4b:s2+s28], $0x80, v4, vm0, $0xb8;
	v4 =	vnsel vm1, $0xC0000000, v3;
	[tilespmem:$0x19400] =	vst v63  }
0x50: {  	_ =	swait.ge [sflag:s13], $0x800;
	v4 =	vxor.u32 $0x80000000, v4  }
0x51: {  	(xrf0) =	vmax.scan.msk.u32 $0xffff, v4;
	_ =	sdelay $0x5  }
0x52: {  	v4, _, _ =	vpop (xrf0)  }
0x53: {  	(v2sf) =	vpush v4, $0xF;
	_ =	sdelay $0x8  }
0x54: {  	[sflag:s13] =	ssyncset.done $0x0  }
0x55: {  	s29 =	simm.s32 $0x0;
	[sflag:s13] =	ssyncadd.s32 $0xFFFFF800  }
0x56: {  	v4 =	vld [tilespmem:s29+$0x18B80];
	_ =	sdelay $0x3  }
0x57: {  	s30 =	spop (v2sf)  }
0x58: {  	v4 =	vsub.f32 $0.0e+00, v4;
	s19 =	sshll.u32 s30, $0x7  }
0x59: {  	v5 =	vor.u32 s19, v0  }
0x5a: {  	(xrf1) =	vsort.ascd.msk.f32 $0xffff, v4, v5;
	_ =	sdelay $0xc  }
0x5b: {  	s31 =	simm.s32 $0x10  }
0x5c: {  	v60 =	vld [tilespmem:s31+$0x18B80];
	v4, v5, _ =	vpop (xrf1)  }
0x5d: {  	v4 =	vsub.f32 $0.0e+00, v4;
	_ =	sdelay $0x1  }
0x5e: {  	v4 =	vperm.xlane v4, v1  }
0x5f: {  	v61 =	vimm.f32 $-3.000000010e+38  }
0x60: {  	v6 =	vsub.f32 $0.0e+00, v60;
	s19 =	sadd.s32 $0x10, s19;
	vm11 =	vge.f32 v61, v4  }
0x61: {  	v63 =	vor.u32 s19, v0;
	v5 =	vperm.xlane v5, v1;
	v4 =	vsel vm11, v61, v4  }
0x62: {  	v62 =	vimm.s32 $0x0;
	(xrf1) =	vsort.ascd.msk.f32 $0xffff, v6, v63;
	v4 =	vsub.f32 $0.0e+00, v4  }
0x63: {  	v5 =	vsel vm11, v62, v5  }
0x64: {  	(xrf1) =	vsort.ascd.msk.f32 $0xffff, v4, v5;
	_ =	sdelay $0xa  }
0x65: {  	s21 =	simm.s32 $0x20;
	s20 =	simm.s32 $0xC0  }
.LBB2_5:
0x66: {  	p0 =	sne.s32 s20, $0x1C0;
	v4 =	vld [tilespmem:s21+$0x18B80];
	v5, v6, _ =	vpop (xrf1)  }
0x67: {  	v5 =	vsub.f32 $0.0e+00, v5  }
0x68: {  	v8, v7, _ =	vpop (xrf1)  }
0x69: {  	v5 =	vperm.xlane v5, v1;
	v8 =	vsub.f32 $0.0e+00, v8  }
0x6a: {  	v6 =	vperm.xlane v6, v1  }
0x6b: {  	s19 =	sadd.s32 $0x10, s19;
	v4 =	vsub.f32 $0.0e+00, v4;
	vm11 =	vge.f32 v8, v5  }
0x6c: {  	v9 =	vor.u32 s19, v0;
	v5 =	vsel vm11, v8, v5;
	v6 =	vsel vm11, v7, v6  }
0x6d: {  	(xrf1) =	vsort.ascd.msk.f32 $0xffff, v4, v9;
	v4 =	vsub.f32 $0.0e+00, v5;
	_ =	sdelay $0x1  }
0x6e: {  	(xrf1) =	vsort.ascd.msk.f32 $0xffff, v4, v6;
	_ =	sdelay $0x6  }
.Ltmp1:
0x6f: {  	(pc) =	sbr.rel @p0 .LBB2_5-.Ltmp1, $2  }
0x70: {  	_ =	sdelay $0x2  }
0x71: {  	s21 =	sshra.s32 s20, $0x2;
	s20 =	sadd.s32 $0x40, s20  }
0x72: {  	v4 =	vld [tilespmem:s21+$0x18B80];
	v5, v6, _ =	vpop (xrf1)  }
0x73: {  	v5 =	vsub.f32 $0.0e+00, v5  }
0x74: {  	v7, v8, _ =	vpop (xrf1)  }
0x75: {  	v5 =	vperm.xlane v5, v1;
	v7 =	vsub.f32 $0.0e+00, v7  }
0x76: {  	v9 =	vsel vm2, $0xC0000000, v3  }
0x77: {  	s19 =	sadd.s32 $0x10, s19;
	v9 =	vxor.u32 $0x80000000, v9;
	v4 =	vsub.f32 $0.0e+00, v4;
	vm11 =	vge.f32 v7, v5  }
0x78: {  	v6 =	vperm.xlane v6, v1;
	v56 =	vor.u32 s19, v0;
	(xrf0) =	vmax.scan.msk.u32 $0xffff, v9;
	v5 =	vsel vm11, v7, v5  }
0x79: {  	(xrf1) =	vsort.ascd.msk.f32 $0xffff, v4, v56;
	v4 =	vsub.f32 $0.0e+00, v5  }
0x7a: {  	v5 =	vsel vm11, v8, v6  }
0x7b: {  	(xrf1) =	vsort.ascd.msk.f32 $0xffff, v4, v5;
	_ =	sdelay $0x2  }
0x7c: {  	v4, _, _ =	vpop (xrf0)  }
0x7d: {  	(v2sf) =	vpush v4, $0xF;
	_ =	sdelay $0x7  }
0x7e: {  	v4, v5, _ =	vpop (xrf1)  }
0x7f: {  	v4 =	vsub.f32 $0.0e+00, v4  }
0x80: {  	s30 =	simm.s32 $0x0;
	v58, v57, _ =	vpop (xrf1)  }
0x81: {  	v59 =	vld [tilespmem:s30+$0x18C00];
	v4 =	vperm.xlane v4, v1;
	v6 =	vsub.f32 $0.0e+00, v58;
	_ =	sdelay $0x1  }
0x82: {  	vm11 =	vge.f32 v6, v4  }
0x83: {  	v5 =	vperm.xlane v5, v1;
	v4 =	vsel vm11, v6, v4  }
0x84: {  	s31 =	spop (v2sf);
	v4 =	vsub.f32 $0.0e+00, v4  }
0x85: {  	v60 =	vsub.f32 $0.0e+00, v59;
	v5 =	vsel vm11, v57, v5;
	s19 =	sshll.u32 s31, $0x7  }
0x86: {  	(xrf1) =	vsort.ascd.msk.f32 $0xffff, v4, v5;
	v4 =	vor.u32 s19, v0  }
0x87: {  	(xrf1) =	vsort.ascd.msk.f32 $0xffff, v60, v4;
	_ =	sdelay $0xc  }
0x88: {  	s20 =	simm.s32 $0x10;
	v4, v5, _ =	vpop (xrf1)  }
0x89: {  	v62 =	vld [tilespmem:s20+$0x18C00];
	v6, v61, _ =	vpop (xrf1)  }
0x8a: {  	v6 =	vsub.f32 $0.0e+00, v6;
	_ =	sdelay $0x1  }
0x8b: {  	v4 =	vsub.f32 $0.0e+00, v4;
	v6 =	vperm.xlane v6, v1;
	_ =	sdelay $0x1  }
0x8c: {  	v8 =	vsub.f32 $0.0e+00, v62;
	s19 =	sadd.s32 $0x10, s19;
	vm11 =	vge.f32 v4, v6  }
0x8d: {  	v63 =	vor.u32 s19, v0;
	v7 =	vperm.xlane v61, v1;
	v4 =	vsel vm11, v4, v6  }
0x8e: {  	(xrf1) =	vsort.ascd.msk.f32 $0xffff, v8, v63;
	v4 =	vsub.f32 $0.0e+00, v4  }
0x8f: {  	v5 =	vsel vm11, v5, v7  }
0x90: {  	(xrf1) =	vsort.ascd.msk.f32 $0xffff, v4, v5;
	_ =	sdelay $0xa  }
0x91: {  	s21 =	simm.s32 $0x20;
	s20 =	simm.s32 $0xC0  }
.LBB2_7:
0x92: {  	p0 =	sne.s32 s20, $0x1C0;
	v4 =	vld [tilespmem:s21+$0x18C00];
	v5, v6, _ =	vpop (xrf1)  }
0x93: {  	v5 =	vsub.f32 $0.0e+00, v5  }
0x94: {  	v8, v7, _ =	vpop (xrf1)  }
0x95: {  	v5 =	vperm.xlane v5, v1;
	v8 =	vsub.f32 $0.0e+00, v8  }
0x96: {  	v6 =	vperm.xlane v6, v1  }
0x97: {  	s19 =	sadd.s32 $0x10, s19;
	v4 =	vsub.f32 $0.0e+00, v4;
	vm11 =	vge.f32 v8, v5  }
0x98: {  	v9 =	vor.u32 s19, v0;
	v5 =	vsel vm11, v8, v5;
	v6 =	vsel vm11, v7, v6  }
0x99: {  	(xrf1) =	vsort.ascd.msk.f32 $0xffff, v4, v9;
	v4 =	vsub.f32 $0.0e+00, v5;
	_ =	sdelay $0x1  }
0x9a: {  	(xrf1) =	vsort.ascd.msk.f32 $0xffff, v4, v6;
	_ =	sdelay $0x6  }
.Ltmp2:
0x9b: {  	(pc) =	sbr.rel @p0 .LBB2_7-.Ltmp2, $2  }
0x9c: {  	_ =	sdelay $0x2  }
0x9d: {  	s21 =	sshra.s32 s20, $0x2;
	s20 =	sadd.s32 $0x40, s20  }
0x9e: {  	v4 =	vld [tilespmem:s21+$0x18C00];
	v5, v6, _ =	vpop (xrf1)  }
0x9f: {  	v5 =	vsub.f32 $0.0e+00, v5  }
0xa0: {  	v7, v8, _ =	vpop (xrf1)  }
0xa1: {  	v5 =	vperm.xlane v5, v1;
	v7 =	vsub.f32 $0.0e+00, v7  }
0xa2: {  	v9 =	vsel vm3, $0xC0000000, v3  }
0xa3: {  	s19 =	sadd.s32 $0x10, s19;
	v9 =	vxor.u32 $0x80000000, v9;
	v4 =	vsub.f32 $0.0e+00, v4;
	vm11 =	vge.f32 v7, v5  }
0xa4: {  	v6 =	vperm.xlane v6, v1;
	v56 =	vor.u32 s19, v0;
	(xrf0) =	vmax.scan.msk.u32 $0xffff, v9;
	v5 =	vsel vm11, v7, v5  }
0xa5: {  	(xrf1) =	vsort.ascd.msk.f32 $0xffff, v4, v56;
	v4 =	vsub.f32 $0.0e+00, v5  }
0xa6: {  	v5 =	vsel vm11, v8, v6  }
0xa7: {  	(xrf1) =	vsort.ascd.msk.f32 $0xffff, v4, v5;
	_ =	sdelay $0x2  }
0xa8: {  	v4, _, _ =	vpop (xrf0)  }
0xa9: {  	(v2sf) =	vpush v4, $0xF;
	_ =	sdelay $0x7  }
0xaa: {  	v4, v5, _ =	vpop (xrf1)  }
0xab: {  	v4 =	vsub.f32 $0.0e+00, v4  }
0xac: {  	s30 =	simm.s32 $0x0;
	v58, v57, _ =	vpop (xrf1)  }
0xad: {  	v59 =	vld [tilespmem:s30+$0x18C80];
	v4 =	vperm.xlane v4, v1;
	v6 =	vsub.f32 $0.0e+00, v58;
	_ =	sdelay $0x1  }
0xae: {  	vm11 =	vge.f32 v6, v4  }
0xaf: {  	v5 =	vperm.xlane v5, v1;
	v4 =	vsel vm11, v6, v4  }
0xb0: {  	s31 =	spop (v2sf);
	v4 =	vsub.f32 $0.0e+00, v4  }
0xb1: {  	v60 =	vsub.f32 $0.0e+00, v59;
	v5 =	vsel vm11, v57, v5;
	s19 =	sshll.u32 s31, $0x7  }
0xb2: {  	(xrf1) =	vsort.ascd.msk.f32 $0xffff, v4, v5;
	v4 =	vor.u32 s19, v0  }
0xb3: {  	(xrf1) =	vsort.ascd.msk.f32 $0xffff, v60, v4;
	_ =	sdelay $0xc  }
0xb4: {  	s20 =	simm.s32 $0x10;
	v4, v5, _ =	vpop (xrf1)  }
0xb5: {  	v62 =	vld [tilespmem:s20+$0x18C80];
	v6, v61, _ =	vpop (xrf1)  }
0xb6: {  	v6 =	vsub.f32 $0.0e+00, v6;
	_ =	sdelay $0x1  }
0xb7: {  	v4 =	vsub.f32 $0.0e+00, v4;
	v6 =	vperm.xlane v6, v1;
	_ =	sdelay $0x1  }
0xb8: {  	v8 =	vsub.f32 $0.0e+00, v62;
	s19 =	sadd.s32 $0x10, s19;
	vm11 =	vge.f32 v4, v6  }
0xb9: {  	v63 =	vor.u32 s19, v0;
	v7 =	vperm.xlane v61, v1;
	v4 =	vsel vm11, v4, v6  }
0xba: {  	(xrf1) =	vsort.ascd.msk.f32 $0xffff, v8, v63;
	v4 =	vsub.f32 $0.0e+00, v4  }
0xbb: {  	v5 =	vsel vm11, v5, v7  }
0xbc: {  	(xrf1) =	vsort.ascd.msk.f32 $0xffff, v4, v5;
	_ =	sdelay $0xa  }
0xbd: {  	s21 =	simm.s32 $0x20;
	s20 =	simm.s32 $0xC0  }
.LBB2_9:
0xbe: {  	p0 =	sne.s32 s20, $0x1C0;
	v4 =	vld [tilespmem:s21+$0x18C80];
	v5, v6, _ =	vpop (xrf1)  }
0xbf: {  	v5 =	vsub.f32 $0.0e+00, v5  }
0xc0: {  	v8, v7, _ =	vpop (xrf1)  }
0xc1: {  	v5 =	vperm.xlane v5, v1;
	v8 =	vsub.f32 $0.0e+00, v8  }
0xc2: {  	v6 =	vperm.xlane v6, v1  }
0xc3: {  	s19 =	sadd.s32 $0x10, s19;
	v4 =	vsub.f32 $0.0e+00, v4;
	vm11 =	vge.f32 v8, v5  }
0xc4: {  	v9 =	vor.u32 s19, v0;
	v5 =	vsel vm11, v8, v5;
	v6 =	vsel vm11, v7, v6  }
0xc5: {  	(xrf1) =	vsort.ascd.msk.f32 $0xffff, v4, v9;
	v4 =	vsub.f32 $0.0e+00, v5;
	_ =	sdelay $0x1  }
0xc6: {  	(xrf1) =	vsort.ascd.msk.f32 $0xffff, v4, v6;
	_ =	sdelay $0x6  }
.Ltmp3:
0xc7: {  	(pc) =	sbr.rel @p0 .LBB2_9-.Ltmp3, $2  }
0xc8: {  	_ =	sdelay $0x2  }
0xc9: {  	s21 =	sshra.s32 s20, $0x2;
	s20 =	sadd.s32 $0x40, s20  }
0xca: {  	v4 =	vld [tilespmem:s21+$0x18C80];
	v5, v6, _ =	vpop (xrf1)  }
0xcb: {  	v5 =	vsub.f32 $0.0e+00, v5  }
0xcc: {  	v7, v8, _ =	vpop (xrf1)  }
0xcd: {  	v5 =	vperm.xlane v5, v1;
	v7 =	vsub.f32 $0.0e+00, v7  }
0xce: {  	v9 =	vsel vm4, $0xC0000000, v3  }
0xcf: {  	s19 =	sadd.s32 $0x10, s19;
	v9 =	vxor.u32 $0x80000000, v9;
	v4 =	vsub.f32 $0.0e+00, v4;
	vm11 =	vge.f32 v7, v5  }
0xd0: {  	v6 =	vperm.xlane v6, v1;
	v56 =	vor.u32 s19, v0;
	(xrf0) =	vmax.scan.msk.u32 $0xffff, v9;
	v5 =	vsel vm11, v7, v5  }
0xd1: {  	(xrf1) =	vsort.ascd.msk.f32 $0xffff, v4, v56;
	v4 =	vsub.f32 $0.0e+00, v5  }
0xd2: {  	v5 =	vsel vm11, v8, v6  }
0xd3: {  	(xrf1) =	vsort.ascd.msk.f32 $0xffff, v4, v5;
	_ =	sdelay $0x2  }
0xd4: {  	v4, _, _ =	vpop (xrf0)  }
0xd5: {  	(v2sf) =	vpush v4, $0xF;
	_ =	sdelay $0x7  }
0xd6: {  	v4, v5, _ =	vpop (xrf1)  }
0xd7: {  	v4 =	vsub.f32 $0.0e+00, v4  }
0xd8: {  	s30 =	simm.s32 $0x0;
	v58, v57, _ =	vpop (xrf1)  }
0xd9: {  	v59 =	vld [tilespmem:s30+$0x18D00];
	v4 =	vperm.xlane v4, v1;
	v6 =	vsub.f32 $0.0e+00, v58;
	_ =	sdelay $0x1  }
0xda: {  	vm11 =	vge.f32 v6, v4  }
0xdb: {  	v5 =	vperm.xlane v5, v1;
	v4 =	vsel vm11, v6, v4  }
0xdc: {  	s31 =	spop (v2sf);
	v4 =	vsub.f32 $0.0e+00, v4  }
0xdd: {  	v60 =	vsub.f32 $0.0e+00, v59;
	v5 =	vsel vm11, v57, v5;
	s19 =	sshll.u32 s31, $0x7  }
0xde: {  	(xrf1) =	vsort.ascd.msk.f32 $0xffff, v4, v5;
	v4 =	vor.u32 s19, v0  }
0xdf: {  	(xrf1) =	vsort.ascd.msk.f32 $0xffff, v60, v4;
	_ =	sdelay $0xc  }
0xe0: {  	s20 =	simm.s32 $0x10;
	v4, v5, _ =	vpop (xrf1)  }
0xe1: {  	v62 =	vld [tilespmem:s20+$0x18D00];
	v6, v61, _ =	vpop (xrf1)  }
0xe2: {  	v6 =	vsub.f32 $0.0e+00, v6;
	_ =	sdelay $0x1  }
0xe3: {  	v4 =	vsub.f32 $0.0e+00, v4;
	v6 =	vperm.xlane v6, v1;
	_ =	sdelay $0x1  }
0xe4: {  	v8 =	vsub.f32 $0.0e+00, v62;
	s19 =	sadd.s32 $0x10, s19;
	vm11 =	vge.f32 v4, v6  }
0xe5: {  	v63 =	vor.u32 s19, v0;
	v7 =	vperm.xlane v61, v1;
	v4 =	vsel vm11, v4, v6  }
0xe6: {  	(xrf1) =	vsort.ascd.msk.f32 $0xffff, v8, v63;
	v4 =	vsub.f32 $0.0e+00, v4  }
0xe7: {  	v5 =	vsel vm11, v5, v7  }
0xe8: {  	(xrf1) =	vsort.ascd.msk.f32 $0xffff, v4, v5;
	_ =	sdelay $0xa  }
0xe9: {  	s21 =	simm.s32 $0x20;
	s20 =	simm.s32 $0xC0  }
.LBB2_11:
0xea: {  	p0 =	sne.s32 s20, $0x1C0;
	v4 =	vld [tilespmem:s21+$0x18D00];
	v5, v6, _ =	vpop (xrf1)  }
0xeb: {  	v5 =	vsub.f32 $0.0e+00, v5  }
0xec: {  	v8, v7, _ =	vpop (xrf1)  }
0xed: {  	v5 =	vperm.xlane v5, v1;
	v8 =	vsub.f32 $0.0e+00, v8  }
0xee: {  	v6 =	vperm.xlane v6, v1  }
0xef: {  	s19 =	sadd.s32 $0x10, s19;
	v4 =	vsub.f32 $0.0e+00, v4;
	vm11 =	vge.f32 v8, v5  }
0xf0: {  	v9 =	vor.u32 s19, v0;
	v5 =	vsel vm11, v8, v5;
	v6 =	vsel vm11, v7, v6  }
0xf1: {  	(xrf1) =	vsort.ascd.msk.f32 $0xffff, v4, v9;
	v4 =	vsub.f32 $0.0e+00, v5;
	_ =	sdelay $0x1  }
0xf2: {  	(xrf1) =	vsort.ascd.msk.f32 $0xffff, v4, v6;
	_ =	sdelay $0x6  }
.Ltmp4:
0xf3: {  	(pc) =	sbr.rel @p0 .LBB2_11-.Ltmp4, $2  }
0xf4: {  	_ =	sdelay $0x2  }
0xf5: {  	s21 =	sshra.s32 s20, $0x2;
	s20 =	sadd.s32 $0x40, s20  }
0xf6: {  	v4 =	vld [tilespmem:s21+$0x18D00];
	v5, v6, _ =	vpop (xrf1)  }
0xf7: {  	v5 =	vsub.f32 $0.0e+00, v5  }
0xf8: {  	v7, v8, _ =	vpop (xrf1)  }
0xf9: {  	v5 =	vperm.xlane v5, v1;
	v7 =	vsub.f32 $0.0e+00, v7  }
0xfa: {  	v9 =	vsel vm5, $0xC0000000, v3  }
0xfb: {  	s19 =	sadd.s32 $0x10, s19;
	v9 =	vxor.u32 $0x80000000, v9;
	v4 =	vsub.f32 $0.0e+00, v4;
	vm11 =	vge.f32 v7, v5  }
0xfc: {  	v6 =	vperm.xlane v6, v1;
	v56 =	vor.u32 s19, v0;
	(xrf0) =	vmax.scan.msk.u32 $0xffff, v9;
	v5 =	vsel vm11, v7, v5  }
0xfd: {  	(xrf1) =	vsort.ascd.msk.f32 $0xffff, v4, v56;
	v4 =	vsub.f32 $0.0e+00, v5  }
0xfe: {  	v5 =	vsel vm11, v8, v6  }
0xff: {  	(xrf1) =	vsort.ascd.msk.f32 $0xffff, v4, v5;
	_ =	sdelay $0x2  }
0x100: {  	v4, _, _ =	vpop (xrf0)  }
0x101: {  	(v2sf) =	vpush v4, $0xF;
	_ =	sdelay $0x7  }
0x102: {  	v4, v5, _ =	vpop (xrf1)  }
0x103: {  	v4 =	vsub.f32 $0.0e+00, v4  }
0x104: {  	s30 =	simm.s32 $0x0;
	v58, v57, _ =	vpop (xrf1)  }
0x105: {  	v59 =	vld [tilespmem:s30+$0x18D80];
	v4 =	vperm.xlane v4, v1;
	v6 =	vsub.f32 $0.0e+00, v58;
	_ =	sdelay $0x1  }
0x106: {  	vm11 =	vge.f32 v6, v4  }
0x107: {  	v5 =	vperm.xlane v5, v1;
	v4 =	vsel vm11, v6, v4  }
0x108: {  	s31 =	spop (v2sf);
	v4 =	vsub.f32 $0.0e+00, v4  }
0x109: {  	v60 =	vsub.f32 $0.0e+00, v59;
	v5 =	vsel vm11, v57, v5;
	s19 =	sshll.u32 s31, $0x7  }
0x10a: {  	(xrf1) =	vsort.ascd.msk.f32 $0xffff, v4, v5;
	v4 =	vor.u32 s19, v0  }
0x10b: {  	(xrf1) =	vsort.ascd.msk.f32 $0xffff, v60, v4;
	_ =	sdelay $0xc  }
0x10c: {  	s20 =	simm.s32 $0x10;
	v4, v5, _ =	vpop (xrf1)  }
0x10d: {  	v62 =	vld [tilespmem:s20+$0x18D80];
	v6, v61, _ =	vpop (xrf1)  }
0x10e: {  	v6 =	vsub.f32 $0.0e+00, v6;
	_ =	sdelay $0x1  }
0x10f: {  	v4 =	vsub.f32 $0.0e+00, v4;
	v6 =	vperm.xlane v6, v1;
	_ =	sdelay $0x1  }
0x110: {  	v8 =	vsub.f32 $0.0e+00, v62;
	s19 =	sadd.s32 $0x10, s19;
	vm11 =	vge.f32 v4, v6  }
0x111: {  	v63 =	vor.u32 s19, v0;
	v7 =	vperm.xlane v61, v1;
	v4 =	vsel vm11, v4, v6  }
0x112: {  	(xrf1) =	vsort.ascd.msk.f32 $0xffff, v8, v63;
	v4 =	vsub.f32 $0.0e+00, v4  }
0x113: {  	v5 =	vsel vm11, v5, v7  }
0x114: {  	(xrf1) =	vsort.ascd.msk.f32 $0xffff, v4, v5;
	_ =	sdelay $0xa  }
0x115: {  	s21 =	simm.s32 $0x20;
	s20 =	simm.s32 $0xC0  }
.LBB2_13:
0x116: {  	p0 =	sne.s32 s20, $0x1C0;
	v4 =	vld [tilespmem:s21+$0x18D80];
	v5, v6, _ =	vpop (xrf1)  }
0x117: {  	v5 =	vsub.f32 $0.0e+00, v5  }
0x118: {  	v8, v7, _ =	vpop (xrf1)  }
0x119: {  	v5 =	vperm.xlane v5, v1;
	v8 =	vsub.f32 $0.0e+00, v8  }
0x11a: {  	v6 =	vperm.xlane v6, v1  }
0x11b: {  	s19 =	sadd.s32 $0x10, s19;
	v4 =	vsub.f32 $0.0e+00, v4;
	vm11 =	vge.f32 v8, v5  }
0x11c: {  	v9 =	vor.u32 s19, v0;
	v5 =	vsel vm11, v8, v5;
	v6 =	vsel vm11, v7, v6  }
0x11d: {  	(xrf1) =	vsort.ascd.msk.f32 $0xffff, v4, v9;
	v4 =	vsub.f32 $0.0e+00, v5;
	_ =	sdelay $0x1  }
0x11e: {  	(xrf1) =	vsort.ascd.msk.f32 $0xffff, v4, v6;
	_ =	sdelay $0x6  }
.Ltmp5:
0x11f: {  	(pc) =	sbr.rel @p0 .LBB2_13-.Ltmp5, $2  }
0x120: {  	_ =	sdelay $0x2  }
0x121: {  	s21 =	sshra.s32 s20, $0x2;
	s20 =	sadd.s32 $0x40, s20  }
0x122: {  	v4 =	vld [tilespmem:s21+$0x18D80];
	v5, v6, _ =	vpop (xrf1)  }
0x123: {  	v5 =	vsub.f32 $0.0e+00, v5  }
0x124: {  	v7, v8, _ =	vpop (xrf1)  }
0x125: {  	v5 =	vperm.xlane v5, v1;
	v7 =	vsub.f32 $0.0e+00, v7  }
0x126: {  	v9 =	vsel vm6, $0xC0000000, v3  }
0x127: {  	s19 =	sadd.s32 $0x10, s19;
	v9 =	vxor.u32 $0x80000000, v9;
	v4 =	vsub.f32 $0.0e+00, v4;
	vm11 =	vge.f32 v7, v5  }
0x128: {  	v6 =	vperm.xlane v6, v1;
	v56 =	vor.u32 s19, v0;
	(xrf0) =	vmax.scan.msk.u32 $0xffff, v9;
	v5 =	vsel vm11, v7, v5  }
0x129: {  	(xrf1) =	vsort.ascd.msk.f32 $0xffff, v4, v56;
	v4 =	vsub.f32 $0.0e+00, v5  }
0x12a: {  	v5 =	vsel vm11, v8, v6  }
0x12b: {  	(xrf1) =	vsort.ascd.msk.f32 $0xffff, v4, v5;
	_ =	sdelay $0x2  }
0x12c: {  	v4, _, _ =	vpop (xrf0)  }
0x12d: {  	(v2sf) =	vpush v4, $0xF;
	_ =	sdelay $0x7  }
0x12e: {  	v4, v5, _ =	vpop (xrf1)  }
0x12f: {  	v4 =	vsub.f32 $0.0e+00, v4  }
0x130: {  	s30 =	simm.s32 $0x0;
	v58, v57, _ =	vpop (xrf1)  }
0x131: {  	v59 =	vld [tilespmem:s30+$0x18E00];
	v4 =	vperm.xlane v4, v1;
	v6 =	vsub.f32 $0.0e+00, v58;
	_ =	sdelay $0x1  }
0x132: {  	vm11 =	vge.f32 v6, v4  }
0x133: {  	v5 =	vperm.xlane v5, v1;
	v4 =	vsel vm11, v6, v4  }
0x134: {  	s31 =	spop (v2sf);
	v4 =	vsub.f32 $0.0e+00, v4  }
0x135: {  	v60 =	vsub.f32 $0.0e+00, v59;
	v5 =	vsel vm11, v57, v5;
	s19 =	sshll.u32 s31, $0x7  }
0x136: {  	(xrf1) =	vsort.ascd.msk.f32 $0xffff, v4, v5;
	v4 =	vor.u32 s19, v0  }
0x137: {  	(xrf1) =	vsort.ascd.msk.f32 $0xffff, v60, v4;
	_ =	sdelay $0xc  }
0x138: {  	s20 =	simm.s32 $0x10;
	v4, v5, _ =	vpop (xrf1)  }
0x139: {  	v62 =	vld [tilespmem:s20+$0x18E00];
	v6, v61, _ =	vpop (xrf1)  }
0x13a: {  	v6 =	vsub.f32 $0.0e+00, v6;
	_ =	sdelay $0x1  }
0x13b: {  	v4 =	vsub.f32 $0.0e+00, v4;
	v6 =	vperm.xlane v6, v1;
	_ =	sdelay $0x1  }
0x13c: {  	v8 =	vsub.f32 $0.0e+00, v62;
	s19 =	sadd.s32 $0x10, s19;
	vm11 =	vge.f32 v4, v6  }
0x13d: {  	v63 =	vor.u32 s19, v0;
	v7 =	vperm.xlane v61, v1;
	v4 =	vsel vm11, v4, v6  }
0x13e: {  	(xrf1) =	vsort.ascd.msk.f32 $0xffff, v8, v63;
	v4 =	vsub.f32 $0.0e+00, v4  }
0x13f: {  	v5 =	vsel vm11, v5, v7  }
0x140: {  	(xrf1) =	vsort.ascd.msk.f32 $0xffff, v4, v5;
	_ =	sdelay $0xa  }
0x141: {  	s21 =	simm.s32 $0x20;
	s20 =	simm.s32 $0xC0  }
.LBB2_15:
0x142: {  	p0 =	sne.s32 s20, $0x1C0;
	v4 =	vld [tilespmem:s21+$0x18E00];
	v5, v6, _ =	vpop (xrf1)  }
0x143: {  	v5 =	vsub.f32 $0.0e+00, v5  }
0x144: {  	v8, v7, _ =	vpop (xrf1)  }
0x145: {  	v5 =	vperm.xlane v5, v1;
	v8 =	vsub.f32 $0.0e+00, v8  }
0x146: {  	v6 =	vperm.xlane v6, v1  }
0x147: {  	s19 =	sadd.s32 $0x10, s19;
	v4 =	vsub.f32 $0.0e+00, v4;
	vm11 =	vge.f32 v8, v5  }
0x148: {  	v9 =	vor.u32 s19, v0;
	v5 =	vsel vm11, v8, v5;
	v6 =	vsel vm11, v7, v6  }
0x149: {  	(xrf1) =	vsort.ascd.msk.f32 $0xffff, v4, v9;
	v4 =	vsub.f32 $0.0e+00, v5;
	_ =	sdelay $0x1  }
0x14a: {  	(xrf1) =	vsort.ascd.msk.f32 $0xffff, v4, v6;
	_ =	sdelay $0x6  }
.Ltmp6:
0x14b: {  	(pc) =	sbr.rel @p0 .LBB2_15-.Ltmp6, $2  }
0x14c: {  	_ =	sdelay $0x2  }
0x14d: {  	s21 =	sshra.s32 s20, $0x2;
	s20 =	sadd.s32 $0x40, s20  }
0x14e: {  	v4 =	vld [tilespmem:s21+$0x18E00];
	v5, v6, _ =	vpop (xrf1)  }
0x14f: {  	v5 =	vsub.f32 $0.0e+00, v5  }
0x150: {  	v7, v8, _ =	vpop (xrf1)  }
0x151: {  	v5 =	vperm.xlane v5, v1;
	v7 =	vsub.f32 $0.0e+00, v7  }
0x152: {  	v9 =	vsel vm7, $0xC0000000, v3  }
0x153: {  	s19 =	sadd.s32 $0x10, s19;
	v9 =	vxor.u32 $0x80000000, v9;
	v4 =	vsub.f32 $0.0e+00, v4;
	vm11 =	vge.f32 v7, v5  }
0x154: {  	v6 =	vperm.xlane v6, v1;
	v56 =	vor.u32 s19, v0;
	(xrf0) =	vmax.scan.msk.u32 $0xffff, v9;
	v5 =	vsel vm11, v7, v5  }
0x155: {  	(xrf1) =	vsort.ascd.msk.f32 $0xffff, v4, v56;
	v4 =	vsub.f32 $0.0e+00, v5  }
0x156: {  	v5 =	vsel vm11, v8, v6  }
0x157: {  	(xrf1) =	vsort.ascd.msk.f32 $0xffff, v4, v5;
	_ =	sdelay $0x2  }
0x158: {  	v4, _, _ =	vpop (xrf0)  }
0x159: {  	(v2sf) =	vpush v4, $0xF;
	_ =	sdelay $0x7  }
0x15a: {  	v4, v5, _ =	vpop (xrf1)  }
0x15b: {  	v4 =	vsub.f32 $0.0e+00, v4  }
0x15c: {  	s30 =	simm.s32 $0x0;
	v58, v57, _ =	vpop (xrf1)  }
0x15d: {  	v59 =	vld [tilespmem:s30+$0x18E80];
	v4 =	vperm.xlane v4, v1;
	v6 =	vsub.f32 $0.0e+00, v58;
	_ =	sdelay $0x1  }
0x15e: {  	vm11 =	vge.f32 v6, v4  }
0x15f: {  	v5 =	vperm.xlane v5, v1;
	v4 =	vsel vm11, v6, v4  }
0x160: {  	s31 =	spop (v2sf);
	v4 =	vsub.f32 $0.0e+00, v4  }
0x161: {  	v60 =	vsub.f32 $0.0e+00, v59;
	v5 =	vsel vm11, v57, v5;
	s19 =	sshll.u32 s31, $0x7  }
0x162: {  	(xrf1) =	vsort.ascd.msk.f32 $0xffff, v4, v5;
	v4 =	vor.u32 s19, v0  }
0x163: {  	(xrf1) =	vsort.ascd.msk.f32 $0xffff, v60, v4;
	_ =	sdelay $0xc  }
0x164: {  	s20 =	simm.s32 $0x10;
	v4, v5, _ =	vpop (xrf1)  }
0x165: {  	v62 =	vld [tilespmem:s20+$0x18E80];
	v6, v61, _ =	vpop (xrf1)  }
0x166: {  	v6 =	vsub.f32 $0.0e+00, v6;
	_ =	sdelay $0x1  }
0x167: {  	v4 =	vsub.f32 $0.0e+00, v4;
	v6 =	vperm.xlane v6, v1;
	_ =	sdelay $0x1  }
0x168: {  	v8 =	vsub.f32 $0.0e+00, v62;
	s19 =	sadd.s32 $0x10, s19;
	vm11 =	vge.f32 v4, v6  }
0x169: {  	v63 =	vor.u32 s19, v0;
	v7 =	vperm.xlane v61, v1;
	v4 =	vsel vm11, v4, v6  }
0x16a: {  	(xrf1) =	vsort.ascd.msk.f32 $0xffff, v8, v63;
	v4 =	vsub.f32 $0.0e+00, v4  }
0x16b: {  	v5 =	vsel vm11, v5, v7  }
0x16c: {  	(xrf1) =	vsort.ascd.msk.f32 $0xffff, v4, v5;
	_ =	sdelay $0xa  }
0x16d: {  	s21 =	simm.s32 $0x20;
	s20 =	simm.s32 $0xC0  }
.LBB2_17:
0x16e: {  	p0 =	sne.s32 s20, $0x1C0;
	v4 =	vld [tilespmem:s21+$0x18E80];
	v5, v6, _ =	vpop (xrf1)  }
0x16f: {  	v5 =	vsub.f32 $0.0e+00, v5  }
0x170: {  	v8, v7, _ =	vpop (xrf1)  }
0x171: {  	v5 =	vperm.xlane v5, v1;
	v8 =	vsub.f32 $0.0e+00, v8  }
0x172: {  	v6 =	vperm.xlane v6, v1  }
0x173: {  	s19 =	sadd.s32 $0x10, s19;
	v4 =	vsub.f32 $0.0e+00, v4;
	vm11 =	vge.f32 v8, v5  }
0x174: {  	v9 =	vor.u32 s19, v0;
	v5 =	vsel vm11, v8, v5;
	v6 =	vsel vm11, v7, v6  }
0x175: {  	(xrf1) =	vsort.ascd.msk.f32 $0xffff, v4, v9;
	v4 =	vsub.f32 $0.0e+00, v5;
	_ =	sdelay $0x1  }
0x176: {  	(xrf1) =	vsort.ascd.msk.f32 $0xffff, v4, v6;
	_ =	sdelay $0x6  }
.Ltmp7:
0x177: {  	(pc) =	sbr.rel @p0 .LBB2_17-.Ltmp7, $2  }
0x178: {  	_ =	sdelay $0x2  }
0x179: {  	s21 =	sshra.s32 s20, $0x2;
	s20 =	sadd.s32 $0x40, s20  }
0x17a: {  	v4 =	vld [tilespmem:s21+$0x18E80];
	v5, v6, _ =	vpop (xrf1)  }
0x17b: {  	v5 =	vsub.f32 $0.0e+00, v5  }
0x17c: {  	v7, v8, _ =	vpop (xrf1)  }
0x17d: {  	v5 =	vperm.xlane v5, v1;
	v7 =	vsub.f32 $0.0e+00, v7  }
0x17e: {  	v9 =	vsel vm8, $0xC0000000, v3  }
0x17f: {  	s19 =	sadd.s32 $0x10, s19;
	v9 =	vxor.u32 $0x80000000, v9;
	v4 =	vsub.f32 $0.0e+00, v4;
	vm11 =	vge.f32 v7, v5  }
0x180: {  	v6 =	vperm.xlane v6, v1;
	v56 =	vor.u32 s19, v0;
	(xrf0) =	vmax.scan.msk.u32 $0xffff, v9;
	v5 =	vsel vm11, v7, v5  }
0x181: {  	(xrf1) =	vsort.ascd.msk.f32 $0xffff, v4, v56;
	v4 =	vsub.f32 $0.0e+00, v5  }
0x182: {  	v5 =	vsel vm11, v8, v6  }
0x183: {  	(xrf1) =	vsort.ascd.msk.f32 $0xffff, v4, v5;
	_ =	sdelay $0x2  }
0x184: {  	v4, _, _ =	vpop (xrf0)  }
0x185: {  	(v2sf) =	vpush v4, $0xF;
	_ =	sdelay $0x7  }
0x186: {  	v4, v5, _ =	vpop (xrf1)  }
0x187: {  	v4 =	vsub.f32 $0.0e+00, v4  }
0x188: {  	s30 =	simm.s32 $0x0;
	v58, v57, _ =	vpop (xrf1)  }
0x189: {  	v59 =	vld [tilespmem:s30+$0x18F00];
	v4 =	vperm.xlane v4, v1;
	v6 =	vsub.f32 $0.0e+00, v58;
	_ =	sdelay $0x1  }
0x18a: {  	vm11 =	vge.f32 v6, v4  }
0x18b: {  	v5 =	vperm.xlane v5, v1;
	v4 =	vsel vm11, v6, v4  }
0x18c: {  	s31 =	spop (v2sf);
	v4 =	vsub.f32 $0.0e+00, v4  }
0x18d: {  	v60 =	vsub.f32 $0.0e+00, v59;
	v5 =	vsel vm11, v57, v5;
	s19 =	sshll.u32 s31, $0x7  }
0x18e: {  	(xrf1) =	vsort.ascd.msk.f32 $0xffff, v4, v5;
	v4 =	vor.u32 s19, v0  }
0x18f: {  	(xrf1) =	vsort.ascd.msk.f32 $0xffff, v60, v4;
	_ =	sdelay $0xc  }
0x190: {  	s20 =	simm.s32 $0x10;
	v4, v5, _ =	vpop (xrf1)  }
0x191: {  	v62 =	vld [tilespmem:s20+$0x18F00];
	v6, v61, _ =	vpop (xrf1)  }
0x192: {  	v6 =	vsub.f32 $0.0e+00, v6;
	_ =	sdelay $0x1  }
0x193: {  	v4 =	vsub.f32 $0.0e+00, v4;
	v6 =	vperm.xlane v6, v1;
	_ =	sdelay $0x1  }
0x194: {  	v8 =	vsub.f32 $0.0e+00, v62;
	s19 =	sadd.s32 $0x10, s19;
	vm11 =	vge.f32 v4, v6  }
0x195: {  	v63 =	vor.u32 s19, v0;
	v7 =	vperm.xlane v61, v1;
	v4 =	vsel vm11, v4, v6  }
0x196: {  	(xrf1) =	vsort.ascd.msk.f32 $0xffff, v8, v63;
	v4 =	vsub.f32 $0.0e+00, v4  }
0x197: {  	v5 =	vsel vm11, v5, v7  }
0x198: {  	(xrf1) =	vsort.ascd.msk.f32 $0xffff, v4, v5;
	_ =	sdelay $0xa  }
0x199: {  	s21 =	simm.s32 $0x20;
	s20 =	simm.s32 $0xC0  }
.LBB2_19:
0x19a: {  	p0 =	sne.s32 s20, $0x1C0;
	v4 =	vld [tilespmem:s21+$0x18F00];
	v5, v6, _ =	vpop (xrf1)  }
0x19b: {  	v5 =	vsub.f32 $0.0e+00, v5  }
0x19c: {  	v8, v7, _ =	vpop (xrf1)  }
0x19d: {  	v5 =	vperm.xlane v5, v1;
	v8 =	vsub.f32 $0.0e+00, v8  }
0x19e: {  	v6 =	vperm.xlane v6, v1  }
0x19f: {  	s19 =	sadd.s32 $0x10, s19;
	v4 =	vsub.f32 $0.0e+00, v4;
	vm11 =	vge.f32 v8, v5  }
0x1a0: {  	v9 =	vor.u32 s19, v0;
	v5 =	vsel vm11, v8, v5;
	v6 =	vsel vm11, v7, v6  }
0x1a1: {  	(xrf1) =	vsort.ascd.msk.f32 $0xffff, v4, v9;
	v4 =	vsub.f32 $0.0e+00, v5;
	_ =	sdelay $0x1  }
0x1a2: {  	(xrf1) =	vsort.ascd.msk.f32 $0xffff, v4, v6;
	_ =	sdelay $0x6  }
.Ltmp8:
0x1a3: {  	(pc) =	sbr.rel @p0 .LBB2_19-.Ltmp8, $2  }
0x1a4: {  	_ =	sdelay $0x2  }
0x1a5: {  	s21 =	sshra.s32 s20, $0x2;
	s20 =	sadd.s32 $0x40, s20  }
0x1a6: {  	v4 =	vld [tilespmem:s21+$0x18F00];
	v5, v6, _ =	vpop (xrf1)  }
0x1a7: {  	v5 =	vsub.f32 $0.0e+00, v5  }
0x1a8: {  	v7, v8, _ =	vpop (xrf1)  }
0x1a9: {  	v5 =	vperm.xlane v5, v1;
	v7 =	vsub.f32 $0.0e+00, v7  }
0x1aa: {  	v9 =	vsel vm9, $0xC0000000, v3  }
0x1ab: {  	s19 =	sadd.s32 $0x10, s19;
	v9 =	vxor.u32 $0x80000000, v9;
	v4 =	vsub.f32 $0.0e+00, v4;
	vm11 =	vge.f32 v7, v5  }
0x1ac: {  	v6 =	vperm.xlane v6, v1;
	v56 =	vor.u32 s19, v0;
	(xrf0) =	vmax.scan.msk.u32 $0xffff, v9;
	v5 =	vsel vm11, v7, v5  }
0x1ad: {  	(xrf1) =	vsort.ascd.msk.f32 $0xffff, v4, v56;
	v4 =	vsub.f32 $0.0e+00, v5  }
0x1ae: {  	v5 =	vsel vm11, v8, v6  }
0x1af: {  	(xrf1) =	vsort.ascd.msk.f32 $0xffff, v4, v5;
	_ =	sdelay $0x2  }
0x1b0: {  	v4, _, _ =	vpop (xrf0)  }
0x1b1: {  	(v2sf) =	vpush v4, $0xF;
	_ =	sdelay $0x7  }
0x1b2: {  	v4, v5, _ =	vpop (xrf1)  }
0x1b3: {  	v4 =	vsub.f32 $0.0e+00, v4  }
0x1b4: {  	s30 =	simm.s32 $0x0;
	v58, v57, _ =	vpop (xrf1)  }
0x1b5: {  	v59 =	vld [tilespmem:s30+$0x18F80];
	v4 =	vperm.xlane v4, v1;
	v6 =	vsub.f32 $0.0e+00, v58;
	_ =	sdelay $0x1  }
0x1b6: {  	vm11 =	vge.f32 v6, v4  }
0x1b7: {  	v5 =	vperm.xlane v5, v1;
	v4 =	vsel vm11, v6, v4  }
0x1b8: {  	s31 =	spop (v2sf);
	v4 =	vsub.f32 $0.0e+00, v4  }
0x1b9: {  	v60 =	vsub.f32 $0.0e+00, v59;
	v5 =	vsel vm11, v57, v5;
	s19 =	sshll.u32 s31, $0x7  }
0x1ba: {  	(xrf1) =	vsort.ascd.msk.f32 $0xffff, v4, v5;
	v4 =	vor.u32 s19, v0  }
0x1bb: {  	(xrf1) =	vsort.ascd.msk.f32 $0xffff, v60, v4;
	_ =	sdelay $0xc  }
0x1bc: {  	s20 =	simm.s32 $0x10;
	v4, v5, _ =	vpop (xrf1)  }
0x1bd: {  	v62 =	vld [tilespmem:s20+$0x18F80];
	v6, v61, _ =	vpop (xrf1)  }
0x1be: {  	v6 =	vsub.f32 $0.0e+00, v6;
	_ =	sdelay $0x1  }
0x1bf: {  	v4 =	vsub.f32 $0.0e+00, v4;
	v6 =	vperm.xlane v6, v1;
	_ =	sdelay $0x1  }
0x1c0: {  	v8 =	vsub.f32 $0.0e+00, v62;
	s19 =	sadd.s32 $0x10, s19;
	vm11 =	vge.f32 v4, v6  }
0x1c1: {  	v63 =	vor.u32 s19, v0;
	v7 =	vperm.xlane v61, v1;
	v4 =	vsel vm11, v4, v6  }
0x1c2: {  	(xrf1) =	vsort.ascd.msk.f32 $0xffff, v8, v63;
	v4 =	vsub.f32 $0.0e+00, v4  }
0x1c3: {  	v5 =	vsel vm11, v5, v7  }
0x1c4: {  	(xrf1) =	vsort.ascd.msk.f32 $0xffff, v4, v5;
	_ =	sdelay $0xa  }
0x1c5: {  	s21 =	simm.s32 $0x20;
	s20 =	simm.s32 $0xC0  }
.LBB2_21:
0x1c6: {  	p0 =	sne.s32 s20, $0x1C0;
	v4 =	vld [tilespmem:s21+$0x18F80];
	v5, v6, _ =	vpop (xrf1)  }
0x1c7: {  	v5 =	vsub.f32 $0.0e+00, v5  }
0x1c8: {  	v8, v7, _ =	vpop (xrf1)  }
0x1c9: {  	v5 =	vperm.xlane v5, v1;
	v8 =	vsub.f32 $0.0e+00, v8  }
0x1ca: {  	v6 =	vperm.xlane v6, v1  }
0x1cb: {  	s19 =	sadd.s32 $0x10, s19;
	v4 =	vsub.f32 $0.0e+00, v4;
	vm11 =	vge.f32 v8, v5  }
0x1cc: {  	v9 =	vor.u32 s19, v0;
	v5 =	vsel vm11, v8, v5;
	v6 =	vsel vm11, v7, v6  }
0x1cd: {  	(xrf1) =	vsort.ascd.msk.f32 $0xffff, v4, v9;
	v4 =	vsub.f32 $0.0e+00, v5;
	_ =	sdelay $0x1  }
0x1ce: {  	(xrf1) =	vsort.ascd.msk.f32 $0xffff, v4, v6;
	_ =	sdelay $0x6  }
.Ltmp9:
0x1cf: {  	(pc) =	sbr.rel @p0 .LBB2_21-.Ltmp9, $2  }
0x1d0: {  	_ =	sdelay $0x2  }
0x1d1: {  	s21 =	sshra.s32 s20, $0x2;
	s20 =	sadd.s32 $0x40, s20  }
0x1d2: {  	v4 =	vld [tilespmem:s21+$0x18F80];
	v5, v6, _ =	vpop (xrf1)  }
0x1d3: {  	v5 =	vsub.f32 $0.0e+00, v5  }
0x1d4: {  	v7, v8, _ =	vpop (xrf1)  }
0x1d5: {  	v5 =	vperm.xlane v5, v1;
	v7 =	vsub.f32 $0.0e+00, v7  }
0x1d6: {  	v9 =	vsel vm10, $0xC0000000, v3  }
0x1d7: {  	s19 =	sadd.s32 $0x10, s19;
	v9 =	vxor.u32 $0x80000000, v9;
	v4 =	vsub.f32 $0.0e+00, v4;
	vm11 =	vge.f32 v7, v5  }
0x1d8: {  	v6 =	vperm.xlane v6, v1;
	v56 =	vor.u32 s19, v0;
	(xrf0) =	vmax.scan.msk.u32 $0xffff, v9;
	v5 =	vsel vm11, v7, v5  }
0x1d9: {  	(xrf1) =	vsort.ascd.msk.f32 $0xffff, v4, v56;
	v4 =	vsub.f32 $0.0e+00, v5  }
0x1da: {  	v5 =	vsel vm11, v8, v6  }
0x1db: {  	(xrf1) =	vsort.ascd.msk.f32 $0xffff, v4, v5;
	_ =	sdelay $0x2  }
0x1dc: {  	v4, _, _ =	vpop (xrf0)  }
0x1dd: {  	(v2sf) =	vpush v4, $0xF;
	_ =	sdelay $0x7  }
0x1de: {  	v4, v5, _ =	vpop (xrf1)  }
0x1df: {  	v4 =	vsub.f32 $0.0e+00, v4  }
0x1e0: {  	s30 =	simm.s32 $0x0;
	v58, v57, _ =	vpop (xrf1)  }
0x1e1: {  	v59 =	vld [tilespmem:s30+$0x19000];
	v4 =	vperm.xlane v4, v1;
	v6 =	vsub.f32 $0.0e+00, v58;
	_ =	sdelay $0x1  }
0x1e2: {  	vm11 =	vge.f32 v6, v4  }
0x1e3: {  	v5 =	vperm.xlane v5, v1;
	v4 =	vsel vm11, v6, v4  }
0x1e4: {  	s31 =	spop (v2sf);
	v4 =	vsub.f32 $0.0e+00, v4  }
0x1e5: {  	v60 =	vsub.f32 $0.0e+00, v59;
	v5 =	vsel vm11, v57, v5;
	s19 =	sshll.u32 s31, $0x7  }
0x1e6: {  	(xrf1) =	vsort.ascd.msk.f32 $0xffff, v4, v5;
	v4 =	vor.u32 s19, v0  }
0x1e7: {  	(xrf1) =	vsort.ascd.msk.f32 $0xffff, v60, v4;
	_ =	sdelay $0xc  }
0x1e8: {  	s20 =	simm.s32 $0x10;
	v4, v5, _ =	vpop (xrf1)  }
0x1e9: {  	v62 =	vld [tilespmem:s20+$0x19000];
	v6, v61, _ =	vpop (xrf1)  }
0x1ea: {  	v6 =	vsub.f32 $0.0e+00, v6;
	_ =	sdelay $0x1  }
0x1eb: {  	v4 =	vsub.f32 $0.0e+00, v4;
	v6 =	vperm.xlane v6, v1;
	_ =	sdelay $0x1  }
0x1ec: {  	v8 =	vsub.f32 $0.0e+00, v62;
	s19 =	sadd.s32 $0x10, s19;
	vm11 =	vge.f32 v4, v6  }
0x1ed: {  	v63 =	vor.u32 s19, v0;
	v7 =	vperm.xlane v61, v1;
	v4 =	vsel vm11, v4, v6  }
0x1ee: {  	(xrf1) =	vsort.ascd.msk.f32 $0xffff, v8, v63;
	v4 =	vsub.f32 $0.0e+00, v4  }
0x1ef: {  	v5 =	vsel vm11, v5, v7  }
0x1f0: {  	(xrf1) =	vsort.ascd.msk.f32 $0xffff, v4, v5;
	_ =	sdelay $0xa  }
0x1f1: {  	s21 =	simm.s32 $0x20;
	s20 =	simm.s32 $0xC0  }
.LBB2_23:
0x1f2: {  	p0 =	sne.s32 s20, $0x1C0;
	v4 =	vld [tilespmem:s21+$0x19000];
	v5, v6, _ =	vpop (xrf1)  }
0x1f3: {  	v5 =	vsub.f32 $0.0e+00, v5  }
0x1f4: {  	v8, v7, _ =	vpop (xrf1)  }
0x1f5: {  	v5 =	vperm.xlane v5, v1;
	v8 =	vsub.f32 $0.0e+00, v8  }
0x1f6: {  	v6 =	vperm.xlane v6, v1  }
0x1f7: {  	s19 =	sadd.s32 $0x10, s19;
	v4 =	vsub.f32 $0.0e+00, v4;
	vm11 =	vge.f32 v8, v5  }
0x1f8: {  	v9 =	vor.u32 s19, v0;
	v5 =	vsel vm11, v8, v5;
	v6 =	vsel vm11, v7, v6  }
0x1f9: {  	(xrf1) =	vsort.ascd.msk.f32 $0xffff, v4, v9;
	v4 =	vsub.f32 $0.0e+00, v5;
	_ =	sdelay $0x1  }
0x1fa: {  	(xrf1) =	vsort.ascd.msk.f32 $0xffff, v4, v6;
	_ =	sdelay $0x6  }
.Ltmp10:
0x1fb: {  	(pc) =	sbr.rel @p0 .LBB2_23-.Ltmp10, $2  }
0x1fc: {  	_ =	sdelay $0x2  }
0x1fd: {  	s21 =	sshra.s32 s20, $0x2;
	s20 =	sadd.s32 $0x40, s20  }
0x1fe: {  	v4 =	vld [tilespmem:s21+$0x19000];
	v5, v6, _ =	vpop (xrf1)  }
0x1ff: {  	v5 =	vsub.f32 $0.0e+00, v5  }
0x200: {  	v7, v8, _ =	vpop (xrf1)  }
0x201: {  	vm11 =	vcmask $0x272C;
	v5 =	vperm.xlane v5, v1;
	v7 =	vsub.f32 $0.0e+00, v7  }
0x202: {  	v9 =	vsel vm11, $0xC0000000, v3  }
0x203: {  	s19 =	sadd.s32 $0x10, s19;
	v9 =	vxor.u32 $0x80000000, v9;
	v4 =	vsub.f32 $0.0e+00, v4;
	vm11 =	vge.f32 v7, v5  }
0x204: {  	v6 =	vperm.xlane v6, v1;
	v56 =	vor.u32 s19, v0;
	(xrf0) =	vmax.scan.msk.u32 $0xffff, v9;
	v5 =	vsel vm11, v7, v5  }
0x205: {  	(xrf1) =	vsort.ascd.msk.f32 $0xffff, v4, v56;
	v4 =	vsub.f32 $0.0e+00, v5  }
0x206: {  	v5 =	vsel vm11, v8, v6  }
0x207: {  	(xrf1) =	vsort.ascd.msk.f32 $0xffff, v4, v5;
	_ =	sdelay $0x2  }
0x208: {  	v4, _, _ =	vpop (xrf0)  }
0x209: {  	(v2sf) =	vpush v4, $0xF;
	_ =	sdelay $0x7  }
0x20a: {  	v4, v5, _ =	vpop (xrf1)  }
0x20b: {  	v4 =	vsub.f32 $0.0e+00, v4  }
0x20c: {  	s30 =	simm.s32 $0x0;
	v58, v57, _ =	vpop (xrf1)  }
0x20d: {  	v59 =	vld [tilespmem:s30+$0x19080];
	v4 =	vperm.xlane v4, v1;
	v6 =	vsub.f32 $0.0e+00, v58;
	_ =	sdelay $0x1  }
0x20e: {  	vm11 =	vge.f32 v6, v4  }
0x20f: {  	v5 =	vperm.xlane v5, v1;
	v4 =	vsel vm11, v6, v4  }
0x210: {  	s31 =	spop (v2sf);
	v4 =	vsub.f32 $0.0e+00, v4  }
0x211: {  	v60 =	vsub.f32 $0.0e+00, v59;
	v5 =	vsel vm11, v57, v5;
	s19 =	sshll.u32 s31, $0x7  }
0x212: {  	(xrf1) =	vsort.ascd.msk.f32 $0xffff, v4, v5;
	v4 =	vor.u32 s19, v0  }
0x213: {  	(xrf1) =	vsort.ascd.msk.f32 $0xffff, v60, v4;
	_ =	sdelay $0xc  }
0x214: {  	s20 =	simm.s32 $0x10;
	v4, v5, _ =	vpop (xrf1)  }
0x215: {  	v62 =	vld [tilespmem:s20+$0x19080];
	v6, v61, _ =	vpop (xrf1)  }
0x216: {  	v6 =	vsub.f32 $0.0e+00, v6;
	_ =	sdelay $0x1  }
0x217: {  	v4 =	vsub.f32 $0.0e+00, v4;
	v6 =	vperm.xlane v6, v1;
	_ =	sdelay $0x1  }
0x218: {  	v8 =	vsub.f32 $0.0e+00, v62;
	s19 =	sadd.s32 $0x10, s19;
	vm11 =	vge.f32 v4, v6  }
0x219: {  	v63 =	vor.u32 s19, v0;
	v7 =	vperm.xlane v61, v1;
	v4 =	vsel vm11, v4, v6  }
0x21a: {  	(xrf1) =	vsort.ascd.msk.f32 $0xffff, v8, v63;
	v4 =	vsub.f32 $0.0e+00, v4  }
0x21b: {  	v5 =	vsel vm11, v5, v7  }
0x21c: {  	(xrf1) =	vsort.ascd.msk.f32 $0xffff, v4, v5;
	_ =	sdelay $0xa  }
0x21d: {  	s21 =	simm.s32 $0x20;
	s20 =	simm.s32 $0xC0  }
.LBB2_25:
0x21e: {  	p0 =	sne.s32 s20, $0x1C0;
	v4 =	vld [tilespmem:s21+$0x19080];
	v5, v6, _ =	vpop (xrf1)  }
0x21f: {  	v5 =	vsub.f32 $0.0e+00, v5  }
0x220: {  	v8, v7, _ =	vpop (xrf1)  }
0x221: {  	v5 =	vperm.xlane v5, v1;
	v8 =	vsub.f32 $0.0e+00, v8  }
0x222: {  	v6 =	vperm.xlane v6, v1  }
0x223: {  	s19 =	sadd.s32 $0x10, s19;
	v4 =	vsub.f32 $0.0e+00, v4;
	vm11 =	vge.f32 v8, v5  }
0x224: {  	v9 =	vor.u32 s19, v0;
	v5 =	vsel vm11, v8, v5;
	v6 =	vsel vm11, v7, v6  }
0x225: {  	(xrf1) =	vsort.ascd.msk.f32 $0xffff, v4, v9;
	v4 =	vsub.f32 $0.0e+00, v5;
	_ =	sdelay $0x1  }
0x226: {  	(xrf1) =	vsort.ascd.msk.f32 $0xffff, v4, v6;
	_ =	sdelay $0x6  }
.Ltmp11:
0x227: {  	(pc) =	sbr.rel @p0 .LBB2_25-.Ltmp11, $2  }
0x228: {  	_ =	sdelay $0x2  }
0x229: {  	s21 =	sshra.s32 s20, $0x2;
	s20 =	sadd.s32 $0x40, s20  }
0x22a: {  	v4 =	vld [tilespmem:s21+$0x19080];
	v5, v6, _ =	vpop (xrf1)  }
0x22b: {  	v5 =	vsub.f32 $0.0e+00, v5  }
0x22c: {  	v7, v8, _ =	vpop (xrf1)  }
0x22d: {  	vm11 =	vcmask $0x2B30;
	v5 =	vperm.xlane v5, v1;
	v7 =	vsub.f32 $0.0e+00, v7  }
0x22e: {  	v9 =	vsel vm11, $0xC0000000, v3  }
0x22f: {  	s19 =	sadd.s32 $0x10, s19;
	v9 =	vxor.u32 $0x80000000, v9;
	v4 =	vsub.f32 $0.0e+00, v4;
	vm11 =	vge.f32 v7, v5  }
0x230: {  	v6 =	vperm.xlane v6, v1;
	v56 =	vor.u32 s19, v0;
	(xrf0) =	vmax.scan.msk.u32 $0xffff, v9;
	v5 =	vsel vm11, v7, v5  }
0x231: {  	(xrf1) =	vsort.ascd.msk.f32 $0xffff, v4, v56;
	v4 =	vsub.f32 $0.0e+00, v5  }
0x232: {  	v5 =	vsel vm11, v8, v6  }
0x233: {  	(xrf1) =	vsort.ascd.msk.f32 $0xffff, v4, v5;
	_ =	sdelay $0x2  }
0x234: {  	v4, _, _ =	vpop (xrf0)  }
0x235: {  	(v2sf) =	vpush v4, $0xF;
	_ =	sdelay $0x7  }
0x236: {  	v4, v5, _ =	vpop (xrf1)  }
0x237: {  	v4 =	vsub.f32 $0.0e+00, v4  }
0x238: {  	s30 =	simm.s32 $0x0;
	v58, v57, _ =	vpop (xrf1)  }
0x239: {  	v59 =	vld [tilespmem:s30+$0x19100];
	v4 =	vperm.xlane v4, v1;
	v6 =	vsub.f32 $0.0e+00, v58;
	_ =	sdelay $0x1  }
0x23a: {  	vm11 =	vge.f32 v6, v4  }
0x23b: {  	v5 =	vperm.xlane v5, v1;
	v4 =	vsel vm11, v6, v4  }
0x23c: {  	s31 =	spop (v2sf);
	v4 =	vsub.f32 $0.0e+00, v4  }
0x23d: {  	v60 =	vsub.f32 $0.0e+00, v59;
	v5 =	vsel vm11, v57, v5;
	s19 =	sshll.u32 s31, $0x7  }
0x23e: {  	(xrf1) =	vsort.ascd.msk.f32 $0xffff, v4, v5;
	v4 =	vor.u32 s19, v0  }
0x23f: {  	(xrf1) =	vsort.ascd.msk.f32 $0xffff, v60, v4;
	_ =	sdelay $0xc  }
0x240: {  	s20 =	simm.s32 $0x10;
	v4, v5, _ =	vpop (xrf1)  }
0x241: {  	v62 =	vld [tilespmem:s20+$0x19100];
	v6, v61, _ =	vpop (xrf1)  }
0x242: {  	v6 =	vsub.f32 $0.0e+00, v6;
	_ =	sdelay $0x1  }
0x243: {  	v4 =	vsub.f32 $0.0e+00, v4;
	v6 =	vperm.xlane v6, v1;
	_ =	sdelay $0x1  }
0x244: {  	v8 =	vsub.f32 $0.0e+00, v62;
	s19 =	sadd.s32 $0x10, s19;
	vm11 =	vge.f32 v4, v6  }
0x245: {  	v63 =	vor.u32 s19, v0;
	v7 =	vperm.xlane v61, v1;
	v4 =	vsel vm11, v4, v6  }
0x246: {  	(xrf1) =	vsort.ascd.msk.f32 $0xffff, v8, v63;
	v4 =	vsub.f32 $0.0e+00, v4  }
0x247: {  	v5 =	vsel vm11, v5, v7  }
0x248: {  	(xrf1) =	vsort.ascd.msk.f32 $0xffff, v4, v5;
	_ =	sdelay $0xa  }
0x249: {  	s21 =	simm.s32 $0x20;
	s20 =	simm.s32 $0xC0  }
.LBB2_27:
0x24a: {  	p0 =	sne.s32 s20, $0x1C0;
	v4 =	vld [tilespmem:s21+$0x19100];
	v5, v6, _ =	vpop (xrf1)  }
0x24b: {  	v5 =	vsub.f32 $0.0e+00, v5  }
0x24c: {  	v8, v7, _ =	vpop (xrf1)  }
0x24d: {  	v5 =	vperm.xlane v5, v1;
	v8 =	vsub.f32 $0.0e+00, v8  }
0x24e: {  	v6 =	vperm.xlane v6, v1  }
0x24f: {  	s19 =	sadd.s32 $0x10, s19;
	v4 =	vsub.f32 $0.0e+00, v4;
	vm11 =	vge.f32 v8, v5  }
0x250: {  	v9 =	vor.u32 s19, v0;
	v5 =	vsel vm11, v8, v5;
	v6 =	vsel vm11, v7, v6  }
0x251: {  	(xrf1) =	vsort.ascd.msk.f32 $0xffff, v4, v9;
	v4 =	vsub.f32 $0.0e+00, v5;
	_ =	sdelay $0x1  }
0x252: {  	(xrf1) =	vsort.ascd.msk.f32 $0xffff, v4, v6;
	_ =	sdelay $0x6  }
.Ltmp12:
0x253: {  	(pc) =	sbr.rel @p0 .LBB2_27-.Ltmp12, $2  }
0x254: {  	_ =	sdelay $0x2  }
0x255: {  	s21 =	sshra.s32 s20, $0x2;
	s20 =	sadd.s32 $0x40, s20  }
0x256: {  	v4 =	vld [tilespmem:s21+$0x19100];
	v5, v6, _ =	vpop (xrf1)  }
0x257: {  	v5 =	vsub.f32 $0.0e+00, v5  }
0x258: {  	v7, v8, _ =	vpop (xrf1)  }
0x259: {  	vm11 =	vcmask $0x2F34;
	v5 =	vperm.xlane v5, v1;
	v7 =	vsub.f32 $0.0e+00, v7  }
0x25a: {  	v9 =	vsel vm11, $0xC0000000, v3  }
0x25b: {  	s19 =	sadd.s32 $0x10, s19;
	v9 =	vxor.u32 $0x80000000, v9;
	v4 =	vsub.f32 $0.0e+00, v4;
	vm11 =	vge.f32 v7, v5  }
0x25c: {  	v6 =	vperm.xlane v6, v1;
	v56 =	vor.u32 s19, v0;
	(xrf0) =	vmax.scan.msk.u32 $0xffff, v9;
	v5 =	vsel vm11, v7, v5  }
0x25d: {  	(xrf1) =	vsort.ascd.msk.f32 $0xffff, v4, v56;
	v4 =	vsub.f32 $0.0e+00, v5  }
0x25e: {  	v5 =	vsel vm11, v8, v6  }
0x25f: {  	(xrf1) =	vsort.ascd.msk.f32 $0xffff, v4, v5;
	_ =	sdelay $0x2  }
0x260: {  	v4, _, _ =	vpop (xrf0)  }
0x261: {  	(v2sf) =	vpush v4, $0xF;
	_ =	sdelay $0x7  }
0x262: {  	v4, v5, _ =	vpop (xrf1)  }
0x263: {  	v4 =	vsub.f32 $0.0e+00, v4  }
0x264: {  	s30 =	simm.s32 $0x0;
	v58, v57, _ =	vpop (xrf1)  }
0x265: {  	v59 =	vld [tilespmem:s30+$0x19180];
	v4 =	vperm.xlane v4, v1;
	v6 =	vsub.f32 $0.0e+00, v58;
	_ =	sdelay $0x1  }
0x266: {  	vm11 =	vge.f32 v6, v4  }
0x267: {  	v5 =	vperm.xlane v5, v1;
	v4 =	vsel vm11, v6, v4  }
0x268: {  	s31 =	spop (v2sf);
	v4 =	vsub.f32 $0.0e+00, v4  }
0x269: {  	v60 =	vsub.f32 $0.0e+00, v59;
	v5 =	vsel vm11, v57, v5;
	s19 =	sshll.u32 s31, $0x7  }
0x26a: {  	(xrf1) =	vsort.ascd.msk.f32 $0xffff, v4, v5;
	v4 =	vor.u32 s19, v0  }
0x26b: {  	(xrf1) =	vsort.ascd.msk.f32 $0xffff, v60, v4;
	_ =	sdelay $0xc  }
0x26c: {  	s20 =	simm.s32 $0x10;
	v4, v5, _ =	vpop (xrf1)  }
0x26d: {  	v62 =	vld [tilespmem:s20+$0x19180];
	v6, v61, _ =	vpop (xrf1)  }
0x26e: {  	v6 =	vsub.f32 $0.0e+00, v6;
	_ =	sdelay $0x1  }
0x26f: {  	v4 =	vsub.f32 $0.0e+00, v4;
	v6 =	vperm.xlane v6, v1;
	_ =	sdelay $0x1  }
0x270: {  	v8 =	vsub.f32 $0.0e+00, v62;
	s19 =	sadd.s32 $0x10, s19;
	vm11 =	vge.f32 v4, v6  }
0x271: {  	v63 =	vor.u32 s19, v0;
	v7 =	vperm.xlane v61, v1;
	v4 =	vsel vm11, v4, v6  }
0x272: {  	(xrf1) =	vsort.ascd.msk.f32 $0xffff, v8, v63;
	v4 =	vsub.f32 $0.0e+00, v4  }
0x273: {  	v5 =	vsel vm11, v5, v7  }
0x274: {  	(xrf1) =	vsort.ascd.msk.f32 $0xffff, v4, v5;
	_ =	sdelay $0xa  }
0x275: {  	s21 =	simm.s32 $0x20;
	s20 =	simm.s32 $0xC0  }
.LBB2_29:
0x276: {  	p0 =	sne.s32 s20, $0x1C0;
	v4 =	vld [tilespmem:s21+$0x19180];
	v5, v6, _ =	vpop (xrf1)  }
0x277: {  	v5 =	vsub.f32 $0.0e+00, v5  }
0x278: {  	v8, v7, _ =	vpop (xrf1)  }
0x279: {  	v5 =	vperm.xlane v5, v1;
	v8 =	vsub.f32 $0.0e+00, v8  }
0x27a: {  	v6 =	vperm.xlane v6, v1  }
0x27b: {  	s19 =	sadd.s32 $0x10, s19;
	v4 =	vsub.f32 $0.0e+00, v4;
	vm11 =	vge.f32 v8, v5  }
0x27c: {  	v9 =	vor.u32 s19, v0;
	v5 =	vsel vm11, v8, v5;
	v6 =	vsel vm11, v7, v6  }
0x27d: {  	(xrf1) =	vsort.ascd.msk.f32 $0xffff, v4, v9;
	v4 =	vsub.f32 $0.0e+00, v5;
	_ =	sdelay $0x1  }
0x27e: {  	(xrf1) =	vsort.ascd.msk.f32 $0xffff, v4, v6;
	_ =	sdelay $0x6  }
.Ltmp13:
0x27f: {  	(pc) =	sbr.rel @p0 .LBB2_29-.Ltmp13, $2  }
0x280: {  	_ =	sdelay $0x2  }
0x281: {  	s21 =	sshra.s32 s20, $0x2;
	s20 =	sadd.s32 $0x40, s20  }
0x282: {  	v4 =	vld [tilespmem:s21+$0x19180];
	v5, v6, _ =	vpop (xrf1)  }
0x283: {  	v5 =	vsub.f32 $0.0e+00, v5  }
0x284: {  	v7, v8, _ =	vpop (xrf1)  }
0x285: {  	v5 =	vperm.xlane v5, v1;
	v7 =	vsub.f32 $0.0e+00, v7  }
0x286: {  	v9 =	vsel vm14, $0xC0000000, v3  }
0x287: {  	s19 =	sadd.s32 $0x10, s19;
	v9 =	vxor.u32 $0x80000000, v9;
	v4 =	vsub.f32 $0.0e+00, v4;
	vm11 =	vge.f32 v7, v5  }
0x288: {  	v6 =	vperm.xlane v6, v1;
	v56 =	vor.u32 s19, v0;
	(xrf0) =	vmax.scan.msk.u32 $0xffff, v9;
	v5 =	vsel vm11, v7, v5  }
0x289: {  	(xrf1) =	vsort.ascd.msk.f32 $0xffff, v4, v56;
	v4 =	vsub.f32 $0.0e+00, v5  }
0x28a: {  	v5 =	vsel vm11, v8, v6  }
0x28b: {  	(xrf1) =	vsort.ascd.msk.f32 $0xffff, v4, v5;
	_ =	sdelay $0x2  }
0x28c: {  	v4, _, _ =	vpop (xrf0)  }
0x28d: {  	(v2sf) =	vpush v4, $0xF;
	_ =	sdelay $0x7  }
0x28e: {  	v4, v5, _ =	vpop (xrf1)  }
0x28f: {  	v4 =	vsub.f32 $0.0e+00, v4  }
0x290: {  	s30 =	simm.s32 $0x0;
	v58, v57, _ =	vpop (xrf1)  }
0x291: {  	v59 =	vld [tilespmem:s30+$0x19200];
	v4 =	vperm.xlane v4, v1;
	v6 =	vsub.f32 $0.0e+00, v58;
	_ =	sdelay $0x1  }
0x292: {  	vm11 =	vge.f32 v6, v4  }
0x293: {  	v5 =	vperm.xlane v5, v1;
	v4 =	vsel vm11, v6, v4  }
0x294: {  	s31 =	spop (v2sf);
	v4 =	vsub.f32 $0.0e+00, v4  }
0x295: {  	v60 =	vsub.f32 $0.0e+00, v59;
	v5 =	vsel vm11, v57, v5;
	s19 =	sshll.u32 s31, $0x7  }
0x296: {  	(xrf1) =	vsort.ascd.msk.f32 $0xffff, v4, v5;
	v4 =	vor.u32 s19, v0  }
0x297: {  	(xrf1) =	vsort.ascd.msk.f32 $0xffff, v60, v4;
	_ =	sdelay $0xc  }
0x298: {  	s20 =	simm.s32 $0x10;
	v4, v5, _ =	vpop (xrf1)  }
0x299: {  	v62 =	vld [tilespmem:s20+$0x19200];
	v6, v61, _ =	vpop (xrf1)  }
0x29a: {  	v6 =	vsub.f32 $0.0e+00, v6;
	_ =	sdelay $0x1  }
0x29b: {  	v4 =	vsub.f32 $0.0e+00, v4;
	v6 =	vperm.xlane v6, v1;
	_ =	sdelay $0x1  }
0x29c: {  	v8 =	vsub.f32 $0.0e+00, v62;
	s19 =	sadd.s32 $0x10, s19;
	vm11 =	vge.f32 v4, v6  }
0x29d: {  	v63 =	vor.u32 s19, v0;
	v7 =	vperm.xlane v61, v1;
	v4 =	vsel vm11, v4, v6  }
0x29e: {  	(xrf1) =	vsort.ascd.msk.f32 $0xffff, v8, v63;
	v4 =	vsub.f32 $0.0e+00, v4  }
0x29f: {  	v5 =	vsel vm11, v5, v7  }
0x2a0: {  	(xrf1) =	vsort.ascd.msk.f32 $0xffff, v4, v5;
	_ =	sdelay $0xa  }
0x2a1: {  	s21 =	simm.s32 $0x20;
	s20 =	simm.s32 $0xC0  }
.LBB2_31:
0x2a2: {  	p0 =	sne.s32 s20, $0x1C0;
	v4 =	vld [tilespmem:s21+$0x19200];
	v5, v6, _ =	vpop (xrf1)  }
0x2a3: {  	v5 =	vsub.f32 $0.0e+00, v5  }
0x2a4: {  	v8, v7, _ =	vpop (xrf1)  }
0x2a5: {  	v5 =	vperm.xlane v5, v1;
	v8 =	vsub.f32 $0.0e+00, v8  }
0x2a6: {  	v6 =	vperm.xlane v6, v1  }
0x2a7: {  	s19 =	sadd.s32 $0x10, s19;
	v4 =	vsub.f32 $0.0e+00, v4;
	vm11 =	vge.f32 v8, v5  }
0x2a8: {  	v9 =	vor.u32 s19, v0;
	v5 =	vsel vm11, v8, v5;
	v6 =	vsel vm11, v7, v6  }
0x2a9: {  	(xrf1) =	vsort.ascd.msk.f32 $0xffff, v4, v9;
	v4 =	vsub.f32 $0.0e+00, v5;
	_ =	sdelay $0x1  }
0x2aa: {  	(xrf1) =	vsort.ascd.msk.f32 $0xffff, v4, v6;
	_ =	sdelay $0x6  }
.Ltmp14:
0x2ab: {  	(pc) =	sbr.rel @p0 .LBB2_31-.Ltmp14, $2  }
0x2ac: {  	_ =	sdelay $0x2  }
0x2ad: {  	s21 =	sshra.s32 s20, $0x2;
	s20 =	sadd.s32 $0x40, s20  }
0x2ae: {  	v4 =	vld [tilespmem:s21+$0x19200];
	v5, v6, _ =	vpop (xrf1)  }
0x2af: {  	v5 =	vsub.f32 $0.0e+00, v5  }
0x2b0: {  	v7, v8, _ =	vpop (xrf1)  }
0x2b1: {  	v5 =	vperm.xlane v5, v1;
	v7 =	vsub.f32 $0.0e+00, v7  }
0x2b2: {  	v9 =	vsel vm15, $0xC0000000, v3  }
0x2b3: {  	s19 =	sadd.s32 $0x10, s19;
	v9 =	vxor.u32 $0x80000000, v9;
	v4 =	vsub.f32 $0.0e+00, v4;
	vm11 =	vge.f32 v7, v5  }
0x2b4: {  	v6 =	vperm.xlane v6, v1;
	v56 =	vor.u32 s19, v0;
	(xrf0) =	vmax.scan.msk.u32 $0xffff, v9;
	v5 =	vsel vm11, v7, v5  }
0x2b5: {  	(xrf1) =	vsort.ascd.msk.f32 $0xffff, v4, v56;
	v4 =	vsub.f32 $0.0e+00, v5  }
0x2b6: {  	v5 =	vsel vm11, v8, v6  }
0x2b7: {  	(xrf1) =	vsort.ascd.msk.f32 $0xffff, v4, v5;
	_ =	sdelay $0x2  }
0x2b8: {  	v4, _, _ =	vpop (xrf0)  }
0x2b9: {  	(v2sf) =	vpush v4, $0xF;
	_ =	sdelay $0x7  }
0x2ba: {  	v4, v5, _ =	vpop (xrf1)  }
0x2bb: {  	v4 =	vsub.f32 $0.0e+00, v4  }
0x2bc: {  	s30 =	simm.s32 $0x0;
	v58, v57, _ =	vpop (xrf1)  }
0x2bd: {  	v59 =	vld [tilespmem:s30+$0x19280];
	v4 =	vperm.xlane v4, v1;
	v6 =	vsub.f32 $0.0e+00, v58;
	_ =	sdelay $0x1  }
0x2be: {  	vm11 =	vge.f32 v6, v4  }
0x2bf: {  	v5 =	vperm.xlane v5, v1;
	v4 =	vsel vm11, v6, v4  }
0x2c0: {  	s31 =	spop (v2sf);
	v4 =	vsub.f32 $0.0e+00, v4  }
0x2c1: {  	v60 =	vsub.f32 $0.0e+00, v59;
	v5 =	vsel vm11, v57, v5;
	s19 =	sshll.u32 s31, $0x7  }
0x2c2: {  	(xrf1) =	vsort.ascd.msk.f32 $0xffff, v4, v5;
	v4 =	vor.u32 s19, v0  }
0x2c3: {  	(xrf1) =	vsort.ascd.msk.f32 $0xffff, v60, v4;
	_ =	sdelay $0xc  }
0x2c4: {  	s20 =	simm.s32 $0x10;
	v4, v5, _ =	vpop (xrf1)  }
0x2c5: {  	v62 =	vld [tilespmem:s20+$0x19280];
	v6, v61, _ =	vpop (xrf1)  }
0x2c6: {  	v6 =	vsub.f32 $0.0e+00, v6;
	_ =	sdelay $0x1  }
0x2c7: {  	v4 =	vsub.f32 $0.0e+00, v4;
	v6 =	vperm.xlane v6, v1;
	_ =	sdelay $0x1  }
0x2c8: {  	v8 =	vsub.f32 $0.0e+00, v62;
	s19 =	sadd.s32 $0x10, s19;
	vm11 =	vge.f32 v4, v6  }
0x2c9: {  	v63 =	vor.u32 s19, v0;
	v7 =	vperm.xlane v61, v1;
	v4 =	vsel vm11, v4, v6  }
0x2ca: {  	(xrf1) =	vsort.ascd.msk.f32 $0xffff, v8, v63;
	v4 =	vsub.f32 $0.0e+00, v4  }
0x2cb: {  	v5 =	vsel vm11, v5, v7  }
0x2cc: {  	(xrf1) =	vsort.ascd.msk.f32 $0xffff, v4, v5;
	_ =	sdelay $0xa  }
0x2cd: {  	s21 =	simm.s32 $0x20;
	s20 =	simm.s32 $0xC0  }
.LBB2_33:
0x2ce: {  	p0 =	sne.s32 s20, $0x1C0;
	v4 =	vld [tilespmem:s21+$0x19280];
	v5, v6, _ =	vpop (xrf1)  }
0x2cf: {  	v5 =	vsub.f32 $0.0e+00, v5  }
0x2d0: {  	v8, v7, _ =	vpop (xrf1)  }
0x2d1: {  	v5 =	vperm.xlane v5, v1;
	v8 =	vsub.f32 $0.0e+00, v8  }
0x2d2: {  	v6 =	vperm.xlane v6, v1  }
0x2d3: {  	s19 =	sadd.s32 $0x10, s19;
	v4 =	vsub.f32 $0.0e+00, v4;
	vm11 =	vge.f32 v8, v5  }
0x2d4: {  	v9 =	vor.u32 s19, v0;
	v5 =	vsel vm11, v8, v5;
	v6 =	vsel vm11, v7, v6  }
0x2d5: {  	(xrf1) =	vsort.ascd.msk.f32 $0xffff, v4, v9;
	v4 =	vsub.f32 $0.0e+00, v5;
	_ =	sdelay $0x1  }
0x2d6: {  	(xrf1) =	vsort.ascd.msk.f32 $0xffff, v4, v6;
	_ =	sdelay $0x6  }
.Ltmp15:
0x2d7: {  	(pc) =	sbr.rel @p0 .LBB2_33-.Ltmp15, $2  }
0x2d8: {  	_ =	sdelay $0x2  }
0x2d9: {  	s21 =	sshra.s32 s20, $0x2;
	s20 =	sadd.s32 $0x40, s20  }
0x2da: {  	v4 =	vld [tilespmem:s21+$0x19280];
	v5, v6, _ =	vpop (xrf1)  }
0x2db: {  	v5 =	vsub.f32 $0.0e+00, v5  }
0x2dc: {  	v7, v8, _ =	vpop (xrf1)  }
0x2dd: {  	vm11 =	vmmov $0x7fff;
	v5 =	vperm.xlane v5, v1;
	v7 =	vsub.f32 $0.0e+00, v7  }
0x2de: {  	v3 =	vsel vm11, $0xC0000000, v3  }
0x2df: {  	s19 =	sadd.s32 $0x10, s19;
	v3 =	vxor.u32 $0x80000000, v3;
	v4 =	vsub.f32 $0.0e+00, v4;
	vm11 =	vge.f32 v7, v5  }
0x2e0: {  	v6 =	vperm.xlane v6, v1;
	v9 =	vor.u32 s19, v0;
	(xrf0) =	vmax.scan.msk.u32 $0xffff, v3;
	v5 =	vsel vm11, v7, v5  }
0x2e1: {  	(xrf1) =	vsort.ascd.msk.f32 $0xffff, v4, v9;
	v3 =	vsub.f32 $0.0e+00, v5  }
0x2e2: {  	v55 =	vsel vm11, v8, v6  }
0x2e3: {  	(xrf1) =	vsort.ascd.msk.f32 $0xffff, v3, v55;
	_ =	sdelay $0x2  }
0x2e4: {  	v3, _, _ =	vpop (xrf0)  }
0x2e5: {  	(v2sf) =	vpush v3, $0xF;
	_ =	sdelay $0x7  }
0x2e6: {  	v3, v56, _ =	vpop (xrf1)  }
0x2e7: {  	v3 =	vsub.f32 $0.0e+00, v3  }
0x2e8: {  	s30 =	simm.s32 $0x0;
	v57, v58, _ =	vpop (xrf1)  }
0x2e9: {  	v59 =	vld [tilespmem:s30+$0x19300];
	v3 =	vperm.xlane v3, v1;
	v5 =	vsub.f32 $0.0e+00, v57;
	_ =	sdelay $0x1  }
0x2ea: {  	vm11 =	vge.f32 v5, v3  }
0x2eb: {  	v4 =	vperm.xlane v56, v1;
	v3 =	vsel vm11, v5, v3  }
0x2ec: {  	s31 =	spop (v2sf);
	v3 =	vsub.f32 $0.0e+00, v3  }
0x2ed: {  	v60 =	vsub.f32 $0.0e+00, v59;
	v4 =	vsel vm11, v58, v4;
	s19 =	sshll.u32 s31, $0x7  }
0x2ee: {  	(xrf1) =	vsort.ascd.msk.f32 $0xffff, v3, v4;
	v3 =	vor.u32 s19, v0  }
0x2ef: {  	(xrf1) =	vsort.ascd.msk.f32 $0xffff, v60, v3;
	_ =	sdelay $0xc  }
0x2f0: {  	s20 =	simm.s32 $0x10;
	v3, v4, _ =	vpop (xrf1)  }
0x2f1: {  	v62 =	vld [tilespmem:s20+$0x19300];
	v5, v61, _ =	vpop (xrf1)  }
0x2f2: {  	v5 =	vsub.f32 $0.0e+00, v5;
	_ =	sdelay $0x1  }
0x2f3: {  	v3 =	vsub.f32 $0.0e+00, v3;
	v5 =	vperm.xlane v5, v1;
	_ =	sdelay $0x1  }
0x2f4: {  	v7 =	vsub.f32 $0.0e+00, v62;
	s19 =	sadd.s32 $0x10, s19;
	vm11 =	vge.f32 v3, v5  }
0x2f5: {  	v63 =	vor.u32 s19, v0;
	v6 =	vperm.xlane v61, v1;
	v3 =	vsel vm11, v3, v5  }
0x2f6: {  	(xrf1) =	vsort.ascd.msk.f32 $0xffff, v7, v63;
	v3 =	vsub.f32 $0.0e+00, v3  }
0x2f7: {  	v4 =	vsel vm11, v4, v6  }
0x2f8: {  	(xrf1) =	vsort.ascd.msk.f32 $0xffff, v3, v4;
	_ =	sdelay $0xa  }
0x2f9: {  	s21 =	simm.s32 $0x20;
	s20 =	simm.s32 $0xC0  }
.LBB2_35:
0x2fa: {  	p0 =	sne.s32 s20, $0x1C0;
	v3 =	vld [tilespmem:s21+$0x19300];
	v4, v5, _ =	vpop (xrf1)  }
0x2fb: {  	v4 =	vsub.f32 $0.0e+00, v4  }
0x2fc: {  	v7, v6, _ =	vpop (xrf1)  }
0x2fd: {  	v4 =	vperm.xlane v4, v1;
	v7 =	vsub.f32 $0.0e+00, v7  }
0x2fe: {  	v5 =	vperm.xlane v5, v1  }
0x2ff: {  	s19 =	sadd.s32 $0x10, s19;
	v3 =	vsub.f32 $0.0e+00, v3;
	vm11 =	vge.f32 v7, v4  }
0x300: {  	v8 =	vor.u32 s19, v0;
	v4 =	vsel vm11, v7, v4;
	v5 =	vsel vm11, v6, v5  }
0x301: {  	(xrf1) =	vsort.ascd.msk.f32 $0xffff, v3, v8;
	v3 =	vsub.f32 $0.0e+00, v4;
	_ =	sdelay $0x1  }
0x302: {  	(xrf1) =	vsort.ascd.msk.f32 $0xffff, v3, v5;
	_ =	sdelay $0x6  }
.Ltmp16:
0x303: {  	(pc) =	sbr.rel @p0 .LBB2_35-.Ltmp16, $2  }
0x304: {  	_ =	sdelay $0x2  }
0x305: {  	s21 =	sshra.s32 s20, $0x2;
	s20 =	sadd.s32 $0x40, s20  }
0x306: {  	v3 =	vld [tilespmem:s21+$0x19300];
	v4, v5, _ =	vpop (xrf1)  }
0x307: {  	v4 =	vsub.f32 $0.0e+00, v4  }
0x308: {  	v6, v7, _ =	vpop (xrf1)  }
0x309: {  	v4 =	vperm.xlane v4, v1;
	v6 =	vsub.f32 $0.0e+00, v6;
	_ =	sdelay $0x1  }
0x30a: {  	s19 =	sadd.s32 $0x10, s19;
	v3 =	vsub.f32 $0.0e+00, v3;
	vm11 =	vge.f32 v6, v4  }
0x30b: {  	v5 =	vperm.xlane v5, v1;
	v8 =	vor.u32 s19, v0;
	v4 =	vsel vm11, v6, v4  }
0x30c: {  	(xrf1) =	vsort.ascd.msk.f32 $0xffff, v3, v8;
	v3 =	vsub.f32 $0.0e+00, v4  }
0x30d: {  	v15 =	vsel vm11, v7, v5  }
0x30e: {  	(xrf1) =	vsort.ascd.msk.f32 $0xffff, v3, v15;
	_ =	sdelay $0xb  }
0x30f: {  	v3, v4, _ =	vpop (xrf1)  }
0x310: {  	v3 =	vsub.f32 $0.0e+00, v3  }
0x311: {  	v17, v16, _ =	vpop (xrf1)  }
0x312: {  	v3 =	vperm.xlane v3, v1;
	v5 =	vsub.f32 $0.0e+00, v17;
	_ =	sdelay $0x1  }
0x313: {  	vm11 =	vge.f32 v5, v3  }
0x314: {  	v4 =	vperm.xlane v4, v1;
	v3 =	vsel vm11, v5, v3  }
0x315: {  	v3 =	vsub.f32 $0.0e+00, v3  }
0x316: {  	v4 =	vsel vm11, v16, v4  }
0x317: {  	(xrf1) =	vsort.ascd.msk.f32 $0xffff, v3, v4;
	_ =	sdelay $0xd  }
0x318: {  	v3, v4, _ =	vpop (xrf1)  }
0x319: {  	v3 =	vsub.f32 $0.0e+00, v3;
	_ =	sdelay $0x1  }
0x31a: {  	(xrf0) =	vmax.scan.msk.f32 $0xffff, v3;
	_ =	sdelay $0x5  }
0x31b: {  	v18, _, _ =	vpop (xrf0)  }
0x31c: {  	v5 =	vbroadcast v18, $0xF;
	_ =	sdelay $0x1  }
0x31d: {  	v3 =	vsub.f32 v3, v5;
	_ =	sdelay $0x1  }
0x31e: {  	v3 =	vmul.f32 v3, v2;
	_ =	sdelay $0x1  }
0x31f: {  	v3 =	vmul.f32 $1.442695020e+00, v3;
	_ =	sdelay $0x1  }
0x320: {  	(erf) = vpow2.f32 v3;
	_ =	sdelay $0x8  }
0x321: {  	vm11 =	vmmov $0x3ff;
	v3 =	vpop (erf)  }
0x322: {  	v3 =	vnsel vm11, $0x0, v3  }
0x323: {  	(xrf2) =	vadd.scan.msk.f32 $0xffff, v3;
	_ =	sdelay $0x9  }
0x324: {  	v19, _, _ =	vpop (xrf2)  }
0x325: {  	v5 =	vbroadcast v19, $0xF;
	_ =	sdelay $0x1  }
0x326: {  	vm11 =	vgt.s32 v4, $0x0;
	(erf) = vrcp.f32 v5  }
0x327: {  	v4 =	vnsel vm11, $0x0, v4  }
0x328: {  	v4 =	vmin.u32 v4, $0x1869F;
	_ =	sdelay $0x4  }
0x329: {  	v6 =	vld.idx.msk [tilespmem:v4+s1+$0x0], $0xffff;
	_ =	sdelay $0x1  }
0x32a: {  	v20 =	vpop (erf)  }
0x32b: {  	v7 =	vmul.f32 v20, v3;
	_ =	sdelay $0x1  }
0x32c: {  	v21 =	vnsel vm1, $0xC0000000, v6;
	v3 =	vnsel vm1, $0xFF61B1E6, v7  }
0x32d: {  	(xrf0) =	vmax.scan.msk.f32 $0xffff, v3;
	v3 =	vxor.u32 $0x80000000, v21  }
0x32e: {  	(xrf0) =	vmax.scan.msk.u32 $0xffff, v3;
	_ =	sdelay $0x2  }
0x32f: {  	v22 =	vsel vm2, $0xFF61B1E6, v7  }
0x330: {  	v23 =	vsel vm2, $0xC0000000, v6;
	(xrf0) =	vmax.scan.msk.f32 $0xffff, v22  }
0x331: {  	v25 =	vxor.u32 $0x80000000, v23;
	v3, _, _ =	vpop (xrf0)  }
0x332: {  	v24, _, _ =	vpop (xrf0);
	(xrf0) =	vmax.scan.msk.u32 $0xffff, v25  }
0x333: {  	(v2sf) =	vpush v24, $0xF  }
0x334: {  	v27 =	vsel vm3, $0xC0000000, v6;
	v26 =	vsel vm3, $0xFF61B1E6, v7  }
0x335: {  	v28 =	vxor.u32 $0x80000000, v27;
	(xrf0) =	vmax.scan.msk.f32 $0xffff, v26  }
0x336: {  	v29, _, _ =	vpop (xrf0);
	(xrf0) =	vmax.scan.msk.u32 $0xffff, v28;
	_ =	sdelay $0x1  }
0x337: {  	v30, _, _ =	vpop (xrf0)  }
0x338: {  	v32 =	vsel vm4, $0xC0000000, v6;
	v31 =	vsel vm4, $0xFF61B1E6, v7;
	(v2sf) =	vpush v30, $0xF  }
0x339: {  	v33 =	vxor.u32 $0x80000000, v32;
	(xrf0) =	vmax.scan.msk.f32 $0xffff, v31  }
0x33a: {  	v9, _, _ =	vpop (xrf0);
	(xrf0) =	vmax.scan.msk.u32 $0xffff, v33  }
0x33b: {  	v34, _, _ =	vpop (xrf0)  }
0x33c: {  	(v2sf) =	vpush v34, $0xF  }
0x33d: {  	v35 =	vsel vm5, $0xFF61B1E6, v7  }
0x33e: {  	v36 =	vsel vm5, $0xC0000000, v6;
	(xrf0) =	vmax.scan.msk.f32 $0xffff, v35  }
0x33f: {  	v37 =	vxor.u32 $0x80000000, v36;
	v10, _, _ =	vpop (xrf0)  }
0x340: {  	v4 =	vor.u32 $0x10, v0;
	v15 =	vsel vm6, $0xC0000000, v6;
	v18 =	vsel vm7, $0xC0000000, v6;
	(xrf0) =	vmax.scan.msk.u32 $0xffff, v37;
	v11, _, _ =	vpop (xrf0)  }
0x341: {  	v57 =	vsel vm9, $0xC0000000, v6;
	v39 =	vxor.u32 $0x80000000, v15;
	s21 =	spop (v2sf);
	(v2sf) =	vpush v11, $0xF  }
0x342: {  	v44 =	vxor.u32 $0x80000000, v18;
	v58 =	vxor.u32 $0x80000000, v57;
	v14 =	vsel vm6, $0xFF61B1E6, v7  }
0x343: {  	v5 =	vor.u32 $0x20, v0;
	v43 =	vsel vm7, $0xFF61B1E6, v7;
	v49 =	vsel vm8, $0xFF61B1E6, v7;
	(xrf0) =	vmax.scan.msk.f32 $0xffff, v14  }
0x344: {  	v56 =	vsel vm9, $0xFF61B1E6, v7;
	v21 =	vsel vm8, $0xC0000000, v6;
	v3 =	vadd.f32 $0.0e+00, v3;
	v40, _, _ =	vpop (xrf0);
	(xrf0) =	vmax.scan.msk.u32 $0xffff, v39  }
0x345: {  	v7 =	vsel vm10, $0xFF61B1E6, v7;
	v6 =	vsel vm10, $0xC0000000, v6;
	v50 =	vxor.u32 $0x80000000, v21  }
0x346: {  	v6 =	vxor.u32 $0x80000000, v6;
	v13 =	vbroadcast v3, $0xF;
	v3 =	vor.u32 $0x30, v0;
	s19 =	sxor.u32 $0x80000000, s21;
	v16, _, _ =	vpop (xrf0);
	(xrf0) =	vmax.scan.msk.f32 $0xffff, v43  }
0x347: {  	v8 =	vbroadcast v29, $0xF;
	v12 =	vmov s19;
	s22 =	spop (v2sf);
	(v2sf) =	vpush v16, $0xF  }
0x348: {  	v9 =	vbroadcast v9, $0xF;
	v10 =	vbroadcast v10, $0xF;
	vm11 =	veq.s32 v12, v0  }
0x349: {  	vm12 =	veq.s32 v12, v5;
	vm13 =	veq.s32 v12, v3;
	v46, _, _ =	vpop (xrf0);
	(xrf0) =	vmax.scan.msk.u32 $0xffff, v44;
	v38 =	vnsel vm11, $0x0, v13  }
0x34a: {  	vm11 =	veq.s32 v12, v4;
	v42 =	vnsel vm12, $0x0, v13;
	v48, _, _ =	vpop (xrf0);
	(xrf0) =	vmax.scan.msk.f32 $0xffff, v49;
	v12 =	vbroadcast v40, $0xF;
	s19 =	sxor.u32 $0x80000000, s22  }
0x34b: {  	v31 =	vbroadcast v46, $0xF;
	v17 =	vmov s19;
	s23 =	spop (v2sf);
	(v2sf) =	vpush v48, $0xF  }
0x34c: {  	v41 =	vnsel vm11, $0x0, v13;
	v13 =	vnsel vm13, $0x0, v13;
	v52, _, _ =	vpop (xrf0);
	(xrf0) =	vmax.scan.msk.u32 $0xffff, v50;
	vm11 =	veq.s32 v17, v0  }
0x34d: {  	vm12 =	veq.s32 v17, v3;
	v19 =	vnsel vm11, $0x0, v8;
	vm11 =	veq.s32 v17, v4  }
0x34e: {  	s19 =	sxor.u32 $0x80000000, s23;
	v39 =	vbroadcast v52, $0xF;
	v45 =	vnsel vm11, $0x0, v8;
	vm11 =	veq.s32 v17, v5  }
0x34f: {  	v54, _, _ =	vpop (xrf0);
	v20 =	vmov s19;
	v11 =	vadd.f32 v19, v38;
	v47 =	vnsel vm11, $0x0, v8  }
0x350: {  	(xrf0) =	vmax.scan.msk.f32 $0xffff, v56;
	v60, _, _ =	vpop (xrf0);
	v8 =	vnsel vm12, $0x0, v8;
	vm11 =	veq.s32 v20, v0;
	s24 =	spop (v2sf);
	(v2sf) =	vpush v54, $0xF  }
0x351: {  	(xrf0) =	vmax.scan.msk.u32 $0xffff, v58;
	v14 =	vadd.f32 v45, v41;
	v45 =	vbroadcast v60, $0xF;
	v22 =	vnsel vm11, $0x0, v9  }
0x352: {  	vm11 =	veq.s32 v20, v4;
	v15 =	vadd.f32 v47, v42;
	v8 =	vadd.f32 v8, v13;
	v62, _, _ =	vpop (xrf0);
	(xrf0) =	vmax.scan.msk.f32 $0xffff, v7  }
0x353: {  	v51 =	vnsel vm11, $0x0, v9;
	vm11 =	veq.s32 v20, v5;
	v11 =	vadd.f32 v11, v22;
	s19 =	sxor.u32 $0x80000000, s24  }
0x354: {  	v53 =	vnsel vm11, $0x0, v9;
	vm11 =	veq.s32 v20, v3;
	v55 =	vmov s19  }
0x355: {  	v14 =	vadd.f32 v14, v51;
	v9 =	vnsel vm11, $0x0, v9;
	vm11 =	veq.s32 v55, v0  }
0x356: {  	v25, _, _ =	vpop (xrf0);
	v59 =	vnsel vm11, $0x0, v10;
	vm11 =	veq.s32 v55, v4;
	s25 =	spop (v2sf);
	(v2sf) =	vpush v62, $0xF  }
0x357: {  	v13 =	vadd.f32 v15, v53;
	v26, _, _ =	vpop (xrf0);
	v61 =	vnsel vm11, $0x0, v10;
	vm11 =	veq.s32 v55, v5  }
0x358: {  	(xrf0) =	vmax.scan.msk.u32 $0xffff, v6;
	v8 =	vadd.f32 v8, v9;
	v11 =	vadd.f32 v11, v59;
	v32, _, _ =	vpop (xrf0);
	v63 =	vnsel vm11, $0x0, v10  }
0x359: {  	vm11 =	veq.s32 v55, v3;
	v14 =	vadd.f32 v14, v61;
	v56 =	vbroadcast v32, $0xF;
	s19 =	sxor.u32 $0x80000000, s25  }
0x35a: {  	v24 =	vnsel vm11, $0x0, v10;
	v23 =	vmov s19;
	s26 =	spop (v2sf);
	(v2sf) =	vpush v26, $0xF  }
0x35b: {  	v13 =	vadd.f32 v13, v63;
	v10 =	vbroadcast v25, $0xF;
	vm11 =	veq.s32 v23, v0  }
0x35c: {  	v8 =	vadd.f32 v8, v24;
	s19 =	sxor.u32 $0x80000000, s26;
	v27 =	vnsel vm11, $0x0, v12;
	vm11 =	veq.s32 v23, v4  }
0x35d: {  	v30 =	vmov s19;
	v28 =	vnsel vm11, $0x0, v12;
	vm11 =	veq.s32 v23, v5  }
0x35e: {  	v35, _, _ =	vpop (xrf0);
	v11 =	vadd.f32 v11, v27;
	v29 =	vnsel vm11, $0x0, v12;
	vm11 =	veq.s32 v23, v3  }
0x35f: {  	v33 =	vnsel vm11, $0x0, v12;
	vm11 =	veq.s32 v30, v0;
	s28 =	spop (v2sf);
	(v2sf) =	vpush v35, $0xF  }
0x360: {  	v6 =	vadd.f32 v14, v28;
	v34 =	vnsel vm11, $0x0, v31;
	vm11 =	veq.s32 v30, v4  }
0x361: {  	v13 =	vadd.f32 v13, v29;
	v36 =	vnsel vm11, $0x0, v31;
	vm11 =	veq.s32 v30, v5  }
0x362: {  	v8 =	vadd.f32 v8, v33;
	v11 =	vadd.f32 v11, v34;
	v37 =	vnsel vm11, $0x0, v31;
	s19 =	sxor.u32 $0x80000000, s28  }
0x363: {  	vm11 =	veq.s32 v30, v3;
	v6 =	vadd.f32 v6, v36;
	v38 =	vmov s19  }
0x364: {  	v40 =	vnsel vm11, $0x0, v31;
	v13 =	vadd.f32 v13, v37;
	vm11 =	veq.s32 v38, v0  }
0x365: {  	v8 =	vadd.f32 v8, v40;
	v41 =	vnsel vm11, $0x0, v39;
	vm11 =	veq.s32 v38, v4;
	s29 =	spop (v2sf)  }
0x366: {  	v42 =	vnsel vm11, $0x0, v39;
	vm11 =	veq.s32 v38, v5;
	v11 =	vadd.f32 v11, v41;
	s19 =	sxor.u32 $0x80000000, s29  }
0x367: {  	v43 =	vnsel vm11, $0x0, v39;
	vm11 =	veq.s32 v38, v3;
	v44 =	vmov s19  }
0x368: {  	v6 =	vadd.f32 v6, v42;
	v46 =	vnsel vm11, $0x0, v39;
	vm11 =	veq.s32 v44, v0  }
0x369: {  	v9 =	vadd.f32 v13, v43;
	s30 =	spop (v2sf);
	v47 =	vnsel vm11, $0x0, v45;
	vm11 =	veq.s32 v44, v4  }
0x36a: {  	v8 =	vadd.f32 v8, v46;
	s19 =	sxor.u32 $0x80000000, s30;
	v48 =	vnsel vm11, $0x0, v45;
	vm11 =	veq.s32 v44, v5  }
0x36b: {  	v50 =	vmov s19;
	v49 =	vnsel vm11, $0x0, v45;
	vm11 =	veq.s32 v44, v3  }
0x36c: {  	v11 =	vadd.f32 v11, v47;
	v51 =	vnsel vm11, $0x0, v45;
	vm11 =	veq.s32 v50, v0  }
0x36d: {  	v6 =	vadd.f32 v6, v48;
	v52 =	vnsel vm11, $0x0, v10;
	vm11 =	veq.s32 v50, v4  }
0x36e: {  	v9 =	vadd.f32 v9, v49;
	v8 =	vadd.f32 v8, v51;
	v53 =	vnsel vm11, $0x0, v10;
	s31 =	spop (v2sf)  }
0x36f: {  	vm11 =	veq.s32 v50, v5;
	v11 =	vadd.f32 v11, v52;
	v6 =	vadd.f32 v6, v53;
	s19 =	sxor.u32 $0x80000000, s31  }
0x370: {  	v54 =	vnsel vm11, $0x0, v10;
	vm11 =	veq.s32 v50, v3;
	v55 =	vmov s19  }
0x371: {  	v9 =	vadd.f32 v9, v54;
	v10 =	vnsel vm11, $0x0, v10;
	vm11 =	veq.s32 v55, v0  }
0x372: {  	v8 =	vadd.f32 v8, v10;
	v57 =	vnsel vm11, $0x0, v56;
	vm11 =	veq.s32 v55, v4  }
0x373: {  	v58 =	vadd.f32 v11, v57;
	v59 =	vnsel vm11, $0x0, v56;
	vm11 =	veq.s32 v55, v5  }
0x374: {  	v60 =	vadd.f32 v6, v59;
	v61 =	vnsel vm11, $0x0, v56;
	vm11 =	veq.s32 v55, v3  }
0x375: {  	s17 =	sshll.u32 s17, $0xA;
	v3 =	vadd.f32 v9, v61;
	v62 =	vnsel vm11, $0x0, v56;
	[tilespmem:$0x19380] =	vst v58  }
0x376: {  	s16 =	sadd.s32 $0x1, s16;
	s17 =	sor.u32 s18, s17;
	v63 =	vadd.f32 v8, v62;
	[tilespmem:$0x19390] =	vst v60  }
0x377: {  	p0 =	sne.s32 s16, $0x10;
	s17 =	sshrl.u32 s17, $0x3;
	[tilespmem:$0x193A0] =	vst v3  }
.Ltmp17:
0x378: {  	s17 =	sadd.s32 s6, s17;
	[tilespmem:$0x193B0] =	vst v63;
	(pc) =	sbr.rel @p0 .LBB2_2-.Ltmp17, $4  }
0x379: {  	[hbm4b:s17+s1] =	stream.linear.scatter [tilespmem:s14], [sflag:$0x2], $0x80, $0x38;
	[tilespmem:$0x19400] =	vst v63  }
0x37a: {  	_ =	swait.ge [sflag:s9], $0x80  }
0x37b: {  	[sflag:s9] =	ssyncset.done $0x0  }
0x37c: {  	[sflag:s9] =	ssyncadd.s32 $0xFFFFFF80  }
0x37d: {  	s15 =	sadd.s32 $0x1, s15  }
0x37e: {  	p0 =	sne.s32 s15, s8  }
.Ltmp18:
0x37f: {  	_ = 	snop;
	(pc) =	sbr.rel @p0 .LBB2_1-.Ltmp18, $1  }
0x380: {  	_ =	sdelay $0x3  }
0x381: {  	_ =	sfence.sel $0x180000  }
0x382: {  	[bflag:$0x0] =	sbarrier.arrive $0xFFFF  }
0x383: {  	p0 =	sne.s32 s5, $0x0;
	_ =	strace $0x90000047  }
0x384: {  	s0 =	sadd.s32 @!p0 $0x100000, s0;
	[bflag:$0x2] =	sbarrier.arrive $0xFFFF  }
0x385: {  	[sflag:s0] =	ssyncadd.tile.s32 @!p0 $0x1;
	_ =	shalt  }
.Lfunc_end2:
_tile_overlayer_lowered:
.L_overlay_start_2:
0x386: {  	(tag) =	ssettag $0x2  }
0x387: {  	s0 =	rddreg [dreg:$0x0];
	s2 =	stileid.u32  }
0x388: {  	s1 =	rddreg [dreg:$0x1];
	p0 =	sne.s32 s2, $0x0  }
0x389: {  	s3 =	rddreg [dreg:$0x2];
	[bflag:$0x3] =	sbarrier.arrive $0xFFFF;
	s2 =	simm.s32 @!p0 $0x1C02  }
0x38a: {  	[timem:s3], [sflag:s2] =	dma.local @!p0 [hbm:s0], s1  }
0x38b: {  	s0 =	simm.s32 @!p0 $0x2  }
0x38c: {  	_ =	swait.ge @!p0 [sflag:s0], s1  }
0x38d: {  	s1 =	ssub.s32 @!p0 $0x0, s1;
	[sflag:s0] =	ssyncset.done @!p0 $0x0  }
0x38e: {  	[sflag:s0] =	ssyncadd.s32 @!p0 s1  }
0x38f: {  	[bflag:$0x3] =	sbarrier.arrive $0xFFFF  }
0x390: {  	_ =	shalt  }

// kernel: kernel.9.cloned.1.call-start
scs
__scs_entry_jumppad:
0x0: {  	(pc) =	sbr.rel $0x88, $3  }
0x1: {  	(tag) =	ssettag $0x0;
	lr =	simm.s32 $0x1  }
0x2: {  	[smem:$0x3F9E] =	sst lr;
	_ =	strace $0xD0000000  }
0x3: {  	_ = 	snop  }
0x4: {  	_ = 	snop  }
0x5: {  	_ = 	snop  }
0x6: {  	_ = 	snop  }
0x7: {  	_ = 	snop  }
__scs_overlays_trampoline_lowered:
0x8: {  	[smem:$0x3FAD] =	sst s0  }
0x9: {  	[smem:$0x3FAE] =	sst s1  }
0xa: {  	[smem:$0x3FAF] =	sst s2  }
0xb: {  	[smem:$0x3FB0] =	sst s3  }
0xc: {  	[smem:$0x3FB1] =	sst s4  }
0xd: {  	[smem:$0x3FB2] =	sst s5  }
0xe: {  	[smem:$0x3FB3] =	sst s6  }
0xf: {  	[smem:$0x3FB4] =	sst s7  }
0x10: {  	[smem:$0x3FB5] =	sst s8  }
0x11: {  	[smem:$0x3FB6] =	sst s9;
	s0 =	simm.s32 @!p0 $0x0  }
0x12: {  	s1 =	sld [smem:$0x3F9C];
	s0 =	simm.s32 @p0 $0x1  }
0x13: {  	[smem:$0x3FB7] =	sst s0;
	s0 =	simm.s32 @!p1 $0x0  }
0x14: {  	s2 =	sld [smem:$0x3F9B];
	s0 =	simm.s32 @p1 $0x1  }
0x15: {  	[smem:$0x3FB8] =	sst s0;
	s0 =	simm.s32 @!p2 $0x0  }
0x16: {  	s3 =	sld [smem:$0x3FDB];
	s0 =	simm.s32 @p2 $0x1  }
0x17: {  	s4 =	simm.s32 $0x1BF5;
	[smem:$0x3FBA] =	sst s0  }
0x18: {  	s0 =	sld [smem:$0x3F9D];
	_ =	swait.ge [sflag:s4], $0x0  }
0x19: {  	s7 =	sld [smem:$0x3F9E]  }
0x1a: {  	s8 =	sadd.s32 $0xFFFFE003, lr  }
0x1b: {  	s9 =	sadd.s32 $0xFFFFFEF7, lr;
	s5 =	simm.s32 $0xFFFFFFFF;
	p2 =	slt.u32 s8, $0xFFFFF086  }
0x1c: {  	p1 =	slt.u32 s9, $0xF7A;
	s5 =	simm.s32 @!p2 $0x0  }
0x1d: {  	s5 =	simm.s32 @p1 $0x1;
	p0 =	seq.s32 s7, s2  }
0x1e: {  	s7 =	smul.u32 @!p0 $0xF7A, s2;
	p2 =	seq.s32 @!p0 s5, $0x0  }
0x1f: {  	s9 =	smul.u32 $0xF7A, s1;
	s8 =	simm.s32 @!p0 $0x1BF5;
	p2 =	por !p2, p0  }
0x20: {  	[sflag:s8] =	ssyncset.s32 @!p0 $0xFFFFF086;
	s6 =	sadd.s32 @!p0 s3, s7;
	s7 =	simm.s32 @!p0 $0x108  }
0x21: {  	s3 =	sadd.s32 s3, s9;
	s6 =	sadd.s32 @!p0 $0x88, s6;
	s7 =	simm.s32 @p2 $0x1082  }
0x22: {  	[simem:s7], [sflag:s8] =	dma.local @!p0 [hbm:s6], $0xF7A  }
0x23: {  	s9 =	sor.u32 $0xD0000000, s2;
	s6 =	simm.s32 $0x108;
	_ =	swait.ge @!p0 [sflag:s8], $0x0  }
0x24: {  	s3 =	sadd.s32 $0x88, s3;
	s6 =	simm.s32 @!p1 $0x1082;
	[sflag:s4] =	ssyncset.s32 $0xFFFFF086  }
0x25: {  	[simem:s6], [sflag:s4] =	dma.local [hbm:s3], $0xF7A  }
0x26: {  	[smem:$0x3F9E] =	sst s1;
	(tag) =	ssettag s2;
	_ =	strace s9  }
0x27: {  	s1 =	sld [smem:$0x3FAE]  }
0x28: {  	s2 =	sld [smem:$0x3FAF]  }
0x29: {  	s4 =	sld [smem:$0x3FB1]  }
0x2a: {  	p0 =	seq.s32 s5, $0x0;
	s5 =	sld [smem:$0x3FB2]  }
0x2b: {  	s6 =	sld [smem:$0x3FB3]  }
0x2c: {  	s7 =	sld [smem:$0x3FB4]  }
0x2d: {  	s3 =	simm.s32 $0x108;
	s8 =	sld [smem:$0x3FB5]  }
0x2e: {  	s3 =	simm.s32 @!p0 $0x1082;
	s9 =	sld [smem:$0x3FB6]  }
0x2f: {  	lr =	sadd.s32 s0, s3;
	s0 =	sld [smem:$0x3FAD]  }
0x30: {  	s3 =	sld [smem:$0x3FB0]  }
0x31: {  	[smem:$0x3FB9] =	sst s10  }
0x32: {  	s10 =	sld [smem:$0x3FB7];
	_ =	sdelay $0x3  }
0x33: {  	p0 =	seq.s32 s10, $0x1;
	s10 =	sld [smem:$0x3FB9];
	_ =	sdelay $0x3  }
0x34: {  	[smem:$0x3FB9] =	sst s10  }
0x35: {  	s10 =	sld [smem:$0x3FB8];
	_ =	sdelay $0x3  }
0x36: {  	p1 =	seq.s32 s10, $0x1;
	s10 =	sld [smem:$0x3FB9];
	_ =	sdelay $0x3  }
0x37: {  	[smem:$0x3FB9] =	sst s10  }
0x38: {  	s10 =	sld [smem:$0x3FBA]  }
0x39: {  	_ = 	snop;
	(pc) =	sbr.ind lr, $3  }
0x3a: {  	_ = 	snop  }
0x3b: {  	_ = 	snop  }
0x3c: {  	p2 =	seq.s32 s10, $0x1;
	s10 =	sld [smem:$0x3FB9]  }
0x3d: {  	_ =	shalt  }
0x3e: {  	_ =	shalt  }
0x3f: {  	_ =	shalt  }
0x40: {  	_ =	shalt  }
0x41: {  	_ =	shalt  }
0x42: {  	_ =	shalt  }
0x43: {  	_ =	shalt  }
0x44: {  	_ =	shalt  }
0x45: {  	_ =	shalt  }
0x46: {  	_ =	shalt  }
0x47: {  	_ =	shalt  }
0x48: {  	_ =	shalt  }
0x49: {  	_ =	shalt  }
0x4a: {  	_ =	shalt  }
0x4b: {  	_ =	shalt  }
0x4c: {  	_ =	shalt  }
0x4d: {  	_ =	shalt  }
0x4e: {  	_ =	shalt  }
0x4f: {  	_ =	shalt  }
0x50: {  	_ =	shalt  }
0x51: {  	_ =	shalt  }
0x52: {  	_ =	shalt  }
0x53: {  	_ =	shalt  }
0x54: {  	_ =	shalt  }
0x55: {  	_ =	shalt  }
0x56: {  	_ =	shalt  }
0x57: {  	_ =	shalt  }
0x58: {  	_ =	shalt  }
0x59: {  	_ =	shalt  }
0x5a: {  	_ =	shalt  }
0x5b: {  	_ =	shalt  }
0x5c: {  	_ =	shalt  }
0x5d: {  	_ =	shalt  }
0x5e: {  	_ =	shalt  }
0x5f: {  	_ =	shalt  }
0x60: {  	_ =	shalt  }
0x61: {  	_ =	shalt  }
0x62: {  	_ =	shalt  }
0x63: {  	_ =	shalt  }
0x64: {  	_ =	shalt  }
0x65: {  	_ =	shalt  }
0x66: {  	_ =	shalt  }
0x67: {  	_ =	shalt  }
0x68: {  	_ =	shalt  }
0x69: {  	_ =	shalt  }
0x6a: {  	_ =	shalt  }
0x6b: {  	_ =	shalt  }
0x6c: {  	_ =	shalt  }
0x6d: {  	_ =	shalt  }
0x6e: {  	_ =	shalt  }
0x6f: {  	_ =	shalt  }
0x70: {  	_ =	shalt  }
0x71: {  	_ =	shalt  }
0x72: {  	_ =	shalt  }
0x73: {  	_ =	shalt  }
0x74: {  	_ =	shalt  }
0x75: {  	_ =	shalt  }
0x76: {  	_ =	shalt  }
0x77: {  	_ =	shalt  }
0x78: {  	_ =	shalt  }
0x79: {  	_ =	shalt  }
0x7a: {  	_ =	shalt  }
0x7b: {  	_ =	shalt  }
0x7c: {  	_ =	shalt  }
0x7d: {  	_ =	shalt  }
0x7e: {  	_ =	shalt  }
0x7f: {  	_ =	shalt  }
0x80: {  	_ =	shalt  }
0x81: {  	_ =	shalt  }
0x82: {  	_ =	shalt  }
0x83: {  	_ =	shalt  }
0x84: {  	_ =	shalt  }
0x85: {  	_ =	shalt  }
0x86: {  	_ =	shalt  }
0x87: {  	_ =	shalt  }
.Lfunc_end0:
.L_simem_size_0:
called_computation.1_lowered:
.L_overlay_start_0:
0x88: {  	s2 =	sld [smem:$0x3FD9]  }
0x89: {  	s3 =	sld [smem:$0x3FFE];
	_ =	sdelay $0x1  }
0x8a: {  	s1 =	srdreg.scid  }
0x8b: {  	s0 =	sand.u32 $0x1, s1  }
0x8c: {  	s17 =	sshll.u32 s0, $0xA;
	s2 =	sadd.s32 s3, s2  }
0x8d: {  	s2 =	sadd.s32 s2, s17  }
0x8e: {  	[smem:$0x3FC5] =	sst s2  }
0x8f: {  	_ = 	snop  }
0x90: {  	(tm) =	ssettm $0x1  }
0x91: {  	s18 =	sld [smem:$0x3FFB];
	_ =	sdelay $0x3  }
0x92: {  	_ =	strace s18  }
0x93: {  	s2 =	sld [smem:$0x3FFC];
	_ =	sdelay $0x3  }
0x94: {  	_ =	strace s2  }
0x95: {  	s2 =	sld [smem:$0x3FFD];
	_ =	sdelay $0x3  }
0x96: {  	_ =	strace s2  }
0x97: {  	_ =	strace $0x8FFFFFFF  }
0x98: {  	s19 =	sld [smem:$0x3FDB];
	_ =	sdelay $0x1  }
0x99: {  	s20 =	simm.s32 $_scs_section_size  }
0x9a: {  	s4 =	simm.s32 $_size__tile_overlayer_lowered;
	s5 =	simm.s32 $_tile_overlayer_lowered  }
0x9b: {  	s6 =	simm.s32 $0x1BFF;
	s21 =	sshll.u32 s5, $0x1;
	s3 =	sadd.s32 s20, s19  }
0x9c: {  	s22 =	simm.s32 $0x0;
	s4 =	sshll.u32 s4, $0x1;
	s5 =	sadd.s32 s21, s3  }
0x9d: {  	[timem:s22], [sflag:s6] =	dma.local [hbm:s5], s4  }
0x9e: {  	_ =	swait.ge [sflag:s6], s4  }
0x9f: {  	s4 =	ssub.s32 $0x0, s4;
	[sflag:s6] =	ssyncset.done $0x0  }
0xa0: {  	[sflag:s6] =	ssyncadd.s32 s4;
	_ =	sdelay $0x1  }
0xa1: {  	s23 =	simm.s32 $0x1B8B  }
0xa2: {  	_ =	swait.ge [sflag:s23], $0x1  }
0xa3: {  	[sflag:s23] =	ssyncset.done $0x0  }
0xa4: {  	[sflag:s23] =	ssyncadd.s32 $0xFFFFFFFF  }
0xa5: {  	s4 =	sld [smem:$0x0]  }
0xa6: {  	s5 =	sand.u32 $0xFFFFFFFE, s1  }
0xa7: {  	p0 =	sne.s32 s1, s5  }
0xa8: {  	s5 =	sshll.u32 @p0 s5, $0xE  }
0xa9: {  	s5 =	sadd.s32 @p0 $0x11B8D, s5;
	s6 =	sshll.u32 @p0 s4, $0x11  }
0xaa: {  	s5 =	sor.u32 @p0 s6, s5  }
0xab: {  	[sflag:s5] =	ssyncadd.remote.s32 @p0 $0x1;
	_ =	sdelay $0x1  }
0xac: {  	s5 =	simm.s32 @p0 $0x1B8D  }
0xad: {  	_ =	swait.eq @p0 [sflag:s5], $0x1  }
0xae: {  	[sflag:s5] =	ssyncadd.s32 @p0 $0xFFFFFFFF  }
0xaf: {  	s6 =	sshll.u32 @!p0 s1, $0xE  }
0xb0: {  	s6 =	sor.u32 @!p0 $0x4000, s6;
	s5 =	simm.s32 @!p0 $0x1B8D  }
0xb1: {  	s4 =	sshll.u32 @!p0 s4, $0x11;
	s6 =	sadd.s32 @!p0 $0x11B8D, s6;
	_ =	swait.eq @!p0 [sflag:s5], $0x1  }
0xb2: {  	s4 =	sor.u32 @!p0 s4, s6;
	[sflag:s5] =	ssyncadd.s32 @!p0 $0xFFFFFFFF  }
0xb3: {  	s25 =	simm.s32 $0x1B8E;
	s24 =	sld [smem:$0x3FFE];
	[sflag:s4] =	ssyncadd.remote.s32 @!p0 $0x1  }
0xb4: {  	s26 =	simm.s32 $execute0_lowered;
	[smem:$0x3FD2] =	sst s25  }
0xb5: {  	s5 =	sshll.u32 s26, $0x1;
	_ =	strace $0x80000049;
	[dreg:$0x1] =	wrdreg $0xFFFFFFFF  }
0xb6: {  	s28 =	simm.s32 $_size_execute0_lowered;
	s3 =	sadd.s32 s3, s5;
	[dreg:$0x0] =	wrdreg $0x0  }
0xb7: {  	s5 =	sshll.u32 s28, $0x1;
	[dreg:$0x2] =	wrdreg s3  }
0xb8: {  	[dreg:$0x3] =	wrdreg s5  }
0xb9: {  	[dreg:$0x4] =	wrdreg $0xC0  }
0xba: {  	_ =	task [dreg:s22], $0x5FFFF  }
0xbb: {  	[dreg:$0x1] =	wrdreg $0xFFFFFFFF  }
0xbc: {  	[dreg:$0x0] =	wrdreg $0x60  }
0xbd: {  	[dreg:$0x2] =	wrdreg s24  }
0xbe: {  	[dreg:$0x3] =	wrdreg $0xA  }
0xbf: {  	_ =	task.clear_ibuf [dreg:s22], $0x4FFFF;
	_ =	strace $0x90000049  }
0xc0: {  	s29 =	simm.s32 $0xA;
	_ =	strace $0x8000004B  }
0xc1: {  	_ =	swait.ge [sflag:s29], $0x1  }
0xc2: {  	[sflag:s29] =	ssyncadd.s32 $0xFFFFFFFF  }
0xc3: {  	_ =	strace $0x9000004B  }
0xc4: {  	_ =	sfence  }
0xc5: {  	s30 =	sld [smem:$0x0];
	_ =	sdelay $0x2  }
0xc6: {  	s31 =	sshll.u32 s1, $0xD;
	s1 =	sshrl.u32 s1, $0x2  }
0xc7: {  	s4 =	sand.u32 $0x4000, s31;
	s1 =	sadd.s32 s1, s30  }
0xc8: {  	s0 =	sor.u32 s4, s0;
	s1 =	sshll.u32 s1, $0x11  }
0xc9: {  	s0 =	sor.u32 s1, s0  }
0xca: {  	s0 =	sadd.s32 $0x8F2B, s0  }
0xcb: {  	[sflag:s0] =	ssyncadd.remote.s32 $0x1  }
0xcc: {  	_ =	sfence.sel $0xFFFF  }
0xcd: {  	[dreg:$0x0] =	wrdreg $0xFFFFFFFF;
	(pc) =	sbr.abs _section_cstart, $3  }
0xce: {  	[dreg:$0x1] =	wrdreg $0xFFFFFFFF  }
0xcf: {  	_ =	task.clear_ibuf [dreg:s22], $0x2FFFF;
	_ =	strace $0x9FFFFFFF  }
0xd0: {  	(tm) =	ssettm $0x7FFFFFFF  }
0xd1: {  	_ =	shalt  }
tec
execute0_lowered:
.L_overlay_start_1:
0x0: {  	(tag) =	ssettag $0x1  }
0x1: {  	s5 =	rddreg [dreg:$0x0];
	s1 =	simm.s32 $0x0  }
0x2: {  	[smem:$0x7FF] =	sst s1  }
0x3: {  	s0 =	rddreg [dreg:$0x1];
	v0 =	vimm.f32 $7.000000030e-02;
	_ =	strace $0x8000004A  }
0x4: {  	(erf) = vrcp.f32 v0;
	_ =	sdelay $0x2  }
0x5: {  	s3 =	srdreg.scid;
	s10 =	simm.s32 $0x80;
	s11 =	simm.s32 $0x400  }
0x6: {  	vm0 =	vmmov $0xffff;
	s12 =	simm.s32 $0x18B80;
	s13 =	simm.s32 $0x1;
	s14 =	simm.s32 $0x19380  }
0x7: {  	vm1 =	vmmov $0x1;
	vm2 =	vcmask $0x308;
	vm3 =	vcmask $0x70C;
	s15 =	simm.s32 $0x0;
	s2 =	sadd.s32 $0x1324C00, s5;
	s7 =	sand.u32 $0x1, s3  }
0x8: {  	vm4 =	vcmask $0xB10;
	vm5 =	vcmask $0xF14;
	s3 =	sadd.s32 $0xC00, s5;
	s4 =	sadd.s32 $0xD2C00, s5;
	s8 =	ssub.s32 $0x2, s7;
	v0 =	vlaneseq.u32  }
0x9: {  	vm6 =	vcmask $0x1318;
	vm7 =	vcmask $0x171C;
	s6 =	sadd.s32 $0xEC00, s5;
	s5 =	stileid.u32;
	s9 =	sshrl.u32 s8, $0x1;
	v1 =	vmul.u32 $0xFFFFFFFF, v0  }
0xa: {  	vm8 =	vcmask $0x1B20;
	vm9 =	vcmask $0x1F24;
	vm10 =	vcmask $0x2328;
	s31 =	sshll.u32 s5, $0x5;
	s7 =	sshll.u32 s7, $0x4;
	s8 =	ssub.s32 s8, s9  }
0xb: {  	vm14 =	vcmask $0x3338;
	vm15 =	vcmask $0x373C;
	s7 =	sor.u32 s7, s31;
	s9 =	simm.s32 $0x2;
	s8 =	smax.u32 s8, $0x1;
	v1 =	vadd.s32 $0xF, v1;
	v2 =	vpop (erf)  }
.LBB2_1:
0xc: {  	[tilespmem:s1], [sflag:$0x2] =	stream.linear.gather [hbm4b:s4+s1], $0x18800, $0x38;
	[tilespmem:$0x19400] =	vst v63  }
0xd: {  	_ =	swait.ge [sflag:s9], $0x18800  }
0xe: {  	[sflag:s9] =	ssyncset.done $0x0  }
0xf: {  	s16 =	simm.s32 $0x0;
	[sflag:s9] =	ssyncadd.s32 $0xFFFE7800  }
.LBB2_2:
0x10: {  	s19 =	sadd.s32 s7, s16  }
0x11: {  	s17 =	sshrl.u32 s19, $0x3  }
0x12: {  	s18 =	sshll.u32 s16, $0x7;
	s20 =	smul.u32 $0x1C00, s17  }
0x13: {  	s18 =	sand.u32 $0x380, s18  }
0x14: {  	s20 =	sor.u32 s18, s20  }
0x15: {  	s20 =	sshrl.u32 s20, $0x3  }
0x16: {  	s21 =	simm.s32 $0x18800;
	s20 =	sadd.s32 s3, s20  }
0x17: {  	[tilespmem:s21], [sflag:$0x2] =	stream.strided.gather [hbm4b:s20+s10], $0x380, s11, s10, $0x38;
	[tilespmem:$0x19400] =	vst v63  }
0x18: {  	_ =	swait.ge [sflag:s9], $0x380  }
0x19: {  	[sflag:s9] =	ssyncset.done $0x0  }
0x1a: {  	[sflag:s9] =	ssyncadd.s32 $0xFFFFFC80  }
0x1b: {  	v3 =	vld [tilespmem:s21+$0x0];
	_ =	sdelay $0x4  }
0x1c: {  	s29 =	simm.s32 $0x0;
	v3 =	vsub.f32 $0.0e+00, v3  }
0x1d: {  	v4 =	vor.u32 s29, v0  }
0x1e: {  	(xrf1) =	vsort.ascd.msk.f32 $0xffff, v3, v4;
	_ =	sdelay $0x3  }
0x1f: {  	s30 =	simm.s32 $0x18810  }
0x20: {  	v3 =	vld [tilespmem:s30+$0x0];
	_ =	sdelay $0x3  }
0x21: {  	s31 =	simm.s32 $0x10  }
0x22: {  	v4 =	vor.u32 s31, v0;
	v3 =	vsub.f32 $0.0e+00, v3;
	_ =	sdelay $0x3  }
0x23: {  	(xrf1) =	vsort.ascd.msk.f32 $0xffff, v3, v4;
	v3, v4, _ =	vpop (xrf1)  }
0x24: {  	v3 =	vsub.f32 $0.0e+00, v3;
	_ =	sdelay $0x1  }
0x25: {  	v3 =	vperm.xlane v3, v1  }
0x26: {  	v5 =	vimm.f32 $-3.000000010e+38  }
0x27: {  	vm11 =	vge.f32 v5, v3  }
0x28: {  	v4 =	vperm.xlane v4, v1;
	v3 =	vsel vm11, v5, v3  }
0x29: {  	v5 =	vimm.s32 $0x0;
	v3 =	vsub.f32 $0.0e+00, v3  }
0x2a: {  	v4 =	vsel vm11, v5, v4  }
0x2b: {  	(xrf1) =	vsort.ascd.msk.f32 $0xffff, v3, v4;
	_ =	sdelay $0xa  }
0x2c: {  	s21 =	simm.s32 $0x18820  }
0x2d: {  	s22 =	simm.s32 $0x30;
	s20 =	simm.s32 $0x20;
	v3 =	vld [tilespmem:s21+$0x0];
	v5, v4, _ =	vpop (xrf1)  }
.LBB2_3:
0x2e: {  	p0 =	sne.s32 s22, $0x300;
	v5 =	vsub.f32 $0.0e+00, v5  }
0x2f: {  	v7, v6, _ =	vpop (xrf1)  }
0x30: {  	v5 =	vperm.xlane v5, v1;
	v7 =	vsub.f32 $0.0e+00, v7  }
0x31: {  	v4 =	vperm.xlane v4, v1  }
0x32: {  	v3 =	vsub.f32 $0.0e+00, v3;
	vm11 =	vge.f32 v7, v5  }
0x33: {  	v8 =	vor.u32 s20, v0;
	s20 =	smov.u32 s22;
	v5 =	vsel vm11, v7, v5;
	v4 =	vsel vm11, v6, v4  }
0x34: {  	(xrf1) =	vsort.ascd.msk.f32 $0xffff, v3, v8;
	v3 =	vsub.f32 $0.0e+00, v5;
	_ =	sdelay $0x1  }
0x35: {  	(xrf1) =	vsort.ascd.msk.f32 $0xffff, v3, v4;
	_ =	sdelay $0x7  }
.Ltmp0:
0x36: {  	(pc) =	sbr.rel @p0 .LBB2_3-.Ltmp0, $3  }
0x37: {  	_ =	sdelay $0x1  }
0x38: {  	s21 =	sadd.s32 $0x10, s21  }
0x39: {  	s22 =	sadd.s32 $0x10, s22;
	v3 =	vld [tilespmem:s21+$0x0];
	v5, v4, _ =	vpop (xrf1)  }
0x3a: {  	v5 =	vsub.f32 $0.0e+00, v5  }
0x3b: {  	v6, v7, _ =	vpop (xrf1)  }
0x3c: {  	v5 =	vperm.xlane v5, v1;
	v6 =	vsub.f32 $0.0e+00, v6;
	_ =	sdelay $0x1  }
0x3d: {  	v3 =	vsub.f32 $0.0e+00, v3;
	vm11 =	vge.f32 v6, v5  }
0x3e: {  	v4 =	vperm.xlane v4, v1;
	v8 =	vor.u32 s20, v0;
	v5 =	vsel vm11, v6, v5  }
0x3f: {  	(xrf1) =	vsort.ascd.msk.f32 $0xffff, v3, v8;
	v3 =	vsub.f32 $0.0e+00, v5  }
0x40: {  	v4 =	vsel vm11, v7, v4  }
0x41: {  	(xrf1) =	vsort.ascd.msk.f32 $0xffff, v3, v4;
	_ =	sdelay $0xb  }
0x42: {  	v3, v4, _ =	vpop (xrf1)  }
0x43: {  	v3 =	vsub.f32 $0.0e+00, v3  }
0x44: {  	v5, v6, _ =	vpop (xrf1)  }
0x45: {  	v3 =	vperm.xlane v3, v1;
	v5 =	vsub.f32 $0.0e+00, v5;
	_ =	sdelay $0x1  }
0x46: {  	vm11 =	vge.f32 v5, v3  }
0x47: {  	v4 =	vperm.xlane v4, v1;
	v3 =	vsel vm11, v5, v3  }
0x48: {  	v3 =	vsub.f32 $0.0e+00, v3  }
0x49: {  	v4 =	vsel vm11, v6, v4  }
0x4a: {  	(xrf1) =	vsort.ascd.msk.f32 $0xffff, v3, v4;
	_ =	sdelay $0xc  }
0x4b: {  	s19 =	smul.u32 $0x310, s19  }
0x4c: {  	v4, v3, _ =	vpop (xrf1)  }
0x4d: {  	v4 =	vadd.s32 s19, v3;
	_ =	sdelay $0x3  }
0x4e: {  	s28 =	simm.s32 $0x0  }
0x4f: {  	[tilespmem:s12], [sflag:$0x1] =	stream.indirect_vreg.gather [hbm4b:s2+s28], $0x80, v4, vm0, $0xb8;
	v4 =	vnsel vm1, $0xC0000000, v3;
	[tilespmem:$0x19400] =	vst v63  }
0x50: {  	_ =	swait.ge [sflag:s13], $0x800;
	v4 =	vxor.u32 $0x80000000, v4  }
0x51: {  	(xrf0) =	vmax.scan.msk.u32 $0xffff, v4;
	_ =	sdelay $0x5  }
0x52: {  	v4, _, _ =	vpop (xrf0)  }
0x53: {  	(v2sf) =	vpush v4, $0xF;
	_ =	sdelay $0x8  }
0x54: {  	[sflag:s13] =	ssyncset.done $0x0  }
0x55: {  	s29 =	simm.s32 $0x0;
	[sflag:s13] =	ssyncadd.s32 $0xFFFFF800  }
0x56: {  	v4 =	vld [tilespmem:s29+$0x18B80];
	_ =	sdelay $0x3  }
0x57: {  	s30 =	spop (v2sf)  }
0x58: {  	v4 =	vsub.f32 $0.0e+00, v4;
	s19 =	sshll.u32 s30, $0x7  }
0x59: {  	v5 =	vor.u32 s19, v0  }
0x5a: {  	(xrf1) =	vsort.ascd.msk.f32 $0xffff, v4, v5;
	_ =	sdelay $0xc  }
0x5b: {  	s31 =	simm.s32 $0x10  }
0x5c: {  	v60 =	vld [tilespmem:s31+$0x18B80];
	v4, v5, _ =	vpop (xrf1)  }
0x5d: {  	v4 =	vsub.f32 $0.0e+00, v4;
	_ =	sdelay $0x1  }
0x5e: {  	v4 =	vperm.xlane v4, v1  }
0x5f: {  	v61 =	vimm.f32 $-3.000000010e+38  }
0x60: {  	v6 =	vsub.f32 $0.0e+00, v60;
	s19 =	sadd.s32 $0x10, s19;
	vm11 =	vge.f32 v61, v4  }
0x61: {  	v63 =	vor.u32 s19, v0;
	v5 =	vperm.xlane v5, v1;
	v4 =	vsel vm11, v61, v4  }
0x62: {  	v62 =	vimm.s32 $0x0;
	(xrf1) =	vsort.ascd.msk.f32 $0xffff, v6, v63;
	v4 =	vsub.f32 $0.0e+00, v4  }
0x63: {  	v5 =	vsel vm11, v62, v5  }
0x64: {  	(xrf1) =	vsort.ascd.msk.f32 $0xffff, v4, v5;
	_ =	sdelay $0xa  }
0x65: {  	s21 =	simm.s32 $0x20;
	s20 =	simm.s32 $0xC0  }
.LBB2_5:
0x66: {  	p0 =	sne.s32 s20, $0x1C0;
	v4 =	vld [tilespmem:s21+$0x18B80];
	v5, v6, _ =	vpop (xrf1)  }
0x67: {  	v5 =	vsub.f32 $0.0e+00, v5  }
0x68: {  	v8, v7, _ =	vpop (xrf1)  }
0x69: {  	v5 =	vperm.xlane v5, v1;
	v8 =	vsub.f32 $0.0e+00, v8  }
0x6a: {  	v6 =	vperm.xlane v6, v1  }
0x6b: {  	s19 =	sadd.s32 $0x10, s19;
	v4 =	vsub.f32 $0.0e+00, v4;
	vm11 =	vge.f32 v8, v5  }
0x6c: {  	v9 =	vor.u32 s19, v0;
	v5 =	vsel vm11, v8, v5;
	v6 =	vsel vm11, v7, v6  }
0x6d: {  	(xrf1) =	vsort.ascd.msk.f32 $0xffff, v4, v9;
	v4 =	vsub.f32 $0.0e+00, v5;
	_ =	sdelay $0x1  }
0x6e: {  	(xrf1) =	vsort.ascd.msk.f32 $0xffff, v4, v6;
	_ =	sdelay $0x6  }
.Ltmp1:
0x6f: {  	(pc) =	sbr.rel @p0 .LBB2_5-.Ltmp1, $2  }
0x70: {  	_ =	sdelay $0x2  }
0x71: {  	s21 =	sshra.s32 s20, $0x2;
	s20 =	sadd.s32 $0x40, s20  }
0x72: {  	v4 =	vld [tilespmem:s21+$0x18B80];
	v5, v6, _ =	vpop (xrf1)  }
0x73: {  	v5 =	vsub.f32 $0.0e+00, v5  }
0x74: {  	v7, v8, _ =	vpop (xrf1)  }
0x75: {  	v5 =	vperm.xlane v5, v1;
	v7 =	vsub.f32 $0.0e+00, v7  }
0x76: {  	v9 =	vsel vm2, $0xC0000000, v3  }
0x77: {  	s19 =	sadd.s32 $0x10, s19;
	v9 =	vxor.u32 $0x80000000, v9;
	v4 =	vsub.f32 $0.0e+00, v4;
	vm11 =	vge.f32 v7, v5  }
0x78: {  	v6 =	vperm.xlane v6, v1;
	v56 =	vor.u32 s19, v0;
	(xrf0) =	vmax.scan.msk.u32 $0xffff, v9;
	v5 =	vsel vm11, v7, v5  }
0x79: {  	(xrf1) =	vsort.ascd.msk.f32 $0xffff, v4, v56;
	v4 =	vsub.f32 $0.0e+00, v5  }
0x7a: {  	v5 =	vsel vm11, v8, v6  }
0x7b: {  	(xrf1) =	vsort.ascd.msk.f32 $0xffff, v4, v5;
	_ =	sdelay $0x2  }
0x7c: {  	v4, _, _ =	vpop (xrf0)  }
0x7d: {  	(v2sf) =	vpush v4, $0xF;
	_ =	sdelay $0x7  }
0x7e: {  	v4, v5, _ =	vpop (xrf1)  }
0x7f: {  	v4 =	vsub.f32 $0.0e+00, v4  }
0x80: {  	s30 =	simm.s32 $0x0;
	v58, v57, _ =	vpop (xrf1)  }
0x81: {  	v59 =	vld [tilespmem:s30+$0x18C00];
	v4 =	vperm.xlane v4, v1;
	v6 =	vsub.f32 $0.0e+00, v58;
	_ =	sdelay $0x1  }
0x82: {  	vm11 =	vge.f32 v6, v4  }
0x83: {  	v5 =	vperm.xlane v5, v1;
	v4 =	vsel vm11, v6, v4  }
0x84: {  	s31 =	spop (v2sf);
	v4 =	vsub.f32 $0.0e+00, v4  }
0x85: {  	v60 =	vsub.f32 $0.0e+00, v59;
	v5 =	vsel vm11, v57, v5;
	s19 =	sshll.u32 s31, $0x7  }
0x86: {  	(xrf1) =	vsort.ascd.msk.f32 $0xffff, v4, v5;
	v4 =	vor.u32 s19, v0  }
0x87: {  	(xrf1) =	vsort.ascd.msk.f32 $0xffff, v60, v4;
	_ =	sdelay $0xc  }
0x88: {  	s20 =	simm.s32 $0x10;
	v4, v5, _ =	vpop (xrf1)  }
0x89: {  	v62 =	vld [tilespmem:s20+$0x18C00];
	v6, v61, _ =	vpop (xrf1)  }
0x8a: {  	v6 =	vsub.f32 $0.0e+00, v6;
	_ =	sdelay $0x1  }
0x8b: {  	v4 =	vsub.f32 $0.0e+00, v4;
	v6 =	vperm.xlane v6, v1;
	_ =	sdelay $0x1  }
0x8c: {  	v8 =	vsub.f32 $0.0e+00, v62;
	s19 =	sadd.s32 $0x10, s19;
	vm11 =	vge.f32 v4, v6  }
0x8d: {  	v63 =	vor.u32 s19, v0;
	v7 =	vperm.xlane v61, v1;
	v4 =	vsel vm11, v4, v6  }
0x8e: {  	(xrf1) =	vsort.ascd.msk.f32 $0xffff, v8, v63;
	v4 =	vsub.f32 $0.0e+00, v4  }
0x8f: {  	v5 =	vsel vm11, v5, v7  }
0x90: {  	(xrf1) =	vsort.ascd.msk.f32 $0xffff, v4, v5;
	_ =	sdelay $0xa  }
0x91: {  	s21 =	simm.s32 $0x20;
	s20 =	simm.s32 $0xC0  }
.LBB2_7:
0x92: {  	p0 =	sne.s32 s20, $0x1C0;
	v4 =	vld [tilespmem:s21+$0x18C00];
	v5, v6, _ =	vpop (xrf1)  }
0x93: {  	v5 =	vsub.f32 $0.0e+00, v5  }
0x94: {  	v8, v7, _ =	vpop (xrf1)  }
0x95: {  	v5 =	vperm.xlane v5, v1;
	v8 =	vsub.f32 $0.0e+00, v8  }
0x96: {  	v6 =	vperm.xlane v6, v1  }
0x97: {  	s19 =	sadd.s32 $0x10, s19;
	v4 =	vsub.f32 $0.0e+00, v4;
	vm11 =	vge.f32 v8, v5  }
0x98: {  	v9 =	vor.u32 s19, v0;
	v5 =	vsel vm11, v8, v5;
	v6 =	vsel vm11, v7, v6  }
0x99: {  	(xrf1) =	vsort.ascd.msk.f32 $0xffff, v4, v9;
	v4 =	vsub.f32 $0.0e+00, v5;
	_ =	sdelay $0x1  }
0x9a: {  	(xrf1) =	vsort.ascd.msk.f32 $0xffff, v4, v6;
	_ =	sdelay $0x6  }
.Ltmp2:
0x9b: {  	(pc) =	sbr.rel @p0 .LBB2_7-.Ltmp2, $2  }
0x9c: {  	_ =	sdelay $0x2  }
0x9d: {  	s21 =	sshra.s32 s20, $0x2;
	s20 =	sadd.s32 $0x40, s20  }
0x9e: {  	v4 =	vld [tilespmem:s21+$0x18C00];
	v5, v6, _ =	vpop (xrf1)  }
0x9f: {  	v5 =	vsub.f32 $0.0e+00, v5  }
0xa0: {  	v7, v8, _ =	vpop (xrf1)  }
0xa1: {  	v5 =	vperm.xlane v5, v1;
	v7 =	vsub.f32 $0.0e+00, v7  }
0xa2: {  	v9 =	vsel vm3, $0xC0000000, v3  }
0xa3: {  	s19 =	sadd.s32 $0x10, s19;
	v9 =	vxor.u32 $0x80000000, v9;
	v4 =	vsub.f32 $0.0e+00, v4;
	vm11 =	vge.f32 v7, v5  }
0xa4: {  	v6 =	vperm.xlane v6, v1;
	v56 =	vor.u32 s19, v0;
	(xrf0) =	vmax.scan.msk.u32 $0xffff, v9;
	v5 =	vsel vm11, v7, v5  }
0xa5: {  	(xrf1) =	vsort.ascd.msk.f32 $0xffff, v4, v56;
	v4 =	vsub.f32 $0.0e+00, v5  }
0xa6: {  	v5 =	vsel vm11, v8, v6  }
0xa7: {  	(xrf1) =	vsort.ascd.msk.f32 $0xffff, v4, v5;
	_ =	sdelay $0x2  }
0xa8: {  	v4, _, _ =	vpop (xrf0)  }
0xa9: {  	(v2sf) =	vpush v4, $0xF;
	_ =	sdelay $0x7  }
0xaa: {  	v4, v5, _ =	vpop (xrf1)  }
0xab: {  	v4 =	vsub.f32 $0.0e+00, v4  }
0xac: {  	s30 =	simm.s32 $0x0;
	v58, v57, _ =	vpop (xrf1)  }
0xad: {  	v59 =	vld [tilespmem:s30+$0x18C80];
	v4 =	vperm.xlane v4, v1;
	v6 =	vsub.f32 $0.0e+00, v58;
	_ =	sdelay $0x1  }
0xae: {  	vm11 =	vge.f32 v6, v4  }
0xaf: {  	v5 =	vperm.xlane v5, v1;
	v4 =	vsel vm11, v6, v4  }
0xb0: {  	s31 =	spop (v2sf);
	v4 =	vsub.f32 $0.0e+00, v4  }
0xb1: {  	v60 =	vsub.f32 $0.0e+00, v59;
	v5 =	vsel vm11, v57, v5;
	s19 =	sshll.u32 s31, $0x7  }
0xb2: {  	(xrf1) =	vsort.ascd.msk.f32 $0xffff, v4, v5;
	v4 =	vor.u32 s19, v0  }
0xb3: {  	(xrf1) =	vsort.ascd.msk.f32 $0xffff, v60, v4;
	_ =	sdelay $0xc  }
0xb4: {  	s20 =	simm.s32 $0x10;
	v4, v5, _ =	vpop (xrf1)  }
0xb5: {  	v62 =	vld [tilespmem:s20+$0x18C80];
	v6, v61, _ =	vpop (xrf1)  }
0xb6: {  	v6 =	vsub.f32 $0.0e+00, v6;
	_ =	sdelay $0x1  }
0xb7: {  	v4 =	vsub.f32 $0.0e+00, v4;
	v6 =	vperm.xlane v6, v1;
	_ =	sdelay $0x1  }
0xb8: {  	v8 =	vsub.f32 $0.0e+00, v62;
	s19 =	sadd.s32 $0x10, s19;
	vm11 =	vge.f32 v4, v6  }
0xb9: {  	v63 =	vor.u32 s19, v0;
	v7 =	vperm.xlane v61, v1;
	v4 =	vsel vm11, v4, v6  }
0xba: {  	(xrf1) =	vsort.ascd.msk.f32 $0xffff, v8, v63;
	v4 =	vsub.f32 $0.0e+00, v4  }
0xbb: {  	v5 =	vsel vm11, v5, v7  }
0xbc: {  	(xrf1) =	vsort.ascd.msk.f32 $0xffff, v4, v5;
	_ =	sdelay $0xa  }
0xbd: {  	s21 =	simm.s32 $0x20;
	s20 =	simm.s32 $0xC0  }
.LBB2_9:
0xbe: {  	p0 =	sne.s32 s20, $0x1C0;
	v4 =	vld [tilespmem:s21+$0x18C80];
	v5, v6, _ =	vpop (xrf1)  }
0xbf: {  	v5 =	vsub.f32 $0.0e+00, v5  }
0xc0: {  	v8, v7, _ =	vpop (xrf1)  }
0xc1: {  	v5 =	vperm.xlane v5, v1;
	v8 =	vsub.f32 $0.0e+00, v8  }
0xc2: {  	v6 =	vperm.xlane v6, v1  }
0xc3: {  	s19 =	sadd.s32 $0x10, s19;
	v4 =	vsub.f32 $0.0e+00, v4;
	vm11 =	vge.f32 v8, v5  }
0xc4: {  	v9 =	vor.u32 s19, v0;
	v5 =	vsel vm11, v8, v5;
	v6 =	vsel vm11, v7, v6  }
0xc5: {  	(xrf1) =	vsort.ascd.msk.f32 $0xffff, v4, v9;
	v4 =	vsub.f32 $0.0e+00, v5;
	_ =	sdelay $0x1  }
0xc6: {  	(xrf1) =	vsort.ascd.msk.f32 $0xffff, v4, v6;
	_ =	sdelay $0x6  }
.Ltmp3:
0xc7: {  	(pc) =	sbr.rel @p0 .LBB2_9-.Ltmp3, $2  }
0xc8: {  	_ =	sdelay $0x2  }
0xc9: {  	s21 =	sshra.s32 s20, $0x2;
	s20 =	sadd.s32 $0x40, s20  }
0xca: {  	v4 =	vld [tilespmem:s21+$0x18C80];
	v5, v6, _ =	vpop (xrf1)  }
0xcb: {  	v5 =	vsub.f32 $0.0e+00, v5  }
0xcc: {  	v7, v8, _ =	vpop (xrf1)  }
0xcd: {  	v5 =	vperm.xlane v5, v1;
	v7 =	vsub.f32 $0.0e+00, v7  }
0xce: {  	v9 =	vsel vm4, $0xC0000000, v3  }
0xcf: {  	s19 =	sadd.s32 $0x10, s19;
	v9 =	vxor.u32 $0x80000000, v9;
	v4 =	vsub.f32 $0.0e+00, v4;
	vm11 =	vge.f32 v7, v5  }
0xd0: {  	v6 =	vperm.xlane v6, v1;
	v56 =	vor.u32 s19, v0;
	(xrf0) =	vmax.scan.msk.u32 $0xffff, v9;
	v5 =	vsel vm11, v7, v5  }
0xd1: {  	(xrf1) =	vsort.ascd.msk.f32 $0xffff, v4, v56;
	v4 =	vsub.f32 $0.0e+00, v5  }
0xd2: {  	v5 =	vsel vm11, v8, v6  }
0xd3: {  	(xrf1) =	vsort.ascd.msk.f32 $0xffff, v4, v5;
	_ =	sdelay $0x2  }
0xd4: {  	v4, _, _ =	vpop (xrf0)  }
0xd5: {  	(v2sf) =	vpush v4, $0xF;
	_ =	sdelay $0x7  }
0xd6: {  	v4, v5, _ =	vpop (xrf1)  }
0xd7: {  	v4 =	vsub.f32 $0.0e+00, v4  }
0xd8: {  	s30 =	simm.s32 $0x0;
	v58, v57, _ =	vpop (xrf1)  }
0xd9: {  	v59 =	vld [tilespmem:s30+$0x18D00];
	v4 =	vperm.xlane v4, v1;
	v6 =	vsub.f32 $0.0e+00, v58;
	_ =	sdelay $0x1  }
0xda: {  	vm11 =	vge.f32 v6, v4  }
0xdb: {  	v5 =	vperm.xlane v5, v1;
	v4 =	vsel vm11, v6, v4  }
0xdc: {  	s31 =	spop (v2sf);
	v4 =	vsub.f32 $0.0e+00, v4  }
0xdd: {  	v60 =	vsub.f32 $0.0e+00, v59;
	v5 =	vsel vm11, v57, v5;
	s19 =	sshll.u32 s31, $0x7  }
0xde: {  	(xrf1) =	vsort.ascd.msk.f32 $0xffff, v4, v5;
	v4 =	vor.u32 s19, v0  }
0xdf: {  	(xrf1) =	vsort.ascd.msk.f32 $0xffff, v60, v4;
	_ =	sdelay $0xc  }
0xe0: {  	s20 =	simm.s32 $0x10;
	v4, v5, _ =	vpop (xrf1)  }
0xe1: {  	v62 =	vld [tilespmem:s20+$0x18D00];
	v6, v61, _ =	vpop (xrf1)  }
0xe2: {  	v6 =	vsub.f32 $0.0e+00, v6;
	_ =	sdelay $0x1  }
0xe3: {  	v4 =	vsub.f32 $0.0e+00, v4;
	v6 =	vperm.xlane v6, v1;
	_ =	sdelay $0x1  }
0xe4: {  	v8 =	vsub.f32 $0.0e+00, v62;
	s19 =	sadd.s32 $0x10, s19;
	vm11 =	vge.f32 v4, v6  }
0xe5: {  	v63 =	vor.u32 s19, v0;
	v7 =	vperm.xlane v61, v1;
	v4 =	vsel vm11, v4, v6  }
0xe6: {  	(xrf1) =	vsort.ascd.msk.f32 $0xffff, v8, v63;
	v4 =	vsub.f32 $0.0e+00, v4  }
0xe7: {  	v5 =	vsel vm11, v5, v7  }
0xe8: {  	(xrf1) =	vsort.ascd.msk.f32 $0xffff, v4, v5;
	_ =	sdelay $0xa  }
0xe9: {  	s21 =	simm.s32 $0x20;
	s20 =	simm.s32 $0xC0  }
.LBB2_11:
0xea: {  	p0 =	sne.s32 s20, $0x1C0;
	v4 =	vld [tilespmem:s21+$0x18D00];
	v5, v6, _ =	vpop (xrf1)  }
0xeb: {  	v5 =	vsub.f32 $0.0e+00, v5  }
0xec: {  	v8, v7, _ =	vpop (xrf1)  }
0xed: {  	v5 =	vperm.xlane v5, v1;
	v8 =	vsub.f32 $0.0e+00, v8  }
0xee: {  	v6 =	vperm.xlane v6, v1  }
0xef: {  	s19 =	sadd.s32 $0x10, s19;
	v4 =	vsub.f32 $0.0e+00, v4;
	vm11 =	vge.f32 v8, v5  }
0xf0: {  	v9 =	vor.u32 s19, v0;
	v5 =	vsel vm11, v8, v5;
	v6 =	vsel vm11, v7, v6  }
0xf1: {  	(xrf1) =	vsort.ascd.msk.f32 $0xffff, v4, v9;
	v4 =	vsub.f32 $0.0e+00, v5;
	_ =	sdelay $0x1  }
0xf2: {  	(xrf1) =	vsort.ascd.msk.f32 $0xffff, v4, v6;
	_ =	sdelay $0x6  }
.Ltmp4:
0xf3: {  	(pc) =	sbr.rel @p0 .LBB2_11-.Ltmp4, $2  }
0xf4: {  	_ =	sdelay $0x2  }
0xf5: {  	s21 =	sshra.s32 s20, $0x2;
	s20 =	sadd.s32 $0x40, s20  }
0xf6: {  	v4 =	vld [tilespmem:s21+$0x18D00];
	v5, v6, _ =	vpop (xrf1)  }
0xf7: {  	v5 =	vsub.f32 $0.0e+00, v5  }
0xf8: {  	v7, v8, _ =	vpop (xrf1)  }
0xf9: {  	v5 =	vperm.xlane v5, v1;
	v7 =	vsub.f32 $0.0e+00, v7  }
0xfa: {  	v9 =	vsel vm5, $0xC0000000, v3  }
0xfb: {  	s19 =	sadd.s32 $0x10, s19;
	v9 =	vxor.u32 $0x80000000, v9;
	v4 =	vsub.f32 $0.0e+00, v4;
	vm11 =	vge.f32 v7, v5  }
0xfc: {  	v6 =	vperm.xlane v6, v1;
	v56 =	vor.u32 s19, v0;
	(xrf0) =	vmax.scan.msk.u32 $0xffff, v9;
	v5 =	vsel vm11, v7, v5  }
0xfd: {  	(xrf1) =	vsort.ascd.msk.f32 $0xffff, v4, v56;
	v4 =	vsub.f32 $0.0e+00, v5  }
0xfe: {  	v5 =	vsel vm11, v8, v6  }
0xff: {  	(xrf1) =	vsort.ascd.msk.f32 $0xffff, v4, v5;
	_ =	sdelay $0x2  }
0x100: {  	v4, _, _ =	vpop (xrf0)  }
0x101: {  	(v2sf) =	vpush v4, $0xF;
	_ =	sdelay $0x7  }
0x102: {  	v4, v5, _ =	vpop (xrf1)  }
0x103: {  	v4 =	vsub.f32 $0.0e+00, v4  }
0x104: {  	s30 =	simm.s32 $0x0;
	v58, v57, _ =	vpop (xrf1)  }
0x105: {  	v59 =	vld [tilespmem:s30+$0x18D80];
	v4 =	vperm.xlane v4, v1;
	v6 =	vsub.f32 $0.0e+00, v58;
	_ =	sdelay $0x1  }
0x106: {  	vm11 =	vge.f32 v6, v4  }
0x107: {  	v5 =	vperm.xlane v5, v1;
	v4 =	vsel vm11, v6, v4  }
0x108: {  	s31 =	spop (v2sf);
	v4 =	vsub.f32 $0.0e+00, v4  }
0x109: {  	v60 =	vsub.f32 $0.0e+00, v59;
	v5 =	vsel vm11, v57, v5;
	s19 =	sshll.u32 s31, $0x7  }
0x10a: {  	(xrf1) =	vsort.ascd.msk.f32 $0xffff, v4, v5;
	v4 =	vor.u32 s19, v0  }
0x10b: {  	(xrf1) =	vsort.ascd.msk.f32 $0xffff, v60, v4;
	_ =	sdelay $0xc  }
0x10c: {  	s20 =	simm.s32 $0x10;
	v4, v5, _ =	vpop (xrf1)  }
0x10d: {  	v62 =	vld [tilespmem:s20+$0x18D80];
	v6, v61, _ =	vpop (xrf1)  }
0x10e: {  	v6 =	vsub.f32 $0.0e+00, v6;
	_ =	sdelay $0x1  }
0x10f: {  	v4 =	vsub.f32 $0.0e+00, v4;
	v6 =	vperm.xlane v6, v1;
	_ =	sdelay $0x1  }
0x110: {  	v8 =	vsub.f32 $0.0e+00, v62;
	s19 =	sadd.s32 $0x10, s19;
	vm11 =	vge.f32 v4, v6  }
0x111: {  	v63 =	vor.u32 s19, v0;
	v7 =	vperm.xlane v61, v1;
	v4 =	vsel vm11, v4, v6  }
0x112: {  	(xrf1) =	vsort.ascd.msk.f32 $0xffff, v8, v63;
	v4 =	vsub.f32 $0.0e+00, v4  }
0x113: {  	v5 =	vsel vm11, v5, v7  }
0x114: {  	(xrf1) =	vsort.ascd.msk.f32 $0xffff, v4, v5;
	_ =	sdelay $0xa  }
0x115: {  	s21 =	simm.s32 $0x20;
	s20 =	simm.s32 $0xC0  }
.LBB2_13:
0x116: {  	p0 =	sne.s32 s20, $0x1C0;
	v4 =	vld [tilespmem:s21+$0x18D80];
	v5, v6, _ =	vpop (xrf1)  }
0x117: {  	v5 =	vsub.f32 $0.0e+00, v5  }
0x118: {  	v8, v7, _ =	vpop (xrf1)  }
0x119: {  	v5 =	vperm.xlane v5, v1;
	v8 =	vsub.f32 $0.0e+00, v8  }
0x11a: {  	v6 =	vperm.xlane v6, v1  }
0x11b: {  	s19 =	sadd.s32 $0x10, s19;
	v4 =	vsub.f32 $0.0e+00, v4;
	vm11 =	vge.f32 v8, v5  }
0x11c: {  	v9 =	vor.u32 s19, v0;
	v5 =	vsel vm11, v8, v5;
	v6 =	vsel vm11, v7, v6  }
0x11d: {  	(xrf1) =	vsort.ascd.msk.f32 $0xffff, v4, v9;
	v4 =	vsub.f32 $0.0e+00, v5;
	_ =	sdelay $0x1  }
0x11e: {  	(xrf1) =	vsort.ascd.msk.f32 $0xffff, v4, v6;
	_ =	sdelay $0x6  }
.Ltmp5:
0x11f: {  	(pc) =	sbr.rel @p0 .LBB2_13-.Ltmp5, $2  }
0x120: {  	_ =	sdelay $0x2  }
0x121: {  	s21 =	sshra.s32 s20, $0x2;
	s20 =	sadd.s32 $0x40, s20  }
0x122: {  	v4 =	vld [tilespmem:s21+$0x18D80];
	v5, v6, _ =	vpop (xrf1)  }
0x123: {  	v5 =	vsub.f32 $0.0e+00, v5  }
0x124: {  	v7, v8, _ =	vpop (xrf1)  }
0x125: {  	v5 =	vperm.xlane v5, v1;
	v7 =	vsub.f32 $0.0e+00, v7  }
0x126: {  	v9 =	vsel vm6, $0xC0000000, v3  }
0x127: {  	s19 =	sadd.s32 $0x10, s19;
	v9 =	vxor.u32 $0x80000000, v9;
	v4 =	vsub.f32 $0.0e+00, v4;
	vm11 =	vge.f32 v7, v5  }
0x128: {  	v6 =	vperm.xlane v6, v1;
	v56 =	vor.u32 s19, v0;
	(xrf0) =	vmax.scan.msk.u32 $0xffff, v9;
	v5 =	vsel vm11, v7, v5  }
0x129: {  	(xrf1) =	vsort.ascd.msk.f32 $0xffff, v4, v56;
	v4 =	vsub.f32 $0.0e+00, v5  }
0x12a: {  	v5 =	vsel vm11, v8, v6  }
0x12b: {  	(xrf1) =	vsort.ascd.msk.f32 $0xffff, v4, v5;
	_ =	sdelay $0x2  }
0x12c: {  	v4, _, _ =	vpop (xrf0)  }
0x12d: {  	(v2sf) =	vpush v4, $0xF;
	_ =	sdelay $0x7  }
0x12e: {  	v4, v5, _ =	vpop (xrf1)  }
0x12f: {  	v4 =	vsub.f32 $0.0e+00, v4  }
0x130: {  	s30 =	simm.s32 $0x0;
	v58, v57, _ =	vpop (xrf1)  }
0x131: {  	v59 =	vld [tilespmem:s30+$0x18E00];
	v4 =	vperm.xlane v4, v1;
	v6 =	vsub.f32 $0.0e+00, v58;
	_ =	sdelay $0x1  }
0x132: {  	vm11 =	vge.f32 v6, v4  }
0x133: {  	v5 =	vperm.xlane v5, v1;
	v4 =	vsel vm11, v6, v4  }
0x134: {  	s31 =	spop (v2sf);
	v4 =	vsub.f32 $0.0e+00, v4  }
0x135: {  	v60 =	vsub.f32 $0.0e+00, v59;
	v5 =	vsel vm11, v57, v5;
	s19 =	sshll.u32 s31, $0x7  }
0x136: {  	(xrf1) =	vsort.ascd.msk.f32 $0xffff, v4, v5;
	v4 =	vor.u32 s19, v0  }
0x137: {  	(xrf1) =	vsort.ascd.msk.f32 $0xffff, v60, v4;
	_ =	sdelay $0xc  }
0x138: {  	s20 =	simm.s32 $0x10;
	v4, v5, _ =	vpop (xrf1)  }
0x139: {  	v62 =	vld [tilespmem:s20+$0x18E00];
	v6, v61, _ =	vpop (xrf1)  }
0x13a: {  	v6 =	vsub.f32 $0.0e+00, v6;
	_ =	sdelay $0x1  }
0x13b: {  	v4 =	vsub.f32 $0.0e+00, v4;
	v6 =	vperm.xlane v6, v1;
	_ =	sdelay $0x1  }
0x13c: {  	v8 =	vsub.f32 $0.0e+00, v62;
	s19 =	sadd.s32 $0x10, s19;
	vm11 =	vge.f32 v4, v6  }
0x13d: {  	v63 =	vor.u32 s19, v0;
	v7 =	vperm.xlane v61, v1;
	v4 =	vsel vm11, v4, v6  }
0x13e: {  	(xrf1) =	vsort.ascd.msk.f32 $0xffff, v8, v63;
	v4 =	vsub.f32 $0.0e+00, v4  }
0x13f: {  	v5 =	vsel vm11, v5, v7  }
0x140: {  	(xrf1) =	vsort.ascd.msk.f32 $0xffff, v4, v5;
	_ =	sdelay $0xa  }
0x141: {  	s21 =	simm.s32 $0x20;
	s20 =	simm.s32 $0xC0  }
.LBB2_15:
0x142: {  	p0 =	sne.s32 s20, $0x1C0;
	v4 =	vld [tilespmem:s21+$0x18E00];
	v5, v6, _ =	vpop (xrf1)  }
0x143: {  	v5 =	vsub.f32 $0.0e+00, v5  }
0x144: {  	v8, v7, _ =	vpop (xrf1)  }
0x145: {  	v5 =	vperm.xlane v5, v1;
	v8 =	vsub.f32 $0.0e+00, v8  }
0x146: {  	v6 =	vperm.xlane v6, v1  }
0x147: {  	s19 =	sadd.s32 $0x10, s19;
	v4 =	vsub.f32 $0.0e+00, v4;
	vm11 =	vge.f32 v8, v5  }
0x148: {  	v9 =	vor.u32 s19, v0;
	v5 =	vsel vm11, v8, v5;
	v6 =	vsel vm11, v7, v6  }
0x149: {  	(xrf1) =	vsort.ascd.msk.f32 $0xffff, v4, v9;
	v4 =	vsub.f32 $0.0e+00, v5;
	_ =	sdelay $0x1  }
0x14a: {  	(xrf1) =	vsort.ascd.msk.f32 $0xffff, v4, v6;
	_ =	sdelay $0x6  }
.Ltmp6:
0x14b: {  	(pc) =	sbr.rel @p0 .LBB2_15-.Ltmp6, $2  }
0x14c: {  	_ =	sdelay $0x2  }
0x14d: {  	s21 =	sshra.s32 s20, $0x2;
	s20 =	sadd.s32 $0x40, s20  }
0x14e: {  	v4 =	vld [tilespmem:s21+$0x18E00];
	v5, v6, _ =	vpop (xrf1)  }
0x14f: {  	v5 =	vsub.f32 $0.0e+00, v5  }
0x150: {  	v7, v8, _ =	vpop (xrf1)  }
0x151: {  	v5 =	vperm.xlane v5, v1;
	v7 =	vsub.f32 $0.0e+00, v7  }
0x152: {  	v9 =	vsel vm7, $0xC0000000, v3  }
0x153: {  	s19 =	sadd.s32 $0x10, s19;
	v9 =	vxor.u32 $0x80000000, v9;
	v4 =	vsub.f32 $0.0e+00, v4;
	vm11 =	vge.f32 v7, v5  }
0x154: {  	v6 =	vperm.xlane v6, v1;
	v56 =	vor.u32 s19, v0;
	(xrf0) =	vmax.scan.msk.u32 $0xffff, v9;
	v5 =	vsel vm11, v7, v5  }
0x155: {  	(xrf1) =	vsort.ascd.msk.f32 $0xffff, v4, v56;
	v4 =	vsub.f32 $0.0e+00, v5  }
0x156: {  	v5 =	vsel vm11, v8, v6  }
0x157: {  	(xrf1) =	vsort.ascd.msk.f32 $0xffff, v4, v5;
	_ =	sdelay $0x2  }
0x158: {  	v4, _, _ =	vpop (xrf0)  }
0x159: {  	(v2sf) =	vpush v4, $0xF;
	_ =	sdelay $0x7  }
0x15a: {  	v4, v5, _ =	vpop (xrf1)  }
0x15b: {  	v4 =	vsub.f32 $0.0e+00, v4  }
0x15c: {  	s30 =	simm.s32 $0x0;
	v58, v57, _ =	vpop (xrf1)  }
0x15d: {  	v59 =	vld [tilespmem:s30+$0x18E80];
	v4 =	vperm.xlane v4, v1;
	v6 =	vsub.f32 $0.0e+00, v58;
	_ =	sdelay $0x1  }
0x15e: {  	vm11 =	vge.f32 v6, v4  }
0x15f: {  	v5 =	vperm.xlane v5, v1;
	v4 =	vsel vm11, v6, v4  }
0x160: {  	s31 =	spop (v2sf);
	v4 =	vsub.f32 $0.0e+00, v4  }
0x161: {  	v60 =	vsub.f32 $0.0e+00, v59;
	v5 =	vsel vm11, v57, v5;
	s19 =	sshll.u32 s31, $0x7  }
0x162: {  	(xrf1) =	vsort.ascd.msk.f32 $0xffff, v4, v5;
	v4 =	vor.u32 s19, v0  }
0x163: {  	(xrf1) =	vsort.ascd.msk.f32 $0xffff, v60, v4;
	_ =	sdelay $0xc  }
0x164: {  	s20 =	simm.s32 $0x10;
	v4, v5, _ =	vpop (xrf1)  }
0x165: {  	v62 =	vld [tilespmem:s20+$0x18E80];
	v6, v61, _ =	vpop (xrf1)  }
0x166: {  	v6 =	vsub.f32 $0.0e+00, v6;
	_ =	sdelay $0x1  }
0x167: {  	v4 =	vsub.f32 $0.0e+00, v4;
	v6 =	vperm.xlane v6, v1;
	_ =	sdelay $0x1  }
0x168: {  	v8 =	vsub.f32 $0.0e+00, v62;
	s19 =	sadd.s32 $0x10, s19;
	vm11 =	vge.f32 v4, v6  }
0x169: {  	v63 =	vor.u32 s19, v0;
	v7 =	vperm.xlane v61, v1;
	v4 =	vsel vm11, v4, v6  }
0x16a: {  	(xrf1) =	vsort.ascd.msk.f32 $0xffff, v8, v63;
	v4 =	vsub.f32 $0.0e+00, v4  }
0x16b: {  	v5 =	vsel vm11, v5, v7  }
0x16c: {  	(xrf1) =	vsort.ascd.msk.f32 $0xffff, v4, v5;
	_ =	sdelay $0xa  }
0x16d: {  	s21 =	simm.s32 $0x20;
	s20 =	simm.s32 $0xC0  }
.LBB2_17:
0x16e: {  	p0 =	sne.s32 s20, $0x1C0;
	v4 =	vld [tilespmem:s21+$0x18E80];
	v5, v6, _ =	vpop (xrf1)  }
0x16f: {  	v5 =	vsub.f32 $0.0e+00, v5  }
0x170: {  	v8, v7, _ =	vpop (xrf1)  }
0x171: {  	v5 =	vperm.xlane v5, v1;
	v8 =	vsub.f32 $0.0e+00, v8  }
0x172: {  	v6 =	vperm.xlane v6, v1  }
0x173: {  	s19 =	sadd.s32 $0x10, s19;
	v4 =	vsub.f32 $0.0e+00, v4;
	vm11 =	vge.f32 v8, v5  }
0x174: {  	v9 =	vor.u32 s19, v0;
	v5 =	vsel vm11, v8, v5;
	v6 =	vsel vm11, v7, v6  }
0x175: {  	(xrf1) =	vsort.ascd.msk.f32 $0xffff, v4, v9;
	v4 =	vsub.f32 $0.0e+00, v5;
	_ =	sdelay $0x1  }
0x176: {  	(xrf1) =	vsort.ascd.msk.f32 $0xffff, v4, v6;
	_ =	sdelay $0x6  }
.Ltmp7:
0x177: {  	(pc) =	sbr.rel @p0 .LBB2_17-.Ltmp7, $2  }
0x178: {  	_ =	sdelay $0x2  }
0x179: {  	s21 =	sshra.s32 s20, $0x2;
	s20 =	sadd.s32 $0x40, s20  }
0x17a: {  	v4 =	vld [tilespmem:s21+$0x18E80];
	v5, v6, _ =	vpop (xrf1)  }
0x17b: {  	v5 =	vsub.f32 $0.0e+00, v5  }
0x17c: {  	v7, v8, _ =	vpop (xrf1)  }
0x17d: {  	v5 =	vperm.xlane v5, v1;
	v7 =	vsub.f32 $0.0e+00, v7  }
0x17e: {  	v9 =	vsel vm8, $0xC0000000, v3  }
0x17f: {  	s19 =	sadd.s32 $0x10, s19;
	v9 =	vxor.u32 $0x80000000, v9;
	v4 =	vsub.f32 $0.0e+00, v4;
	vm11 =	vge.f32 v7, v5  }
0x180: {  	v6 =	vperm.xlane v6, v1;
	v56 =	vor.u32 s19, v0;
	(xrf0) =	vmax.scan.msk.u32 $0xffff, v9;
	v5 =	vsel vm11, v7, v5  }
0x181: {  	(xrf1) =	vsort.ascd.msk.f32 $0xffff, v4, v56;
	v4 =	vsub.f32 $0.0e+00, v5  }
0x182: {  	v5 =	vsel vm11, v8, v6  }
0x183: {  	(xrf1) =	vsort.ascd.msk.f32 $0xffff, v4, v5;
	_ =	sdelay $0x2  }
0x184: {  	v4, _, _ =	vpop (xrf0)  }
0x185: {  	(v2sf) =	vpush v4, $0xF;
	_ =	sdelay $0x7  }
0x186: {  	v4, v5, _ =	vpop (xrf1)  }
0x187: {  	v4 =	vsub.f32 $0.0e+00, v4  }
0x188: {  	s30 =	simm.s32 $0x0;
	v58, v57, _ =	vpop (xrf1)  }
0x189: {  	v59 =	vld [tilespmem:s30+$0x18F00];
	v4 =	vperm.xlane v4, v1;
	v6 =	vsub.f32 $0.0e+00, v58;
	_ =	sdelay $0x1  }
0x18a: {  	vm11 =	vge.f32 v6, v4  }
0x18b: {  	v5 =	vperm.xlane v5, v1;
	v4 =	vsel vm11, v6, v4  }
0x18c: {  	s31 =	spop (v2sf);
	v4 =	vsub.f32 $0.0e+00, v4  }
0x18d: {  	v60 =	vsub.f32 $0.0e+00, v59;
	v5 =	vsel vm11, v57, v5;
	s19 =	sshll.u32 s31, $0x7  }
0x18e: {  	(xrf1) =	vsort.ascd.msk.f32 $0xffff, v4, v5;
	v4 =	vor.u32 s19, v0  }
0x18f: {  	(xrf1) =	vsort.ascd.msk.f32 $0xffff, v60, v4;
	_ =	sdelay $0xc  }
0x190: {  	s20 =	simm.s32 $0x10;
	v4, v5, _ =	vpop (xrf1)  }
0x191: {  	v62 =	vld [tilespmem:s20+$0x18F00];
	v6, v61, _ =	vpop (xrf1)  }
0x192: {  	v6 =	vsub.f32 $0.0e+00, v6;
	_ =	sdelay $0x1  }
0x193: {  	v4 =	vsub.f32 $0.0e+00, v4;
	v6 =	vperm.xlane v6, v1;
	_ =	sdelay $0x1  }
0x194: {  	v8 =	vsub.f32 $0.0e+00, v62;
	s19 =	sadd.s32 $0x10, s19;
	vm11 =	vge.f32 v4, v6  }
0x195: {  	v63 =	vor.u32 s19, v0;
	v7 =	vperm.xlane v61, v1;
	v4 =	vsel vm11, v4, v6  }
0x196: {  	(xrf1) =	vsort.ascd.msk.f32 $0xffff, v8, v63;
	v4 =	vsub.f32 $0.0e+00, v4  }
0x197: {  	v5 =	vsel vm11, v5, v7  }
0x198: {  	(xrf1) =	vsort.ascd.msk.f32 $0xffff, v4, v5;
	_ =	sdelay $0xa  }
0x199: {  	s21 =	simm.s32 $0x20;
	s20 =	simm.s32 $0xC0  }
.LBB2_19:
0x19a: {  	p0 =	sne.s32 s20, $0x1C0;
	v4 =	vld [tilespmem:s21+$0x18F00];
	v5, v6, _ =	vpop (xrf1)  }
0x19b: {  	v5 =	vsub.f32 $0.0e+00, v5  }
0x19c: {  	v8, v7, _ =	vpop (xrf1)  }
0x19d: {  	v5 =	vperm.xlane v5, v1;
	v8 =	vsub.f32 $0.0e+00, v8  }
0x19e: {  	v6 =	vperm.xlane v6, v1  }
0x19f: {  	s19 =	sadd.s32 $0x10, s19;
	v4 =	vsub.f32 $0.0e+00, v4;
	vm11 =	vge.f32 v8, v5  }
0x1a0: {  	v9 =	vor.u32 s19, v0;
	v5 =	vsel vm11, v8, v5;
	v6 =	vsel vm11, v7, v6  }
0x1a1: {  	(xrf1) =	vsort.ascd.msk.f32 $0xffff, v4, v9;
	v4 =	vsub.f32 $0.0e+00, v5;
	_ =	sdelay $0x1  }
0x1a2: {  	(xrf1) =	vsort.ascd.msk.f32 $0xffff, v4, v6;
	_ =	sdelay $0x6  }
.Ltmp8:
0x1a3: {  	(pc) =	sbr.rel @p0 .LBB2_19-.Ltmp8, $2  }
0x1a4: {  	_ =	sdelay $0x2  }
0x1a5: {  	s21 =	sshra.s32 s20, $0x2;
	s20 =	sadd.s32 $0x40, s20  }
0x1a6: {  	v4 =	vld [tilespmem:s21+$0x18F00];
	v5, v6, _ =	vpop (xrf1)  }
0x1a7: {  	v5 =	vsub.f32 $0.0e+00, v5  }
0x1a8: {  	v7, v8, _ =	vpop (xrf1)  }
0x1a9: {  	v5 =	vperm.xlane v5, v1;
	v7 =	vsub.f32 $0.0e+00, v7  }
0x1aa: {  	v9 =	vsel vm9, $0xC0000000, v3  }
0x1ab: {  	s19 =	sadd.s32 $0x10, s19;
	v9 =	vxor.u32 $0x80000000, v9;
	v4 =	vsub.f32 $0.0e+00, v4;
	vm11 =	vge.f32 v7, v5  }
0x1ac: {  	v6 =	vperm.xlane v6, v1;
	v56 =	vor.u32 s19, v0;
	(xrf0) =	vmax.scan.msk.u32 $0xffff, v9;
	v5 =	vsel vm11, v7, v5  }
0x1ad: {  	(xrf1) =	vsort.ascd.msk.f32 $0xffff, v4, v56;
	v4 =	vsub.f32 $0.0e+00, v5  }
0x1ae: {  	v5 =	vsel vm11, v8, v6  }
0x1af: {  	(xrf1) =	vsort.ascd.msk.f32 $0xffff, v4, v5;
	_ =	sdelay $0x2  }
0x1b0: {  	v4, _, _ =	vpop (xrf0)  }
0x1b1: {  	(v2sf) =	vpush v4, $0xF;
	_ =	sdelay $0x7  }
0x1b2: {  	v4, v5, _ =	vpop (xrf1)  }
0x1b3: {  	v4 =	vsub.f32 $0.0e+00, v4  }
0x1b4: {  	s30 =	simm.s32 $0x0;
	v58, v57, _ =	vpop (xrf1)  }
0x1b5: {  	v59 =	vld [tilespmem:s30+$0x18F80];
	v4 =	vperm.xlane v4, v1;
	v6 =	vsub.f32 $0.0e+00, v58;
	_ =	sdelay $0x1  }
0x1b6: {  	vm11 =	vge.f32 v6, v4  }
0x1b7: {  	v5 =	vperm.xlane v5, v1;
	v4 =	vsel vm11, v6, v4  }
0x1b8: {  	s31 =	spop (v2sf);
	v4 =	vsub.f32 $0.0e+00, v4  }
0x1b9: {  	v60 =	vsub.f32 $0.0e+00, v59;
	v5 =	vsel vm11, v57, v5;
	s19 =	sshll.u32 s31, $0x7  }
0x1ba: {  	(xrf1) =	vsort.ascd.msk.f32 $0xffff, v4, v5;
	v4 =	vor.u32 s19, v0  }
0x1bb: {  	(xrf1) =	vsort.ascd.msk.f32 $0xffff, v60, v4;
	_ =	sdelay $0xc  }
0x1bc: {  	s20 =	simm.s32 $0x10;
	v4, v5, _ =	vpop (xrf1)  }
0x1bd: {  	v62 =	vld [tilespmem:s20+$0x18F80];
	v6, v61, _ =	vpop (xrf1)  }
0x1be: {  	v6 =	vsub.f32 $0.0e+00, v6;
	_ =	sdelay $0x1  }
0x1bf: {  	v4 =	vsub.f32 $0.0e+00, v4;
	v6 =	vperm.xlane v6, v1;
	_ =	sdelay $0x1  }
0x1c0: {  	v8 =	vsub.f32 $0.0e+00, v62;
	s19 =	sadd.s32 $0x10, s19;
	vm11 =	vge.f32 v4, v6  }
0x1c1: {  	v63 =	vor.u32 s19, v0;
	v7 =	vperm.xlane v61, v1;
	v4 =	vsel vm11, v4, v6  }
0x1c2: {  	(xrf1) =	vsort.ascd.msk.f32 $0xffff, v8, v63;
	v4 =	vsub.f32 $0.0e+00, v4  }
0x1c3: {  	v5 =	vsel vm11, v5, v7  }
0x1c4: {  	(xrf1) =	vsort.ascd.msk.f32 $0xffff, v4, v5;
	_ =	sdelay $0xa  }
0x1c5: {  	s21 =	simm.s32 $0x20;
	s20 =	simm.s32 $0xC0  }
.LBB2_21:
0x1c6: {  	p0 =	sne.s32 s20, $0x1C0;
	v4 =	vld [tilespmem:s21+$0x18F80];
	v5, v6, _ =	vpop (xrf1)  }
0x1c7: {  	v5 =	vsub.f32 $0.0e+00, v5  }
0x1c8: {  	v8, v7, _ =	vpop (xrf1)  }
0x1c9: {  	v5 =	vperm.xlane v5, v1;
	v8 =	vsub.f32 $0.0e+00, v8  }
0x1ca: {  	v6 =	vperm.xlane v6, v1  }
0x1cb: {  	s19 =	sadd.s32 $0x10, s19;
	v4 =	vsub.f32 $0.0e+00, v4;
	vm11 =	vge.f32 v8, v5  }
0x1cc: {  	v9 =	vor.u32 s19, v0;
	v5 =	vsel vm11, v8, v5;
	v6 =	vsel vm11, v7, v6  }
0x1cd: {  	(xrf1) =	vsort.ascd.msk.f32 $0xffff, v4, v9;
	v4 =	vsub.f32 $0.0e+00, v5;
	_ =	sdelay $0x1  }
0x1ce: {  	(xrf1) =	vsort.ascd.msk.f32 $0xffff, v4, v6;
	_ =	sdelay $0x6  }
.Ltmp9:
0x1cf: {  	(pc) =	sbr.rel @p0 .LBB2_21-.Ltmp9, $2  }
0x1d0: {  	_ =	sdelay $0x2  }
0x1d1: {  	s21 =	sshra.s32 s20, $0x2;
	s20 =	sadd.s32 $0x40, s20  }
0x1d2: {  	v4 =	vld [tilespmem:s21+$0x18F80];
	v5, v6, _ =	vpop (xrf1)  }
0x1d3: {  	v5 =	vsub.f32 $0.0e+00, v5  }
0x1d4: {  	v7, v8, _ =	vpop (xrf1)  }
0x1d5: {  	v5 =	vperm.xlane v5, v1;
	v7 =	vsub.f32 $0.0e+00, v7  }
0x1d6: {  	v9 =	vsel vm10, $0xC0000000, v3  }
0x1d7: {  	s19 =	sadd.s32 $0x10, s19;
	v9 =	vxor.u32 $0x80000000, v9;
	v4 =	vsub.f32 $0.0e+00, v4;
	vm11 =	vge.f32 v7, v5  }
0x1d8: {  	v6 =	vperm.xlane v6, v1;
	v56 =	vor.u32 s19, v0;
	(xrf0) =	vmax.scan.msk.u32 $0xffff, v9;
	v5 =	vsel vm11, v7, v5  }
0x1d9: {  	(xrf1) =	vsort.ascd.msk.f32 $0xffff, v4, v56;
	v4 =	vsub.f32 $0.0e+00, v5  }
0x1da: {  	v5 =	vsel vm11, v8, v6  }
0x1db: {  	(xrf1) =	vsort.ascd.msk.f32 $0xffff, v4, v5;
	_ =	sdelay $0x2  }
0x1dc: {  	v4, _, _ =	vpop (xrf0)  }
0x1dd: {  	(v2sf) =	vpush v4, $0xF;
	_ =	sdelay $0x7  }
0x1de: {  	v4, v5, _ =	vpop (xrf1)  }
0x1df: {  	v4 =	vsub.f32 $0.0e+00, v4  }
0x1e0: {  	s30 =	simm.s32 $0x0;
	v58, v57, _ =	vpop (xrf1)  }
0x1e1: {  	v59 =	vld [tilespmem:s30+$0x19000];
	v4 =	vperm.xlane v4, v1;
	v6 =	vsub.f32 $0.0e+00, v58;
	_ =	sdelay $0x1  }
0x1e2: {  	vm11 =	vge.f32 v6, v4  }
0x1e3: {  	v5 =	vperm.xlane v5, v1;
	v4 =	vsel vm11, v6, v4  }
0x1e4: {  	s31 =	spop (v2sf);
	v4 =	vsub.f32 $0.0e+00, v4  }
0x1e5: {  	v60 =	vsub.f32 $0.0e+00, v59;
	v5 =	vsel vm11, v57, v5;
	s19 =	sshll.u32 s31, $0x7  }
0x1e6: {  	(xrf1) =	vsort.ascd.msk.f32 $0xffff, v4, v5;
	v4 =	vor.u32 s19, v0  }
0x1e7: {  	(xrf1) =	vsort.ascd.msk.f32 $0xffff, v60, v4;
	_ =	sdelay $0xc  }
0x1e8: {  	s20 =	simm.s32 $0x10;
	v4, v5, _ =	vpop (xrf1)  }
0x1e9: {  	v62 =	vld [tilespmem:s20+$0x19000];
	v6, v61, _ =	vpop (xrf1)  }
0x1ea: {  	v6 =	vsub.f32 $0.0e+00, v6;
	_ =	sdelay $0x1  }
0x1eb: {  	v4 =	vsub.f32 $0.0e+00, v4;
	v6 =	vperm.xlane v6, v1;
	_ =	sdelay $0x1  }
0x1ec: {  	v8 =	vsub.f32 $0.0e+00, v62;
	s19 =	sadd.s32 $0x10, s19;
	vm11 =	vge.f32 v4, v6  }
0x1ed: {  	v63 =	vor.u32 s19, v0;
	v7 =	vperm.xlane v61, v1;
	v4 =	vsel vm11, v4, v6  }
0x1ee: {  	(xrf1) =	vsort.ascd.msk.f32 $0xffff, v8, v63;
	v4 =	vsub.f32 $0.0e+00, v4  }
0x1ef: {  	v5 =	vsel vm11, v5, v7  }
0x1f0: {  	(xrf1) =	vsort.ascd.msk.f32 $0xffff, v4, v5;
	_ =	sdelay $0xa  }
0x1f1: {  	s21 =	simm.s32 $0x20;
	s20 =	simm.s32 $0xC0  }
.LBB2_23:
0x1f2: {  	p0 =	sne.s32 s20, $0x1C0;
	v4 =	vld [tilespmem:s21+$0x19000];
	v5, v6, _ =	vpop (xrf1)  }
0x1f3: {  	v5 =	vsub.f32 $0.0e+00, v5  }
0x1f4: {  	v8, v7, _ =	vpop (xrf1)  }
0x1f5: {  	v5 =	vperm.xlane v5, v1;
	v8 =	vsub.f32 $0.0e+00, v8  }
0x1f6: {  	v6 =	vperm.xlane v6, v1  }
0x1f7: {  	s19 =	sadd.s32 $0x10, s19;
	v4 =	vsub.f32 $0.0e+00, v4;
	vm11 =	vge.f32 v8, v5  }
0x1f8: {  	v9 =	vor.u32 s19, v0;
	v5 =	vsel vm11, v8, v5;
	v6 =	vsel vm11, v7, v6  }
0x1f9: {  	(xrf1) =	vsort.ascd.msk.f32 $0xffff, v4, v9;
	v4 =	vsub.f32 $0.0e+00, v5;
	_ =	sdelay $0x1  }
0x1fa: {  	(xrf1) =	vsort.ascd.msk.f32 $0xffff, v4, v6;
	_ =	sdelay $0x6  }
.Ltmp10:
0x1fb: {  	(pc) =	sbr.rel @p0 .LBB2_23-.Ltmp10, $2  }
0x1fc: {  	_ =	sdelay $0x2  }
0x1fd: {  	s21 =	sshra.s32 s20, $0x2;
	s20 =	sadd.s32 $0x40, s20  }
0x1fe: {  	v4 =	vld [tilespmem:s21+$0x19000];
	v5, v6, _ =	vpop (xrf1)  }
0x1ff: {  	v5 =	vsub.f32 $0.0e+00, v5  }
0x200: {  	v7, v8, _ =	vpop (xrf1)  }
0x201: {  	vm11 =	vcmask $0x272C;
	v5 =	vperm.xlane v5, v1;
	v7 =	vsub.f32 $0.0e+00, v7  }
0x202: {  	v9 =	vsel vm11, $0xC0000000, v3  }
0x203: {  	s19 =	sadd.s32 $0x10, s19;
	v9 =	vxor.u32 $0x80000000, v9;
	v4 =	vsub.f32 $0.0e+00, v4;
	vm11 =	vge.f32 v7, v5  }
0x204: {  	v6 =	vperm.xlane v6, v1;
	v56 =	vor.u32 s19, v0;
	(xrf0) =	vmax.scan.msk.u32 $0xffff, v9;
	v5 =	vsel vm11, v7, v5  }
0x205: {  	(xrf1) =	vsort.ascd.msk.f32 $0xffff, v4, v56;
	v4 =	vsub.f32 $0.0e+00, v5  }
0x206: {  	v5 =	vsel vm11, v8, v6  }
0x207: {  	(xrf1) =	vsort.ascd.msk.f32 $0xffff, v4, v5;
	_ =	sdelay $0x2  }
0x208: {  	v4, _, _ =	vpop (xrf0)  }
0x209: {  	(v2sf) =	vpush v4, $0xF;
	_ =	sdelay $0x7  }
0x20a: {  	v4, v5, _ =	vpop (xrf1)  }
0x20b: {  	v4 =	vsub.f32 $0.0e+00, v4  }
0x20c: {  	s30 =	simm.s32 $0x0;
	v58, v57, _ =	vpop (xrf1)  }
0x20d: {  	v59 =	vld [tilespmem:s30+$0x19080];
	v4 =	vperm.xlane v4, v1;
	v6 =	vsub.f32 $0.0e+00, v58;
	_ =	sdelay $0x1  }
0x20e: {  	vm11 =	vge.f32 v6, v4  }
0x20f: {  	v5 =	vperm.xlane v5, v1;
	v4 =	vsel vm11, v6, v4  }
0x210: {  	s31 =	spop (v2sf);
	v4 =	vsub.f32 $0.0e+00, v4  }
0x211: {  	v60 =	vsub.f32 $0.0e+00, v59;
	v5 =	vsel vm11, v57, v5;
	s19 =	sshll.u32 s31, $0x7  }
0x212: {  	(xrf1) =	vsort.ascd.msk.f32 $0xffff, v4, v5;
	v4 =	vor.u32 s19, v0  }
0x213: {  	(xrf1) =	vsort.ascd.msk.f32 $0xffff, v60, v4;
	_ =	sdelay $0xc  }
0x214: {  	s20 =	simm.s32 $0x10;
	v4, v5, _ =	vpop (xrf1)  }
0x215: {  	v62 =	vld [tilespmem:s20+$0x19080];
	v6, v61, _ =	vpop (xrf1)  }
0x216: {  	v6 =	vsub.f32 $0.0e+00, v6;
	_ =	sdelay $0x1  }
0x217: {  	v4 =	vsub.f32 $0.0e+00, v4;
	v6 =	vperm.xlane v6, v1;
	_ =	sdelay $0x1  }
0x218: {  	v8 =	vsub.f32 $0.0e+00, v62;
	s19 =	sadd.s32 $0x10, s19;
	vm11 =	vge.f32 v4, v6  }
0x219: {  	v63 =	vor.u32 s19, v0;
	v7 =	vperm.xlane v61, v1;
	v4 =	vsel vm11, v4, v6  }
0x21a: {  	(xrf1) =	vsort.ascd.msk.f32 $0xffff, v8, v63;
	v4 =	vsub.f32 $0.0e+00, v4  }
0x21b: {  	v5 =	vsel vm11, v5, v7  }
0x21c: {  	(xrf1) =	vsort.ascd.msk.f32 $0xffff, v4, v5;
	_ =	sdelay $0xa  }
0x21d: {  	s21 =	simm.s32 $0x20;
	s20 =	simm.s32 $0xC0  }
.LBB2_25:
0x21e: {  	p0 =	sne.s32 s20, $0x1C0;
	v4 =	vld [tilespmem:s21+$0x19080];
	v5, v6, _ =	vpop (xrf1)  }
0x21f: {  	v5 =	vsub.f32 $0.0e+00, v5  }
0x220: {  	v8, v7, _ =	vpop (xrf1)  }
0x221: {  	v5 =	vperm.xlane v5, v1;
	v8 =	vsub.f32 $0.0e+00, v8  }
0x222: {  	v6 =	vperm.xlane v6, v1  }
0x223: {  	s19 =	sadd.s32 $0x10, s19;
	v4 =	vsub.f32 $0.0e+00, v4;
	vm11 =	vge.f32 v8, v5  }
0x224: {  	v9 =	vor.u32 s19, v0;
	v5 =	vsel vm11, v8, v5;
	v6 =	vsel vm11, v7, v6  }
0x225: {  	(xrf1) =	vsort.ascd.msk.f32 $0xffff, v4, v9;
	v4 =	vsub.f32 $0.0e+00, v5;
	_ =	sdelay $0x1  }
0x226: {  	(xrf1) =	vsort.ascd.msk.f32 $0xffff, v4, v6;
	_ =	sdelay $0x6  }
.Ltmp11:
0x227: {  	(pc) =	sbr.rel @p0 .LBB2_25-.Ltmp11, $2  }
0x228: {  	_ =	sdelay $0x2  }
0x229: {  	s21 =	sshra.s32 s20, $0x2;
	s20 =	sadd.s32 $0x40, s20  }
0x22a: {  	v4 =	vld [tilespmem:s21+$0x19080];
	v5, v6, _ =	vpop (xrf1)  }
0x22b: {  	v5 =	vsub.f32 $0.0e+00, v5  }
0x22c: {  	v7, v8, _ =	vpop (xrf1)  }
0x22d: {  	vm11 =	vcmask $0x2B30;
	v5 =	vperm.xlane v5, v1;
	v7 =	vsub.f32 $0.0e+00, v7  }
0x22e: {  	v9 =	vsel vm11, $0xC0000000, v3  }
0x22f: {  	s19 =	sadd.s32 $0x10, s19;
	v9 =	vxor.u32 $0x80000000, v9;
	v4 =	vsub.f32 $0.0e+00, v4;
	vm11 =	vge.f32 v7, v5  }
0x230: {  	v6 =	vperm.xlane v6, v1;
	v56 =	vor.u32 s19, v0;
	(xrf0) =	vmax.scan.msk.u32 $0xffff, v9;
	v5 =	vsel vm11, v7, v5  }
0x231: {  	(xrf1) =	vsort.ascd.msk.f32 $0xffff, v4, v56;
	v4 =	vsub.f32 $0.0e+00, v5  }
0x232: {  	v5 =	vsel vm11, v8, v6  }
0x233: {  	(xrf1) =	vsort.ascd.msk.f32 $0xffff, v4, v5;
	_ =	sdelay $0x2  }
0x234: {  	v4, _, _ =	vpop (xrf0)  }
0x235: {  	(v2sf) =	vpush v4, $0xF;
	_ =	sdelay $0x7  }
0x236: {  	v4, v5, _ =	vpop (xrf1)  }
0x237: {  	v4 =	vsub.f32 $0.0e+00, v4  }
0x238: {  	s30 =	simm.s32 $0x0;
	v58, v57, _ =	vpop (xrf1)  }
0x239: {  	v59 =	vld [tilespmem:s30+$0x19100];
	v4 =	vperm.xlane v4, v1;
	v6 =	vsub.f32 $0.0e+00, v58;
	_ =	sdelay $0x1  }
0x23a: {  	vm11 =	vge.f32 v6, v4  }
0x23b: {  	v5 =	vperm.xlane v5, v1;
	v4 =	vsel vm11, v6, v4  }
0x23c: {  	s31 =	spop (v2sf);
	v4 =	vsub.f32 $0.0e+00, v4  }
0x23d: {  	v60 =	vsub.f32 $0.0e+00, v59;
	v5 =	vsel vm11, v57, v5;
	s19 =	sshll.u32 s31, $0x7  }
0x23e: {  	(xrf1) =	vsort.ascd.msk.f32 $0xffff, v4, v5;
	v4 =	vor.u32 s19, v0  }
0x23f: {  	(xrf1) =	vsort.ascd.msk.f32 $0xffff, v60, v4;
	_ =	sdelay $0xc  }
0x240: {  	s20 =	simm.s32 $0x10;
	v4, v5, _ =	vpop (xrf1)  }
0x241: {  	v62 =	vld [tilespmem:s20+$0x19100];
	v6, v61, _ =	vpop (xrf1)  }
0x242: {  	v6 =	vsub.f32 $0.0e+00, v6;
	_ =	sdelay $0x1  }
0x243: {  	v4 =	vsub.f32 $0.0e+00, v4;
	v6 =	vperm.xlane v6, v1;
	_ =	sdelay $0x1  }
0x244: {  	v8 =	vsub.f32 $0.0e+00, v62;
	s19 =	sadd.s32 $0x10, s19;
	vm11 =	vge.f32 v4, v6  }
0x245: {  	v63 =	vor.u32 s19, v0;
	v7 =	vperm.xlane v61, v1;
	v4 =	vsel vm11, v4, v6  }
0x246: {  	(xrf1) =	vsort.ascd.msk.f32 $0xffff, v8, v63;
	v4 =	vsub.f32 $0.0e+00, v4  }
0x247: {  	v5 =	vsel vm11, v5, v7  }
0x248: {  	(xrf1) =	vsort.ascd.msk.f32 $0xffff, v4, v5;
	_ =	sdelay $0xa  }
0x249: {  	s21 =	simm.s32 $0x20;
	s20 =	simm.s32 $0xC0  }
.LBB2_27:
0x24a: {  	p0 =	sne.s32 s20, $0x1C0;
	v4 =	vld [tilespmem:s21+$0x19100];
	v5, v6, _ =	vpop (xrf1)  }
0x24b: {  	v5 =	vsub.f32 $0.0e+00, v5  }
0x24c: {  	v8, v7, _ =	vpop (xrf1)  }
0x24d: {  	v5 =	vperm.xlane v5, v1;
	v8 =	vsub.f32 $0.0e+00, v8  }
0x24e: {  	v6 =	vperm.xlane v6, v1  }
0x24f: {  	s19 =	sadd.s32 $0x10, s19;
	v4 =	vsub.f32 $0.0e+00, v4;
	vm11 =	vge.f32 v8, v5  }
0x250: {  	v9 =	vor.u32 s19, v0;
	v5 =	vsel vm11, v8, v5;
	v6 =	vsel vm11, v7, v6  }
0x251: {  	(xrf1) =	vsort.ascd.msk.f32 $0xffff, v4, v9;
	v4 =	vsub.f32 $0.0e+00, v5;
	_ =	sdelay $0x1  }
0x252: {  	(xrf1) =	vsort.ascd.msk.f32 $0xffff, v4, v6;
	_ =	sdelay $0x6  }
.Ltmp12:
0x253: {  	(pc) =	sbr.rel @p0 .LBB2_27-.Ltmp12, $2  }
0x254: {  	_ =	sdelay $0x2  }
0x255: {  	s21 =	sshra.s32 s20, $0x2;
	s20 =	sadd.s32 $0x40, s20  }
0x256: {  	v4 =	vld [tilespmem:s21+$0x19100];
	v5, v6, _ =	vpop (xrf1)  }
0x257: {  	v5 =	vsub.f32 $0.0e+00, v5  }
0x258: {  	v7, v8, _ =	vpop (xrf1)  }
0x259: {  	vm11 =	vcmask $0x2F34;
	v5 =	vperm.xlane v5, v1;
	v7 =	vsub.f32 $0.0e+00, v7  }
0x25a: {  	v9 =	vsel vm11, $0xC0000000, v3  }
0x25b: {  	s19 =	sadd.s32 $0x10, s19;
	v9 =	vxor.u32 $0x80000000, v9;
	v4 =	vsub.f32 $0.0e+00, v4;
	vm11 =	vge.f32 v7, v5  }
0x25c: {  	v6 =	vperm.xlane v6, v1;
	v56 =	vor.u32 s19, v0;
	(xrf0) =	vmax.scan.msk.u32 $0xffff, v9;
	v5 =	vsel vm11, v7, v5  }
0x25d: {  	(xrf1) =	vsort.ascd.msk.f32 $0xffff, v4, v56;
	v4 =	vsub.f32 $0.0e+00, v5  }
0x25e: {  	v5 =	vsel vm11, v8, v6  }
0x25f: {  	(xrf1) =	vsort.ascd.msk.f32 $0xffff, v4, v5;
	_ =	sdelay $0x2  }
0x260: {  	v4, _, _ =	vpop (xrf0)  }
0x261: {  	(v2sf) =	vpush v4, $0xF;
	_ =	sdelay $0x7  }
0x262: {  	v4, v5, _ =	vpop (xrf1)  }
0x263: {  	v4 =	vsub.f32 $0.0e+00, v4  }
0x264: {  	s30 =	simm.s32 $0x0;
	v58, v57, _ =	vpop (xrf1)  }
0x265: {  	v59 =	vld [tilespmem:s30+$0x19180];
	v4 =	vperm.xlane v4, v1;
	v6 =	vsub.f32 $0.0e+00, v58;
	_ =	sdelay $0x1  }
0x266: {  	vm11 =	vge.f32 v6, v4  }
0x267: {  	v5 =	vperm.xlane v5, v1;
	v4 =	vsel vm11, v6, v4  }
0x268: {  	s31 =	spop (v2sf);
	v4 =	vsub.f32 $0.0e+00, v4  }
0x269: {  	v60 =	vsub.f32 $0.0e+00, v59;
	v5 =	vsel vm11, v57, v5;
	s19 =	sshll.u32 s31, $0x7  }
0x26a: {  	(xrf1) =	vsort.ascd.msk.f32 $0xffff, v4, v5;
	v4 =	vor.u32 s19, v0  }
0x26b: {  	(xrf1) =	vsort.ascd.msk.f32 $0xffff, v60, v4;
	_ =	sdelay $0xc  }
0x26c: {  	s20 =	simm.s32 $0x10;
	v4, v5, _ =	vpop (xrf1)  }
0x26d: {  	v62 =	vld [tilespmem:s20+$0x19180];
	v6, v61, _ =	vpop (xrf1)  }
0x26e: {  	v6 =	vsub.f32 $0.0e+00, v6;
	_ =	sdelay $0x1  }
0x26f: {  	v4 =	vsub.f32 $0.0e+00, v4;
	v6 =	vperm.xlane v6, v1;
	_ =	sdelay $0x1  }
0x270: {  	v8 =	vsub.f32 $0.0e+00, v62;
	s19 =	sadd.s32 $0x10, s19;
	vm11 =	vge.f32 v4, v6  }
0x271: {  	v63 =	vor.u32 s19, v0;
	v7 =	vperm.xlane v61, v1;
	v4 =	vsel vm11, v4, v6  }
0x272: {  	(xrf1) =	vsort.ascd.msk.f32 $0xffff, v8, v63;
	v4 =	vsub.f32 $0.0e+00, v4  }
0x273: {  	v5 =	vsel vm11, v5, v7  }
0x274: {  	(xrf1) =	vsort.ascd.msk.f32 $0xffff, v4, v5;
	_ =	sdelay $0xa  }
0x275: {  	s21 =	simm.s32 $0x20;
	s20 =	simm.s32 $0xC0  }
.LBB2_29:
0x276: {  	p0 =	sne.s32 s20, $0x1C0;
	v4 =	vld [tilespmem:s21+$0x19180];
	v5, v6, _ =	vpop (xrf1)  }
0x277: {  	v5 =	vsub.f32 $0.0e+00, v5  }
0x278: {  	v8, v7, _ =	vpop (xrf1)  }
0x279: {  	v5 =	vperm.xlane v5, v1;
	v8 =	vsub.f32 $0.0e+00, v8  }
0x27a: {  	v6 =	vperm.xlane v6, v1  }
0x27b: {  	s19 =	sadd.s32 $0x10, s19;
	v4 =	vsub.f32 $0.0e+00, v4;
	vm11 =	vge.f32 v8, v5  }
0x27c: {  	v9 =	vor.u32 s19, v0;
	v5 =	vsel vm11, v8, v5;
	v6 =	vsel vm11, v7, v6  }
0x27d: {  	(xrf1) =	vsort.ascd.msk.f32 $0xffff, v4, v9;
	v4 =	vsub.f32 $0.0e+00, v5;
	_ =	sdelay $0x1  }
0x27e: {  	(xrf1) =	vsort.ascd.msk.f32 $0xffff, v4, v6;
	_ =	sdelay $0x6  }
.Ltmp13:
0x27f: {  	(pc) =	sbr.rel @p0 .LBB2_29-.Ltmp13, $2  }
0x280: {  	_ =	sdelay $0x2  }
0x281: {  	s21 =	sshra.s32 s20, $0x2;
	s20 =	sadd.s32 $0x40, s20  }
0x282: {  	v4 =	vld [tilespmem:s21+$0x19180];
	v5, v6, _ =	vpop (xrf1)  }
0x283: {  	v5 =	vsub.f32 $0.0e+00, v5  }
0x284: {  	v7, v8, _ =	vpop (xrf1)  }
0x285: {  	v5 =	vperm.xlane v5, v1;
	v7 =	vsub.f32 $0.0e+00, v7  }
0x286: {  	v9 =	vsel vm14, $0xC0000000, v3  }
0x287: {  	s19 =	sadd.s32 $0x10, s19;
	v9 =	vxor.u32 $0x80000000, v9;
	v4 =	vsub.f32 $0.0e+00, v4;
	vm11 =	vge.f32 v7, v5  }
0x288: {  	v6 =	vperm.xlane v6, v1;
	v56 =	vor.u32 s19, v0;
	(xrf0) =	vmax.scan.msk.u32 $0xffff, v9;
	v5 =	vsel vm11, v7, v5  }
0x289: {  	(xrf1) =	vsort.ascd.msk.f32 $0xffff, v4, v56;
	v4 =	vsub.f32 $0.0e+00, v5  }
0x28a: {  	v5 =	vsel vm11, v8, v6  }
0x28b: {  	(xrf1) =	vsort.ascd.msk.f32 $0xffff, v4, v5;
	_ =	sdelay $0x2  }
0x28c: {  	v4, _, _ =	vpop (xrf0)  }
0x28d: {  	(v2sf) =	vpush v4, $0xF;
	_ =	sdelay $0x7  }
0x28e: {  	v4, v5, _ =	vpop (xrf1)  }
0x28f: {  	v4 =	vsub.f32 $0.0e+00, v4  }
0x290: {  	s30 =	simm.s32 $0x0;
	v58, v57, _ =	vpop (xrf1)  }
0x291: {  	v59 =	vld [tilespmem:s30+$0x19200];
	v4 =	vperm.xlane v4, v1;
	v6 =	vsub.f32 $0.0e+00, v58;
	_ =	sdelay $0x1  }
0x292: {  	vm11 =	vge.f32 v6, v4  }
0x293: {  	v5 =	vperm.xlane v5, v1;
	v4 =	vsel vm11, v6, v4  }
0x294: {  	s31 =	spop (v2sf);
	v4 =	vsub.f32 $0.0e+00, v4  }
0x295: {  	v60 =	vsub.f32 $0.0e+00, v59;
	v5 =	vsel vm11, v57, v5;
	s19 =	sshll.u32 s31, $0x7  }
0x296: {  	(xrf1) =	vsort.ascd.msk.f32 $0xffff, v4, v5;
	v4 =	vor.u32 s19, v0  }
0x297: {  	(xrf1) =	vsort.ascd.msk.f32 $0xffff, v60, v4;
	_ =	sdelay $0xc  }
0x298: {  	s20 =	simm.s32 $0x10;
	v4, v5, _ =	vpop (xrf1)  }
0x299: {  	v62 =	vld [tilespmem:s20+$0x19200];
	v6, v61, _ =	vpop (xrf1)  }
0x29a: {  	v6 =	vsub.f32 $0.0e+00, v6;
	_ =	sdelay $0x1  }
0x29b: {  	v4 =	vsub.f32 $0.0e+00, v4;
	v6 =	vperm.xlane v6, v1;
	_ =	sdelay $0x1  }
0x29c: {  	v8 =	vsub.f32 $0.0e+00, v62;
	s19 =	sadd.s32 $0x10, s19;
	vm11 =	vge.f32 v4, v6  }
0x29d: {  	v63 =	vor.u32 s19, v0;
	v7 =	vperm.xlane v61, v1;
	v4 =	vsel vm11, v4, v6  }
0x29e: {  	(xrf1) =	vsort.ascd.msk.f32 $0xffff, v8, v63;
	v4 =	vsub.f32 $0.0e+00, v4  }
0x29f: {  	v5 =	vsel vm11, v5, v7  }
0x2a0: {  	(xrf1) =	vsort.ascd.msk.f32 $0xffff, v4, v5;
	_ =	sdelay $0xa  }
0x2a1: {  	s21 =	simm.s32 $0x20;
	s20 =	simm.s32 $0xC0  }
.LBB2_31:
0x2a2: {  	p0 =	sne.s32 s20, $0x1C0;
	v4 =	vld [tilespmem:s21+$0x19200];
	v5, v6, _ =	vpop (xrf1)  }
0x2a3: {  	v5 =	vsub.f32 $0.0e+00, v5  }
0x2a4: {  	v8, v7, _ =	vpop (xrf1)  }
0x2a5: {  	v5 =	vperm.xlane v5, v1;
	v8 =	vsub.f32 $0.0e+00, v8  }
0x2a6: {  	v6 =	vperm.xlane v6, v1  }
0x2a7: {  	s19 =	sadd.s32 $0x10, s19;
	v4 =	vsub.f32 $0.0e+00, v4;
	vm11 =	vge.f32 v8, v5  }
0x2a8: {  	v9 =	vor.u32 s19, v0;
	v5 =	vsel vm11, v8, v5;
	v6 =	vsel vm11, v7, v6  }
0x2a9: {  	(xrf1) =	vsort.ascd.msk.f32 $0xffff, v4, v9;
	v4 =	vsub.f32 $0.0e+00, v5;
	_ =	sdelay $0x1  }
0x2aa: {  	(xrf1) =	vsort.ascd.msk.f32 $0xffff, v4, v6;
	_ =	sdelay $0x6  }
.Ltmp14:
0x2ab: {  	(pc) =	sbr.rel @p0 .LBB2_31-.Ltmp14, $2  }
0x2ac: {  	_ =	sdelay $0x2  }
0x2ad: {  	s21 =	sshra.s32 s20, $0x2;
	s20 =	sadd.s32 $0x40, s20  }
0x2ae: {  	v4 =	vld [tilespmem:s21+$0x19200];
	v5, v6, _ =	vpop (xrf1)  }
0x2af: {  	v5 =	vsub.f32 $0.0e+00, v5  }
0x2b0: {  	v7, v8, _ =	vpop (xrf1)  }
0x2b1: {  	v5 =	vperm.xlane v5, v1;
	v7 =	vsub.f32 $0.0e+00, v7  }
0x2b2: {  	v9 =	vsel vm15, $0xC0000000, v3  }
0x2b3: {  	s19 =	sadd.s32 $0x10, s19;
	v9 =	vxor.u32 $0x80000000, v9;
	v4 =	vsub.f32 $0.0e+00, v4;
	vm11 =	vge.f32 v7, v5  }
0x2b4: {  	v6 =	vperm.xlane v6, v1;
	v56 =	vor.u32 s19, v0;
	(xrf0) =	vmax.scan.msk.u32 $0xffff, v9;
	v5 =	vsel vm11, v7, v5  }
0x2b5: {  	(xrf1) =	vsort.ascd.msk.f32 $0xffff, v4, v56;
	v4 =	vsub.f32 $0.0e+00, v5  }
0x2b6: {  	v5 =	vsel vm11, v8, v6  }
0x2b7: {  	(xrf1) =	vsort.ascd.msk.f32 $0xffff, v4, v5;
	_ =	sdelay $0x2  }
0x2b8: {  	v4, _, _ =	vpop (xrf0)  }
0x2b9: {  	(v2sf) =	vpush v4, $0xF;
	_ =	sdelay $0x7  }
0x2ba: {  	v4, v5, _ =	vpop (xrf1)  }
0x2bb: {  	v4 =	vsub.f32 $0.0e+00, v4  }
0x2bc: {  	s30 =	simm.s32 $0x0;
	v58, v57, _ =	vpop (xrf1)  }
0x2bd: {  	v59 =	vld [tilespmem:s30+$0x19280];
	v4 =	vperm.xlane v4, v1;
	v6 =	vsub.f32 $0.0e+00, v58;
	_ =	sdelay $0x1  }
0x2be: {  	vm11 =	vge.f32 v6, v4  }
0x2bf: {  	v5 =	vperm.xlane v5, v1;
	v4 =	vsel vm11, v6, v4  }
0x2c0: {  	s31 =	spop (v2sf);
	v4 =	vsub.f32 $0.0e+00, v4  }
0x2c1: {  	v60 =	vsub.f32 $0.0e+00, v59;
	v5 =	vsel vm11, v57, v5;
	s19 =	sshll.u32 s31, $0x7  }
0x2c2: {  	(xrf1) =	vsort.ascd.msk.f32 $0xffff, v4, v5;
	v4 =	vor.u32 s19, v0  }
0x2c3: {  	(xrf1) =	vsort.ascd.msk.f32 $0xffff, v60, v4;
	_ =	sdelay $0xc  }
0x2c4: {  	s20 =	simm.s32 $0x10;
	v4, v5, _ =	vpop (xrf1)  }
0x2c5: {  	v62 =	vld [tilespmem:s20+$0x19280];
	v6, v61, _ =	vpop (xrf1)  }
0x2c6: {  	v6 =	vsub.f32 $0.0e+00, v6;
	_ =	sdelay $0x1  }
0x2c7: {  	v4 =	vsub.f32 $0.0e+00, v4;
	v6 =	vperm.xlane v6, v1;
	_ =	sdelay $0x1  }
0x2c8: {  	v8 =	vsub.f32 $0.0e+00, v62;
	s19 =	sadd.s32 $0x10, s19;
	vm11 =	vge.f32 v4, v6  }
0x2c9: {  	v63 =	vor.u32 s19, v0;
	v7 =	vperm.xlane v61, v1;
	v4 =	vsel vm11, v4, v6  }
0x2ca: {  	(xrf1) =	vsort.ascd.msk.f32 $0xffff, v8, v63;
	v4 =	vsub.f32 $0.0e+00, v4  }
0x2cb: {  	v5 =	vsel vm11, v5, v7  }
0x2cc: {  	(xrf1) =	vsort.ascd.msk.f32 $0xffff, v4, v5;
	_ =	sdelay $0xa  }
0x2cd: {  	s21 =	simm.s32 $0x20;
	s20 =	simm.s32 $0xC0  }
.LBB2_33:
0x2ce: {  	p0 =	sne.s32 s20, $0x1C0;
	v4 =	vld [tilespmem:s21+$0x19280];
	v5, v6, _ =	vpop (xrf1)  }
0x2cf: {  	v5 =	vsub.f32 $0.0e+00, v5  }
0x2d0: {  	v8, v7, _ =	vpop (xrf1)  }
0x2d1: {  	v5 =	vperm.xlane v5, v1;
	v8 =	vsub.f32 $0.0e+00, v8  }
0x2d2: {  	v6 =	vperm.xlane v6, v1  }
0x2d3: {  	s19 =	sadd.s32 $0x10, s19;
	v4 =	vsub.f32 $0.0e+00, v4;
	vm11 =	vge.f32 v8, v5  }
0x2d4: {  	v9 =	vor.u32 s19, v0;
	v5 =	vsel vm11, v8, v5;
	v6 =	vsel vm11, v7, v6  }
0x2d5: {  	(xrf1) =	vsort.ascd.msk.f32 $0xffff, v4, v9;
	v4 =	vsub.f32 $0.0e+00, v5;
	_ =	sdelay $0x1  }
0x2d6: {  	(xrf1) =	vsort.ascd.msk.f32 $0xffff, v4, v6;
	_ =	sdelay $0x6  }
.Ltmp15:
0x2d7: {  	(pc) =	sbr.rel @p0 .LBB2_33-.Ltmp15, $2  }
0x2d8: {  	_ =	sdelay $0x2  }
0x2d9: {  	s21 =	sshra.s32 s20, $0x2;
	s20 =	sadd.s32 $0x40, s20  }
0x2da: {  	v4 =	vld [tilespmem:s21+$0x19280];
	v5, v6, _ =	vpop (xrf1)  }
0x2db: {  	v5 =	vsub.f32 $0.0e+00, v5  }
0x2dc: {  	v7, v8, _ =	vpop (xrf1)  }
0x2dd: {  	vm11 =	vmmov $0x7fff;
	v5 =	vperm.xlane v5, v1;
	v7 =	vsub.f32 $0.0e+00, v7  }
0x2de: {  	v3 =	vsel vm11, $0xC0000000, v3  }
0x2df: {  	s19 =	sadd.s32 $0x10, s19;
	v3 =	vxor.u32 $0x80000000, v3;
	v4 =	vsub.f32 $0.0e+00, v4;
	vm11 =	vge.f32 v7, v5  }
0x2e0: {  	v6 =	vperm.xlane v6, v1;
	v9 =	vor.u32 s19, v0;
	(xrf0) =	vmax.scan.msk.u32 $0xffff, v3;
	v5 =	vsel vm11, v7, v5  }
0x2e1: {  	(xrf1) =	vsort.ascd.msk.f32 $0xffff, v4, v9;
	v3 =	vsub.f32 $0.0e+00, v5  }
0x2e2: {  	v55 =	vsel vm11, v8, v6  }
0x2e3: {  	(xrf1) =	vsort.ascd.msk.f32 $0xffff, v3, v55;
	_ =	sdelay $0x2  }
0x2e4: {  	v3, _, _ =	vpop (xrf0)  }
0x2e5: {  	(v2sf) =	vpush v3, $0xF;
	_ =	sdelay $0x7  }
0x2e6: {  	v3, v56, _ =	vpop (xrf1)  }
0x2e7: {  	v3 =	vsub.f32 $0.0e+00, v3  }
0x2e8: {  	s30 =	simm.s32 $0x0;
	v57, v58, _ =	vpop (xrf1)  }
0x2e9: {  	v59 =	vld [tilespmem:s30+$0x19300];
	v3 =	vperm.xlane v3, v1;
	v5 =	vsub.f32 $0.0e+00, v57;
	_ =	sdelay $0x1  }
0x2ea: {  	vm11 =	vge.f32 v5, v3  }
0x2eb: {  	v4 =	vperm.xlane v56, v1;
	v3 =	vsel vm11, v5, v3  }
0x2ec: {  	s31 =	spop (v2sf);
	v3 =	vsub.f32 $0.0e+00, v3  }
0x2ed: {  	v60 =	vsub.f32 $0.0e+00, v59;
	v4 =	vsel vm11, v58, v4;
	s19 =	sshll.u32 s31, $0x7  }
0x2ee: {  	(xrf1) =	vsort.ascd.msk.f32 $0xffff, v3, v4;
	v3 =	vor.u32 s19, v0  }
0x2ef: {  	(xrf1) =	vsort.ascd.msk.f32 $0xffff, v60, v3;
	_ =	sdelay $0xc  }
0x2f0: {  	s20 =	simm.s32 $0x10;
	v3, v4, _ =	vpop (xrf1)  }
0x2f1: {  	v62 =	vld [tilespmem:s20+$0x19300];
	v5, v61, _ =	vpop (xrf1)  }
0x2f2: {  	v5 =	vsub.f32 $0.0e+00, v5;
	_ =	sdelay $0x1  }
0x2f3: {  	v3 =	vsub.f32 $0.0e+00, v3;
	v5 =	vperm.xlane v5, v1;
	_ =	sdelay $0x1  }
0x2f4: {  	v7 =	vsub.f32 $0.0e+00, v62;
	s19 =	sadd.s32 $0x10, s19;
	vm11 =	vge.f32 v3, v5  }
0x2f5: {  	v63 =	vor.u32 s19, v0;
	v6 =	vperm.xlane v61, v1;
	v3 =	vsel vm11, v3, v5  }
0x2f6: {  	(xrf1) =	vsort.ascd.msk.f32 $0xffff, v7, v63;
	v3 =	vsub.f32 $0.0e+00, v3  }
0x2f7: {  	v4 =	vsel vm11, v4, v6  }
0x2f8: {  	(xrf1) =	vsort.ascd.msk.f32 $0xffff, v3, v4;
	_ =	sdelay $0xa  }
0x2f9: {  	s21 =	simm.s32 $0x20;
	s20 =	simm.s32 $0xC0  }
.LBB2_35:
0x2fa: {  	p0 =	sne.s32 s20, $0x1C0;
	v3 =	vld [tilespmem:s21+$0x19300];
	v4, v5, _ =	vpop (xrf1)  }
0x2fb: {  	v4 =	vsub.f32 $0.0e+00, v4  }
0x2fc: {  	v7, v6, _ =	vpop (xrf1)  }
0x2fd: {  	v4 =	vperm.xlane v4, v1;
	v7 =	vsub.f32 $0.0e+00, v7  }
0x2fe: {  	v5 =	vperm.xlane v5, v1  }
0x2ff: {  	s19 =	sadd.s32 $0x10, s19;
	v3 =	vsub.f32 $0.0e+00, v3;
	vm11 =	vge.f32 v7, v4  }
0x300: {  	v8 =	vor.u32 s19, v0;
	v4 =	vsel vm11, v7, v4;
	v5 =	vsel vm11, v6, v5  }
0x301: {  	(xrf1) =	vsort.ascd.msk.f32 $0xffff, v3, v8;
	v3 =	vsub.f32 $0.0e+00, v4;
	_ =	sdelay $0x1  }
0x302: {  	(xrf1) =	vsort.ascd.msk.f32 $0xffff, v3, v5;
	_ =	sdelay $0x6  }
.Ltmp16:
0x303: {  	(pc) =	sbr.rel @p0 .LBB2_35-.Ltmp16, $2  }
0x304: {  	_ =	sdelay $0x2  }
0x305: {  	s21 =	sshra.s32 s20, $0x2;
	s20 =	sadd.s32 $0x40, s20  }
0x306: {  	v3 =	vld [tilespmem:s21+$0x19300];
	v4, v5, _ =	vpop (xrf1)  }
0x307: {  	v4 =	vsub.f32 $0.0e+00, v4  }
0x308: {  	v6, v7, _ =	vpop (xrf1)  }
0x309: {  	v4 =	vperm.xlane v4, v1;
	v6 =	vsub.f32 $0.0e+00, v6;
	_ =	sdelay $0x1  }
0x30a: {  	s19 =	sadd.s32 $0x10, s19;
	v3 =	vsub.f32 $0.0e+00, v3;
	vm11 =	vge.f32 v6, v4  }
0x30b: {  	v5 =	vperm.xlane v5, v1;
	v8 =	vor.u32 s19, v0;
	v4 =	vsel vm11, v6, v4  }
0x30c: {  	(xrf1) =	vsort.ascd.msk.f32 $0xffff, v3, v8;
	v3 =	vsub.f32 $0.0e+00, v4  }
0x30d: {  	v15 =	vsel vm11, v7, v5  }
0x30e: {  	(xrf1) =	vsort.ascd.msk.f32 $0xffff, v3, v15;
	_ =	sdelay $0xb  }
0x30f: {  	v3, v4, _ =	vpop (xrf1)  }
0x310: {  	v3 =	vsub.f32 $0.0e+00, v3  }
0x311: {  	v17, v16, _ =	vpop (xrf1)  }
0x312: {  	v3 =	vperm.xlane v3, v1;
	v5 =	vsub.f32 $0.0e+00, v17;
	_ =	sdelay $0x1  }
0x313: {  	vm11 =	vge.f32 v5, v3  }
0x314: {  	v4 =	vperm.xlane v4, v1;
	v3 =	vsel vm11, v5, v3  }
0x315: {  	v3 =	vsub.f32 $0.0e+00, v3  }
0x316: {  	v4 =	vsel vm11, v16, v4  }
0x317: {  	(xrf1) =	vsort.ascd.msk.f32 $0xffff, v3, v4;
	_ =	sdelay $0xd  }
0x318: {  	v3, v4, _ =	vpop (xrf1)  }
0x319: {  	v3 =	vsub.f32 $0.0e+00, v3;
	_ =	sdelay $0x1  }
0x31a: {  	(xrf0) =	vmax.scan.msk.f32 $0xffff, v3;
	_ =	sdelay $0x5  }
0x31b: {  	v18, _, _ =	vpop (xrf0)  }
0x31c: {  	v5 =	vbroadcast v18, $0xF;
	_ =	sdelay $0x1  }
0x31d: {  	v3 =	vsub.f32 v3, v5;
	_ =	sdelay $0x1  }
0x31e: {  	v3 =	vmul.f32 v3, v2;
	_ =	sdelay $0x1  }
0x31f: {  	v3 =	vmul.f32 $1.442695020e+00, v3;
	_ =	sdelay $0x1  }
0x320: {  	(erf) = vpow2.f32 v3;
	_ =	sdelay $0x8  }
0x321: {  	vm11 =	vmmov $0x3ff;
	v3 =	vpop (erf)  }
0x322: {  	v3 =	vnsel vm11, $0x0, v3  }
0x323: {  	(xrf2) =	vadd.scan.msk.f32 $0xffff, v3;
	_ =	sdelay $0x9  }
0x324: {  	v19, _, _ =	vpop (xrf2)  }
0x325: {  	v5 =	vbroadcast v19, $0xF;
	_ =	sdelay $0x1  }
0x326: {  	vm11 =	vgt.s32 v4, $0x0;
	(erf) = vrcp.f32 v5  }
0x327: {  	v4 =	vnsel vm11, $0x0, v4  }
0x328: {  	v4 =	vmin.u32 v4, $0x1869F;
	_ =	sdelay $0x4  }
0x329: {  	v6 =	vld.idx.msk [tilespmem:v4+s1+$0x0], $0xffff;
	_ =	sdelay $0x1  }
0x32a: {  	v20 =	vpop (erf)  }
0x32b: {  	v7 =	vmul.f32 v20, v3;
	_ =	sdelay $0x1  }
0x32c: {  	v21 =	vnsel vm1, $0xC0000000, v6;
	v3 =	vnsel vm1, $0xFF61B1E6, v7  }
0x32d: {  	(xrf0) =	vmax.scan.msk.f32 $0xffff, v3;
	v3 =	vxor.u32 $0x80000000, v21  }
0x32e: {  	(xrf0) =	vmax.scan.msk.u32 $0xffff, v3;
	_ =	sdelay $0x2  }
0x32f: {  	v22 =	vsel vm2, $0xFF61B1E6, v7  }
0x330: {  	v23 =	vsel vm2, $0xC0000000, v6;
	(xrf0) =	vmax.scan.msk.f32 $0xffff, v22  }
0x331: {  	v25 =	vxor.u32 $0x80000000, v23;
	v3, _, _ =	vpop (xrf0)  }
0x332: {  	v24, _, _ =	vpop (xrf0);
	(xrf0) =	vmax.scan.msk.u32 $0xffff, v25  }
0x333: {  	(v2sf) =	vpush v24, $0xF  }
0x334: {  	v27 =	vsel vm3, $0xC0000000, v6;
	v26 =	vsel vm3, $0xFF61B1E6, v7  }
0x335: {  	v28 =	vxor.u32 $0x80000000, v27;
	(xrf0) =	vmax.scan.msk.f32 $0xffff, v26  }
0x336: {  	v29, _, _ =	vpop (xrf0);
	(xrf0) =	vmax.scan.msk.u32 $0xffff, v28;
	_ =	sdelay $0x1  }
0x337: {  	v30, _, _ =	vpop (xrf0)  }
0x338: {  	v32 =	vsel vm4, $0xC0000000, v6;
	v31 =	vsel vm4, $0xFF61B1E6, v7;
	(v2sf) =	vpush v30, $0xF  }
0x339: {  	v33 =	vxor.u32 $0x80000000, v32;
	(xrf0) =	vmax.scan.msk.f32 $0xffff, v31  }
0x33a: {  	v9, _, _ =	vpop (xrf0);
	(xrf0) =	vmax.scan.msk.u32 $0xffff, v33  }
0x33b: {  	v34, _, _ =	vpop (xrf0)  }
0x33c: {  	(v2sf) =	vpush v34, $0xF  }
0x33d: {  	v35 =	vsel vm5, $0xFF61B1E6, v7  }
0x33e: {  	v36 =	vsel vm5, $0xC0000000, v6;
	(xrf0) =	vmax.scan.msk.f32 $0xffff, v35  }
0x33f: {  	v37 =	vxor.u32 $0x80000000, v36;
	v10, _, _ =	vpop (xrf0)  }
0x340: {  	v4 =	vor.u32 $0x10, v0;
	v15 =	vsel vm6, $0xC0000000, v6;
	v18 =	vsel vm7, $0xC0000000, v6;
	(xrf0) =	vmax.scan.msk.u32 $0xffff, v37;
	v11, _, _ =	vpop (xrf0)  }
0x341: {  	v57 =	vsel vm9, $0xC0000000, v6;
	v39 =	vxor.u32 $0x80000000, v15;
	s21 =	spop (v2sf);
	(v2sf) =	vpush v11, $0xF  }
0x342: {  	v44 =	vxor.u32 $0x80000000, v18;
	v58 =	vxor.u32 $0x80000000, v57;
	v14 =	vsel vm6, $0xFF61B1E6, v7  }
0x343: {  	v5 =	vor.u32 $0x20, v0;
	v43 =	vsel vm7, $0xFF61B1E6, v7;
	v49 =	vsel vm8, $0xFF61B1E6, v7;
	(xrf0) =	vmax.scan.msk.f32 $0xffff, v14  }
0x344: {  	v56 =	vsel vm9, $0xFF61B1E6, v7;
	v21 =	vsel vm8, $0xC0000000, v6;
	v3 =	vadd.f32 $0.0e+00, v3;
	v40, _, _ =	vpop (xrf0);
	(xrf0) =	vmax.scan.msk.u32 $0xffff, v39  }
0x345: {  	v7 =	vsel vm10, $0xFF61B1E6, v7;
	v6 =	vsel vm10, $0xC0000000, v6;
	v50 =	vxor.u32 $0x80000000, v21  }
0x346: {  	v6 =	vxor.u32 $0x80000000, v6;
	v13 =	vbroadcast v3, $0xF;
	v3 =	vor.u32 $0x30, v0;
	s19 =	sxor.u32 $0x80000000, s21;
	v16, _, _ =	vpop (xrf0);
	(xrf0) =	vmax.scan.msk.f32 $0xffff, v43  }
0x347: {  	v8 =	vbroadcast v29, $0xF;
	v12 =	vmov s19;
	s22 =	spop (v2sf);
	(v2sf) =	vpush v16, $0xF  }
0x348: {  	v9 =	vbroadcast v9, $0xF;
	v10 =	vbroadcast v10, $0xF;
	vm11 =	veq.s32 v12, v0  }
0x349: {  	vm12 =	veq.s32 v12, v5;
	vm13 =	veq.s32 v12, v3;
	v46, _, _ =	vpop (xrf0);
	(xrf0) =	vmax.scan.msk.u32 $0xffff, v44;
	v38 =	vnsel vm11, $0x0, v13  }
0x34a: {  	vm11 =	veq.s32 v12, v4;
	v42 =	vnsel vm12, $0x0, v13;
	v48, _, _ =	vpop (xrf0);
	(xrf0) =	vmax.scan.msk.f32 $0xffff, v49;
	v12 =	vbroadcast v40, $0xF;
	s19 =	sxor.u32 $0x80000000, s22  }
0x34b: {  	v31 =	vbroadcast v46, $0xF;
	v17 =	vmov s19;
	s23 =	spop (v2sf);
	(v2sf) =	vpush v48, $0xF  }
0x34c: {  	v41 =	vnsel vm11, $0x0, v13;
	v13 =	vnsel vm13, $0x0, v13;
	v52, _, _ =	vpop (xrf0);
	(xrf0) =	vmax.scan.msk.u32 $0xffff, v50;
	vm11 =	veq.s32 v17, v0  }
0x34d: {  	vm12 =	veq.s32 v17, v3;
	v19 =	vnsel vm11, $0x0, v8;
	vm11 =	veq.s32 v17, v4  }
0x34e: {  	s19 =	sxor.u32 $0x80000000, s23;
	v39 =	vbroadcast v52, $0xF;
	v45 =	vnsel vm11, $0x0, v8;
	vm11 =	veq.s32 v17, v5  }
0x34f: {  	v54, _, _ =	vpop (xrf0);
	v20 =	vmov s19;
	v11 =	vadd.f32 v19, v38;
	v47 =	vnsel vm11, $0x0, v8  }
0x350: {  	(xrf0) =	vmax.scan.msk.f32 $0xffff, v56;
	v60, _, _ =	vpop (xrf0);
	v8 =	vnsel vm12, $0x0, v8;
	vm11 =	veq.s32 v20, v0;
	s24 =	spop (v2sf);
	(v2sf) =	vpush v54, $0xF  }
0x351: {  	(xrf0) =	vmax.scan.msk.u32 $0xffff, v58;
	v14 =	vadd.f32 v45, v41;
	v45 =	vbroadcast v60, $0xF;
	v22 =	vnsel vm11, $0x0, v9  }
0x352: {  	vm11 =	veq.s32 v20, v4;
	v15 =	vadd.f32 v47, v42;
	v8 =	vadd.f32 v8, v13;
	v62, _, _ =	vpop (xrf0);
	(xrf0) =	vmax.scan.msk.f32 $0xffff, v7  }
0x353: {  	v51 =	vnsel vm11, $0x0, v9;
	vm11 =	veq.s32 v20, v5;
	v11 =	vadd.f32 v11, v22;
	s19 =	sxor.u32 $0x80000000, s24  }
0x354: {  	v53 =	vnsel vm11, $0x0, v9;
	vm11 =	veq.s32 v20, v3;
	v55 =	vmov s19  }
0x355: {  	v14 =	vadd.f32 v14, v51;
	v9 =	vnsel vm11, $0x0, v9;
	vm11 =	veq.s32 v55, v0  }
0x356: {  	v25, _, _ =	vpop (xrf0);
	v59 =	vnsel vm11, $0x0, v10;
	vm11 =	veq.s32 v55, v4;
	s25 =	spop (v2sf);
	(v2sf) =	vpush v62, $0xF  }
0x357: {  	v13 =	vadd.f32 v15, v53;
	v26, _, _ =	vpop (xrf0);
	v61 =	vnsel vm11, $0x0, v10;
	vm11 =	veq.s32 v55, v5  }
0x358: {  	(xrf0) =	vmax.scan.msk.u32 $0xffff, v6;
	v8 =	vadd.f32 v8, v9;
	v11 =	vadd.f32 v11, v59;
	v32, _, _ =	vpop (xrf0);
	v63 =	vnsel vm11, $0x0, v10  }
0x359: {  	vm11 =	veq.s32 v55, v3;
	v14 =	vadd.f32 v14, v61;
	v56 =	vbroadcast v32, $0xF;
	s19 =	sxor.u32 $0x80000000, s25  }
0x35a: {  	v24 =	vnsel vm11, $0x0, v10;
	v23 =	vmov s19;
	s26 =	spop (v2sf);
	(v2sf) =	vpush v26, $0xF  }
0x35b: {  	v13 =	vadd.f32 v13, v63;
	v10 =	vbroadcast v25, $0xF;
	vm11 =	veq.s32 v23, v0  }
0x35c: {  	v8 =	vadd.f32 v8, v24;
	s19 =	sxor.u32 $0x80000000, s26;
	v27 =	vnsel vm11, $0x0, v12;
	vm11 =	veq.s32 v23, v4  }
0x35d: {  	v30 =	vmov s19;
	v28 =	vnsel vm11, $0x0, v12;
	vm11 =	veq.s32 v23, v5  }
0x35e: {  	v35, _, _ =	vpop (xrf0);
	v11 =	vadd.f32 v11, v27;
	v29 =	vnsel vm11, $0x0, v12;
	vm11 =	veq.s32 v23, v3  }
0x35f: {  	v33 =	vnsel vm11, $0x0, v12;
	vm11 =	veq.s32 v30, v0;
	s28 =	spop (v2sf);
	(v2sf) =	vpush v35, $0xF  }
0x360: {  	v6 =	vadd.f32 v14, v28;
	v34 =	vnsel vm11, $0x0, v31;
	vm11 =	veq.s32 v30, v4  }
0x361: {  	v13 =	vadd.f32 v13, v29;
	v36 =	vnsel vm11, $0x0, v31;
	vm11 =	veq.s32 v30, v5  }
0x362: {  	v8 =	vadd.f32 v8, v33;
	v11 =	vadd.f32 v11, v34;
	v37 =	vnsel vm11, $0x0, v31;
	s19 =	sxor.u32 $0x80000000, s28  }
0x363: {  	vm11 =	veq.s32 v30, v3;
	v6 =	vadd.f32 v6, v36;
	v38 =	vmov s19  }
0x364: {  	v40 =	vnsel vm11, $0x0, v31;
	v13 =	vadd.f32 v13, v37;
	vm11 =	veq.s32 v38, v0  }
0x365: {  	v8 =	vadd.f32 v8, v40;
	v41 =	vnsel vm11, $0x0, v39;
	vm11 =	veq.s32 v38, v4;
	s29 =	spop (v2sf)  }
0x366: {  	v42 =	vnsel vm11, $0x0, v39;
	vm11 =	veq.s32 v38, v5;
	v11 =	vadd.f32 v11, v41;
	s19 =	sxor.u32 $0x80000000, s29  }
0x367: {  	v43 =	vnsel vm11, $0x0, v39;
	vm11 =	veq.s32 v38, v3;
	v44 =	vmov s19  }
0x368: {  	v6 =	vadd.f32 v6, v42;
	v46 =	vnsel vm11, $0x0, v39;
	vm11 =	veq.s32 v44, v0  }
0x369: {  	v9 =	vadd.f32 v13, v43;
	s30 =	spop (v2sf);
	v47 =	vnsel vm11, $0x0, v45;
	vm11 =	veq.s32 v44, v4  }
0x36a: {  	v8 =	vadd.f32 v8, v46;
	s19 =	sxor.u32 $0x80000000, s30;
	v48 =	vnsel vm11, $0x0, v45;
	vm11 =	veq.s32 v44, v5  }
0x36b: {  	v50 =	vmov s19;
	v49 =	vnsel vm11, $0x0, v45;
	vm11 =	veq.s32 v44, v3  }
0x36c: {  	v11 =	vadd.f32 v11, v47;
	v51 =	vnsel vm11, $0x0, v45;
	vm11 =	veq.s32 v50, v0  }
0x36d: {  	v6 =	vadd.f32 v6, v48;
	v52 =	vnsel vm11, $0x0, v10;
	vm11 =	veq.s32 v50, v4  }
0x36e: {  	v9 =	vadd.f32 v9, v49;
	v8 =	vadd.f32 v8, v51;
	v53 =	vnsel vm11, $0x0, v10;
	s31 =	spop (v2sf)  }
0x36f: {  	vm11 =	veq.s32 v50, v5;
	v11 =	vadd.f32 v11, v52;
	v6 =	vadd.f32 v6, v53;
	s19 =	sxor.u32 $0x80000000, s31  }
0x370: {  	v54 =	vnsel vm11, $0x0, v10;
	vm11 =	veq.s32 v50, v3;
	v55 =	vmov s19  }
0x371: {  	v9 =	vadd.f32 v9, v54;
	v10 =	vnsel vm11, $0x0, v10;
	vm11 =	veq.s32 v55, v0  }
0x372: {  	v8 =	vadd.f32 v8, v10;
	v57 =	vnsel vm11, $0x0, v56;
	vm11 =	veq.s32 v55, v4  }
0x373: {  	v58 =	vadd.f32 v11, v57;
	v59 =	vnsel vm11, $0x0, v56;
	vm11 =	veq.s32 v55, v5  }
0x374: {  	v60 =	vadd.f32 v6, v59;
	v61 =	vnsel vm11, $0x0, v56;
	vm11 =	veq.s32 v55, v3  }
0x375: {  	s17 =	sshll.u32 s17, $0xA;
	v3 =	vadd.f32 v9, v61;
	v62 =	vnsel vm11, $0x0, v56;
	[tilespmem:$0x19380] =	vst v58  }
0x376: {  	s16 =	sadd.s32 $0x1, s16;
	s17 =	sor.u32 s18, s17;
	v63 =	vadd.f32 v8, v62;
	[tilespmem:$0x19390] =	vst v60  }
0x377: {  	p0 =	sne.s32 s16, $0x10;
	s17 =	sshrl.u32 s17, $0x3;
	[tilespmem:$0x193A0] =	vst v3  }
.Ltmp17:
0x378: {  	s17 =	sadd.s32 s6, s17;
	[tilespmem:$0x193B0] =	vst v63;
	(pc) =	sbr.rel @p0 .LBB2_2-.Ltmp17, $4  }
0x379: {  	[hbm4b:s17+s1] =	stream.linear.scatter [tilespmem:s14], [sflag:$0x2], $0x80, $0x38;
	[tilespmem:$0x19400] =	vst v63  }
0x37a: {  	_ =	swait.ge [sflag:s9], $0x80  }
0x37b: {  	[sflag:s9] =	ssyncset.done $0x0  }
0x37c: {  	[sflag:s9] =	ssyncadd.s32 $0xFFFFFF80  }
0x37d: {  	s15 =	sadd.s32 $0x1, s15  }
0x37e: {  	p0 =	sne.s32 s15, s8  }
.Ltmp18:
0x37f: {  	_ = 	snop;
	(pc) =	sbr.rel @p0 .LBB2_1-.Ltmp18, $1  }
0x380: {  	_ =	sdelay $0x3  }
0x381: {  	_ =	sfence.sel $0x180000  }
0x382: {  	[bflag:$0x0] =	sbarrier.arrive $0xFFFF  }
0x383: {  	p0 =	sne.s32 s5, $0x0;
	_ =	strace $0x9000004A  }
0x384: {  	s0 =	sadd.s32 @!p0 $0x100000, s0;
	[bflag:$0x2] =	sbarrier.arrive $0xFFFF  }
0x385: {  	[sflag:s0] =	ssyncadd.tile.s32 @!p0 $0x1;
	_ =	shalt  }
.Lfunc_end2:
_tile_overlayer_lowered:
.L_overlay_start_2:
0x386: {  	(tag) =	ssettag $0x2  }
0x387: {  	s0 =	rddreg [dreg:$0x0];
	s2 =	stileid.u32  }
0x388: {  	s1 =	rddreg [dreg:$0x1];
	p0 =	sne.s32 s2, $0x0  }
0x389: {  	s3 =	rddreg [dreg:$0x2];
	[bflag:$0x3] =	sbarrier.arrive $0xFFFF;
	s2 =	simm.s32 @!p0 $0x1C02  }
0x38a: {  	[timem:s3], [sflag:s2] =	dma.local @!p0 [hbm:s0], s1  }
0x38b: {  	s0 =	simm.s32 @!p0 $0x2  }
0x38c: {  	_ =	swait.ge @!p0 [sflag:s0], s1  }
0x38d: {  	s1 =	ssub.s32 @!p0 $0x0, s1;
	[sflag:s0] =	ssyncset.done @!p0 $0x0  }
0x38e: {  	[sflag:s0] =	ssyncadd.s32 @!p0 s1  }
0x38f: {  	[bflag:$0x3] =	sbarrier.arrive $0xFFFF  }
0x390: {  	_ =	shalt  }

</sc_bundles>
